<compile_context>
chip_gen: v7x
topology: tpu7x:2x2x1
jax: 0.10.2.dev20260603
libtpu: 0.0.44.dev20260713+nightly
codegen_flags: <defaults>
</compile_context>

<pallas_src>
import functools

import jax
import jax.numpy as jnp
from jax import lax
from jax.experimental import pallas as pl
from jax.experimental.pallas import tpu as pltpu
from jax.experimental.pallas import tpu_sc as plsc

NPAD = 10240
BN = 512
NSUB = 16
CHP = 40
CH_H = 40
SETS = 5


def _sc_hist(col, ones, zeros):
    e = col.shape[0]
    pt = e // (2 * NSUB)
    nch = pt // CH_H
    rt = NPAD // NSUB
    mesh = plsc.VectorSubcoreMesh(core_axis_name="c", subcore_axis_name="s")

    @functools.partial(
        pl.kernel,
        out_type=jax.ShapeDtypeStruct((2, NPAD), jnp.float32),
        mesh=mesh,
        scratch_types=(
            [pltpu.VMEM((CH_H,), jnp.int32) for _ in range(SETS)]
            + [pltpu.VMEM((CH_H,), jnp.float32),
               pltpu.VMEM_SHARED((NPAD,), jnp.float32)]
            + [pltpu.SemaphoreType.DMA] * (2 * SETS)
        ),
    )
    def hist_k(col_hbm, ones_hbm, zeros_hbm, out_hbm, *scr):
        cidx = scr[0:SETS]
        ones_v = scr[SETS]
        acc = scr[SETS + 1]
        isem = scr[SETS + 2:SETS + 2 + SETS]
        ssem = scr[SETS + 2 + SETS:]
        c = lax.axis_index("c")
        s = lax.axis_index("s")
        w = s * 2 + c
        base = w * pt

        def fetch(k_, r):
            off = pl.multiple_of(base + k_ * CH_H, 8)
            return pltpu.async_copy(col_hbm.at[pl.ds(off, CH_H)],
                                    cidx[r], isem[r])

        def fetch_wait(k_, r):
            off = pl.multiple_of(base + k_ * CH_H, 8)
            pltpu.make_async_copy(col_hbm.at[pl.ds(off, CH_H)],
                                  cidx[r], isem[r]).wait()

        def scat_wait(r):
            pltpu.make_async_copy(ones_v, acc.at[cidx[r]], ssem[r]).wait()

        fetch(0, 0)
        fetch(1, 1)
        pltpu.sync_copy(zeros_hbm.at[pl.ds(s * rt, rt)],
                        acc.at[pl.ds(s * rt, rt)])
        pltpu.sync_copy(ones_hbm, ones_v)
        plsc.subcore_barrier()

        def chunk(k_, r):
            fetch_wait(k_, r)
            pltpu.async_copy(ones_v, acc.at[cidx[r]], ssem[r], add=True)
            r2 = (r + 2) % SETS

            @pl.when(k_ >= 3)
            def _():
                scat_wait(r2)

            @pl.when(k_ + 2 < nch)
            def _():
                fetch(k_ + 2, r2)

        def body(m, carry):
            for r in range(SETS):
                chunk(SETS * m + r, r)
            return carry

        lax.fori_loop(0, nch // SETS, body, 0)
        for kk in (nch - 3, nch - 2, nch - 1):
            scat_wait(kk % SETS)
        plsc.subcore_barrier()
        pltpu.sync_copy(acc.at[pl.ds(s * rt, rt)],
                        out_hbm.at[c, pl.ds(s * rt, rt)])

    return hist_k(col, ones, zeros)


def _sc_agg(table, packed, zeros, sets=SETS):
    dh = table.shape[1]
    _, ncht, _, chp = packed.shape
    npt = ncht // NSUB
    rt = NPAD // NSUB
    fd = sets - 2
    gd = sets - 3
    mesh = plsc.VectorSubcoreMesh(core_axis_name="c", subcore_axis_name="s")

    @functools.partial(
        pl.kernel,
        out_type=jax.ShapeDtypeStruct((2, NPAD, dh), jnp.float32),
        mesh=mesh,
        scratch_types=(
            [pltpu.VMEM((2, chp), jnp.int32) for _ in range(sets)]
            + [pltpu.VMEM((chp, dh), jnp.float32) for _ in range(sets)]
            + [pltpu.VMEM_SHARED((NPAD + 8, dh), jnp.float32)]
            + [pltpu.SemaphoreType.DMA] * (3 * sets)
        ),
    )
    def agg_k(table_hbm, packed_hbm, zeros_hbm, out_hbm, *scr):
        eidx = scr[0:sets]
        msg = scr[sets:2 * sets]
        acc = scr[2 * sets]
        isem = scr[2 * sets + 1:2 * sets + 1 + sets]
        gsem = scr[2 * sets + 1 + sets:2 * sets + 1 + 2 * sets]
        ssem = scr[2 * sets + 1 + 2 * sets:]
        c = lax.axis_index("c")
        s = lax.axis_index("s")
        base = s * npt

        def fetch(k_, r):
            pltpu.async_copy(packed_hbm.at[c, base + k_], eidx[r], isem[r])

        def fetch_wait(k_, r):
            pltpu.make_async_copy(packed_hbm.at[c, base + k_],
                                  eidx[r], isem[r]).wait()

        def gath(r):
            pltpu.async_copy(table_hbm.at[eidx[r].at[0]], msg[r], gsem[r])

        def gath_wait(r):
            pltpu.make_async_copy(table_hbm.at[eidx[r].at[0]], msg[r],
                                  gsem[r]).wait()

        def scat_wait(r):
            pltpu.make_async_copy(msg[r], acc.at[eidx[r].at[1]],
                                  ssem[r]).wait()

        for j in range(fd):
            fetch(j, j)
        pltpu.sync_copy(zeros_hbm.at[pl.ds(s * rt, rt), :],
                        acc.at[pl.ds(s * rt, rt), :])
        for j in range(gd):
            fetch_wait(j, j)
            gath(j)
        plsc.subcore_barrier()

        def chunk(k_, r):
            rg = (r + gd) % sets
            rf = (r + fd) % sets
            gath_wait(r)
            pltpu.async_copy(msg[r], acc.at[eidx[r].at[1]], ssem[r],
                             add=True)

            @pl.when(k_ >= 2)
            def _():
                scat_wait(rf)

            @pl.when(k_ + fd < npt)
            def _():
                fetch(k_ + fd, rf)

            @pl.when(k_ + gd < npt)
            def _():
                fetch_wait(k_ + gd, rg)
                gath(rg)

        def body(m, carry):
            for r in range(sets):
                chunk(sets * m + r, r)
            return carry

        lax.fori_loop(0, npt // sets, body, 0)
        for kk in (npt - 2, npt - 1):
            scat_wait(kk % SETS)
        plsc.subcore_barrier()
        pltpu.sync_copy(acc.at[pl.ds(s * rt, rt), :],
                        out_hbm.at[c, pl.ds(s * rt, rt), :])

    return agg_k(table, packed, zeros)


def _dinv_block(h_blk, pid, n_real):
    cnt = h_blk[0] + h_blk[1]
    rowid = pid * BN + lax.broadcasted_iota(jnp.int32, (BN, 1), 0)
    return jnp.where(rowid < n_real, lax.rsqrt(cnt + 1.0), 0.0)


def _tc_first(nodes_p, w, hist, n_real):
    do = w.shape[0]
    dh = do // 2
    d = nodes_p.shape[1]

    def k(x_ref, w_ref, h_ref, o_ref):
        pid = pl.program_id(0)
        dinv = _dinv_block(h_ref[...], pid, n_real)
        z = lax.dot_general(x_ref[...], w_ref[...], (((1,), (1,)), ((), ())),
                            preferred_element_type=jnp.float32)
        zd = dinv * z
        o_ref[0] = zd[:, :dh]
        o_ref[1] = zd[:, dh:]

    return pl.pallas_call(
        k,
        grid=(NPAD // BN,),
        in_specs=[
            pl.BlockSpec((BN, d), lambda i: (i, 0)),
            pl.BlockSpec((do, d), lambda i: (0, 0)),
            pl.BlockSpec((2, BN, 1), lambda i: (0, i, 0)),
        ],
        out_specs=pl.BlockSpec((2, BN, dh), lambda i: (0, i, 0)),
        out_shape=jax.ShapeDtypeStruct((2, NPAD, dh), jnp.float32),
    )(nodes_p, w, hist)


def _tc_mid(agg, zs_v, b2, w, hist, n_real):
    dh = zs_v.shape[2]
    do = w.shape[0]
    split = do > 128
    dho = do // 2

    def k(a_ref, z_ref, b_ref, w_ref, h_ref, o_ref):
        pid = pl.program_id(0)
        dinv = _dinv_block(h_ref[...], pid, n_real)
        a = a_ref[...]
        zz = z_ref[...]
        bb = b_ref[...]
        x0 = dinv * (a[0] + zz[0]) + bb[0]
        x1 = dinv * (a[1] + zz[1]) + bb[1]
        z = lax.dot_general(x0, w_ref[:, :dh], (((1,), (1,)), ((), ())),
                            preferred_element_type=jnp.float32)
        z += lax.dot_general(x1, w_ref[:, dh:], (((1,), (1,)), ((), ())),
                             preferred_element_type=jnp.float32)
        zd = dinv * z
        if split:
            o_ref[0] = zd[:, :dho]
            o_ref[1] = zd[:, dho:]
        else:
            o_ref[...] = zd

    if split:
        out_spec = pl.BlockSpec((2, BN, dho), lambda i: (0, i, 0))
        out_shape = jax.ShapeDtypeStruct((2, NPAD, dho), jnp.float32)
    else:
        out_spec = pl.BlockSpec((BN, do), lambda i: (i, 0))
        out_shape = jax.ShapeDtypeStruct((NPAD, do), jnp.float32)
    return pl.pallas_call(
        k,
        grid=(NPAD // BN,),
        in_specs=[
            pl.BlockSpec((2, BN, dh), lambda i: (0, i, 0)),
            pl.BlockSpec((2, BN, dh), lambda i: (0, i, 0)),
            pl.BlockSpec((2, dh), lambda i: (0, 0)),
            pl.BlockSpec((do, 2 * dh), lambda i: (0, 0)),
            pl.BlockSpec((2, BN, 1), lambda i: (0, i, 0)),
        ],
        out_specs=out_spec,
        out_shape=out_shape,
    )(agg, zs_v, b2, w, hist)


def _tc_final(agg, zs, b3, hist, n_real):
    dh = zs.shape[1]

    def k(a_ref, z_ref, b_ref, h_ref, o_ref):
        pid = pl.program_id(0)
        dinv = _dinv_block(h_ref[...], pid, n_real)
        a = a_ref[...]
        o_ref[...] = dinv * (a[0] + a[1] + z_ref[...]) + b_ref[...]

    return pl.pallas_call(
        k,
        grid=(NPAD // BN,),
        in_specs=[
            pl.BlockSpec((2, BN, dh), lambda i: (0, i, 0)),
            pl.BlockSpec((BN, dh), lambda i: (i, 0)),
            pl.BlockSpec((1, dh), lambda i: (0, 0)),
            pl.BlockSpec((2, BN, 1), lambda i: (0, i, 0)),
        ],
        out_specs=pl.BlockSpec((BN, dh), lambda i: (i, 0)),
        out_shape=jax.ShapeDtypeStruct((NPAD, dh), jnp.float32),
    )(agg, zs, b3, hist)


def kernel(nodes, edges, W1, b1, W2, b2, W3, b3):
    n, d = nodes.shape
    row = edges[0]
    col = edges[1]

    nodes_p = jnp.pad(nodes, ((0, NPAD - n), (0, 0)))
    ones_h = jnp.ones((CH_H,), jnp.float32)
    zeros_h = jnp.zeros((NPAD,), jnp.float32)
    zeros_t = jnp.zeros((NPAD, 128), jnp.float32)

    e = row.shape[0]

    def pack(r_, c_, parts, unit):
        per = r_.shape[1]
        padded = ((per + unit * CHP - 1) // (unit * CHP)) * (unit * CHP)
        rp = jnp.pad(r_, ((0, 0), (0, padded - per)))
        cp = jnp.pad(c_, ((0, 0), (0, padded - per)),
                     constant_values=NPAD)
        rp = rp.reshape(parts, padded // CHP, CHP)
        cp = cp.reshape(parts, padded // CHP, CHP)
        return jnp.stack([rp, cp], axis=2)

    pf = pack(row.reshape(NSUB, -1), col.reshape(NSUB, -1), NSUB, SETS)
    pf = pf.reshape(-1, 2, CHP)
    off1 = jnp.stack([jnp.full((CHP,), NPAD, jnp.int32),
                      jnp.zeros((CHP,), jnp.int32)])
    p_fs = jnp.stack([pf, pf + off1])
    pe = pack(row.reshape(2 * NSUB, -1), col.reshape(2 * NSUB, -1), 2 * NSUB, SETS)
    p_es = pe.reshape(2, -1, 2, CHP)

    hist = _sc_hist(col, ones_h, zeros_h).reshape(2, NPAD, 1)

    w2p = jnp.pad(W2, ((0, 256 - W2.shape[0]), (0, 0)))
    b1v = b1.reshape(2, 128)
    b2p = jnp.pad(b2, (0, 256 - b2.shape[0])).reshape(2, 128)
    w3p = jnp.pad(W3, ((0, 0), (0, 256 - W3.shape[1])))

    zs1 = _tc_first(nodes_p, W1, hist, n)
    agg1 = _sc_agg(zs1.reshape(2 * NPAD, 128), p_fs, zeros_t)

    zs2 = _tc_mid(agg1, zs1, b1v, w2p, hist, n)
    agg2 = _sc_agg(zs2.reshape(2 * NPAD, 128), p_fs, zeros_t)

    zs3 = _tc_mid(agg2, zs2, b2p, w3p, hist, n)
    agg3 = _sc_agg(zs3, p_es, zeros_t)

    y = _tc_final(agg3, zs3, b3.reshape(1, 128), hist, n)
    return y[:n]

# --- scband reference (transcript-rebuilt; emitter-appended) ---
"""Pipeline reference for scband-graph-conv-61632780698357 (READ-ONLY COPY).

The authoritative reference and input builder live on the scoring server;
editing this copy changes nothing except your own understanding.
"""

import jax, jax.numpy as jnp
import numpy as np

N = 10000
E = 160000
DIM = 256


def _glorot(k, shape):
    fan_out, fan_in = shape[0], shape[1]
    limit = (6.0 / (fan_in + fan_out)) ** 0.5
    return jax.random.uniform(k, shape, minval=-limit, maxval=limit, dtype=jnp.float32)


def setup_inputs(seed: int = 0) -> dict:
    key = jax.random.key(seed)
    ks = jax.random.split(key, 6)
    nodes = jax.random.normal(ks[0], (N, DIM), dtype=jnp.float32)
    edges = jax.random.randint(ks[1], (2, E), 0, N, dtype=jnp.int32)
    W1 = _glorot(ks[2], (256, DIM)); b1 = jnp.zeros((256,), dtype=jnp.float32)
    W2 = _glorot(ks[3], (192, 256)); b2 = jnp.zeros((192,), dtype=jnp.float32)
    W3 = _glorot(ks[4], (128, 192)); b3 = jnp.zeros((128,), dtype=jnp.float32)
    return {"nodes": nodes, "edges": edges, "W1": W1, "b1": b1, "W2": W2, "b2": b2, "W3": W3, "b3": b3}


def _gcn_conv(x, edge_index, W, b):
    # Faithful PyG GCNConv: add self-loops, symmetric degree normalization,
    # linear transform, scatter-add aggregation at target nodes, bias.
    n = x.shape[0]
    loops = jnp.arange(n, dtype=edge_index.dtype)
    ei = jnp.concatenate([edge_index, jnp.stack([loops, loops], axis=0)], axis=1)
    row, col = ei[0], ei[1]
    ew = jnp.ones((ei.shape[1],), dtype=x.dtype)
    deg = jax.ops.segment_sum(ew, col, num_segments=n)
    dinv = jnp.where(deg > 0, 1.0 / jnp.sqrt(deg), 0.0)
    norm = dinv[row] * ew * dinv[col]
    xw = x @ W.T
    msg = xw[row] * norm[:, None]
    out = jax.ops.segment_sum(msg, col, num_segments=n)
    return out + b


def reference(nodes, edges, W1, b1, W2, b2, W3, b3):
    x = _gcn_conv(nodes, edges, W1, b1)
    x = _gcn_conv(x, edges, W2, b2)
    x = _gcn_conv(x, edges, W3, b3)
    return x

if __name__ == "__main__":
    import jax
    _d = setup_inputs()
    print(jax.jit(kernel)(*tuple(_d.values())))

</pallas_src>

<mosaic_0001>
#map = affine_map<(d0, d1) -> (0, 0)>
#map1 = affine_map<(d0, d1) -> (0, 0, 0, 0)>
#map2 = affine_map<(d0, d1) -> (0, 0, 0)>
module attributes {stable_mosaic.version = 14 : i64} {
  func.func @agg_k(%arg0: i32, %arg1: i32, %arg2: memref<20480x128xf32, #tpu.memory_space<hbm>>, %arg3: memref<2x4000x2x40xi32, #tpu.memory_space<hbm>>, %arg4: memref<10240x128xf32, #tpu.memory_space<hbm>>, %arg5: memref<2x10240x128xf32, #tpu.memory_space<hbm>>, %arg6: memref<2x40xi32, #tpu.memory_space<vmem>>, %arg7: memref<2x40xi32, #tpu.memory_space<vmem>>, %arg8: memref<2x40xi32, #tpu.memory_space<vmem>>, %arg9: memref<2x40xi32, #tpu.memory_space<vmem>>, %arg10: memref<2x40xi32, #tpu.memory_space<vmem>>, %arg11: memref<40x128xf32, #tpu.memory_space<vmem>>, %arg12: memref<40x128xf32, #tpu.memory_space<vmem>>, %arg13: memref<40x128xf32, #tpu.memory_space<vmem>>, %arg14: memref<40x128xf32, #tpu.memory_space<vmem>>, %arg15: memref<40x128xf32, #tpu.memory_space<vmem>>, %arg16: memref<10248x128xf32, #tpu.memory_space<vmem_shared>>, %arg17: memref<!tpu.dma_semaphore, #tpu.memory_space<semaphore_mem>>, %arg18: memref<!tpu.dma_semaphore, #tpu.memory_space<semaphore_mem>>, %arg19: memref<!tpu.dma_semaphore, #tpu.memory_space<semaphore_mem>>, %arg20: memref<!tpu.dma_semaphore, #tpu.memory_space<semaphore_mem>>, %arg21: memref<!tpu.dma_semaphore, #tpu.memory_space<semaphore_mem>>, %arg22: memref<!tpu.dma_semaphore, #tpu.memory_space<semaphore_mem>>, %arg23: memref<!tpu.dma_semaphore, #tpu.memory_space<semaphore_mem>>, %arg24: memref<!tpu.dma_semaphore, #tpu.memory_space<semaphore_mem>>, %arg25: memref<!tpu.dma_semaphore, #tpu.memory_space<semaphore_mem>>, %arg26: memref<!tpu.dma_semaphore, #tpu.memory_space<semaphore_mem>>, %arg27: memref<!tpu.dma_semaphore, #tpu.memory_space<semaphore_mem>>, %arg28: memref<!tpu.dma_semaphore, #tpu.memory_space<semaphore_mem>>, %arg29: memref<!tpu.dma_semaphore, #tpu.memory_space<semaphore_mem>>, %arg30: memref<!tpu.dma_semaphore, #tpu.memory_space<semaphore_mem>>, %arg31: memref<!tpu.dma_semaphore, #tpu.memory_space<semaphore_mem>>) attributes {dimension_semantics = [#tpu.dimension_semantics<core_parallel>, #tpu.dimension_semantics<subcore_parallel>], iteration_bounds = array<i64: 2, 16>, scalar_prefetch = 0 : i64, scratch_operands = 26 : i64, tpu.core_type = #tpu.core_type<sc_vector_subcore>, window_params = [{transform_indices = #map}, {transform_indices = #map1}, {transform_indices = #map}, {transform_indices = #map2}]} {
    %mul3A = arith.constant 250 : i32
    %mul3A_0 = arith.muli %arg1, %mul3A : i32
    %add3A = arith.constant 0 : i32
    %add3A_1 = arith.addi %mul3A_0, %add3A : i32
    %dma_start3A = arith.constant 0 : i32
    %dma_start3A_2 = arith.constant 0 : i32
    %dma_start3A_3 = tpu.memref_slice %arg3[%arg0, %add3A_1, %dma_start3A, %dma_start3A_2] : memref<2x4000x2x40xi32, #tpu.memory_space<hbm>> -> memref<1x1x2x40xi32, #tpu.memory_space<hbm>>
    %dma_start3A_4 = tpu.memref_squeeze %dma_start3A_3 : memref<1x1x2x40xi32, #tpu.memory_space<hbm>> -> memref<2x40xi32, #tpu.memory_space<hbm>>
    %dma_start3A_5 = arith.constant 0 : i32
    %dma_start3A_6 = arith.constant 0 : i32
    %dma_start3A_7 = tpu.memref_slice %arg3[%arg0, %add3A_1, %dma_start3A_5, %dma_start3A_6] : memref<2x4000x2x40xi32, #tpu.memory_space<hbm>> -> memref<1x1x2x40xi32, #tpu.memory_space<hbm>>
    %dma_start3A_8 = tpu.memref_squeeze %dma_start3A_7 : memref<1x1x2x40xi32, #tpu.memory_space<hbm>> -> memref<2x40xi32, #tpu.memory_space<hbm>>
    tpu.enqueue_dma source(%dma_start3A_8 : memref<2x40xi32, #tpu.memory_space<hbm>>) target(%arg6 : memref<2x40xi32, #tpu.memory_space<vmem>>) target_semaphore(%arg17 : memref<!tpu.dma_semaphore, #tpu.memory_space<semaphore_mem>>)
    %add3A_9 = arith.constant 1 : i32
    %add3A_10 = arith.addi %mul3A_0, %add3A_9 : i32
    %dma_start3A_11 = arith.constant 0 : i32
    %dma_start3A_12 = arith.constant 0 : i32
    %dma_start3A_13 = tpu.memref_slice %arg3[%arg0, %add3A_10, %dma_start3A_11, %dma_start3A_12] : memref<2x4000x2x40xi32, #tpu.memory_space<hbm>> -> memref<1x1x2x40xi32, #tpu.memory_space<hbm>>
    %dma_start3A_14 = tpu.memref_squeeze %dma_start3A_13 : memref<1x1x2x40xi32, #tpu.memory_space<hbm>> -> memref<2x40xi32, #tpu.memory_space<hbm>>
    %dma_start3A_15 = arith.constant 0 : i32
    %dma_start3A_16 = arith.constant 0 : i32
    %dma_start3A_17 = tpu.memref_slice %arg3[%arg0, %add3A_10, %dma_start3A_15, %dma_start3A_16] : memref<2x4000x2x40xi32, #tpu.memory_space<hbm>> -> memref<1x1x2x40xi32, #tpu.memory_space<hbm>>
    %dma_start3A_18 = tpu.memref_squeeze %dma_start3A_17 : memref<1x1x2x40xi32, #tpu.memory_space<hbm>> -> memref<2x40xi32, #tpu.memory_space<hbm>>
    tpu.enqueue_dma source(%dma_start3A_18 : memref<2x40xi32, #tpu.memory_space<hbm>>) target(%arg7 : memref<2x40xi32, #tpu.memory_space<vmem>>) target_semaphore(%arg18 : memref<!tpu.dma_semaphore, #tpu.memory_space<semaphore_mem>>)
    %add3A_19 = arith.constant 2 : i32
    %add3A_20 = arith.addi %mul3A_0, %add3A_19 : i32
    %dma_start3A_21 = arith.constant 0 : i32
    %dma_start3A_22 = arith.constant 0 : i32
    %dma_start3A_23 = tpu.memref_slice %arg3[%arg0, %add3A_20, %dma_start3A_21, %dma_start3A_22] : memref<2x4000x2x40xi32, #tpu.memory_space<hbm>> -> memref<1x1x2x40xi32, #tpu.memory_space<hbm>>
    %dma_start3A_24 = tpu.memref_squeeze %dma_start3A_23 : memref<1x1x2x40xi32, #tpu.memory_space<hbm>> -> memref<2x40xi32, #tpu.memory_space<hbm>>
    %dma_start3A_25 = arith.constant 0 : i32
    %dma_start3A_26 = arith.constant 0 : i32
    %dma_start3A_27 = tpu.memref_slice %arg3[%arg0, %add3A_20, %dma_start3A_25, %dma_start3A_26] : memref<2x4000x2x40xi32, #tpu.memory_space<hbm>> -> memref<1x1x2x40xi32, #tpu.memory_space<hbm>>
    %dma_start3A_28 = tpu.memref_squeeze %dma_start3A_27 : memref<1x1x2x40xi32, #tpu.memory_space<hbm>> -> memref<2x40xi32, #tpu.memory_space<hbm>>
    tpu.enqueue_dma source(%dma_start3A_28 : memref<2x40xi32, #tpu.memory_space<hbm>>) target(%arg8 : memref<2x40xi32, #tpu.memory_space<vmem>>) target_semaphore(%arg19 : memref<!tpu.dma_semaphore, #tpu.memory_space<semaphore_mem>>)
    %mul3A_29 = arith.constant 640 : i32
    %mul3A_30 = arith.muli %arg1, %mul3A_29 : i32
    %mul3A_31 = arith.constant 640 : i32
    %mul3A_32 = arith.muli %arg1, %mul3A_31 : i32
    "tpu.region"() ({
      %run_scoped3A = tpu.sem_alloc : memref<!tpu.dma_semaphore, #tpu.memory_space<semaphore_mem>>
      %dma_start3A_90 = arith.constant 0 : i32
      %dma_start3A_91 = tpu.memref_slice %arg16[%mul3A_32, %dma_start3A_90] : memref<10248x128xf32, #tpu.memory_space<vmem_shared>> -> memref<640x128xf32, #tpu.memory_space<vmem_shared>>
      %dma_start3A_92 = arith.constant 0 : i32
      %dma_start3A_93 = tpu.memref_slice %arg4[%mul3A_30, %dma_start3A_92] : memref<10240x128xf32, #tpu.memory_space<hbm>> -> memref<640x128xf32, #tpu.memory_space<hbm>>
      tpu.enqueue_dma source(%dma_start3A_93 : memref<640x128xf32, #tpu.memory_space<hbm>>) target(%dma_start3A_91 : memref<640x128xf32, #tpu.memory_space<vmem_shared>>) target_semaphore(%run_scoped3A : memref<!tpu.dma_semaphore, #tpu.memory_space<semaphore_mem>>)
      %dma_wait3A_94 = arith.constant 0 : i32
      %dma_wait3A_95 = tpu.memref_slice %arg16[%mul3A_32, %dma_wait3A_94] : memref<10248x128xf32, #tpu.memory_space<vmem_shared>> -> memref<640x128xf32, #tpu.memory_space<vmem_shared>>
      %dma_wait3A_96 = arith.constant 0 : i32
      %dma_wait3A_97 = tpu.memref_slice %arg4[%mul3A_30, %dma_wait3A_96] : memref<10240x128xf32, #tpu.memory_space<hbm>> -> memref<640x128xf32, #tpu.memory_space<hbm>>
      tpu.wait_dma2 semaphore(%run_scoped3A : memref<!tpu.dma_semaphore, #tpu.memory_space<semaphore_mem>>) src(%dma_wait3A_97 : memref<640x128xf32, #tpu.memory_space<hbm>>) dst(%dma_wait3A_95 : memref<640x128xf32, #tpu.memory_space<vmem_shared>>)
      tpu.yield
    }) : () -> ()
    %add3A_33 = arith.constant 0 : i32
    %add3A_34 = arith.addi %mul3A_0, %add3A_33 : i32
    %dma_wait3A = arith.constant 0 : i32
    %dma_wait3A_35 = arith.constant 0 : i32
    %dma_wait3A_36 = tpu.memref_slice %arg3[%arg0, %add3A_34, %dma_wait3A, %dma_wait3A_35] : memref<2x4000x2x40xi32, #tpu.memory_space<hbm>> -> memref<1x1x2x40xi32, #tpu.memory_space<hbm>>
    %dma_wait3A_37 = tpu.memref_squeeze %dma_wait3A_36 : memref<1x1x2x40xi32, #tpu.memory_space<hbm>> -> memref<2x40xi32, #tpu.memory_space<hbm>>
    %dma_wait3A_38 = arith.constant 0 : i32
    %dma_wait3A_39 = arith.constant 0 : i32
    %dma_wait3A_40 = tpu.memref_slice %arg3[%arg0, %add3A_34, %dma_wait3A_38, %dma_wait3A_39] : memref<2x4000x2x40xi32, #tpu.memory_space<hbm>> -> memref<1x1x2x40xi32, #tpu.memory_space<hbm>>
    %dma_wait3A_41 = tpu.memref_squeeze %dma_wait3A_40 : memref<1x1x2x40xi32, #tpu.memory_space<hbm>> -> memref<2x40xi32, #tpu.memory_space<hbm>>
    tpu.wait_dma2 semaphore(%arg17 : memref<!tpu.dma_semaphore, #tpu.memory_space<semaphore_mem>>) src(%dma_wait3A_41 : memref<2x40xi32, #tpu.memory_space<hbm>>) dst(%arg6 : memref<2x40xi32, #tpu.memory_space<vmem>>)
    %dma_start3A_42 = arith.constant 0 : i32
    %dma_start3A_43 = arith.constant 0 : i32
    %dma_start3A_44 = tpu.memref_slice %arg6[%dma_start3A_42, %dma_start3A_43] : memref<2x40xi32, #tpu.memory_space<vmem>> -> memref<1x40xi32, #tpu.memory_space<vmem>>
    %dma_start3A_45 = tpu.memref_squeeze %dma_start3A_44 : memref<1x40xi32, #tpu.memory_space<vmem>> -> memref<40xi32, #tpu.memory_space<vmem>>
    %dma_start3A_46 = arith.constant 0 : i32
    %dma_start3A_47 = arith.constant 0 : i32
    %dma_start3A_48 = tpu.memref_slice %arg2[%dma_start3A_46, %dma_start3A_47] : memref<20480x128xf32, #tpu.memory_space<hbm>> -> memref<20480x128xf32, #tpu.memory_space<hbm>>
    tpu.enqueue_indirect_dma source(%dma_start3A_48 : memref<20480x128xf32, #tpu.memory_space<hbm>>) target(%arg11 : memref<40x128xf32, #tpu.memory_space<vmem>>) offsets(%dma_start3A_45 : memref<40xi32, #tpu.memory_space<vmem>>) semaphore(%arg22 : memref<!tpu.dma_semaphore, #tpu.memory_space<semaphore_mem>>)
    %add3A_49 = arith.constant 1 : i32
    %add3A_50 = arith.addi %mul3A_0, %add3A_49 : i32
    %dma_wait3A_51 = arith.constant 0 : i32
    %dma_wait3A_52 = arith.constant 0 : i32
    %dma_wait3A_53 = tpu.memref_slice %arg3[%arg0, %add3A_50, %dma_wait3A_51, %dma_wait3A_52] : memref<2x4000x2x40xi32, #tpu.memory_space<hbm>> -> memref<1x1x2x40xi32, #tpu.memory_space<hbm>>
    %dma_wait3A_54 = tpu.memref_squeeze %dma_wait3A_53 : memref<1x1x2x40xi32, #tpu.memory_space<hbm>> -> memref<2x40xi32, #tpu.memory_space<hbm>>
    %dma_wait3A_55 = arith.constant 0 : i32
    %dma_wait3A_56 = arith.constant 0 : i32
    %dma_wait3A_57 = tpu.memref_slice %arg3[%arg0, %add3A_50, %dma_wait3A_55, %dma_wait3A_56] : memref<2x4000x2x40xi32, #tpu.memory_space<hbm>> -> memref<1x1x2x40xi32, #tpu.memory_space<hbm>>
    %dma_wait3A_58 = tpu.memref_squeeze %dma_wait3A_57 : memref<1x1x2x40xi32, #tpu.memory_space<hbm>> -> memref<2x40xi32, #tpu.memory_space<hbm>>
    tpu.wait_dma2 semaphore(%arg18 : memref<!tpu.dma_semaphore, #tpu.memory_space<semaphore_mem>>) src(%dma_wait3A_58 : memref<2x40xi32, #tpu.memory_space<hbm>>) dst(%arg7 : memref<2x40xi32, #tpu.memory_space<vmem>>)
    %dma_start3A_59 = arith.constant 0 : i32
    %dma_start3A_60 = arith.constant 0 : i32
    %dma_start3A_61 = tpu.memref_slice %arg7[%dma_start3A_59, %dma_start3A_60] : memref<2x40xi32, #tpu.memory_space<vmem>> -> memref<1x40xi32, #tpu.memory_space<vmem>>
    %dma_start3A_62 = tpu.memref_squeeze %dma_start3A_61 : memref<1x40xi32, #tpu.memory_space<vmem>> -> memref<40xi32, #tpu.memory_space<vmem>>
    %dma_start3A_63 = arith.constant 0 : i32
    %dma_start3A_64 = arith.constant 0 : i32
    %dma_start3A_65 = tpu.memref_slice %arg2[%dma_start3A_63, %dma_start3A_64] : memref<20480x128xf32, #tpu.memory_space<hbm>> -> memref<20480x128xf32, #tpu.memory_space<hbm>>
    tpu.enqueue_indirect_dma source(%dma_start3A_65 : memref<20480x128xf32, #tpu.memory_space<hbm>>) target(%arg12 : memref<40x128xf32, #tpu.memory_space<vmem>>) offsets(%dma_start3A_62 : memref<40xi32, #tpu.memory_space<vmem>>) semaphore(%arg23 : memref<!tpu.dma_semaphore, #tpu.memory_space<semaphore_mem>>)
    %barrier3A = arith.constant 0 : index
    tpu.barrier barrier_id(%barrier3A)
    %scan3A = arith.constant 0 : i32
    %scan3A_66 = arith.constant 0 : i32
    %scan3A_67 = arith.constant 50 : i32
    %scan3A_68 = arith.addi %scan3A_66, %scan3A_67 : i32
    %scan3A_69 = arith.constant 1 : i32
    scf.for %scan3A_90 = %scan3A_66 to %scan3A_68 step %scan3A_69  : i32 {
      %mul3A_91 = arith.constant 5 : i32
      %mul3A_92 = arith.muli %mul3A_91, %scan3A_90 : i32
      %add3A_93 = arith.constant 0 : i32
      %add3A_94 = arith.addi %mul3A_92, %add3A_93 : i32
      %dma_wait3A_95 = arith.constant 0 : i32
      %dma_wait3A_96 = arith.constant 0 : i32
      %dma_wait3A_97 = tpu.memref_slice %arg6[%dma_wait3A_95, %dma_wait3A_96] : memref<2x40xi32, #tpu.memory_space<vmem>> -> memref<1x40xi32, #tpu.memory_space<vmem>>
      %dma_wait3A_98 = tpu.memref_squeeze %dma_wait3A_97 : memref<1x40xi32, #tpu.memory_space<vmem>> -> memref<40xi32, #tpu.memory_space<vmem>>
      %dma_wait3A_99 = arith.constant 0 : i32
      %dma_wait3A_100 = arith.constant 0 : i32
      %dma_wait3A_101 = tpu.memref_slice %arg2[%dma_wait3A_99, %dma_wait3A_100] : memref<20480x128xf32, #tpu.memory_space<hbm>> -> memref<20480x128xf32, #tpu.memory_space<hbm>>
      tpu.wait_indirect_dma semaphore(%arg22 : memref<!tpu.dma_semaphore, #tpu.memory_space<semaphore_mem>>) src(%dma_wait3A_101 : memref<20480x128xf32, #tpu.memory_space<hbm>>) dst(%arg11 : memref<40x128xf32, #tpu.memory_space<vmem>>)
      %dma_start3A_102 = arith.constant 1 : i32
      %dma_start3A_103 = arith.constant 0 : i32
      %dma_start3A_104 = tpu.memref_slice %arg6[%dma_start3A_102, %dma_start3A_103] : memref<2x40xi32, #tpu.memory_space<vmem>> -> memref<1x40xi32, #tpu.memory_space<vmem>>
      %dma_start3A_105 = tpu.memref_squeeze %dma_start3A_104 : memref<1x40xi32, #tpu.memory_space<vmem>> -> memref<40xi32, #tpu.memory_space<vmem>>
      %dma_start3A_106 = arith.constant 0 : i32
      %dma_start3A_107 = arith.constant 0 : i32
      %dma_start3A_108 = tpu.memref_slice %arg16[%dma_start3A_106, %dma_start3A_107] : memref<10248x128xf32, #tpu.memory_space<vmem_shared>> -> memref<10248x128xf32, #tpu.memory_space<vmem_shared>>
      tpu.enqueue_indirect_dma source(%arg11 : memref<40x128xf32, #tpu.memory_space<vmem>>) target(%dma_start3A_108 : memref<10248x128xf32, #tpu.memory_space<vmem_shared>>) offsets(%dma_start3A_105 : memref<40xi32, #tpu.memory_space<vmem>>) semaphore(%arg27 : memref<!tpu.dma_semaphore, #tpu.memory_space<semaphore_mem>>) {add = true}
      %ge3A = arith.constant 2 : i32
      %ge3A_109 = arith.cmpi sge, %add3A_94, %ge3A : i32
      %convert_element_type3A = arith.extui %ge3A_109 : i1 to i32
      %cond3A = arith.constant 0 : i32
      %cond3A_110 = arith.cmpi ne, %convert_element_type3A, %cond3A : i32
      scf.if %cond3A_110 {
        %dma_wait3A_272 = arith.constant 1 : i32
        %dma_wait3A_273 = arith.constant 0 : i32
        %dma_wait3A_274 = tpu.memref_slice %arg9[%dma_wait3A_272, %dma_wait3A_273] : memref<2x40xi32, #tpu.memory_space<vmem>> -> memref<1x40xi32, #tpu.memory_space<vmem>>
        %dma_wait3A_275 = tpu.memref_squeeze %dma_wait3A_274 : memref<1x40xi32, #tpu.memory_space<vmem>> -> memref<40xi32, #tpu.memory_space<vmem>>
        %dma_wait3A_276 = arith.constant 0 : i32
        %dma_wait3A_277 = arith.constant 0 : i32
        %dma_wait3A_278 = tpu.memref_slice %arg16[%dma_wait3A_276, %dma_wait3A_277] : memref<10248x128xf32, #tpu.memory_space<vmem_shared>> -> memref<10248x128xf32, #tpu.memory_space<vmem_shared>>
        tpu.wait_indirect_dma semaphore(%arg30 : memref<!tpu.dma_semaphore, #tpu.memory_space<semaphore_mem>>) src(%arg14 : memref<40x128xf32, #tpu.memory_space<vmem>>) dst(%dma_wait3A_278 : memref<10248x128xf32, #tpu.memory_space<vmem_shared>>)
      } else {
      }
      %add3A_111 = arith.constant 3 : i32
      %add3A_112 = arith.addi %add3A_94, %add3A_111 : i32
      %lt3A = arith.constant 250 : i32
      %lt3A_113 = arith.cmpi slt, %add3A_112, %lt3A : i32
      %convert_element_type3A_114 = arith.extui %lt3A_113 : i1 to i32
      %cond3A_115 = arith.constant 0 : i32
      %cond3A_116 = arith.cmpi ne, %convert_element_type3A_114, %cond3A_115 : i32
      scf.if %cond3A_116 {
        %add3A_272 = arith.constant 3 : i32
        %add3A_273 = arith.addi %add3A_94, %add3A_272 : i32
        %add3A_274 = arith.addi %mul3A_0, %add3A_273 : i32
        %dma_start3A_275 = arith.constant 0 : i32
        %dma_start3A_276 = arith.constant 0 : i32
        %dma_start3A_277 = tpu.memref_slice %arg3[%arg0, %add3A_274, %dma_start3A_275, %dma_start3A_276] : memref<2x4000x2x40xi32, #tpu.memory_space<hbm>> -> memref<1x1x2x40xi32, #tpu.memory_space<hbm>>
        %dma_start3A_278 = tpu.memref_squeeze %dma_start3A_277 : memref<1x1x2x40xi32, #tpu.memory_space<hbm>> -> memref<2x40xi32, #tpu.memory_space<hbm>>
        %dma_start3A_279 = arith.constant 0 : i32
        %dma_start3A_280 = arith.constant 0 : i32
        %dma_start3A_281 = tpu.memref_slice %arg3[%arg0, %add3A_274, %dma_start3A_279, %dma_start3A_280] : memref<2x4000x2x40xi32, #tpu.memory_space<hbm>> -> memref<1x1x2x40xi32, #tpu.memory_space<hbm>>
        %dma_start3A_282 = tpu.memref_squeeze %dma_start3A_281 : memref<1x1x2x40xi32, #tpu.memory_space<hbm>> -> memref<2x40xi32, #tpu.memory_space<hbm>>
        tpu.enqueue_dma source(%dma_start3A_282 : memref<2x40xi32, #tpu.memory_space<hbm>>) target(%arg9 : memref<2x40xi32, #tpu.memory_space<vmem>>) target_semaphore(%arg20 : memref<!tpu.dma_semaphore, #tpu.memory_space<semaphore_mem>>)
      } else {
      }
      %add3A_117 = arith.constant 2 : i32
      %add3A_118 = arith.addi %add3A_94, %add3A_117 : i32
      %lt3A_119 = arith.constant 250 : i32
      %lt3A_120 = arith.cmpi slt, %add3A_118, %lt3A_119 : i32
      %convert_element_type3A_121 = arith.extui %lt3A_120 : i1 to i32
      %cond3A_122 = arith.constant 0 : i32
      %cond3A_123 = arith.cmpi ne, %convert_element_type3A_121, %cond3A_122 : i32
      scf.if %cond3A_123 {
        %add3A_272 = arith.constant 2 : i32
        %add3A_273 = arith.addi %add3A_94, %add3A_272 : i32
        %add3A_274 = arith.addi %mul3A_0, %add3A_273 : i32
        %dma_wait3A_275 = arith.constant 0 : i32
        %dma_wait3A_276 = arith.constant 0 : i32
        %dma_wait3A_277 = tpu.memref_slice %arg3[%arg0, %add3A_274, %dma_wait3A_275, %dma_wait3A_276] : memref<2x4000x2x40xi32, #tpu.memory_space<hbm>> -> memref<1x1x2x40xi32, #tpu.memory_space<hbm>>
        %dma_wait3A_278 = tpu.memref_squeeze %dma_wait3A_277 : memref<1x1x2x40xi32, #tpu.memory_space<hbm>> -> memref<2x40xi32, #tpu.memory_space<hbm>>
        %dma_wait3A_279 = arith.constant 0 : i32
        %dma_wait3A_280 = arith.constant 0 : i32
        %dma_wait3A_281 = tpu.memref_slice %arg3[%arg0, %add3A_274, %dma_wait3A_279, %dma_wait3A_280] : memref<2x4000x2x40xi32, #tpu.memory_space<hbm>> -> memref<1x1x2x40xi32, #tpu.memory_space<hbm>>
        %dma_wait3A_282 = tpu.memref_squeeze %dma_wait3A_281 : memref<1x1x2x40xi32, #tpu.memory_space<hbm>> -> memref<2x40xi32, #tpu.memory_space<hbm>>
        tpu.wait_dma2 semaphore(%arg19 : memref<!tpu.dma_semaphore, #tpu.memory_space<semaphore_mem>>) src(%dma_wait3A_282 : memref<2x40xi32, #tpu.memory_space<hbm>>) dst(%arg8 : memref<2x40xi32, #tpu.memory_space<vmem>>)
        %dma_start3A_283 = arith.constant 0 : i32
        %dma_start3A_284 = arith.constant 0 : i32
        %dma_start3A_285 = tpu.memref_slice %arg8[%dma_start3A_283, %dma_start3A_284] : memref<2x40xi32, #tpu.memory_space<vmem>> -> memref<1x40xi32, #tpu.memory_space<vmem>>
        %dma_start3A_286 = tpu.memref_squeeze %dma_start3A_285 : memref<1x40xi32, #tpu.memory_space<vmem>> -> memref<40xi32, #tpu.memory_space<vmem>>
        %dma_start3A_287 = arith.constant 0 : i32
        %dma_start3A_288 = arith.constant 0 : i32
        %dma_start3A_289 = tpu.memref_slice %arg2[%dma_start3A_287, %dma_start3A_288] : memref<20480x128xf32, #tpu.memory_space<hbm>> -> memref<20480x128xf32, #tpu.memory_space<hbm>>
        tpu.enqueue_indirect_dma source(%dma_start3A_289 : memref<20480x128xf32, #tpu.memory_space<hbm>>) target(%arg13 : memref<40x128xf32, #tpu.memory_space<vmem>>) offsets(%dma_start3A_286 : memref<40xi32, #tpu.memory_space<vmem>>) semaphore(%arg24 : memref<!tpu.dma_semaphore, #tpu.memory_space<semaphore_mem>>)
      } else {
      }
      %mul3A_124 = arith.constant 5 : i32
      %mul3A_125 = arith.muli %mul3A_124, %scan3A_90 : i32
      %add3A_126 = arith.constant 1 : i32
      %add3A_127 = arith.addi %mul3A_125, %add3A_126 : i32
      %dma_wait3A_128 = arith.constant 0 : i32
      %dma_wait3A_129 = arith.constant 0 : i32
      %dma_wait3A_130 = tpu.memref_slice %arg7[%dma_wait3A_128, %dma_wait3A_129] : memref<2x40xi32, #tpu.memory_space<vmem>> -> memref<1x40xi32, #tpu.memory_space<vmem>>
      %dma_wait3A_131 = tpu.memref_squeeze %dma_wait3A_130 : memref<1x40xi32, #tpu.memory_space<vmem>> -> memref<40xi32, #tpu.memory_space<vmem>>
      %dma_wait3A_132 = arith.constant 0 : i32
      %dma_wait3A_133 = arith.constant 0 : i32
      %dma_wait3A_134 = tpu.memref_slice %arg2[%dma_wait3A_132, %dma_wait3A_133] : memref<20480x128xf32, #tpu.memory_space<hbm>> -> memref<20480x128xf32, #tpu.memory_space<hbm>>
      tpu.wait_indirect_dma semaphore(%arg23 : memref<!tpu.dma_semaphore, #tpu.memory_space<semaphore_mem>>) src(%dma_wait3A_134 : memref<20480x128xf32, #tpu.memory_space<hbm>>) dst(%arg12 : memref<40x128xf32, #tpu.memory_space<vmem>>)
      %dma_start3A_135 = arith.constant 1 : i32
      %dma_start3A_136 = arith.constant 0 : i32
      %dma_start3A_137 = tpu.memref_slice %arg7[%dma_start3A_135, %dma_start3A_136] : memref<2x40xi32, #tpu.memory_space<vmem>> -> memref<1x40xi32, #tpu.memory_space<vmem>>
      %dma_start3A_138 = tpu.memref_squeeze %dma_start3A_137 : memref<1x40xi32, #tpu.memory_space<vmem>> -> memref<40xi32, #tpu.memory_space<vmem>>
      %dma_start3A_139 = arith.constant 0 : i32
      %dma_start3A_140 = arith.constant 0 : i32
      %dma_start3A_141 = tpu.memref_slice %arg16[%dma_start3A_139, %dma_start3A_140] : memref<10248x128xf32, #tpu.memory_space<vmem_shared>> -> memref<10248x128xf32, #tpu.memory_space<vmem_shared>>
      tpu.enqueue_indirect_dma source(%arg12 : memref<40x128xf32, #tpu.memory_space<vmem>>) target(%dma_start3A_141 : memref<10248x128xf32, #tpu.memory_space<vmem_shared>>) offsets(%dma_start3A_138 : memref<40xi32, #tpu.memory_space<vmem>>) semaphore(%arg28 : memref<!tpu.dma_semaphore, #tpu.memory_space<semaphore_mem>>) {add = true}
      %ge3A_142 = arith.constant 2 : i32
      %ge3A_143 = arith.cmpi sge, %add3A_127, %ge3A_142 : i32
      %convert_element_type3A_144 = arith.extui %ge3A_143 : i1 to i32
      %cond3A_145 = arith.constant 0 : i32
      %cond3A_146 = arith.cmpi ne, %convert_element_type3A_144, %cond3A_145 : i32
      scf.if %cond3A_146 {
        %dma_wait3A_272 = arith.constant 1 : i32
        %dma_wait3A_273 = arith.constant 0 : i32
        %dma_wait3A_274 = tpu.memref_slice %arg10[%dma_wait3A_272, %dma_wait3A_273] : memref<2x40xi32, #tpu.memory_space<vmem>> -> memref<1x40xi32, #tpu.memory_space<vmem>>
        %dma_wait3A_275 = tpu.memref_squeeze %dma_wait3A_274 : memref<1x40xi32, #tpu.memory_space<vmem>> -> memref<40xi32, #tpu.memory_space<vmem>>
        %dma_wait3A_276 = arith.constant 0 : i32
        %dma_wait3A_277 = arith.constant 0 : i32
        %dma_wait3A_278 = tpu.memref_slice %arg16[%dma_wait3A_276, %dma_wait3A_277] : memref<10248x128xf32, #tpu.memory_space<vmem_shared>> -> memref<10248x128xf32, #tpu.memory_space<vmem_shared>>
        tpu.wait_indirect_dma semaphore(%arg31 : memref<!tpu.dma_semaphore, #tpu.memory_space<semaphore_mem>>) src(%arg15 : memref<40x128xf32, #tpu.memory_space<vmem>>) dst(%dma_wait3A_278 : memref<10248x128xf32, #tpu.memory_space<vmem_shared>>)
      } else {
      }
      %add3A_147 = arith.constant 3 : i32
      %add3A_148 = arith.addi %add3A_127, %add3A_147 : i32
      %lt3A_149 = arith.constant 250 : i32
      %lt3A_150 = arith.cmpi slt, %add3A_148, %lt3A_149 : i32
      %convert_element_type3A_151 = arith.extui %lt3A_150 : i1 to i32
      %cond3A_152 = arith.constant 0 : i32
      %cond3A_153 = arith.cmpi ne, %convert_element_type3A_151, %cond3A_152 : i32
      scf.if %cond3A_153 {
        %add3A_272 = arith.constant 3 : i32
        %add3A_273 = arith.addi %add3A_127, %add3A_272 : i32
        %add3A_274 = arith.addi %mul3A_0, %add3A_273 : i32
        %dma_start3A_275 = arith.constant 0 : i32
        %dma_start3A_276 = arith.constant 0 : i32
        %dma_start3A_277 = tpu.memref_slice %arg3[%arg0, %add3A_274, %dma_start3A_275, %dma_start3A_276] : memref<2x4000x2x40xi32, #tpu.memory_space<hbm>> -> memref<1x1x2x40xi32, #tpu.memory_space<hbm>>
        %dma_start3A_278 = tpu.memref_squeeze %dma_start3A_277 : memref<1x1x2x40xi32, #tpu.memory_space<hbm>> -> memref<2x40xi32, #tpu.memory_space<hbm>>
        %dma_start3A_279 = arith.constant 0 : i32
        %dma_start3A_280 = arith.constant 0 : i32
        %dma_start3A_281 = tpu.memref_slice %arg3[%arg0, %add3A_274, %dma_start3A_279, %dma_start3A_280] : memref<2x4000x2x40xi32, #tpu.memory_space<hbm>> -> memref<1x1x2x40xi32, #tpu.memory_space<hbm>>
        %dma_start3A_282 = tpu.memref_squeeze %dma_start3A_281 : memref<1x1x2x40xi32, #tpu.memory_space<hbm>> -> memref<2x40xi32, #tpu.memory_space<hbm>>
        tpu.enqueue_dma source(%dma_start3A_282 : memref<2x40xi32, #tpu.memory_space<hbm>>) target(%arg10 : memref<2x40xi32, #tpu.memory_space<vmem>>) target_semaphore(%arg21 : memref<!tpu.dma_semaphore, #tpu.memory_space<semaphore_mem>>)
      } else {
      }
      %add3A_154 = arith.constant 2 : i32
      %add3A_155 = arith.addi %add3A_127, %add3A_154 : i32
      %lt3A_156 = arith.constant 250 : i32
      %lt3A_157 = arith.cmpi slt, %add3A_155, %lt3A_156 : i32
      %convert_element_type3A_158 = arith.extui %lt3A_157 : i1 to i32
      %cond3A_159 = arith.constant 0 : i32
      %cond3A_160 = arith.cmpi ne, %convert_element_type3A_158, %cond3A_159 : i32
      scf.if %cond3A_160 {
        %add3A_272 = arith.constant 2 : i32
        %add3A_273 = arith.addi %add3A_127, %add3A_272 : i32
        %add3A_274 = arith.addi %mul3A_0, %add3A_273 : i32
        %dma_wait3A_275 = arith.constant 0 : i32
        %dma_wait3A_276 = arith.constant 0 : i32
        %dma_wait3A_277 = tpu.memref_slice %arg3[%arg0, %add3A_274, %dma_wait3A_275, %dma_wait3A_276] : memref<2x4000x2x40xi32, #tpu.memory_space<hbm>> -> memref<1x1x2x40xi32, #tpu.memory_space<hbm>>
        %dma_wait3A_278 = tpu.memref_squeeze %dma_wait3A_277 : memref<1x1x2x40xi32, #tpu.memory_space<hbm>> -> memref<2x40xi32, #tpu.memory_space<hbm>>
        %dma_wait3A_279 = arith.constant 0 : i32
        %dma_wait3A_280 = arith.constant 0 : i32
        %dma_wait3A_281 = tpu.memref_slice %arg3[%arg0, %add3A_274, %dma_wait3A_279, %dma_wait3A_280] : memref<2x4000x2x40xi32, #tpu.memory_space<hbm>> -> memref<1x1x2x40xi32, #tpu.memory_space<hbm>>
        %dma_wait3A_282 = tpu.memref_squeeze %dma_wait3A_281 : memref<1x1x2x40xi32, #tpu.memory_space<hbm>> -> memref<2x40xi32, #tpu.memory_space<hbm>>
        tpu.wait_dma2 semaphore(%arg20 : memref<!tpu.dma_semaphore, #tpu.memory_space<semaphore_mem>>) src(%dma_wait3A_282 : memref<2x40xi32, #tpu.memory_space<hbm>>) dst(%arg9 : memref<2x40xi32, #tpu.memory_space<vmem>>)
        %dma_start3A_283 = arith.constant 0 : i32
        %dma_start3A_284 = arith.constant 0 : i32
        %dma_start3A_285 = tpu.memref_slice %arg9[%dma_start3A_283, %dma_start3A_284] : memref<2x40xi32, #tpu.memory_space<vmem>> -> memref<1x40xi32, #tpu.memory_space<vmem>>
        %dma_start3A_286 = tpu.memref_squeeze %dma_start3A_285 : memref<1x40xi32, #tpu.memory_space<vmem>> -> memref<40xi32, #tpu.memory_space<vmem>>
        %dma_start3A_287 = arith.constant 0 : i32
        %dma_start3A_288 = arith.constant 0 : i32
        %dma_start3A_289 = tpu.memref_slice %arg2[%dma_start3A_287, %dma_start3A_288] : memref<20480x128xf32, #tpu.memory_space<hbm>> -> memref<20480x128xf32, #tpu.memory_space<hbm>>
        tpu.enqueue_indirect_dma source(%dma_start3A_289 : memref<20480x128xf32, #tpu.memory_space<hbm>>) target(%arg14 : memref<40x128xf32, #tpu.memory_space<vmem>>) offsets(%dma_start3A_286 : memref<40xi32, #tpu.memory_space<vmem>>) semaphore(%arg25 : memref<!tpu.dma_semaphore, #tpu.memory_space<semaphore_mem>>)
      } else {
      }
      %mul3A_161 = arith.constant 5 : i32
      %mul3A_162 = arith.muli %mul3A_161, %scan3A_90 : i32
      %add3A_163 = arith.constant 2 : i32
      %add3A_164 = arith.addi %mul3A_162, %add3A_163 : i32
      %dma_wait3A_165 = arith.constant 0 : i32
      %dma_wait3A_166 = arith.constant 0 : i32
      %dma_wait3A_167 = tpu.memref_slice %arg8[%dma_wait3A_165, %dma_wait3A_166] : memref<2x40xi32, #tpu.memory_space<vmem>> -> memref<1x40xi32, #tpu.memory_space<vmem>>
      %dma_wait3A_168 = tpu.memref_squeeze %dma_wait3A_167 : memref<1x40xi32, #tpu.memory_space<vmem>> -> memref<40xi32, #tpu.memory_space<vmem>>
      %dma_wait3A_169 = arith.constant 0 : i32
      %dma_wait3A_170 = arith.constant 0 : i32
      %dma_wait3A_171 = tpu.memref_slice %arg2[%dma_wait3A_169, %dma_wait3A_170] : memref<20480x128xf32, #tpu.memory_space<hbm>> -> memref<20480x128xf32, #tpu.memory_space<hbm>>
      tpu.wait_indirect_dma semaphore(%arg24 : memref<!tpu.dma_semaphore, #tpu.memory_space<semaphore_mem>>) src(%dma_wait3A_171 : memref<20480x128xf32, #tpu.memory_space<hbm>>) dst(%arg13 : memref<40x128xf32, #tpu.memory_space<vmem>>)
      %dma_start3A_172 = arith.constant 1 : i32
      %dma_start3A_173 = arith.constant 0 : i32
      %dma_start3A_174 = tpu.memref_slice %arg8[%dma_start3A_172, %dma_start3A_173] : memref<2x40xi32, #tpu.memory_space<vmem>> -> memref<1x40xi32, #tpu.memory_space<vmem>>
      %dma_start3A_175 = tpu.memref_squeeze %dma_start3A_174 : memref<1x40xi32, #tpu.memory_space<vmem>> -> memref<40xi32, #tpu.memory_space<vmem>>
      %dma_start3A_176 = arith.constant 0 : i32
      %dma_start3A_177 = arith.constant 0 : i32
      %dma_start3A_178 = tpu.memref_slice %arg16[%dma_start3A_176, %dma_start3A_177] : memref<10248x128xf32, #tpu.memory_space<vmem_shared>> -> memref<10248x128xf32, #tpu.memory_space<vmem_shared>>
      tpu.enqueue_indirect_dma source(%arg13 : memref<40x128xf32, #tpu.memory_space<vmem>>) target(%dma_start3A_178 : memref<10248x128xf32, #tpu.memory_space<vmem_shared>>) offsets(%dma_start3A_175 : memref<40xi32, #tpu.memory_space<vmem>>) semaphore(%arg29 : memref<!tpu.dma_semaphore, #tpu.memory_space<semaphore_mem>>) {add = true}
      %ge3A_179 = arith.constant 2 : i32
      %ge3A_180 = arith.cmpi sge, %add3A_164, %ge3A_179 : i32
      %convert_element_type3A_181 = arith.extui %ge3A_180 : i1 to i32
      %cond3A_182 = arith.constant 0 : i32
      %cond3A_183 = arith.cmpi ne, %convert_element_type3A_181, %cond3A_182 : i32
      scf.if %cond3A_183 {
        %dma_wait3A_272 = arith.constant 1 : i32
        %dma_wait3A_273 = arith.constant 0 : i32
        %dma_wait3A_274 = tpu.memref_slice %arg6[%dma_wait3A_272, %dma_wait3A_273] : memref<2x40xi32, #tpu.memory_space<vmem>> -> memref<1x40xi32, #tpu.memory_space<vmem>>
        %dma_wait3A_275 = tpu.memref_squeeze %dma_wait3A_274 : memref<1x40xi32, #tpu.memory_space<vmem>> -> memref<40xi32, #tpu.memory_space<vmem>>
        %dma_wait3A_276 = arith.constant 0 : i32
        %dma_wait3A_277 = arith.constant 0 : i32
        %dma_wait3A_278 = tpu.memref_slice %arg16[%dma_wait3A_276, %dma_wait3A_277] : memref<10248x128xf32, #tpu.memory_space<vmem_shared>> -> memref<10248x128xf32, #tpu.memory_space<vmem_shared>>
        tpu.wait_indirect_dma semaphore(%arg27 : memref<!tpu.dma_semaphore, #tpu.memory_space<semaphore_mem>>) src(%arg11 : memref<40x128xf32, #tpu.memory_space<vmem>>) dst(%dma_wait3A_278 : memref<10248x128xf32, #tpu.memory_space<vmem_shared>>)
      } else {
      }
      %add3A_184 = arith.constant 3 : i32
      %add3A_185 = arith.addi %add3A_164, %add3A_184 : i32
      %lt3A_186 = arith.constant 250 : i32
      %lt3A_187 = arith.cmpi slt, %add3A_185, %lt3A_186 : i32
      %convert_element_type3A_188 = arith.extui %lt3A_187 : i1 to i32
      %cond3A_189 = arith.constant 0 : i32
      %cond3A_190 = arith.cmpi ne, %convert_element_type3A_188, %cond3A_189 : i32
      scf.if %cond3A_190 {
        %add3A_272 = arith.constant 3 : i32
        %add3A_273 = arith.addi %add3A_164, %add3A_272 : i32
        %add3A_274 = arith.addi %mul3A_0, %add3A_273 : i32
        %dma_start3A_275 = arith.constant 0 : i32
        %dma_start3A_276 = arith.constant 0 : i32
        %dma_start3A_277 = tpu.memref_slice %arg3[%arg0, %add3A_274, %dma_start3A_275, %dma_start3A_276] : memref<2x4000x2x40xi32, #tpu.memory_space<hbm>> -> memref<1x1x2x40xi32, #tpu.memory_space<hbm>>
        %dma_start3A_278 = tpu.memref_squeeze %dma_start3A_277 : memref<1x1x2x40xi32, #tpu.memory_space<hbm>> -> memref<2x40xi32, #tpu.memory_space<hbm>>
        %dma_start3A_279 = arith.constant 0 : i32
        %dma_start3A_280 = arith.constant 0 : i32
        %dma_start3A_281 = tpu.memref_slice %arg3[%arg0, %add3A_274, %dma_start3A_279, %dma_start3A_280] : memref<2x4000x2x40xi32, #tpu.memory_space<hbm>> -> memref<1x1x2x40xi32, #tpu.memory_space<hbm>>
        %dma_start3A_282 = tpu.memref_squeeze %dma_start3A_281 : memref<1x1x2x40xi32, #tpu.memory_space<hbm>> -> memref<2x40xi32, #tpu.memory_space<hbm>>
        tpu.enqueue_dma source(%dma_start3A_282 : memref<2x40xi32, #tpu.memory_space<hbm>>) target(%arg6 : memref<2x40xi32, #tpu.memory_space<vmem>>) target_semaphore(%arg17 : memref<!tpu.dma_semaphore, #tpu.memory_space<semaphore_mem>>)
      } else {
      }
      %add3A_191 = arith.constant 2 : i32
      %add3A_192 = arith.addi %add3A_164, %add3A_191 : i32
      %lt3A_193 = arith.constant 250 : i32
      %lt3A_194 = arith.cmpi slt, %add3A_192, %lt3A_193 : i32
      %convert_element_type3A_195 = arith.extui %lt3A_194 : i1 to i32
      %cond3A_196 = arith.constant 0 : i32
      %cond3A_197 = arith.cmpi ne, %convert_element_type3A_195, %cond3A_196 : i32
      scf.if %cond3A_197 {
        %add3A_272 = arith.constant 2 : i32
        %add3A_273 = arith.addi %add3A_164, %add3A_272 : i32
        %add3A_274 = arith.addi %mul3A_0, %add3A_273 : i32
        %dma_wait3A_275 = arith.constant 0 : i32
        %dma_wait3A_276 = arith.constant 0 : i32
        %dma_wait3A_277 = tpu.memref_slice %arg3[%arg0, %add3A_274, %dma_wait3A_275, %dma_wait3A_276] : memref<2x4000x2x40xi32, #tpu.memory_space<hbm>> -> memref<1x1x2x40xi32, #tpu.memory_space<hbm>>
        %dma_wait3A_278 = tpu.memref_squeeze %dma_wait3A_277 : memref<1x1x2x40xi32, #tpu.memory_space<hbm>> -> memref<2x40xi32, #tpu.memory_space<hbm>>
        %dma_wait3A_279 = arith.constant 0 : i32
        %dma_wait3A_280 = arith.constant 0 : i32
        %dma_wait3A_281 = tpu.memref_slice %arg3[%arg0, %add3A_274, %dma_wait3A_279, %dma_wait3A_280] : memref<2x4000x2x40xi32, #tpu.memory_space<hbm>> -> memref<1x1x2x40xi32, #tpu.memory_space<hbm>>
        %dma_wait3A_282 = tpu.memref_squeeze %dma_wait3A_281 : memref<1x1x2x40xi32, #tpu.memory_space<hbm>> -> memref<2x40xi32, #tpu.memory_space<hbm>>
        tpu.wait_dma2 semaphore(%arg21 : memref<!tpu.dma_semaphore, #tpu.memory_space<semaphore_mem>>) src(%dma_wait3A_282 : memref<2x40xi32, #tpu.memory_space<hbm>>) dst(%arg10 : memref<2x40xi32, #tpu.memory_space<vmem>>)
        %dma_start3A_283 = arith.constant 0 : i32
        %dma_start3A_284 = arith.constant 0 : i32
        %dma_start3A_285 = tpu.memref_slice %arg10[%dma_start3A_283, %dma_start3A_284] : memref<2x40xi32, #tpu.memory_space<vmem>> -> memref<1x40xi32, #tpu.memory_space<vmem>>
        %dma_start3A_286 = tpu.memref_squeeze %dma_start3A_285 : memref<1x40xi32, #tpu.memory_space<vmem>> -> memref<40xi32, #tpu.memory_space<vmem>>
        %dma_start3A_287 = arith.constant 0 : i32
        %dma_start3A_288 = arith.constant 0 : i32
        %dma_start3A_289 = tpu.memref_slice %arg2[%dma_start3A_287, %dma_start3A_288] : memref<20480x128xf32, #tpu.memory_space<hbm>> -> memref<20480x128xf32, #tpu.memory_space<hbm>>
        tpu.enqueue_indirect_dma source(%dma_start3A_289 : memref<20480x128xf32, #tpu.memory_space<hbm>>) target(%arg15 : memref<40x128xf32, #tpu.memory_space<vmem>>) offsets(%dma_start3A_286 : memref<40xi32, #tpu.memory_space<vmem>>) semaphore(%arg26 : memref<!tpu.dma_semaphore, #tpu.memory_space<semaphore_mem>>)
      } else {
      }
      %mul3A_198 = arith.constant 5 : i32
      %mul3A_199 = arith.muli %mul3A_198, %scan3A_90 : i32
      %add3A_200 = arith.constant 3 : i32
      %add3A_201 = arith.addi %mul3A_199, %add3A_200 : i32
      %dma_wait3A_202 = arith.constant 0 : i32
      %dma_wait3A_203 = arith.constant 0 : i32
      %dma_wait3A_204 = tpu.memref_slice %arg9[%dma_wait3A_202, %dma_wait3A_203] : memref<2x40xi32, #tpu.memory_space<vmem>> -> memref<1x40xi32, #tpu.memory_space<vmem>>
      %dma_wait3A_205 = tpu.memref_squeeze %dma_wait3A_204 : memref<1x40xi32, #tpu.memory_space<vmem>> -> memref<40xi32, #tpu.memory_space<vmem>>
      %dma_wait3A_206 = arith.constant 0 : i32
      %dma_wait3A_207 = arith.constant 0 : i32
      %dma_wait3A_208 = tpu.memref_slice %arg2[%dma_wait3A_206, %dma_wait3A_207] : memref<20480x128xf32, #tpu.memory_space<hbm>> -> memref<20480x128xf32, #tpu.memory_space<hbm>>
      tpu.wait_indirect_dma semaphore(%arg25 : memref<!tpu.dma_semaphore, #tpu.memory_space<semaphore_mem>>) src(%dma_wait3A_208 : memref<20480x128xf32, #tpu.memory_space<hbm>>) dst(%arg14 : memref<40x128xf32, #tpu.memory_space<vmem>>)
      %dma_start3A_209 = arith.constant 1 : i32
      %dma_start3A_210 = arith.constant 0 : i32
      %dma_start3A_211 = tpu.memref_slice %arg9[%dma_start3A_209, %dma_start3A_210] : memref<2x40xi32, #tpu.memory_space<vmem>> -> memref<1x40xi32, #tpu.memory_space<vmem>>
      %dma_start3A_212 = tpu.memref_squeeze %dma_start3A_211 : memref<1x40xi32, #tpu.memory_space<vmem>> -> memref<40xi32, #tpu.memory_space<vmem>>
      %dma_start3A_213 = arith.constant 0 : i32
      %dma_start3A_214 = arith.constant 0 : i32
      %dma_start3A_215 = tpu.memref_slice %arg16[%dma_start3A_213, %dma_start3A_214] : memref<10248x128xf32, #tpu.memory_space<vmem_shared>> -> memref<10248x128xf32, #tpu.memory_space<vmem_shared>>
      tpu.enqueue_indirect_dma source(%arg14 : memref<40x128xf32, #tpu.memory_space<vmem>>) target(%dma_start3A_215 : memref<10248x128xf32, #tpu.memory_space<vmem_shared>>) offsets(%dma_start3A_212 : memref<40xi32, #tpu.memory_space<vmem>>) semaphore(%arg30 : memref<!tpu.dma_semaphore, #tpu.memory_space<semaphore_mem>>) {add = true}
      %ge3A_216 = arith.constant 2 : i32
      %ge3A_217 = arith.cmpi sge, %add3A_201, %ge3A_216 : i32
      %convert_element_type3A_218 = arith.extui %ge3A_217 : i1 to i32
      %cond3A_219 = arith.constant 0 : i32
      %cond3A_220 = arith.cmpi ne, %convert_element_type3A_218, %cond3A_219 : i32
      scf.if %cond3A_220 {
        %dma_wait3A_272 = arith.constant 1 : i32
        %dma_wait3A_273 = arith.constant 0 : i32
        %dma_wait3A_274 = tpu.memref_slice %arg7[%dma_wait3A_272, %dma_wait3A_273] : memref<2x40xi32, #tpu.memory_space<vmem>> -> memref<1x40xi32, #tpu.memory_space<vmem>>
        %dma_wait3A_275 = tpu.memref_squeeze %dma_wait3A_274 : memref<1x40xi32, #tpu.memory_space<vmem>> -> memref<40xi32, #tpu.memory_space<vmem>>
        %dma_wait3A_276 = arith.constant 0 : i32
        %dma_wait3A_277 = arith.constant 0 : i32
        %dma_wait3A_278 = tpu.memref_slice %arg16[%dma_wait3A_276, %dma_wait3A_277] : memref<10248x128xf32, #tpu.memory_space<vmem_shared>> -> memref<10248x128xf32, #tpu.memory_space<vmem_shared>>
        tpu.wait_indirect_dma semaphore(%arg28 : memref<!tpu.dma_semaphore, #tpu.memory_space<semaphore_mem>>) src(%arg12 : memref<40x128xf32, #tpu.memory_space<vmem>>) dst(%dma_wait3A_278 : memref<10248x128xf32, #tpu.memory_space<vmem_shared>>)
      } else {
      }
      %add3A_221 = arith.constant 3 : i32
      %add3A_222 = arith.addi %add3A_201, %add3A_221 : i32
      %lt3A_223 = arith.constant 250 : i32
      %lt3A_224 = arith.cmpi slt, %add3A_222, %lt3A_223 : i32
      %convert_element_type3A_225 = arith.extui %lt3A_224 : i1 to i32
      %cond3A_226 = arith.constant 0 : i32
      %cond3A_227 = arith.cmpi ne, %convert_element_type3A_225, %cond3A_226 : i32
      scf.if %cond3A_227 {
        %add3A_272 = arith.constant 3 : i32
        %add3A_273 = arith.addi %add3A_201, %add3A_272 : i32
        %add3A_274 = arith.addi %mul3A_0, %add3A_273 : i32
        %dma_start3A_275 = arith.constant 0 : i32
        %dma_start3A_276 = arith.constant 0 : i32
        %dma_start3A_277 = tpu.memref_slice %arg3[%arg0, %add3A_274, %dma_start3A_275, %dma_start3A_276] : memref<2x4000x2x40xi32, #tpu.memory_space<hbm>> -> memref<1x1x2x40xi32, #tpu.memory_space<hbm>>
        %dma_start3A_278 = tpu.memref_squeeze %dma_start3A_277 : memref<1x1x2x40xi32, #tpu.memory_space<hbm>> -> memref<2x40xi32, #tpu.memory_space<hbm>>
        %dma_start3A_279 = arith.constant 0 : i32
        %dma_start3A_280 = arith.constant 0 : i32
        %dma_start3A_281 = tpu.memref_slice %arg3[%arg0, %add3A_274, %dma_start3A_279, %dma_start3A_280] : memref<2x4000x2x40xi32, #tpu.memory_space<hbm>> -> memref<1x1x2x40xi32, #tpu.memory_space<hbm>>
        %dma_start3A_282 = tpu.memref_squeeze %dma_start3A_281 : memref<1x1x2x40xi32, #tpu.memory_space<hbm>> -> memref<2x40xi32, #tpu.memory_space<hbm>>
        tpu.enqueue_dma source(%dma_start3A_282 : memref<2x40xi32, #tpu.memory_space<hbm>>) target(%arg7 : memref<2x40xi32, #tpu.memory_space<vmem>>) target_semaphore(%arg18 : memref<!tpu.dma_semaphore, #tpu.memory_space<semaphore_mem>>)
      } else {
      }
      %add3A_228 = arith.constant 2 : i32
      %add3A_229 = arith.addi %add3A_201, %add3A_228 : i32
      %lt3A_230 = arith.constant 250 : i32
      %lt3A_231 = arith.cmpi slt, %add3A_229, %lt3A_230 : i32
      %convert_element_type3A_232 = arith.extui %lt3A_231 : i1 to i32
      %cond3A_233 = arith.constant 0 : i32
      %cond3A_234 = arith.cmpi ne, %convert_element_type3A_232, %cond3A_233 : i32
      scf.if %cond3A_234 {
        %add3A_272 = arith.constant 2 : i32
        %add3A_273 = arith.addi %add3A_201, %add3A_272 : i32
        %add3A_274 = arith.addi %mul3A_0, %add3A_273 : i32
        %dma_wait3A_275 = arith.constant 0 : i32
        %dma_wait3A_276 = arith.constant 0 : i32
        %dma_wait3A_277 = tpu.memref_slice %arg3[%arg0, %add3A_274, %dma_wait3A_275, %dma_wait3A_276] : memref<2x4000x2x40xi32, #tpu.memory_space<hbm>> -> memref<1x1x2x40xi32, #tpu.memory_space<hbm>>
        %dma_wait3A_278 = tpu.memref_squeeze %dma_wait3A_277 : memref<1x1x2x40xi32, #tpu.memory_space<hbm>> -> memref<2x40xi32, #tpu.memory_space<hbm>>
        %dma_wait3A_279 = arith.constant 0 : i32
        %dma_wait3A_280 = arith.constant 0 : i32
        %dma_wait3A_281 = tpu.memref_slice %arg3[%arg0, %add3A_274, %dma_wait3A_279, %dma_wait3A_280] : memref<2x4000x2x40xi32, #tpu.memory_space<hbm>> -> memref<1x1x2x40xi32, #tpu.memory_space<hbm>>
        %dma_wait3A_282 = tpu.memref_squeeze %dma_wait3A_281 : memref<1x1x2x40xi32, #tpu.memory_space<hbm>> -> memref<2x40xi32, #tpu.memory_space<hbm>>
        tpu.wait_dma2 semaphore(%arg17 : memref<!tpu.dma_semaphore, #tpu.memory_space<semaphore_mem>>) src(%dma_wait3A_282 : memref<2x40xi32, #tpu.memory_space<hbm>>) dst(%arg6 : memref<2x40xi32, #tpu.memory_space<vmem>>)
        %dma_start3A_283 = arith.constant 0 : i32
        %dma_start3A_284 = arith.constant 0 : i32
        %dma_start3A_285 = tpu.memref_slice %arg6[%dma_start3A_283, %dma_start3A_284] : memref<2x40xi32, #tpu.memory_space<vmem>> -> memref<1x40xi32, #tpu.memory_space<vmem>>
        %dma_start3A_286 = tpu.memref_squeeze %dma_start3A_285 : memref<1x40xi32, #tpu.memory_space<vmem>> -> memref<40xi32, #tpu.memory_space<vmem>>
        %dma_start3A_287 = arith.constant 0 : i32
        %dma_start3A_288 = arith.constant 0 : i32
        %dma_start3A_289 = tpu.memref_slice %arg2[%dma_start3A_287, %dma_start3A_288] : memref<20480x128xf32, #tpu.memory_space<hbm>> -> memref<20480x128xf32, #tpu.memory_space<hbm>>
        tpu.enqueue_indirect_dma source(%dma_start3A_289 : memref<20480x128xf32, #tpu.memory_space<hbm>>) target(%arg11 : memref<40x128xf32, #tpu.memory_space<vmem>>) offsets(%dma_start3A_286 : memref<40xi32, #tpu.memory_space<vmem>>) semaphore(%arg22 : memref<!tpu.dma_semaphore, #tpu.memory_space<semaphore_mem>>)
      } else {
      }
      %mul3A_235 = arith.constant 5 : i32
      %mul3A_236 = arith.muli %mul3A_235, %scan3A_90 : i32
      %add3A_237 = arith.constant 4 : i32
      %add3A_238 = arith.addi %mul3A_236, %add3A_237 : i32
      %dma_wait3A_239 = arith.constant 0 : i32
      %dma_wait3A_240 = arith.constant 0 : i32
      %dma_wait3A_241 = tpu.memref_slice %arg10[%dma_wait3A_239, %dma_wait3A_240] : memref<2x40xi32, #tpu.memory_space<vmem>> -> memref<1x40xi32, #tpu.memory_space<vmem>>
      %dma_wait3A_242 = tpu.memref_squeeze %dma_wait3A_241 : memref<1x40xi32, #tpu.memory_space<vmem>> -> memref<40xi32, #tpu.memory_space<vmem>>
      %dma_wait3A_243 = arith.constant 0 : i32
      %dma_wait3A_244 = arith.constant 0 : i32
      %dma_wait3A_245 = tpu.memref_slice %arg2[%dma_wait3A_243, %dma_wait3A_244] : memref<20480x128xf32, #tpu.memory_space<hbm>> -> memref<20480x128xf32, #tpu.memory_space<hbm>>
      tpu.wait_indirect_dma semaphore(%arg26 : memref<!tpu.dma_semaphore, #tpu.memory_space<semaphore_mem>>) src(%dma_wait3A_245 : memref<20480x128xf32, #tpu.memory_space<hbm>>) dst(%arg15 : memref<40x128xf32, #tpu.memory_space<vmem>>)
      %dma_start3A_246 = arith.constant 1 : i32
      %dma_start3A_247 = arith.constant 0 : i32
      %dma_start3A_248 = tpu.memref_slice %arg10[%dma_start3A_246, %dma_start3A_247] : memref<2x40xi32, #tpu.memory_space<vmem>> -> memref<1x40xi32, #tpu.memory_space<vmem>>
      %dma_start3A_249 = tpu.memref_squeeze %dma_start3A_248 : memref<1x40xi32, #tpu.memory_space<vmem>> -> memref<40xi32, #tpu.memory_space<vmem>>
      %dma_start3A_250 = arith.constant 0 : i32
      %dma_start3A_251 = arith.constant 0 : i32
      %dma_start3A_252 = tpu.memref_slice %arg16[%dma_start3A_250, %dma_start3A_251] : memref<10248x128xf32, #tpu.memory_space<vmem_shared>> -> memref<10248x128xf32, #tpu.memory_space<vmem_shared>>
      tpu.enqueue_indirect_dma source(%arg15 : memref<40x128xf32, #tpu.memory_space<vmem>>) target(%dma_start3A_252 : memref<10248x128xf32, #tpu.memory_space<vmem_shared>>) offsets(%dma_start3A_249 : memref<40xi32, #tpu.memory_space<vmem>>) semaphore(%arg31 : memref<!tpu.dma_semaphore, #tpu.memory_space<semaphore_mem>>) {add = true}
      %ge3A_253 = arith.constant 2 : i32
      %ge3A_254 = arith.cmpi sge, %add3A_238, %ge3A_253 : i32
      %convert_element_type3A_255 = arith.extui %ge3A_254 : i1 to i32
      %cond3A_256 = arith.constant 0 : i32
      %cond3A_257 = arith.cmpi ne, %convert_element_type3A_255, %cond3A_256 : i32
      scf.if %cond3A_257 {
        %dma_wait3A_272 = arith.constant 1 : i32
        %dma_wait3A_273 = arith.constant 0 : i32
        %dma_wait3A_274 = tpu.memref_slice %arg8[%dma_wait3A_272, %dma_wait3A_273] : memref<2x40xi32, #tpu.memory_space<vmem>> -> memref<1x40xi32, #tpu.memory_space<vmem>>
        %dma_wait3A_275 = tpu.memref_squeeze %dma_wait3A_274 : memref<1x40xi32, #tpu.memory_space<vmem>> -> memref<40xi32, #tpu.memory_space<vmem>>
        %dma_wait3A_276 = arith.constant 0 : i32
        %dma_wait3A_277 = arith.constant 0 : i32
        %dma_wait3A_278 = tpu.memref_slice %arg16[%dma_wait3A_276, %dma_wait3A_277] : memref<10248x128xf32, #tpu.memory_space<vmem_shared>> -> memref<10248x128xf32, #tpu.memory_space<vmem_shared>>
        tpu.wait_indirect_dma semaphore(%arg29 : memref<!tpu.dma_semaphore, #tpu.memory_space<semaphore_mem>>) src(%arg13 : memref<40x128xf32, #tpu.memory_space<vmem>>) dst(%dma_wait3A_278 : memref<10248x128xf32, #tpu.memory_space<vmem_shared>>)
      } else {
      }
      %add3A_258 = arith.constant 3 : i32
      %add3A_259 = arith.addi %add3A_238, %add3A_258 : i32
      %lt3A_260 = arith.constant 250 : i32
      %lt3A_261 = arith.cmpi slt, %add3A_259, %lt3A_260 : i32
      %convert_element_type3A_262 = arith.extui %lt3A_261 : i1 to i32
      %cond3A_263 = arith.constant 0 : i32
      %cond3A_264 = arith.cmpi ne, %convert_element_type3A_262, %cond3A_263 : i32
      scf.if %cond3A_264 {
        %add3A_272 = arith.constant 3 : i32
        %add3A_273 = arith.addi %add3A_238, %add3A_272 : i32
        %add3A_274 = arith.addi %mul3A_0, %add3A_273 : i32
        %dma_start3A_275 = arith.constant 0 : i32
        %dma_start3A_276 = arith.constant 0 : i32
        %dma_start3A_277 = tpu.memref_slice %arg3[%arg0, %add3A_274, %dma_start3A_275, %dma_start3A_276] : memref<2x4000x2x40xi32, #tpu.memory_space<hbm>> -> memref<1x1x2x40xi32, #tpu.memory_space<hbm>>
        %dma_start3A_278 = tpu.memref_squeeze %dma_start3A_277 : memref<1x1x2x40xi32, #tpu.memory_space<hbm>> -> memref<2x40xi32, #tpu.memory_space<hbm>>
        %dma_start3A_279 = arith.constant 0 : i32
        %dma_start3A_280 = arith.constant 0 : i32
        %dma_start3A_281 = tpu.memref_slice %arg3[%arg0, %add3A_274, %dma_start3A_279, %dma_start3A_280] : memref<2x4000x2x40xi32, #tpu.memory_space<hbm>> -> memref<1x1x2x40xi32, #tpu.memory_space<hbm>>
        %dma_start3A_282 = tpu.memref_squeeze %dma_start3A_281 : memref<1x1x2x40xi32, #tpu.memory_space<hbm>> -> memref<2x40xi32, #tpu.memory_space<hbm>>
        tpu.enqueue_dma source(%dma_start3A_282 : memref<2x40xi32, #tpu.memory_space<hbm>>) target(%arg8 : memref<2x40xi32, #tpu.memory_space<vmem>>) target_semaphore(%arg19 : memref<!tpu.dma_semaphore, #tpu.memory_space<semaphore_mem>>)
      } else {
      }
      %add3A_265 = arith.constant 2 : i32
      %add3A_266 = arith.addi %add3A_238, %add3A_265 : i32
      %lt3A_267 = arith.constant 250 : i32
      %lt3A_268 = arith.cmpi slt, %add3A_266, %lt3A_267 : i32
      %convert_element_type3A_269 = arith.extui %lt3A_268 : i1 to i32
      %cond3A_270 = arith.constant 0 : i32
      %cond3A_271 = arith.cmpi ne, %convert_element_type3A_269, %cond3A_270 : i32
      scf.if %cond3A_271 {
        %add3A_272 = arith.constant 2 : i32
        %add3A_273 = arith.addi %add3A_238, %add3A_272 : i32
        %add3A_274 = arith.addi %mul3A_0, %add3A_273 : i32
        %dma_wait3A_275 = arith.constant 0 : i32
        %dma_wait3A_276 = arith.constant 0 : i32
        %dma_wait3A_277 = tpu.memref_slice %arg3[%arg0, %add3A_274, %dma_wait3A_275, %dma_wait3A_276] : memref<2x4000x2x40xi32, #tpu.memory_space<hbm>> -> memref<1x1x2x40xi32, #tpu.memory_space<hbm>>
        %dma_wait3A_278 = tpu.memref_squeeze %dma_wait3A_277 : memref<1x1x2x40xi32, #tpu.memory_space<hbm>> -> memref<2x40xi32, #tpu.memory_space<hbm>>
        %dma_wait3A_279 = arith.constant 0 : i32
        %dma_wait3A_280 = arith.constant 0 : i32
        %dma_wait3A_281 = tpu.memref_slice %arg3[%arg0, %add3A_274, %dma_wait3A_279, %dma_wait3A_280] : memref<2x4000x2x40xi32, #tpu.memory_space<hbm>> -> memref<1x1x2x40xi32, #tpu.memory_space<hbm>>
        %dma_wait3A_282 = tpu.memref_squeeze %dma_wait3A_281 : memref<1x1x2x40xi32, #tpu.memory_space<hbm>> -> memref<2x40xi32, #tpu.memory_space<hbm>>
        tpu.wait_dma2 semaphore(%arg18 : memref<!tpu.dma_semaphore, #tpu.memory_space<semaphore_mem>>) src(%dma_wait3A_282 : memref<2x40xi32, #tpu.memory_space<hbm>>) dst(%arg7 : memref<2x40xi32, #tpu.memory_space<vmem>>)
        %dma_start3A_283 = arith.constant 0 : i32
        %dma_start3A_284 = arith.constant 0 : i32
        %dma_start3A_285 = tpu.memref_slice %arg7[%dma_start3A_283, %dma_start3A_284] : memref<2x40xi32, #tpu.memory_space<vmem>> -> memref<1x40xi32, #tpu.memory_space<vmem>>
        %dma_start3A_286 = tpu.memref_squeeze %dma_start3A_285 : memref<1x40xi32, #tpu.memory_space<vmem>> -> memref<40xi32, #tpu.memory_space<vmem>>
        %dma_start3A_287 = arith.constant 0 : i32
        %dma_start3A_288 = arith.constant 0 : i32
        %dma_start3A_289 = tpu.memref_slice %arg2[%dma_start3A_287, %dma_start3A_288] : memref<20480x128xf32, #tpu.memory_space<hbm>> -> memref<20480x128xf32, #tpu.memory_space<hbm>>
        tpu.enqueue_indirect_dma source(%dma_start3A_289 : memref<20480x128xf32, #tpu.memory_space<hbm>>) target(%arg12 : memref<40x128xf32, #tpu.memory_space<vmem>>) offsets(%dma_start3A_286 : memref<40xi32, #tpu.memory_space<vmem>>) semaphore(%arg23 : memref<!tpu.dma_semaphore, #tpu.memory_space<semaphore_mem>>)
      } else {
      }
    }
    %scan3A_70 = arith.constant 50 : i32
    %dma_wait3A_71 = arith.constant 1 : i32
    %dma_wait3A_72 = arith.constant 0 : i32
    %dma_wait3A_73 = tpu.memref_slice %arg9[%dma_wait3A_71, %dma_wait3A_72] : memref<2x40xi32, #tpu.memory_space<vmem>> -> memref<1x40xi32, #tpu.memory_space<vmem>>
    %dma_wait3A_74 = tpu.memref_squeeze %dma_wait3A_73 : memref<1x40xi32, #tpu.memory_space<vmem>> -> memref<40xi32, #tpu.memory_space<vmem>>
    %dma_wait3A_75 = arith.constant 0 : i32
    %dma_wait3A_76 = arith.constant 0 : i32
    %dma_wait3A_77 = tpu.memref_slice %arg16[%dma_wait3A_75, %dma_wait3A_76] : memref<10248x128xf32, #tpu.memory_space<vmem_shared>> -> memref<10248x128xf32, #tpu.memory_space<vmem_shared>>
    tpu.wait_indirect_dma semaphore(%arg30 : memref<!tpu.dma_semaphore, #tpu.memory_space<semaphore_mem>>) src(%arg14 : memref<40x128xf32, #tpu.memory_space<vmem>>) dst(%dma_wait3A_77 : memref<10248x128xf32, #tpu.memory_space<vmem_shared>>)
    %dma_wait3A_78 = arith.constant 1 : i32
    %dma_wait3A_79 = arith.constant 0 : i32
    %dma_wait3A_80 = tpu.memref_slice %arg10[%dma_wait3A_78, %dma_wait3A_79] : memref<2x40xi32, #tpu.memory_space<vmem>> -> memref<1x40xi32, #tpu.memory_space<vmem>>
    %dma_wait3A_81 = tpu.memref_squeeze %dma_wait3A_80 : memref<1x40xi32, #tpu.memory_space<vmem>> -> memref<40xi32, #tpu.memory_space<vmem>>
    %dma_wait3A_82 = arith.constant 0 : i32
    %dma_wait3A_83 = arith.constant 0 : i32
    %dma_wait3A_84 = tpu.memref_slice %arg16[%dma_wait3A_82, %dma_wait3A_83] : memref<10248x128xf32, #tpu.memory_space<vmem_shared>> -> memref<10248x128xf32, #tpu.memory_space<vmem_shared>>
    tpu.wait_indirect_dma semaphore(%arg31 : memref<!tpu.dma_semaphore, #tpu.memory_space<semaphore_mem>>) src(%arg15 : memref<40x128xf32, #tpu.memory_space<vmem>>) dst(%dma_wait3A_84 : memref<10248x128xf32, #tpu.memory_space<vmem_shared>>)
    %barrier3A_85 = arith.constant 0 : index
    tpu.barrier barrier_id(%barrier3A_85)
    %mul3A_86 = arith.constant 640 : i32
    %mul3A_87 = arith.muli %arg1, %mul3A_86 : i32
    %mul3A_88 = arith.constant 640 : i32
    %mul3A_89 = arith.muli %arg1, %mul3A_88 : i32
    "tpu.region"() ({
      %run_scoped3A = tpu.sem_alloc : memref<!tpu.dma_semaphore, #tpu.memory_space<semaphore_mem>>
      %dma_start3A_90 = arith.constant 0 : i32
      %dma_start3A_91 = tpu.memref_slice %arg5[%arg0, %mul3A_89, %dma_start3A_90] : memref<2x10240x128xf32, #tpu.memory_space<hbm>> -> memref<1x640x128xf32, #tpu.memory_space<hbm>>
      %dma_start3A_92 = tpu.memref_squeeze %dma_start3A_91 : memref<1x640x128xf32, #tpu.memory_space<hbm>> -> memref<640x128xf32, #tpu.memory_space<hbm>>
      %dma_start3A_93 = arith.constant 0 : i32
      %dma_start3A_94 = tpu.memref_slice %arg16[%mul3A_87, %dma_start3A_93] : memref<10248x128xf32, #tpu.memory_space<vmem_shared>> -> memref<640x128xf32, #tpu.memory_space<vmem_shared>>
      tpu.enqueue_dma source(%dma_start3A_94 : memref<640x128xf32, #tpu.memory_space<vmem_shared>>) target(%dma_start3A_92 : memref<640x128xf32, #tpu.memory_space<hbm>>) target_semaphore(%run_scoped3A : memref<!tpu.dma_semaphore, #tpu.memory_space<semaphore_mem>>)
      %dma_wait3A_95 = arith.constant 0 : i32
      %dma_wait3A_96 = tpu.memref_slice %arg5[%arg0, %mul3A_89, %dma_wait3A_95] : memref<2x10240x128xf32, #tpu.memory_space<hbm>> -> memref<1x640x128xf32, #tpu.memory_space<hbm>>
      %dma_wait3A_97 = tpu.memref_squeeze %dma_wait3A_96 : memref<1x640x128xf32, #tpu.memory_space<hbm>> -> memref<640x128xf32, #tpu.memory_space<hbm>>
      %dma_wait3A_98 = arith.constant 0 : i32
      %dma_wait3A_99 = tpu.memref_slice %arg16[%mul3A_87, %dma_wait3A_98] : memref<10248x128xf32, #tpu.memory_space<vmem_shared>> -> memref<640x128xf32, #tpu.memory_space<vmem_shared>>
      tpu.wait_dma2 semaphore(%run_scoped3A : memref<!tpu.dma_semaphore, #tpu.memory_space<semaphore_mem>>) src(%dma_wait3A_99 : memref<640x128xf32, #tpu.memory_space<vmem_shared>>) dst(%dma_wait3A_97 : memref<640x128xf32, #tpu.memory_space<hbm>>)
      tpu.yield
    }) : () -> ()
    return
  }
}

#map = affine_map<(d0, d1) -> (0)>
#map1 = affine_map<(d0, d1) -> (0, 0)>
module attributes {stable_mosaic.version = 14 : i64} {
  func.func @hist_k(%arg0: i32, %arg1: i32, %arg2: memref<160000xi32, #tpu.memory_space<hbm>>, %arg3: memref<40xf32, #tpu.memory_space<hbm>>, %arg4: memref<10240xf32, #tpu.memory_space<hbm>>, %arg5: memref<2x10240xf32, #tpu.memory_space<hbm>>, %arg6: memref<40xi32, #tpu.memory_space<vmem>>, %arg7: memref<40xi32, #tpu.memory_space<vmem>>, %arg8: memref<40xi32, #tpu.memory_space<vmem>>, %arg9: memref<40xi32, #tpu.memory_space<vmem>>, %arg10: memref<40xi32, #tpu.memory_space<vmem>>, %arg11: memref<40xf32, #tpu.memory_space<vmem>>, %arg12: memref<10240xf32, #tpu.memory_space<vmem_shared>>, %arg13: memref<!tpu.dma_semaphore, #tpu.memory_space<semaphore_mem>>, %arg14: memref<!tpu.dma_semaphore, #tpu.memory_space<semaphore_mem>>, %arg15: memref<!tpu.dma_semaphore, #tpu.memory_space<semaphore_mem>>, %arg16: memref<!tpu.dma_semaphore, #tpu.memory_space<semaphore_mem>>, %arg17: memref<!tpu.dma_semaphore, #tpu.memory_space<semaphore_mem>>, %arg18: memref<!tpu.dma_semaphore, #tpu.memory_space<semaphore_mem>>, %arg19: memref<!tpu.dma_semaphore, #tpu.memory_space<semaphore_mem>>, %arg20: memref<!tpu.dma_semaphore, #tpu.memory_space<semaphore_mem>>, %arg21: memref<!tpu.dma_semaphore, #tpu.memory_space<semaphore_mem>>, %arg22: memref<!tpu.dma_semaphore, #tpu.memory_space<semaphore_mem>>) attributes {dimension_semantics = [#tpu.dimension_semantics<core_parallel>, #tpu.dimension_semantics<subcore_parallel>], iteration_bounds = array<i64: 2, 16>, scalar_prefetch = 0 : i64, scratch_operands = 17 : i64, tpu.core_type = #tpu.core_type<sc_vector_subcore>, window_params = [{transform_indices = #map}, {transform_indices = #map}, {transform_indices = #map}, {transform_indices = #map1}]} {
    %mul3A = arith.constant 2 : i32
    %mul3A_0 = arith.muli %arg1, %mul3A : i32
    %add3A = arith.addi %mul3A_0, %arg0 : i32
    %mul3A_1 = arith.constant 5000 : i32
    %mul3A_2 = arith.muli %add3A, %mul3A_1 : i32
    %add3A_3 = arith.constant 0 : i32
    %add3A_4 = arith.addi %mul3A_2, %add3A_3 : i32
    %multiple_of3A = tpu.assume_multiple %add3A_4, 8 : i32
    %dma_start3A = tpu.memref_slice %arg2[%multiple_of3A] : memref<160000xi32, #tpu.memory_space<hbm>> -> memref<40xi32, #tpu.memory_space<hbm>>
    %dma_start3A_5 = tpu.memref_slice %arg2[%multiple_of3A] : memref<160000xi32, #tpu.memory_space<hbm>> -> memref<40xi32, #tpu.memory_space<hbm>>
    tpu.enqueue_dma source(%dma_start3A_5 : memref<40xi32, #tpu.memory_space<hbm>>) target(%arg6 : memref<40xi32, #tpu.memory_space<vmem>>) target_semaphore(%arg13 : memref<!tpu.dma_semaphore, #tpu.memory_space<semaphore_mem>>)
    %add3A_6 = arith.constant 40 : i32
    %add3A_7 = arith.addi %mul3A_2, %add3A_6 : i32
    %multiple_of3A_8 = tpu.assume_multiple %add3A_7, 8 : i32
    %dma_start3A_9 = tpu.memref_slice %arg2[%multiple_of3A_8] : memref<160000xi32, #tpu.memory_space<hbm>> -> memref<40xi32, #tpu.memory_space<hbm>>
    %dma_start3A_10 = tpu.memref_slice %arg2[%multiple_of3A_8] : memref<160000xi32, #tpu.memory_space<hbm>> -> memref<40xi32, #tpu.memory_space<hbm>>
    tpu.enqueue_dma source(%dma_start3A_10 : memref<40xi32, #tpu.memory_space<hbm>>) target(%arg7 : memref<40xi32, #tpu.memory_space<vmem>>) target_semaphore(%arg14 : memref<!tpu.dma_semaphore, #tpu.memory_space<semaphore_mem>>)
    %mul3A_11 = arith.constant 640 : i32
    %mul3A_12 = arith.muli %arg1, %mul3A_11 : i32
    %mul3A_13 = arith.constant 640 : i32
    %mul3A_14 = arith.muli %arg1, %mul3A_13 : i32
    "tpu.region"() ({
      %run_scoped3A = tpu.sem_alloc : memref<!tpu.dma_semaphore, #tpu.memory_space<semaphore_mem>>
      %dma_start3A_30 = tpu.memref_slice %arg12[%mul3A_14] : memref<10240xf32, #tpu.memory_space<vmem_shared>> -> memref<640xf32, #tpu.memory_space<vmem_shared>>
      %dma_start3A_31 = tpu.memref_slice %arg4[%mul3A_12] : memref<10240xf32, #tpu.memory_space<hbm>> -> memref<640xf32, #tpu.memory_space<hbm>>
      tpu.enqueue_dma source(%dma_start3A_31 : memref<640xf32, #tpu.memory_space<hbm>>) target(%dma_start3A_30 : memref<640xf32, #tpu.memory_space<vmem_shared>>) target_semaphore(%run_scoped3A : memref<!tpu.dma_semaphore, #tpu.memory_space<semaphore_mem>>)
      %dma_wait3A_32 = tpu.memref_slice %arg12[%mul3A_14] : memref<10240xf32, #tpu.memory_space<vmem_shared>> -> memref<640xf32, #tpu.memory_space<vmem_shared>>
      %dma_wait3A_33 = tpu.memref_slice %arg4[%mul3A_12] : memref<10240xf32, #tpu.memory_space<hbm>> -> memref<640xf32, #tpu.memory_space<hbm>>
      tpu.wait_dma2 semaphore(%run_scoped3A : memref<!tpu.dma_semaphore, #tpu.memory_space<semaphore_mem>>) src(%dma_wait3A_33 : memref<640xf32, #tpu.memory_space<hbm>>) dst(%dma_wait3A_32 : memref<640xf32, #tpu.memory_space<vmem_shared>>)
      tpu.yield
    }) : () -> ()
    "tpu.region"() ({
      %run_scoped3A = tpu.sem_alloc : memref<!tpu.dma_semaphore, #tpu.memory_space<semaphore_mem>>
      tpu.enqueue_dma source(%arg3 : memref<40xf32, #tpu.memory_space<hbm>>) target(%arg11 : memref<40xf32, #tpu.memory_space<vmem>>) target_semaphore(%run_scoped3A : memref<!tpu.dma_semaphore, #tpu.memory_space<semaphore_mem>>)
      tpu.wait_dma2 semaphore(%run_scoped3A : memref<!tpu.dma_semaphore, #tpu.memory_space<semaphore_mem>>) src(%arg3 : memref<40xf32, #tpu.memory_space<hbm>>) dst(%arg11 : memref<40xf32, #tpu.memory_space<vmem>>)
      tpu.yield
    }) : () -> ()
    %barrier3A = arith.constant 0 : index
    tpu.barrier barrier_id(%barrier3A)
    %scan3A = arith.constant 0 : i32
    %scan3A_15 = arith.constant 0 : i32
    %scan3A_16 = arith.constant 25 : i32
    %scan3A_17 = arith.addi %scan3A_15, %scan3A_16 : i32
    %scan3A_18 = arith.constant 1 : i32
    scf.for %scan3A_30 = %scan3A_15 to %scan3A_17 step %scan3A_18  : i32 {
      %mul3A_31 = arith.constant 5 : i32
      %mul3A_32 = arith.muli %mul3A_31, %scan3A_30 : i32
      %add3A_33 = arith.constant 0 : i32
      %add3A_34 = arith.addi %mul3A_32, %add3A_33 : i32
      %mul3A_35 = arith.constant 40 : i32
      %mul3A_36 = arith.muli %add3A_34, %mul3A_35 : i32
      %add3A_37 = arith.addi %mul3A_2, %mul3A_36 : i32
      %multiple_of3A_38 = tpu.assume_multiple %add3A_37, 8 : i32
      %dma_wait3A_39 = tpu.memref_slice %arg2[%multiple_of3A_38] : memref<160000xi32, #tpu.memory_space<hbm>> -> memref<40xi32, #tpu.memory_space<hbm>>
      %dma_wait3A_40 = tpu.memref_slice %arg2[%multiple_of3A_38] : memref<160000xi32, #tpu.memory_space<hbm>> -> memref<40xi32, #tpu.memory_space<hbm>>
      tpu.wait_dma2 semaphore(%arg13 : memref<!tpu.dma_semaphore, #tpu.memory_space<semaphore_mem>>) src(%dma_wait3A_40 : memref<40xi32, #tpu.memory_space<hbm>>) dst(%arg6 : memref<40xi32, #tpu.memory_space<vmem>>)
      %dma_start3A_41 = arith.constant 0 : i32
      %dma_start3A_42 = tpu.memref_slice %arg12[%dma_start3A_41] : memref<10240xf32, #tpu.memory_space<vmem_shared>> -> memref<10240xf32, #tpu.memory_space<vmem_shared>>
      tpu.enqueue_indirect_dma source(%arg11 : memref<40xf32, #tpu.memory_space<vmem>>) target(%dma_start3A_42 : memref<10240xf32, #tpu.memory_space<vmem_shared>>) offsets(%arg6 : memref<40xi32, #tpu.memory_space<vmem>>) semaphore(%arg18 : memref<!tpu.dma_semaphore, #tpu.memory_space<semaphore_mem>>) {add = true}
      %ge3A = arith.constant 3 : i32
      %ge3A_43 = arith.cmpi sge, %add3A_34, %ge3A : i32
      %convert_element_type3A = arith.extui %ge3A_43 : i1 to i32
      %cond3A = arith.constant 0 : i32
      %cond3A_44 = arith.cmpi ne, %convert_element_type3A, %cond3A : i32
      scf.if %cond3A_44 {
        %dma_wait3A_147 = arith.constant 0 : i32
        %dma_wait3A_148 = tpu.memref_slice %arg12[%dma_wait3A_147] : memref<10240xf32, #tpu.memory_space<vmem_shared>> -> memref<10240xf32, #tpu.memory_space<vmem_shared>>
        tpu.wait_indirect_dma semaphore(%arg20 : memref<!tpu.dma_semaphore, #tpu.memory_space<semaphore_mem>>) src(%arg11 : memref<40xf32, #tpu.memory_space<vmem>>) dst(%dma_wait3A_148 : memref<10240xf32, #tpu.memory_space<vmem_shared>>)
      } else {
      }
      %add3A_45 = arith.constant 2 : i32
      %add3A_46 = arith.addi %add3A_34, %add3A_45 : i32
      %lt3A = arith.constant 125 : i32
      %lt3A_47 = arith.cmpi slt, %add3A_46, %lt3A : i32
      %convert_element_type3A_48 = arith.extui %lt3A_47 : i1 to i32
      %cond3A_49 = arith.constant 0 : i32
      %cond3A_50 = arith.cmpi ne, %convert_element_type3A_48, %cond3A_49 : i32
      scf.if %cond3A_50 {
        %add3A_147 = arith.constant 2 : i32
        %add3A_148 = arith.addi %add3A_34, %add3A_147 : i32
        %mul3A_149 = arith.constant 40 : i32
        %mul3A_150 = arith.muli %add3A_148, %mul3A_149 : i32
        %add3A_151 = arith.addi %mul3A_2, %mul3A_150 : i32
        %multiple_of3A_152 = tpu.assume_multiple %add3A_151, 8 : i32
        %dma_start3A_153 = tpu.memref_slice %arg2[%multiple_of3A_152] : memref<160000xi32, #tpu.memory_space<hbm>> -> memref<40xi32, #tpu.memory_space<hbm>>
        %dma_start3A_154 = tpu.memref_slice %arg2[%multiple_of3A_152] : memref<160000xi32, #tpu.memory_space<hbm>> -> memref<40xi32, #tpu.memory_space<hbm>>
        tpu.enqueue_dma source(%dma_start3A_154 : memref<40xi32, #tpu.memory_space<hbm>>) target(%arg8 : memref<40xi32, #tpu.memory_space<vmem>>) target_semaphore(%arg15 : memref<!tpu.dma_semaphore, #tpu.memory_space<semaphore_mem>>)
      } else {
      }
      %mul3A_51 = arith.constant 5 : i32
      %mul3A_52 = arith.muli %mul3A_51, %scan3A_30 : i32
      %add3A_53 = arith.constant 1 : i32
      %add3A_54 = arith.addi %mul3A_52, %add3A_53 : i32
      %mul3A_55 = arith.constant 40 : i32
      %mul3A_56 = arith.muli %add3A_54, %mul3A_55 : i32
      %add3A_57 = arith.addi %mul3A_2, %mul3A_56 : i32
      %multiple_of3A_58 = tpu.assume_multiple %add3A_57, 8 : i32
      %dma_wait3A_59 = tpu.memref_slice %arg2[%multiple_of3A_58] : memref<160000xi32, #tpu.memory_space<hbm>> -> memref<40xi32, #tpu.memory_space<hbm>>
      %dma_wait3A_60 = tpu.memref_slice %arg2[%multiple_of3A_58] : memref<160000xi32, #tpu.memory_space<hbm>> -> memref<40xi32, #tpu.memory_space<hbm>>
      tpu.wait_dma2 semaphore(%arg14 : memref<!tpu.dma_semaphore, #tpu.memory_space<semaphore_mem>>) src(%dma_wait3A_60 : memref<40xi32, #tpu.memory_space<hbm>>) dst(%arg7 : memref<40xi32, #tpu.memory_space<vmem>>)
      %dma_start3A_61 = arith.constant 0 : i32
      %dma_start3A_62 = tpu.memref_slice %arg12[%dma_start3A_61] : memref<10240xf32, #tpu.memory_space<vmem_shared>> -> memref<10240xf32, #tpu.memory_space<vmem_shared>>
      tpu.enqueue_indirect_dma source(%arg11 : memref<40xf32, #tpu.memory_space<vmem>>) target(%dma_start3A_62 : memref<10240xf32, #tpu.memory_space<vmem_shared>>) offsets(%arg7 : memref<40xi32, #tpu.memory_space<vmem>>) semaphore(%arg19 : memref<!tpu.dma_semaphore, #tpu.memory_space<semaphore_mem>>) {add = true}
      %ge3A_63 = arith.constant 3 : i32
      %ge3A_64 = arith.cmpi sge, %add3A_54, %ge3A_63 : i32
      %convert_element_type3A_65 = arith.extui %ge3A_64 : i1 to i32
      %cond3A_66 = arith.constant 0 : i32
      %cond3A_67 = arith.cmpi ne, %convert_element_type3A_65, %cond3A_66 : i32
      scf.if %cond3A_67 {
        %dma_wait3A_147 = arith.constant 0 : i32
        %dma_wait3A_148 = tpu.memref_slice %arg12[%dma_wait3A_147] : memref<10240xf32, #tpu.memory_space<vmem_shared>> -> memref<10240xf32, #tpu.memory_space<vmem_shared>>
        tpu.wait_indirect_dma semaphore(%arg21 : memref<!tpu.dma_semaphore, #tpu.memory_space<semaphore_mem>>) src(%arg11 : memref<40xf32, #tpu.memory_space<vmem>>) dst(%dma_wait3A_148 : memref<10240xf32, #tpu.memory_space<vmem_shared>>)
      } else {
      }
      %add3A_68 = arith.constant 2 : i32
      %add3A_69 = arith.addi %add3A_54, %add3A_68 : i32
      %lt3A_70 = arith.constant 125 : i32
      %lt3A_71 = arith.cmpi slt, %add3A_69, %lt3A_70 : i32
      %convert_element_type3A_72 = arith.extui %lt3A_71 : i1 to i32
      %cond3A_73 = arith.constant 0 : i32
      %cond3A_74 = arith.cmpi ne, %convert_element_type3A_72, %cond3A_73 : i32
      scf.if %cond3A_74 {
        %add3A_147 = arith.constant 2 : i32
        %add3A_148 = arith.addi %add3A_54, %add3A_147 : i32
        %mul3A_149 = arith.constant 40 : i32
        %mul3A_150 = arith.muli %add3A_148, %mul3A_149 : i32
        %add3A_151 = arith.addi %mul3A_2, %mul3A_150 : i32
        %multiple_of3A_152 = tpu.assume_multiple %add3A_151, 8 : i32
        %dma_start3A_153 = tpu.memref_slice %arg2[%multiple_of3A_152] : memref<160000xi32, #tpu.memory_space<hbm>> -> memref<40xi32, #tpu.memory_space<hbm>>
        %dma_start3A_154 = tpu.memref_slice %arg2[%multiple_of3A_152] : memref<160000xi32, #tpu.memory_space<hbm>> -> memref<40xi32, #tpu.memory_space<hbm>>
        tpu.enqueue_dma source(%dma_start3A_154 : memref<40xi32, #tpu.memory_space<hbm>>) target(%arg9 : memref<40xi32, #tpu.memory_space<vmem>>) target_semaphore(%arg16 : memref<!tpu.dma_semaphore, #tpu.memory_space<semaphore_mem>>)
      } else {
      }
      %mul3A_75 = arith.constant 5 : i32
      %mul3A_76 = arith.muli %mul3A_75, %scan3A_30 : i32
      %add3A_77 = arith.constant 2 : i32
      %add3A_78 = arith.addi %mul3A_76, %add3A_77 : i32
      %mul3A_79 = arith.constant 40 : i32
      %mul3A_80 = arith.muli %add3A_78, %mul3A_79 : i32
      %add3A_81 = arith.addi %mul3A_2, %mul3A_80 : i32
      %multiple_of3A_82 = tpu.assume_multiple %add3A_81, 8 : i32
      %dma_wait3A_83 = tpu.memref_slice %arg2[%multiple_of3A_82] : memref<160000xi32, #tpu.memory_space<hbm>> -> memref<40xi32, #tpu.memory_space<hbm>>
      %dma_wait3A_84 = tpu.memref_slice %arg2[%multiple_of3A_82] : memref<160000xi32, #tpu.memory_space<hbm>> -> memref<40xi32, #tpu.memory_space<hbm>>
      tpu.wait_dma2 semaphore(%arg15 : memref<!tpu.dma_semaphore, #tpu.memory_space<semaphore_mem>>) src(%dma_wait3A_84 : memref<40xi32, #tpu.memory_space<hbm>>) dst(%arg8 : memref<40xi32, #tpu.memory_space<vmem>>)
      %dma_start3A_85 = arith.constant 0 : i32
      %dma_start3A_86 = tpu.memref_slice %arg12[%dma_start3A_85] : memref<10240xf32, #tpu.memory_space<vmem_shared>> -> memref<10240xf32, #tpu.memory_space<vmem_shared>>
      tpu.enqueue_indirect_dma source(%arg11 : memref<40xf32, #tpu.memory_space<vmem>>) target(%dma_start3A_86 : memref<10240xf32, #tpu.memory_space<vmem_shared>>) offsets(%arg8 : memref<40xi32, #tpu.memory_space<vmem>>) semaphore(%arg20 : memref<!tpu.dma_semaphore, #tpu.memory_space<semaphore_mem>>) {add = true}
      %ge3A_87 = arith.constant 3 : i32
      %ge3A_88 = arith.cmpi sge, %add3A_78, %ge3A_87 : i32
      %convert_element_type3A_89 = arith.extui %ge3A_88 : i1 to i32
      %cond3A_90 = arith.constant 0 : i32
      %cond3A_91 = arith.cmpi ne, %convert_element_type3A_89, %cond3A_90 : i32
      scf.if %cond3A_91 {
        %dma_wait3A_147 = arith.constant 0 : i32
        %dma_wait3A_148 = tpu.memref_slice %arg12[%dma_wait3A_147] : memref<10240xf32, #tpu.memory_space<vmem_shared>> -> memref<10240xf32, #tpu.memory_space<vmem_shared>>
        tpu.wait_indirect_dma semaphore(%arg22 : memref<!tpu.dma_semaphore, #tpu.memory_space<semaphore_mem>>) src(%arg11 : memref<40xf32, #tpu.memory_space<vmem>>) dst(%dma_wait3A_148 : memref<10240xf32, #tpu.memory_space<vmem_shared>>)
      } else {
      }
      %add3A_92 = arith.constant 2 : i32
      %add3A_93 = arith.addi %add3A_78, %add3A_92 : i32
      %lt3A_94 = arith.constant 125 : i32
      %lt3A_95 = arith.cmpi slt, %add3A_93, %lt3A_94 : i32
      %convert_element_type3A_96 = arith.extui %lt3A_95 : i1 to i32
      %cond3A_97 = arith.constant 0 : i32
      %cond3A_98 = arith.cmpi ne, %convert_element_type3A_96, %cond3A_97 : i32
      scf.if %cond3A_98 {
        %add3A_147 = arith.constant 2 : i32
        %add3A_148 = arith.addi %add3A_78, %add3A_147 : i32
        %mul3A_149 = arith.constant 40 : i32
        %mul3A_150 = arith.muli %add3A_148, %mul3A_149 : i32
        %add3A_151 = arith.addi %mul3A_2, %mul3A_150 : i32
        %multiple_of3A_152 = tpu.assume_multiple %add3A_151, 8 : i32
        %dma_start3A_153 = tpu.memref_slice %arg2[%multiple_of3A_152] : memref<160000xi32, #tpu.memory_space<hbm>> -> memref<40xi32, #tpu.memory_space<hbm>>
        %dma_start3A_154 = tpu.memref_slice %arg2[%multiple_of3A_152] : memref<160000xi32, #tpu.memory_space<hbm>> -> memref<40xi32, #tpu.memory_space<hbm>>
        tpu.enqueue_dma source(%dma_start3A_154 : memref<40xi32, #tpu.memory_space<hbm>>) target(%arg10 : memref<40xi32, #tpu.memory_space<vmem>>) target_semaphore(%arg17 : memref<!tpu.dma_semaphore, #tpu.memory_space<semaphore_mem>>)
      } else {
      }
      %mul3A_99 = arith.constant 5 : i32
      %mul3A_100 = arith.muli %mul3A_99, %scan3A_30 : i32
      %add3A_101 = arith.constant 3 : i32
      %add3A_102 = arith.addi %mul3A_100, %add3A_101 : i32
      %mul3A_103 = arith.constant 40 : i32
      %mul3A_104 = arith.muli %add3A_102, %mul3A_103 : i32
      %add3A_105 = arith.addi %mul3A_2, %mul3A_104 : i32
      %multiple_of3A_106 = tpu.assume_multiple %add3A_105, 8 : i32
      %dma_wait3A_107 = tpu.memref_slice %arg2[%multiple_of3A_106] : memref<160000xi32, #tpu.memory_space<hbm>> -> memref<40xi32, #tpu.memory_space<hbm>>
      %dma_wait3A_108 = tpu.memref_slice %arg2[%multiple_of3A_106] : memref<160000xi32, #tpu.memory_space<hbm>> -> memref<40xi32, #tpu.memory_space<hbm>>
      tpu.wait_dma2 semaphore(%arg16 : memref<!tpu.dma_semaphore, #tpu.memory_space<semaphore_mem>>) src(%dma_wait3A_108 : memref<40xi32, #tpu.memory_space<hbm>>) dst(%arg9 : memref<40xi32, #tpu.memory_space<vmem>>)
      %dma_start3A_109 = arith.constant 0 : i32
      %dma_start3A_110 = tpu.memref_slice %arg12[%dma_start3A_109] : memref<10240xf32, #tpu.memory_space<vmem_shared>> -> memref<10240xf32, #tpu.memory_space<vmem_shared>>
      tpu.enqueue_indirect_dma source(%arg11 : memref<40xf32, #tpu.memory_space<vmem>>) target(%dma_start3A_110 : memref<10240xf32, #tpu.memory_space<vmem_shared>>) offsets(%arg9 : memref<40xi32, #tpu.memory_space<vmem>>) semaphore(%arg21 : memref<!tpu.dma_semaphore, #tpu.memory_space<semaphore_mem>>) {add = true}
      %ge3A_111 = arith.constant 3 : i32
      %ge3A_112 = arith.cmpi sge, %add3A_102, %ge3A_111 : i32
      %convert_element_type3A_113 = arith.extui %ge3A_112 : i1 to i32
      %cond3A_114 = arith.constant 0 : i32
      %cond3A_115 = arith.cmpi ne, %convert_element_type3A_113, %cond3A_114 : i32
      scf.if %cond3A_115 {
        %dma_wait3A_147 = arith.constant 0 : i32
        %dma_wait3A_148 = tpu.memref_slice %arg12[%dma_wait3A_147] : memref<10240xf32, #tpu.memory_space<vmem_shared>> -> memref<10240xf32, #tpu.memory_space<vmem_shared>>
        tpu.wait_indirect_dma semaphore(%arg18 : memref<!tpu.dma_semaphore, #tpu.memory_space<semaphore_mem>>) src(%arg11 : memref<40xf32, #tpu.memory_space<vmem>>) dst(%dma_wait3A_148 : memref<10240xf32, #tpu.memory_space<vmem_shared>>)
      } else {
      }
      %add3A_116 = arith.constant 2 : i32
      %add3A_117 = arith.addi %add3A_102, %add3A_116 : i32
      %lt3A_118 = arith.constant 125 : i32
      %lt3A_119 = arith.cmpi slt, %add3A_117, %lt3A_118 : i32
      %convert_element_type3A_120 = arith.extui %lt3A_119 : i1 to i32
      %cond3A_121 = arith.constant 0 : i32
      %cond3A_122 = arith.cmpi ne, %convert_element_type3A_120, %cond3A_121 : i32
      scf.if %cond3A_122 {
        %add3A_147 = arith.constant 2 : i32
        %add3A_148 = arith.addi %add3A_102, %add3A_147 : i32
        %mul3A_149 = arith.constant 40 : i32
        %mul3A_150 = arith.muli %add3A_148, %mul3A_149 : i32
        %add3A_151 = arith.addi %mul3A_2, %mul3A_150 : i32
        %multiple_of3A_152 = tpu.assume_multiple %add3A_151, 8 : i32
        %dma_start3A_153 = tpu.memref_slice %arg2[%multiple_of3A_152] : memref<160000xi32, #tpu.memory_space<hbm>> -> memref<40xi32, #tpu.memory_space<hbm>>
        %dma_start3A_154 = tpu.memref_slice %arg2[%multiple_of3A_152] : memref<160000xi32, #tpu.memory_space<hbm>> -> memref<40xi32, #tpu.memory_space<hbm>>
        tpu.enqueue_dma source(%dma_start3A_154 : memref<40xi32, #tpu.memory_space<hbm>>) target(%arg6 : memref<40xi32, #tpu.memory_space<vmem>>) target_semaphore(%arg13 : memref<!tpu.dma_semaphore, #tpu.memory_space<semaphore_mem>>)
      } else {
      }
      %mul3A_123 = arith.constant 5 : i32
      %mul3A_124 = arith.muli %mul3A_123, %scan3A_30 : i32
      %add3A_125 = arith.constant 4 : i32
      %add3A_126 = arith.addi %mul3A_124, %add3A_125 : i32
      %mul3A_127 = arith.constant 40 : i32
      %mul3A_128 = arith.muli %add3A_126, %mul3A_127 : i32
      %add3A_129 = arith.addi %mul3A_2, %mul3A_128 : i32
      %multiple_of3A_130 = tpu.assume_multiple %add3A_129, 8 : i32
      %dma_wait3A_131 = tpu.memref_slice %arg2[%multiple_of3A_130] : memref<160000xi32, #tpu.memory_space<hbm>> -> memref<40xi32, #tpu.memory_space<hbm>>
      %dma_wait3A_132 = tpu.memref_slice %arg2[%multiple_of3A_130] : memref<160000xi32, #tpu.memory_space<hbm>> -> memref<40xi32, #tpu.memory_space<hbm>>
      tpu.wait_dma2 semaphore(%arg17 : memref<!tpu.dma_semaphore, #tpu.memory_space<semaphore_mem>>) src(%dma_wait3A_132 : memref<40xi32, #tpu.memory_space<hbm>>) dst(%arg10 : memref<40xi32, #tpu.memory_space<vmem>>)
      %dma_start3A_133 = arith.constant 0 : i32
      %dma_start3A_134 = tpu.memref_slice %arg12[%dma_start3A_133] : memref<10240xf32, #tpu.memory_space<vmem_shared>> -> memref<10240xf32, #tpu.memory_space<vmem_shared>>
      tpu.enqueue_indirect_dma source(%arg11 : memref<40xf32, #tpu.memory_space<vmem>>) target(%dma_start3A_134 : memref<10240xf32, #tpu.memory_space<vmem_shared>>) offsets(%arg10 : memref<40xi32, #tpu.memory_space<vmem>>) semaphore(%arg22 : memref<!tpu.dma_semaphore, #tpu.memory_space<semaphore_mem>>) {add = true}
      %ge3A_135 = arith.constant 3 : i32
      %ge3A_136 = arith.cmpi sge, %add3A_126, %ge3A_135 : i32
      %convert_element_type3A_137 = arith.extui %ge3A_136 : i1 to i32
      %cond3A_138 = arith.constant 0 : i32
      %cond3A_139 = arith.cmpi ne, %convert_element_type3A_137, %cond3A_138 : i32
      scf.if %cond3A_139 {
        %dma_wait3A_147 = arith.constant 0 : i32
        %dma_wait3A_148 = tpu.memref_slice %arg12[%dma_wait3A_147] : memref<10240xf32, #tpu.memory_space<vmem_shared>> -> memref<10240xf32, #tpu.memory_space<vmem_shared>>
        tpu.wait_indirect_dma semaphore(%arg19 : memref<!tpu.dma_semaphore, #tpu.memory_space<semaphore_mem>>) src(%arg11 : memref<40xf32, #tpu.memory_space<vmem>>) dst(%dma_wait3A_148 : memref<10240xf32, #tpu.memory_space<vmem_shared>>)
      } else {
      }
      %add3A_140 = arith.constant 2 : i32
      %add3A_141 = arith.addi %add3A_126, %add3A_140 : i32
      %lt3A_142 = arith.constant 125 : i32
      %lt3A_143 = arith.cmpi slt, %add3A_141, %lt3A_142 : i32
      %convert_element_type3A_144 = arith.extui %lt3A_143 : i1 to i32
      %cond3A_145 = arith.constant 0 : i32
      %cond3A_146 = arith.cmpi ne, %convert_element_type3A_144, %cond3A_145 : i32
      scf.if %cond3A_146 {
        %add3A_147 = arith.constant 2 : i32
        %add3A_148 = arith.addi %add3A_126, %add3A_147 : i32
        %mul3A_149 = arith.constant 40 : i32
        %mul3A_150 = arith.muli %add3A_148, %mul3A_149 : i32
        %add3A_151 = arith.addi %mul3A_2, %mul3A_150 : i32
        %multiple_of3A_152 = tpu.assume_multiple %add3A_151, 8 : i32
        %dma_start3A_153 = tpu.memref_slice %arg2[%multiple_of3A_152] : memref<160000xi32, #tpu.memory_space<hbm>> -> memref<40xi32, #tpu.memory_space<hbm>>
        %dma_start3A_154 = tpu.memref_slice %arg2[%multiple_of3A_152] : memref<160000xi32, #tpu.memory_space<hbm>> -> memref<40xi32, #tpu.memory_space<hbm>>
        tpu.enqueue_dma source(%dma_start3A_154 : memref<40xi32, #tpu.memory_space<hbm>>) target(%arg7 : memref<40xi32, #tpu.memory_space<vmem>>) target_semaphore(%arg14 : memref<!tpu.dma_semaphore, #tpu.memory_space<semaphore_mem>>)
      } else {
      }
    }
    %scan3A_19 = arith.constant 25 : i32
    %dma_wait3A = arith.constant 0 : i32
    %dma_wait3A_20 = tpu.memref_slice %arg12[%dma_wait3A] : memref<10240xf32, #tpu.memory_space<vmem_shared>> -> memref<10240xf32, #tpu.memory_space<vmem_shared>>
    tpu.wait_indirect_dma semaphore(%arg20 : memref<!tpu.dma_semaphore, #tpu.memory_space<semaphore_mem>>) src(%arg11 : memref<40xf32, #tpu.memory_space<vmem>>) dst(%dma_wait3A_20 : memref<10240xf32, #tpu.memory_space<vmem_shared>>)
    %dma_wait3A_21 = arith.constant 0 : i32
    %dma_wait3A_22 = tpu.memref_slice %arg12[%dma_wait3A_21] : memref<10240xf32, #tpu.memory_space<vmem_shared>> -> memref<10240xf32, #tpu.memory_space<vmem_shared>>
    tpu.wait_indirect_dma semaphore(%arg21 : memref<!tpu.dma_semaphore, #tpu.memory_space<semaphore_mem>>) src(%arg11 : memref<40xf32, #tpu.memory_space<vmem>>) dst(%dma_wait3A_22 : memref<10240xf32, #tpu.memory_space<vmem_shared>>)
    %dma_wait3A_23 = arith.constant 0 : i32
    %dma_wait3A_24 = tpu.memref_slice %arg12[%dma_wait3A_23] : memref<10240xf32, #tpu.memory_space<vmem_shared>> -> memref<10240xf32, #tpu.memory_space<vmem_shared>>
    tpu.wait_indirect_dma semaphore(%arg22 : memref<!tpu.dma_semaphore, #tpu.memory_space<semaphore_mem>>) src(%arg11 : memref<40xf32, #tpu.memory_space<vmem>>) dst(%dma_wait3A_24 : memref<10240xf32, #tpu.memory_space<vmem_shared>>)
    %barrier3A_25 = arith.constant 0 : index
    tpu.barrier barrier_id(%barrier3A_25)
    %mul3A_26 = arith.constant 640 : i32
    %mul3A_27 = arith.muli %arg1, %mul3A_26 : i32
    %mul3A_28 = arith.constant 640 : i32
    %mul3A_29 = arith.muli %arg1, %mul3A_28 : i32
    "tpu.region"() ({
      %run_scoped3A = tpu.sem_alloc : memref<!tpu.dma_semaphore, #tpu.memory_space<semaphore_mem>>
      %dma_start3A_30 = tpu.memref_slice %arg5[%arg0, %mul3A_29] : memref<2x10240xf32, #tpu.memory_space<hbm>> -> memref<1x640xf32, #tpu.memory_space<hbm>>
      %dma_start3A_31 = tpu.memref_squeeze %dma_start3A_30 : memref<1x640xf32, #tpu.memory_space<hbm>> -> memref<640xf32, #tpu.memory_space<hbm>>
      %dma_start3A_32 = tpu.memref_slice %arg12[%mul3A_27] : memref<10240xf32, #tpu.memory_space<vmem_shared>> -> memref<640xf32, #tpu.memory_space<vmem_shared>>
      tpu.enqueue_dma source(%dma_start3A_32 : memref<640xf32, #tpu.memory_space<vmem_shared>>) target(%dma_start3A_31 : memref<640xf32, #tpu.memory_space<hbm>>) target_semaphore(%run_scoped3A : memref<!tpu.dma_semaphore, #tpu.memory_space<semaphore_mem>>)
      %dma_wait3A_33 = tpu.memref_slice %arg5[%arg0, %mul3A_29] : memref<2x10240xf32, #tpu.memory_space<hbm>> -> memref<1x640xf32, #tpu.memory_space<hbm>>
      %dma_wait3A_34 = tpu.memref_squeeze %dma_wait3A_33 : memref<1x640xf32, #tpu.memory_space<hbm>> -> memref<640xf32, #tpu.memory_space<hbm>>
      %dma_wait3A_35 = tpu.memref_slice %arg12[%mul3A_27] : memref<10240xf32, #tpu.memory_space<vmem_shared>> -> memref<640xf32, #tpu.memory_space<vmem_shared>>
      tpu.wait_dma2 semaphore(%run_scoped3A : memref<!tpu.dma_semaphore, #tpu.memory_space<semaphore_mem>>) src(%dma_wait3A_35 : memref<640xf32, #tpu.memory_space<vmem_shared>>) dst(%dma_wait3A_34 : memref<640xf32, #tpu.memory_space<hbm>>)
      tpu.yield
    }) : () -> ()
    return
  }
}

#map = affine_map<(d0, d1) -> (0, 0)>
#map1 = affine_map<(d0, d1) -> (0, 0, 0, 0)>
#map2 = affine_map<(d0, d1) -> (0, 0, 0)>
module attributes {stable_mosaic.version = 14 : i64} {
  func.func @agg_k(%arg0: i32, %arg1: i32, %arg2: memref<20480x128xf32, #tpu.memory_space<hbm>>, %arg3: memref<2x4000x2x40xi32, #tpu.memory_space<hbm>>, %arg4: memref<10240x128xf32, #tpu.memory_space<hbm>>, %arg5: memref<2x10240x128xf32, #tpu.memory_space<hbm>>, %arg6: memref<2x40xi32, #tpu.memory_space<vmem>>, %arg7: memref<2x40xi32, #tpu.memory_space<vmem>>, %arg8: memref<2x40xi32, #tpu.memory_space<vmem>>, %arg9: memref<2x40xi32, #tpu.memory_space<vmem>>, %arg10: memref<2x40xi32, #tpu.memory_space<vmem>>, %arg11: memref<40x128xf32, #tpu.memory_space<vmem>>, %arg12: memref<40x128xf32, #tpu.memory_space<vmem>>, %arg13: memref<40x128xf32, #tpu.memory_space<vmem>>, %arg14: memref<40x128xf32, #tpu.memory_space<vmem>>, %arg15: memref<40x128xf32, #tpu.memory_space<vmem>>, %arg16: memref<10248x128xf32, #tpu.memory_space<vmem_shared>>, %arg17: memref<!tpu.dma_semaphore, #tpu.memory_space<semaphore_mem>>, %arg18: memref<!tpu.dma_semaphore, #tpu.memory_space<semaphore_mem>>, %arg19: memref<!tpu.dma_semaphore, #tpu.memory_space<semaphore_mem>>, %arg20: memref<!tpu.dma_semaphore, #tpu.memory_space<semaphore_mem>>, %arg21: memref<!tpu.dma_semaphore, #tpu.memory_space<semaphore_mem>>, %arg22: memref<!tpu.dma_semaphore, #tpu.memory_space<semaphore_mem>>, %arg23: memref<!tpu.dma_semaphore, #tpu.memory_space<semaphore_mem>>, %arg24: memref<!tpu.dma_semaphore, #tpu.memory_space<semaphore_mem>>, %arg25: memref<!tpu.dma_semaphore, #tpu.memory_space<semaphore_mem>>, %arg26: memref<!tpu.dma_semaphore, #tpu.memory_space<semaphore_mem>>, %arg27: memref<!tpu.dma_semaphore, #tpu.memory_space<semaphore_mem>>, %arg28: memref<!tpu.dma_semaphore, #tpu.memory_space<semaphore_mem>>, %arg29: memref<!tpu.dma_semaphore, #tpu.memory_space<semaphore_mem>>, %arg30: memref<!tpu.dma_semaphore, #tpu.memory_space<semaphore_mem>>, %arg31: memref<!tpu.dma_semaphore, #tpu.memory_space<semaphore_mem>>) attributes {dimension_semantics = [#tpu.dimension_semantics<core_parallel>, #tpu.dimension_semantics<subcore_parallel>], iteration_bounds = array<i64: 2, 16>, scalar_prefetch = 0 : i64, scratch_operands = 26 : i64, tpu.core_type = #tpu.core_type<sc_vector_subcore>, window_params = [{transform_indices = #map}, {transform_indices = #map1}, {transform_indices = #map}, {transform_indices = #map2}]} {
    %mul3A = arith.constant 250 : i32
    %mul3A_0 = arith.muli %arg1, %mul3A : i32
    %add3A = arith.constant 0 : i32
    %add3A_1 = arith.addi %mul3A_0, %add3A : i32
    %dma_start3A = arith.constant 0 : i32
    %dma_start3A_2 = arith.constant 0 : i32
    %dma_start3A_3 = tpu.memref_slice %arg3[%arg0, %add3A_1, %dma_start3A, %dma_start3A_2] : memref<2x4000x2x40xi32, #tpu.memory_space<hbm>> -> memref<1x1x2x40xi32, #tpu.memory_space<hbm>>
    %dma_start3A_4 = tpu.memref_squeeze %dma_start3A_3 : memref<1x1x2x40xi32, #tpu.memory_space<hbm>> -> memref<2x40xi32, #tpu.memory_space<hbm>>
    %dma_start3A_5 = arith.constant 0 : i32
    %dma_start3A_6 = arith.constant 0 : i32
    %dma_start3A_7 = tpu.memref_slice %arg3[%arg0, %add3A_1, %dma_start3A_5, %dma_start3A_6] : memref<2x4000x2x40xi32, #tpu.memory_space<hbm>> -> memref<1x1x2x40xi32, #tpu.memory_space<hbm>>
    %dma_start3A_8 = tpu.memref_squeeze %dma_start3A_7 : memref<1x1x2x40xi32, #tpu.memory_space<hbm>> -> memref<2x40xi32, #tpu.memory_space<hbm>>
    tpu.enqueue_dma source(%dma_start3A_8 : memref<2x40xi32, #tpu.memory_space<hbm>>) target(%arg6 : memref<2x40xi32, #tpu.memory_space<vmem>>) target_semaphore(%arg17 : memref<!tpu.dma_semaphore, #tpu.memory_space<semaphore_mem>>)
    %add3A_9 = arith.constant 1 : i32
    %add3A_10 = arith.addi %mul3A_0, %add3A_9 : i32
    %dma_start3A_11 = arith.constant 0 : i32
    %dma_start3A_12 = arith.constant 0 : i32
    %dma_start3A_13 = tpu.memref_slice %arg3[%arg0, %add3A_10, %dma_start3A_11, %dma_start3A_12] : memref<2x4000x2x40xi32, #tpu.memory_space<hbm>> -> memref<1x1x2x40xi32, #tpu.memory_space<hbm>>
    %dma_start3A_14 = tpu.memref_squeeze %dma_start3A_13 : memref<1x1x2x40xi32, #tpu.memory_space<hbm>> -> memref<2x40xi32, #tpu.memory_space<hbm>>
    %dma_start3A_15 = arith.constant 0 : i32
    %dma_start3A_16 = arith.constant 0 : i32
    %dma_start3A_17 = tpu.memref_slice %arg3[%arg0, %add3A_10, %dma_start3A_15, %dma_start3A_16] : memref<2x4000x2x40xi32, #tpu.memory_space<hbm>> -> memref<1x1x2x40xi32, #tpu.memory_space<hbm>>
    %dma_start3A_18 = tpu.memref_squeeze %dma_start3A_17 : memref<1x1x2x40xi32, #tpu.memory_space<hbm>> -> memref<2x40xi32, #tpu.memory_space<hbm>>
    tpu.enqueue_dma source(%dma_start3A_18 : memref<2x40xi32, #tpu.memory_space<hbm>>) target(%arg7 : memref<2x40xi32, #tpu.memory_space<vmem>>) target_semaphore(%arg18 : memref<!tpu.dma_semaphore, #tpu.memory_space<semaphore_mem>>)
    %add3A_19 = arith.constant 2 : i32
    %add3A_20 = arith.addi %mul3A_0, %add3A_19 : i32
    %dma_start3A_21 = arith.constant 0 : i32
    %dma_start3A_22 = arith.constant 0 : i32
    %dma_start3A_23 = tpu.memref_slice %arg3[%arg0, %add3A_20, %dma_start3A_21, %dma_start3A_22] : memref<2x4000x2x40xi32, #tpu.memory_space<hbm>> -> memref<1x1x2x40xi32, #tpu.memory_space<hbm>>
    %dma_start3A_24 = tpu.memref_squeeze %dma_start3A_23 : memref<1x1x2x40xi32, #tpu.memory_space<hbm>> -> memref<2x40xi32, #tpu.memory_space<hbm>>
    %dma_start3A_25 = arith.constant 0 : i32
    %dma_start3A_26 = arith.constant 0 : i32
    %dma_start3A_27 = tpu.memref_slice %arg3[%arg0, %add3A_20, %dma_start3A_25, %dma_start3A_26] : memref<2x4000x2x40xi32, #tpu.memory_space<hbm>> -> memref<1x1x2x40xi32, #tpu.memory_space<hbm>>
    %dma_start3A_28 = tpu.memref_squeeze %dma_start3A_27 : memref<1x1x2x40xi32, #tpu.memory_space<hbm>> -> memref<2x40xi32, #tpu.memory_space<hbm>>
    tpu.enqueue_dma source(%dma_start3A_28 : memref<2x40xi32, #tpu.memory_space<hbm>>) target(%arg8 : memref<2x40xi32, #tpu.memory_space<vmem>>) target_semaphore(%arg19 : memref<!tpu.dma_semaphore, #tpu.memory_space<semaphore_mem>>)
    %mul3A_29 = arith.constant 640 : i32
    %mul3A_30 = arith.muli %arg1, %mul3A_29 : i32
    %mul3A_31 = arith.constant 640 : i32
    %mul3A_32 = arith.muli %arg1, %mul3A_31 : i32
    "tpu.region"() ({
      %run_scoped3A = tpu.sem_alloc : memref<!tpu.dma_semaphore, #tpu.memory_space<semaphore_mem>>
      %dma_start3A_90 = arith.constant 0 : i32
      %dma_start3A_91 = tpu.memref_slice %arg16[%mul3A_32, %dma_start3A_90] : memref<10248x128xf32, #tpu.memory_space<vmem_shared>> -> memref<640x128xf32, #tpu.memory_space<vmem_shared>>
      %dma_start3A_92 = arith.constant 0 : i32
      %dma_start3A_93 = tpu.memref_slice %arg4[%mul3A_30, %dma_start3A_92] : memref<10240x128xf32, #tpu.memory_space<hbm>> -> memref<640x128xf32, #tpu.memory_space<hbm>>
      tpu.enqueue_dma source(%dma_start3A_93 : memref<640x128xf32, #tpu.memory_space<hbm>>) target(%dma_start3A_91 : memref<640x128xf32, #tpu.memory_space<vmem_shared>>) target_semaphore(%run_scoped3A : memref<!tpu.dma_semaphore, #tpu.memory_space<semaphore_mem>>)
      %dma_wait3A_94 = arith.constant 0 : i32
      %dma_wait3A_95 = tpu.memref_slice %arg16[%mul3A_32, %dma_wait3A_94] : memref<10248x128xf32, #tpu.memory_space<vmem_shared>> -> memref<640x128xf32, #tpu.memory_space<vmem_shared>>
      %dma_wait3A_96 = arith.constant 0 : i32
      %dma_wait3A_97 = tpu.memref_slice %arg4[%mul3A_30, %dma_wait3A_96] : memref<10240x128xf32, #tpu.memory_space<hbm>> -> memref<640x128xf32, #tpu.memory_space<hbm>>
      tpu.wait_dma2 semaphore(%run_scoped3A : memref<!tpu.dma_semaphore, #tpu.memory_space<semaphore_mem>>) src(%dma_wait3A_97 : memref<640x128xf32, #tpu.memory_space<hbm>>) dst(%dma_wait3A_95 : memref<640x128xf32, #tpu.memory_space<vmem_shared>>)
      tpu.yield
    }) : () -> ()
    %add3A_33 = arith.constant 0 : i32
    %add3A_34 = arith.addi %mul3A_0, %add3A_33 : i32
    %dma_wait3A = arith.constant 0 : i32
    %dma_wait3A_35 = arith.constant 0 : i32
    %dma_wait3A_36 = tpu.memref_slice %arg3[%arg0, %add3A_34, %dma_wait3A, %dma_wait3A_35] : memref<2x4000x2x40xi32, #tpu.memory_space<hbm>> -> memref<1x1x2x40xi32, #tpu.memory_space<hbm>>
    %dma_wait3A_37 = tpu.memref_squeeze %dma_wait3A_36 : memref<1x1x2x40xi32, #tpu.memory_space<hbm>> -> memref<2x40xi32, #tpu.memory_space<hbm>>
    %dma_wait3A_38 = arith.constant 0 : i32
    %dma_wait3A_39 = arith.constant 0 : i32
    %dma_wait3A_40 = tpu.memref_slice %arg3[%arg0, %add3A_34, %dma_wait3A_38, %dma_wait3A_39] : memref<2x4000x2x40xi32, #tpu.memory_space<hbm>> -> memref<1x1x2x40xi32, #tpu.memory_space<hbm>>
    %dma_wait3A_41 = tpu.memref_squeeze %dma_wait3A_40 : memref<1x1x2x40xi32, #tpu.memory_space<hbm>> -> memref<2x40xi32, #tpu.memory_space<hbm>>
    tpu.wait_dma2 semaphore(%arg17 : memref<!tpu.dma_semaphore, #tpu.memory_space<semaphore_mem>>) src(%dma_wait3A_41 : memref<2x40xi32, #tpu.memory_space<hbm>>) dst(%arg6 : memref<2x40xi32, #tpu.memory_space<vmem>>)
    %dma_start3A_42 = arith.constant 0 : i32
    %dma_start3A_43 = arith.constant 0 : i32
    %dma_start3A_44 = tpu.memref_slice %arg6[%dma_start3A_42, %dma_start3A_43] : memref<2x40xi32, #tpu.memory_space<vmem>> -> memref<1x40xi32, #tpu.memory_space<vmem>>
    %dma_start3A_45 = tpu.memref_squeeze %dma_start3A_44 : memref<1x40xi32, #tpu.memory_space<vmem>> -> memref<40xi32, #tpu.memory_space<vmem>>
    %dma_start3A_46 = arith.constant 0 : i32
    %dma_start3A_47 = arith.constant 0 : i32
    %dma_start3A_48 = tpu.memref_slice %arg2[%dma_start3A_46, %dma_start3A_47] : memref<20480x128xf32, #tpu.memory_space<hbm>> -> memref<20480x128xf32, #tpu.memory_space<hbm>>
    tpu.enqueue_indirect_dma source(%dma_start3A_48 : memref<20480x128xf32, #tpu.memory_space<hbm>>) target(%arg11 : memref<40x128xf32, #tpu.memory_space<vmem>>) offsets(%dma_start3A_45 : memref<40xi32, #tpu.memory_space<vmem>>) semaphore(%arg22 : memref<!tpu.dma_semaphore, #tpu.memory_space<semaphore_mem>>)
    %add3A_49 = arith.constant 1 : i32
    %add3A_50 = arith.addi %mul3A_0, %add3A_49 : i32
    %dma_wait3A_51 = arith.constant 0 : i32
    %dma_wait3A_52 = arith.constant 0 : i32
    %dma_wait3A_53 = tpu.memref_slice %arg3[%arg0, %add3A_50, %dma_wait3A_51, %dma_wait3A_52] : memref<2x4000x2x40xi32, #tpu.memory_space<hbm>> -> memref<1x1x2x40xi32, #tpu.memory_space<hbm>>
    %dma_wait3A_54 = tpu.memref_squeeze %dma_wait3A_53 : memref<1x1x2x40xi32, #tpu.memory_space<hbm>> -> memref<2x40xi32, #tpu.memory_space<hbm>>
    %dma_wait3A_55 = arith.constant 0 : i32
    %dma_wait3A_56 = arith.constant 0 : i32
    %dma_wait3A_57 = tpu.memref_slice %arg3[%arg0, %add3A_50, %dma_wait3A_55, %dma_wait3A_56] : memref<2x4000x2x40xi32, #tpu.memory_space<hbm>> -> memref<1x1x2x40xi32, #tpu.memory_space<hbm>>
    %dma_wait3A_58 = tpu.memref_squeeze %dma_wait3A_57 : memref<1x1x2x40xi32, #tpu.memory_space<hbm>> -> memref<2x40xi32, #tpu.memory_space<hbm>>
    tpu.wait_dma2 semaphore(%arg18 : memref<!tpu.dma_semaphore, #tpu.memory_space<semaphore_mem>>) src(%dma_wait3A_58 : memref<2x40xi32, #tpu.memory_space<hbm>>) dst(%arg7 : memref<2x40xi32, #tpu.memory_space<vmem>>)
    %dma_start3A_59 = arith.constant 0 : i32
    %dma_start3A_60 = arith.constant 0 : i32
    %dma_start3A_61 = tpu.memref_slice %arg7[%dma_start3A_59, %dma_start3A_60] : memref<2x40xi32, #tpu.memory_space<vmem>> -> memref<1x40xi32, #tpu.memory_space<vmem>>
    %dma_start3A_62 = tpu.memref_squeeze %dma_start3A_61 : memref<1x40xi32, #tpu.memory_space<vmem>> -> memref<40xi32, #tpu.memory_space<vmem>>
    %dma_start3A_63 = arith.constant 0 : i32
    %dma_start3A_64 = arith.constant 0 : i32
    %dma_start3A_65 = tpu.memref_slice %arg2[%dma_start3A_63, %dma_start3A_64] : memref<20480x128xf32, #tpu.memory_space<hbm>> -> memref<20480x128xf32, #tpu.memory_space<hbm>>
    tpu.enqueue_indirect_dma source(%dma_start3A_65 : memref<20480x128xf32, #tpu.memory_space<hbm>>) target(%arg12 : memref<40x128xf32, #tpu.memory_space<vmem>>) offsets(%dma_start3A_62 : memref<40xi32, #tpu.memory_space<vmem>>) semaphore(%arg23 : memref<!tpu.dma_semaphore, #tpu.memory_space<semaphore_mem>>)
    %barrier3A = arith.constant 0 : index
    tpu.barrier barrier_id(%barrier3A)
    %scan3A = arith.constant 0 : i32
    %scan3A_66 = arith.constant 0 : i32
    %scan3A_67 = arith.constant 50 : i32
    %scan3A_68 = arith.addi %scan3A_66, %scan3A_67 : i32
    %scan3A_69 = arith.constant 1 : i32
    scf.for %scan3A_90 = %scan3A_66 to %scan3A_68 step %scan3A_69  : i32 {
      %mul3A_91 = arith.constant 5 : i32
      %mul3A_92 = arith.muli %mul3A_91, %scan3A_90 : i32
      %add3A_93 = arith.constant 0 : i32
      %add3A_94 = arith.addi %mul3A_92, %add3A_93 : i32
      %dma_wait3A_95 = arith.constant 0 : i32
      %dma_wait3A_96 = arith.constant 0 : i32
      %dma_wait3A_97 = tpu.memref_slice %arg6[%dma_wait3A_95, %dma_wait3A_96] : memref<2x40xi32, #tpu.memory_space<vmem>> -> memref<1x40xi32, #tpu.memory_space<vmem>>
      %dma_wait3A_98 = tpu.memref_squeeze %dma_wait3A_97 : memref<1x40xi32, #tpu.memory_space<vmem>> -> memref<40xi32, #tpu.memory_space<vmem>>
      %dma_wait3A_99 = arith.constant 0 : i32
      %dma_wait3A_100 = arith.constant 0 : i32
      %dma_wait3A_101 = tpu.memref_slice %arg2[%dma_wait3A_99, %dma_wait3A_100] : memref<20480x128xf32, #tpu.memory_space<hbm>> -> memref<20480x128xf32, #tpu.memory_space<hbm>>
      tpu.wait_indirect_dma semaphore(%arg22 : memref<!tpu.dma_semaphore, #tpu.memory_space<semaphore_mem>>) src(%dma_wait3A_101 : memref<20480x128xf32, #tpu.memory_space<hbm>>) dst(%arg11 : memref<40x128xf32, #tpu.memory_space<vmem>>)
      %dma_start3A_102 = arith.constant 1 : i32
      %dma_start3A_103 = arith.constant 0 : i32
      %dma_start3A_104 = tpu.memref_slice %arg6[%dma_start3A_102, %dma_start3A_103] : memref<2x40xi32, #tpu.memory_space<vmem>> -> memref<1x40xi32, #tpu.memory_space<vmem>>
      %dma_start3A_105 = tpu.memref_squeeze %dma_start3A_104 : memref<1x40xi32, #tpu.memory_space<vmem>> -> memref<40xi32, #tpu.memory_space<vmem>>
      %dma_start3A_106 = arith.constant 0 : i32
      %dma_start3A_107 = arith.constant 0 : i32
      %dma_start3A_108 = tpu.memref_slice %arg16[%dma_start3A_106, %dma_start3A_107] : memref<10248x128xf32, #tpu.memory_space<vmem_shared>> -> memref<10248x128xf32, #tpu.memory_space<vmem_shared>>
      tpu.enqueue_indirect_dma source(%arg11 : memref<40x128xf32, #tpu.memory_space<vmem>>) target(%dma_start3A_108 : memref<10248x128xf32, #tpu.memory_space<vmem_shared>>) offsets(%dma_start3A_105 : memref<40xi32, #tpu.memory_space<vmem>>) semaphore(%arg27 : memref<!tpu.dma_semaphore, #tpu.memory_space<semaphore_mem>>) {add = true}
      %ge3A = arith.constant 2 : i32
      %ge3A_109 = arith.cmpi sge, %add3A_94, %ge3A : i32
      %convert_element_type3A = arith.extui %ge3A_109 : i1 to i32
      %cond3A = arith.constant 0 : i32
      %cond3A_110 = arith.cmpi ne, %convert_element_type3A, %cond3A : i32
      scf.if %cond3A_110 {
        %dma_wait3A_272 = arith.constant 1 : i32
        %dma_wait3A_273 = arith.constant 0 : i32
        %dma_wait3A_274 = tpu.memref_slice %arg9[%dma_wait3A_272, %dma_wait3A_273] : memref<2x40xi32, #tpu.memory_space<vmem>> -> memref<1x40xi32, #tpu.memory_space<vmem>>
        %dma_wait3A_275 = tpu.memref_squeeze %dma_wait3A_274 : memref<1x40xi32, #tpu.memory_space<vmem>> -> memref<40xi32, #tpu.memory_space<vmem>>
        %dma_wait3A_276 = arith.constant 0 : i32
        %dma_wait3A_277 = arith.constant 0 : i32
        %dma_wait3A_278 = tpu.memref_slice %arg16[%dma_wait3A_276, %dma_wait3A_277] : memref<10248x128xf32, #tpu.memory_space<vmem_shared>> -> memref<10248x128xf32, #tpu.memory_space<vmem_shared>>
        tpu.wait_indirect_dma semaphore(%arg30 : memref<!tpu.dma_semaphore, #tpu.memory_space<semaphore_mem>>) src(%arg14 : memref<40x128xf32, #tpu.memory_space<vmem>>) dst(%dma_wait3A_278 : memref<10248x128xf32, #tpu.memory_space<vmem_shared>>)
      } else {
      }
      %add3A_111 = arith.constant 3 : i32
      %add3A_112 = arith.addi %add3A_94, %add3A_111 : i32
      %lt3A = arith.constant 250 : i32
      %lt3A_113 = arith.cmpi slt, %add3A_112, %lt3A : i32
      %convert_element_type3A_114 = arith.extui %lt3A_113 : i1 to i32
      %cond3A_115 = arith.constant 0 : i32
      %cond3A_116 = arith.cmpi ne, %convert_element_type3A_114, %cond3A_115 : i32
      scf.if %cond3A_116 {
        %add3A_272 = arith.constant 3 : i32
        %add3A_273 = arith.addi %add3A_94, %add3A_272 : i32
        %add3A_274 = arith.addi %mul3A_0, %add3A_273 : i32
        %dma_start3A_275 = arith.constant 0 : i32
        %dma_start3A_276 = arith.constant 0 : i32
        %dma_start3A_277 = tpu.memref_slice %arg3[%arg0, %add3A_274, %dma_start3A_275, %dma_start3A_276] : memref<2x4000x2x40xi32, #tpu.memory_space<hbm>> -> memref<1x1x2x40xi32, #tpu.memory_space<hbm>>
        %dma_start3A_278 = tpu.memref_squeeze %dma_start3A_277 : memref<1x1x2x40xi32, #tpu.memory_space<hbm>> -> memref<2x40xi32, #tpu.memory_space<hbm>>
        %dma_start3A_279 = arith.constant 0 : i32
        %dma_start3A_280 = arith.constant 0 : i32
        %dma_start3A_281 = tpu.memref_slice %arg3[%arg0, %add3A_274, %dma_start3A_279, %dma_start3A_280] : memref<2x4000x2x40xi32, #tpu.memory_space<hbm>> -> memref<1x1x2x40xi32, #tpu.memory_space<hbm>>
        %dma_start3A_282 = tpu.memref_squeeze %dma_start3A_281 : memref<1x1x2x40xi32, #tpu.memory_space<hbm>> -> memref<2x40xi32, #tpu.memory_space<hbm>>
        tpu.enqueue_dma source(%dma_start3A_282 : memref<2x40xi32, #tpu.memory_space<hbm>>) target(%arg9 : memref<2x40xi32, #tpu.memory_space<vmem>>) target_semaphore(%arg20 : memref<!tpu.dma_semaphore, #tpu.memory_space<semaphore_mem>>)
      } else {
      }
      %add3A_117 = arith.constant 2 : i32
      %add3A_118 = arith.addi %add3A_94, %add3A_117 : i32
      %lt3A_119 = arith.constant 250 : i32
      %lt3A_120 = arith.cmpi slt, %add3A_118, %lt3A_119 : i32
      %convert_element_type3A_121 = arith.extui %lt3A_120 : i1 to i32
      %cond3A_122 = arith.constant 0 : i32
      %cond3A_123 = arith.cmpi ne, %convert_element_type3A_121, %cond3A_122 : i32
      scf.if %cond3A_123 {
        %add3A_272 = arith.constant 2 : i32
        %add3A_273 = arith.addi %add3A_94, %add3A_272 : i32
        %add3A_274 = arith.addi %mul3A_0, %add3A_273 : i32
        %dma_wait3A_275 = arith.constant 0 : i32
        %dma_wait3A_276 = arith.constant 0 : i32
        %dma_wait3A_277 = tpu.memref_slice %arg3[%arg0, %add3A_274, %dma_wait3A_275, %dma_wait3A_276] : memref<2x4000x2x40xi32, #tpu.memory_space<hbm>> -> memref<1x1x2x40xi32, #tpu.memory_space<hbm>>
        %dma_wait3A_278 = tpu.memref_squeeze %dma_wait3A_277 : memref<1x1x2x40xi32, #tpu.memory_space<hbm>> -> memref<2x40xi32, #tpu.memory_space<hbm>>
        %dma_wait3A_279 = arith.constant 0 : i32
        %dma_wait3A_280 = arith.constant 0 : i32
        %dma_wait3A_281 = tpu.memref_slice %arg3[%arg0, %add3A_274, %dma_wait3A_279, %dma_wait3A_280] : memref<2x4000x2x40xi32, #tpu.memory_space<hbm>> -> memref<1x1x2x40xi32, #tpu.memory_space<hbm>>
        %dma_wait3A_282 = tpu.memref_squeeze %dma_wait3A_281 : memref<1x1x2x40xi32, #tpu.memory_space<hbm>> -> memref<2x40xi32, #tpu.memory_space<hbm>>
        tpu.wait_dma2 semaphore(%arg19 : memref<!tpu.dma_semaphore, #tpu.memory_space<semaphore_mem>>) src(%dma_wait3A_282 : memref<2x40xi32, #tpu.memory_space<hbm>>) dst(%arg8 : memref<2x40xi32, #tpu.memory_space<vmem>>)
        %dma_start3A_283 = arith.constant 0 : i32
        %dma_start3A_284 = arith.constant 0 : i32
        %dma_start3A_285 = tpu.memref_slice %arg8[%dma_start3A_283, %dma_start3A_284] : memref<2x40xi32, #tpu.memory_space<vmem>> -> memref<1x40xi32, #tpu.memory_space<vmem>>
        %dma_start3A_286 = tpu.memref_squeeze %dma_start3A_285 : memref<1x40xi32, #tpu.memory_space<vmem>> -> memref<40xi32, #tpu.memory_space<vmem>>
        %dma_start3A_287 = arith.constant 0 : i32
        %dma_start3A_288 = arith.constant 0 : i32
        %dma_start3A_289 = tpu.memref_slice %arg2[%dma_start3A_287, %dma_start3A_288] : memref<20480x128xf32, #tpu.memory_space<hbm>> -> memref<20480x128xf32, #tpu.memory_space<hbm>>
        tpu.enqueue_indirect_dma source(%dma_start3A_289 : memref<20480x128xf32, #tpu.memory_space<hbm>>) target(%arg13 : memref<40x128xf32, #tpu.memory_space<vmem>>) offsets(%dma_start3A_286 : memref<40xi32, #tpu.memory_space<vmem>>) semaphore(%arg24 : memref<!tpu.dma_semaphore, #tpu.memory_space<semaphore_mem>>)
      } else {
      }
      %mul3A_124 = arith.constant 5 : i32
      %mul3A_125 = arith.muli %mul3A_124, %scan3A_90 : i32
      %add3A_126 = arith.constant 1 : i32
      %add3A_127 = arith.addi %mul3A_125, %add3A_126 : i32
      %dma_wait3A_128 = arith.constant 0 : i32
      %dma_wait3A_129 = arith.constant 0 : i32
      %dma_wait3A_130 = tpu.memref_slice %arg7[%dma_wait3A_128, %dma_wait3A_129] : memref<2x40xi32, #tpu.memory_space<vmem>> -> memref<1x40xi32, #tpu.memory_space<vmem>>
      %dma_wait3A_131 = tpu.memref_squeeze %dma_wait3A_130 : memref<1x40xi32, #tpu.memory_space<vmem>> -> memref<40xi32, #tpu.memory_space<vmem>>
      %dma_wait3A_132 = arith.constant 0 : i32
      %dma_wait3A_133 = arith.constant 0 : i32
      %dma_wait3A_134 = tpu.memref_slice %arg2[%dma_wait3A_132, %dma_wait3A_133] : memref<20480x128xf32, #tpu.memory_space<hbm>> -> memref<20480x128xf32, #tpu.memory_space<hbm>>
      tpu.wait_indirect_dma semaphore(%arg23 : memref<!tpu.dma_semaphore, #tpu.memory_space<semaphore_mem>>) src(%dma_wait3A_134 : memref<20480x128xf32, #tpu.memory_space<hbm>>) dst(%arg12 : memref<40x128xf32, #tpu.memory_space<vmem>>)
      %dma_start3A_135 = arith.constant 1 : i32
      %dma_start3A_136 = arith.constant 0 : i32
      %dma_start3A_137 = tpu.memref_slice %arg7[%dma_start3A_135, %dma_start3A_136] : memref<2x40xi32, #tpu.memory_space<vmem>> -> memref<1x40xi32, #tpu.memory_space<vmem>>
      %dma_start3A_138 = tpu.memref_squeeze %dma_start3A_137 : memref<1x40xi32, #tpu.memory_space<vmem>> -> memref<40xi32, #tpu.memory_space<vmem>>
      %dma_start3A_139 = arith.constant 0 : i32
      %dma_start3A_140 = arith.constant 0 : i32
      %dma_start3A_141 = tpu.memref_slice %arg16[%dma_start3A_139, %dma_start3A_140] : memref<10248x128xf32, #tpu.memory_space<vmem_shared>> -> memref<10248x128xf32, #tpu.memory_space<vmem_shared>>
      tpu.enqueue_indirect_dma source(%arg12 : memref<40x128xf32, #tpu.memory_space<vmem>>) target(%dma_start3A_141 : memref<10248x128xf32, #tpu.memory_space<vmem_shared>>) offsets(%dma_start3A_138 : memref<40xi32, #tpu.memory_space<vmem>>) semaphore(%arg28 : memref<!tpu.dma_semaphore, #tpu.memory_space<semaphore_mem>>) {add = true}
      %ge3A_142 = arith.constant 2 : i32
      %ge3A_143 = arith.cmpi sge, %add3A_127, %ge3A_142 : i32
      %convert_element_type3A_144 = arith.extui %ge3A_143 : i1 to i32
      %cond3A_145 = arith.constant 0 : i32
      %cond3A_146 = arith.cmpi ne, %convert_element_type3A_144, %cond3A_145 : i32
      scf.if %cond3A_146 {
        %dma_wait3A_272 = arith.constant 1 : i32
        %dma_wait3A_273 = arith.constant 0 : i32
        %dma_wait3A_274 = tpu.memref_slice %arg10[%dma_wait3A_272, %dma_wait3A_273] : memref<2x40xi32, #tpu.memory_space<vmem>> -> memref<1x40xi32, #tpu.memory_space<vmem>>
        %dma_wait3A_275 = tpu.memref_squeeze %dma_wait3A_274 : memref<1x40xi32, #tpu.memory_space<vmem>> -> memref<40xi32, #tpu.memory_space<vmem>>
        %dma_wait3A_276 = arith.constant 0 : i32
        %dma_wait3A_277 = arith.constant 0 : i32
        %dma_wait3A_278 = tpu.memref_slice %arg16[%dma_wait3A_276, %dma_wait3A_277] : memref<10248x128xf32, #tpu.memory_space<vmem_shared>> -> memref<10248x128xf32, #tpu.memory_space<vmem_shared>>
        tpu.wait_indirect_dma semaphore(%arg31 : memref<!tpu.dma_semaphore, #tpu.memory_space<semaphore_mem>>) src(%arg15 : memref<40x128xf32, #tpu.memory_space<vmem>>) dst(%dma_wait3A_278 : memref<10248x128xf32, #tpu.memory_space<vmem_shared>>)
      } else {
      }
      %add3A_147 = arith.constant 3 : i32
      %add3A_148 = arith.addi %add3A_127, %add3A_147 : i32
      %lt3A_149 = arith.constant 250 : i32
      %lt3A_150 = arith.cmpi slt, %add3A_148, %lt3A_149 : i32
      %convert_element_type3A_151 = arith.extui %lt3A_150 : i1 to i32
      %cond3A_152 = arith.constant 0 : i32
      %cond3A_153 = arith.cmpi ne, %convert_element_type3A_151, %cond3A_152 : i32
      scf.if %cond3A_153 {
        %add3A_272 = arith.constant 3 : i32
        %add3A_273 = arith.addi %add3A_127, %add3A_272 : i32
        %add3A_274 = arith.addi %mul3A_0, %add3A_273 : i32
        %dma_start3A_275 = arith.constant 0 : i32
        %dma_start3A_276 = arith.constant 0 : i32
        %dma_start3A_277 = tpu.memref_slice %arg3[%arg0, %add3A_274, %dma_start3A_275, %dma_start3A_276] : memref<2x4000x2x40xi32, #tpu.memory_space<hbm>> -> memref<1x1x2x40xi32, #tpu.memory_space<hbm>>
        %dma_start3A_278 = tpu.memref_squeeze %dma_start3A_277 : memref<1x1x2x40xi32, #tpu.memory_space<hbm>> -> memref<2x40xi32, #tpu.memory_space<hbm>>
        %dma_start3A_279 = arith.constant 0 : i32
        %dma_start3A_280 = arith.constant 0 : i32
        %dma_start3A_281 = tpu.memref_slice %arg3[%arg0, %add3A_274, %dma_start3A_279, %dma_start3A_280] : memref<2x4000x2x40xi32, #tpu.memory_space<hbm>> -> memref<1x1x2x40xi32, #tpu.memory_space<hbm>>
        %dma_start3A_282 = tpu.memref_squeeze %dma_start3A_281 : memref<1x1x2x40xi32, #tpu.memory_space<hbm>> -> memref<2x40xi32, #tpu.memory_space<hbm>>
        tpu.enqueue_dma source(%dma_start3A_282 : memref<2x40xi32, #tpu.memory_space<hbm>>) target(%arg10 : memref<2x40xi32, #tpu.memory_space<vmem>>) target_semaphore(%arg21 : memref<!tpu.dma_semaphore, #tpu.memory_space<semaphore_mem>>)
      } else {
      }
      %add3A_154 = arith.constant 2 : i32
      %add3A_155 = arith.addi %add3A_127, %add3A_154 : i32
      %lt3A_156 = arith.constant 250 : i32
      %lt3A_157 = arith.cmpi slt, %add3A_155, %lt3A_156 : i32
      %convert_element_type3A_158 = arith.extui %lt3A_157 : i1 to i32
      %cond3A_159 = arith.constant 0 : i32
      %cond3A_160 = arith.cmpi ne, %convert_element_type3A_158, %cond3A_159 : i32
      scf.if %cond3A_160 {
        %add3A_272 = arith.constant 2 : i32
        %add3A_273 = arith.addi %add3A_127, %add3A_272 : i32
        %add3A_274 = arith.addi %mul3A_0, %add3A_273 : i32
        %dma_wait3A_275 = arith.constant 0 : i32
        %dma_wait3A_276 = arith.constant 0 : i32
        %dma_wait3A_277 = tpu.memref_slice %arg3[%arg0, %add3A_274, %dma_wait3A_275, %dma_wait3A_276] : memref<2x4000x2x40xi32, #tpu.memory_space<hbm>> -> memref<1x1x2x40xi32, #tpu.memory_space<hbm>>
        %dma_wait3A_278 = tpu.memref_squeeze %dma_wait3A_277 : memref<1x1x2x40xi32, #tpu.memory_space<hbm>> -> memref<2x40xi32, #tpu.memory_space<hbm>>
        %dma_wait3A_279 = arith.constant 0 : i32
        %dma_wait3A_280 = arith.constant 0 : i32
        %dma_wait3A_281 = tpu.memref_slice %arg3[%arg0, %add3A_274, %dma_wait3A_279, %dma_wait3A_280] : memref<2x4000x2x40xi32, #tpu.memory_space<hbm>> -> memref<1x1x2x40xi32, #tpu.memory_space<hbm>>
        %dma_wait3A_282 = tpu.memref_squeeze %dma_wait3A_281 : memref<1x1x2x40xi32, #tpu.memory_space<hbm>> -> memref<2x40xi32, #tpu.memory_space<hbm>>
        tpu.wait_dma2 semaphore(%arg20 : memref<!tpu.dma_semaphore, #tpu.memory_space<semaphore_mem>>) src(%dma_wait3A_282 : memref<2x40xi32, #tpu.memory_space<hbm>>) dst(%arg9 : memref<2x40xi32, #tpu.memory_space<vmem>>)
        %dma_start3A_283 = arith.constant 0 : i32
        %dma_start3A_284 = arith.constant 0 : i32
        %dma_start3A_285 = tpu.memref_slice %arg9[%dma_start3A_283, %dma_start3A_284] : memref<2x40xi32, #tpu.memory_space<vmem>> -> memref<1x40xi32, #tpu.memory_space<vmem>>
        %dma_start3A_286 = tpu.memref_squeeze %dma_start3A_285 : memref<1x40xi32, #tpu.memory_space<vmem>> -> memref<40xi32, #tpu.memory_space<vmem>>
        %dma_start3A_287 = arith.constant 0 : i32
        %dma_start3A_288 = arith.constant 0 : i32
        %dma_start3A_289 = tpu.memref_slice %arg2[%dma_start3A_287, %dma_start3A_288] : memref<20480x128xf32, #tpu.memory_space<hbm>> -> memref<20480x128xf32, #tpu.memory_space<hbm>>
        tpu.enqueue_indirect_dma source(%dma_start3A_289 : memref<20480x128xf32, #tpu.memory_space<hbm>>) target(%arg14 : memref<40x128xf32, #tpu.memory_space<vmem>>) offsets(%dma_start3A_286 : memref<40xi32, #tpu.memory_space<vmem>>) semaphore(%arg25 : memref<!tpu.dma_semaphore, #tpu.memory_space<semaphore_mem>>)
      } else {
      }
      %mul3A_161 = arith.constant 5 : i32
      %mul3A_162 = arith.muli %mul3A_161, %scan3A_90 : i32
      %add3A_163 = arith.constant 2 : i32
      %add3A_164 = arith.addi %mul3A_162, %add3A_163 : i32
      %dma_wait3A_165 = arith.constant 0 : i32
      %dma_wait3A_166 = arith.constant 0 : i32
      %dma_wait3A_167 = tpu.memref_slice %arg8[%dma_wait3A_165, %dma_wait3A_166] : memref<2x40xi32, #tpu.memory_space<vmem>> -> memref<1x40xi32, #tpu.memory_space<vmem>>
      %dma_wait3A_168 = tpu.memref_squeeze %dma_wait3A_167 : memref<1x40xi32, #tpu.memory_space<vmem>> -> memref<40xi32, #tpu.memory_space<vmem>>
      %dma_wait3A_169 = arith.constant 0 : i32
      %dma_wait3A_170 = arith.constant 0 : i32
      %dma_wait3A_171 = tpu.memref_slice %arg2[%dma_wait3A_169, %dma_wait3A_170] : memref<20480x128xf32, #tpu.memory_space<hbm>> -> memref<20480x128xf32, #tpu.memory_space<hbm>>
      tpu.wait_indirect_dma semaphore(%arg24 : memref<!tpu.dma_semaphore, #tpu.memory_space<semaphore_mem>>) src(%dma_wait3A_171 : memref<20480x128xf32, #tpu.memory_space<hbm>>) dst(%arg13 : memref<40x128xf32, #tpu.memory_space<vmem>>)
      %dma_start3A_172 = arith.constant 1 : i32
      %dma_start3A_173 = arith.constant 0 : i32
      %dma_start3A_174 = tpu.memref_slice %arg8[%dma_start3A_172, %dma_start3A_173] : memref<2x40xi32, #tpu.memory_space<vmem>> -> memref<1x40xi32, #tpu.memory_space<vmem>>
      %dma_start3A_175 = tpu.memref_squeeze %dma_start3A_174 : memref<1x40xi32, #tpu.memory_space<vmem>> -> memref<40xi32, #tpu.memory_space<vmem>>
      %dma_start3A_176 = arith.constant 0 : i32
      %dma_start3A_177 = arith.constant 0 : i32
      %dma_start3A_178 = tpu.memref_slice %arg16[%dma_start3A_176, %dma_start3A_177] : memref<10248x128xf32, #tpu.memory_space<vmem_shared>> -> memref<10248x128xf32, #tpu.memory_space<vmem_shared>>
      tpu.enqueue_indirect_dma source(%arg13 : memref<40x128xf32, #tpu.memory_space<vmem>>) target(%dma_start3A_178 : memref<10248x128xf32, #tpu.memory_space<vmem_shared>>) offsets(%dma_start3A_175 : memref<40xi32, #tpu.memory_space<vmem>>) semaphore(%arg29 : memref<!tpu.dma_semaphore, #tpu.memory_space<semaphore_mem>>) {add = true}
      %ge3A_179 = arith.constant 2 : i32
      %ge3A_180 = arith.cmpi sge, %add3A_164, %ge3A_179 : i32
      %convert_element_type3A_181 = arith.extui %ge3A_180 : i1 to i32
      %cond3A_182 = arith.constant 0 : i32
      %cond3A_183 = arith.cmpi ne, %convert_element_type3A_181, %cond3A_182 : i32
      scf.if %cond3A_183 {
        %dma_wait3A_272 = arith.constant 1 : i32
        %dma_wait3A_273 = arith.constant 0 : i32
        %dma_wait3A_274 = tpu.memref_slice %arg6[%dma_wait3A_272, %dma_wait3A_273] : memref<2x40xi32, #tpu.memory_space<vmem>> -> memref<1x40xi32, #tpu.memory_space<vmem>>
        %dma_wait3A_275 = tpu.memref_squeeze %dma_wait3A_274 : memref<1x40xi32, #tpu.memory_space<vmem>> -> memref<40xi32, #tpu.memory_space<vmem>>
        %dma_wait3A_276 = arith.constant 0 : i32
        %dma_wait3A_277 = arith.constant 0 : i32
        %dma_wait3A_278 = tpu.memref_slice %arg16[%dma_wait3A_276, %dma_wait3A_277] : memref<10248x128xf32, #tpu.memory_space<vmem_shared>> -> memref<10248x128xf32, #tpu.memory_space<vmem_shared>>
        tpu.wait_indirect_dma semaphore(%arg27 : memref<!tpu.dma_semaphore, #tpu.memory_space<semaphore_mem>>) src(%arg11 : memref<40x128xf32, #tpu.memory_space<vmem>>) dst(%dma_wait3A_278 : memref<10248x128xf32, #tpu.memory_space<vmem_shared>>)
      } else {
      }
      %add3A_184 = arith.constant 3 : i32
      %add3A_185 = arith.addi %add3A_164, %add3A_184 : i32
      %lt3A_186 = arith.constant 250 : i32
      %lt3A_187 = arith.cmpi slt, %add3A_185, %lt3A_186 : i32
      %convert_element_type3A_188 = arith.extui %lt3A_187 : i1 to i32
      %cond3A_189 = arith.constant 0 : i32
      %cond3A_190 = arith.cmpi ne, %convert_element_type3A_188, %cond3A_189 : i32
      scf.if %cond3A_190 {
        %add3A_272 = arith.constant 3 : i32
        %add3A_273 = arith.addi %add3A_164, %add3A_272 : i32
        %add3A_274 = arith.addi %mul3A_0, %add3A_273 : i32
        %dma_start3A_275 = arith.constant 0 : i32
        %dma_start3A_276 = arith.constant 0 : i32
        %dma_start3A_277 = tpu.memref_slice %arg3[%arg0, %add3A_274, %dma_start3A_275, %dma_start3A_276] : memref<2x4000x2x40xi32, #tpu.memory_space<hbm>> -> memref<1x1x2x40xi32, #tpu.memory_space<hbm>>
        %dma_start3A_278 = tpu.memref_squeeze %dma_start3A_277 : memref<1x1x2x40xi32, #tpu.memory_space<hbm>> -> memref<2x40xi32, #tpu.memory_space<hbm>>
        %dma_start3A_279 = arith.constant 0 : i32
        %dma_start3A_280 = arith.constant 0 : i32
        %dma_start3A_281 = tpu.memref_slice %arg3[%arg0, %add3A_274, %dma_start3A_279, %dma_start3A_280] : memref<2x4000x2x40xi32, #tpu.memory_space<hbm>> -> memref<1x1x2x40xi32, #tpu.memory_space<hbm>>
        %dma_start3A_282 = tpu.memref_squeeze %dma_start3A_281 : memref<1x1x2x40xi32, #tpu.memory_space<hbm>> -> memref<2x40xi32, #tpu.memory_space<hbm>>
        tpu.enqueue_dma source(%dma_start3A_282 : memref<2x40xi32, #tpu.memory_space<hbm>>) target(%arg6 : memref<2x40xi32, #tpu.memory_space<vmem>>) target_semaphore(%arg17 : memref<!tpu.dma_semaphore, #tpu.memory_space<semaphore_mem>>)
      } else {
      }
      %add3A_191 = arith.constant 2 : i32
      %add3A_192 = arith.addi %add3A_164, %add3A_191 : i32
      %lt3A_193 = arith.constant 250 : i32
      %lt3A_194 = arith.cmpi slt, %add3A_192, %lt3A_193 : i32
      %convert_element_type3A_195 = arith.extui %lt3A_194 : i1 to i32
      %cond3A_196 = arith.constant 0 : i32
      %cond3A_197 = arith.cmpi ne, %convert_element_type3A_195, %cond3A_196 : i32
      scf.if %cond3A_197 {
        %add3A_272 = arith.constant 2 : i32
        %add3A_273 = arith.addi %add3A_164, %add3A_272 : i32
        %add3A_274 = arith.addi %mul3A_0, %add3A_273 : i32
        %dma_wait3A_275 = arith.constant 0 : i32
        %dma_wait3A_276 = arith.constant 0 : i32
        %dma_wait3A_277 = tpu.memref_slice %arg3[%arg0, %add3A_274, %dma_wait3A_275, %dma_wait3A_276] : memref<2x4000x2x40xi32, #tpu.memory_space<hbm>> -> memref<1x1x2x40xi32, #tpu.memory_space<hbm>>
        %dma_wait3A_278 = tpu.memref_squeeze %dma_wait3A_277 : memref<1x1x2x40xi32, #tpu.memory_space<hbm>> -> memref<2x40xi32, #tpu.memory_space<hbm>>
        %dma_wait3A_279 = arith.constant 0 : i32
        %dma_wait3A_280 = arith.constant 0 : i32
        %dma_wait3A_281 = tpu.memref_slice %arg3[%arg0, %add3A_274, %dma_wait3A_279, %dma_wait3A_280] : memref<2x4000x2x40xi32, #tpu.memory_space<hbm>> -> memref<1x1x2x40xi32, #tpu.memory_space<hbm>>
        %dma_wait3A_282 = tpu.memref_squeeze %dma_wait3A_281 : memref<1x1x2x40xi32, #tpu.memory_space<hbm>> -> memref<2x40xi32, #tpu.memory_space<hbm>>
        tpu.wait_dma2 semaphore(%arg21 : memref<!tpu.dma_semaphore, #tpu.memory_space<semaphore_mem>>) src(%dma_wait3A_282 : memref<2x40xi32, #tpu.memory_space<hbm>>) dst(%arg10 : memref<2x40xi32, #tpu.memory_space<vmem>>)
        %dma_start3A_283 = arith.constant 0 : i32
        %dma_start3A_284 = arith.constant 0 : i32
        %dma_start3A_285 = tpu.memref_slice %arg10[%dma_start3A_283, %dma_start3A_284] : memref<2x40xi32, #tpu.memory_space<vmem>> -> memref<1x40xi32, #tpu.memory_space<vmem>>
        %dma_start3A_286 = tpu.memref_squeeze %dma_start3A_285 : memref<1x40xi32, #tpu.memory_space<vmem>> -> memref<40xi32, #tpu.memory_space<vmem>>
        %dma_start3A_287 = arith.constant 0 : i32
        %dma_start3A_288 = arith.constant 0 : i32
        %dma_start3A_289 = tpu.memref_slice %arg2[%dma_start3A_287, %dma_start3A_288] : memref<20480x128xf32, #tpu.memory_space<hbm>> -> memref<20480x128xf32, #tpu.memory_space<hbm>>
        tpu.enqueue_indirect_dma source(%dma_start3A_289 : memref<20480x128xf32, #tpu.memory_space<hbm>>) target(%arg15 : memref<40x128xf32, #tpu.memory_space<vmem>>) offsets(%dma_start3A_286 : memref<40xi32, #tpu.memory_space<vmem>>) semaphore(%arg26 : memref<!tpu.dma_semaphore, #tpu.memory_space<semaphore_mem>>)
      } else {
      }
      %mul3A_198 = arith.constant 5 : i32
      %mul3A_199 = arith.muli %mul3A_198, %scan3A_90 : i32
      %add3A_200 = arith.constant 3 : i32
      %add3A_201 = arith.addi %mul3A_199, %add3A_200 : i32
      %dma_wait3A_202 = arith.constant 0 : i32
      %dma_wait3A_203 = arith.constant 0 : i32
      %dma_wait3A_204 = tpu.memref_slice %arg9[%dma_wait3A_202, %dma_wait3A_203] : memref<2x40xi32, #tpu.memory_space<vmem>> -> memref<1x40xi32, #tpu.memory_space<vmem>>
      %dma_wait3A_205 = tpu.memref_squeeze %dma_wait3A_204 : memref<1x40xi32, #tpu.memory_space<vmem>> -> memref<40xi32, #tpu.memory_space<vmem>>
      %dma_wait3A_206 = arith.constant 0 : i32
      %dma_wait3A_207 = arith.constant 0 : i32
      %dma_wait3A_208 = tpu.memref_slice %arg2[%dma_wait3A_206, %dma_wait3A_207] : memref<20480x128xf32, #tpu.memory_space<hbm>> -> memref<20480x128xf32, #tpu.memory_space<hbm>>
      tpu.wait_indirect_dma semaphore(%arg25 : memref<!tpu.dma_semaphore, #tpu.memory_space<semaphore_mem>>) src(%dma_wait3A_208 : memref<20480x128xf32, #tpu.memory_space<hbm>>) dst(%arg14 : memref<40x128xf32, #tpu.memory_space<vmem>>)
      %dma_start3A_209 = arith.constant 1 : i32
      %dma_start3A_210 = arith.constant 0 : i32
      %dma_start3A_211 = tpu.memref_slice %arg9[%dma_start3A_209, %dma_start3A_210] : memref<2x40xi32, #tpu.memory_space<vmem>> -> memref<1x40xi32, #tpu.memory_space<vmem>>
      %dma_start3A_212 = tpu.memref_squeeze %dma_start3A_211 : memref<1x40xi32, #tpu.memory_space<vmem>> -> memref<40xi32, #tpu.memory_space<vmem>>
      %dma_start3A_213 = arith.constant 0 : i32
      %dma_start3A_214 = arith.constant 0 : i32
      %dma_start3A_215 = tpu.memref_slice %arg16[%dma_start3A_213, %dma_start3A_214] : memref<10248x128xf32, #tpu.memory_space<vmem_shared>> -> memref<10248x128xf32, #tpu.memory_space<vmem_shared>>
      tpu.enqueue_indirect_dma source(%arg14 : memref<40x128xf32, #tpu.memory_space<vmem>>) target(%dma_start3A_215 : memref<10248x128xf32, #tpu.memory_space<vmem_shared>>) offsets(%dma_start3A_212 : memref<40xi32, #tpu.memory_space<vmem>>) semaphore(%arg30 : memref<!tpu.dma_semaphore, #tpu.memory_space<semaphore_mem>>) {add = true}
      %ge3A_216 = arith.constant 2 : i32
      %ge3A_217 = arith.cmpi sge, %add3A_201, %ge3A_216 : i32
      %convert_element_type3A_218 = arith.extui %ge3A_217 : i1 to i32
      %cond3A_219 = arith.constant 0 : i32
      %cond3A_220 = arith.cmpi ne, %convert_element_type3A_218, %cond3A_219 : i32
      scf.if %cond3A_220 {
        %dma_wait3A_272 = arith.constant 1 : i32
        %dma_wait3A_273 = arith.constant 0 : i32
        %dma_wait3A_274 = tpu.memref_slice %arg7[%dma_wait3A_272, %dma_wait3A_273] : memref<2x40xi32, #tpu.memory_space<vmem>> -> memref<1x40xi32, #tpu.memory_space<vmem>>
        %dma_wait3A_275 = tpu.memref_squeeze %dma_wait3A_274 : memref<1x40xi32, #tpu.memory_space<vmem>> -> memref<40xi32, #tpu.memory_space<vmem>>
        %dma_wait3A_276 = arith.constant 0 : i32
        %dma_wait3A_277 = arith.constant 0 : i32
        %dma_wait3A_278 = tpu.memref_slice %arg16[%dma_wait3A_276, %dma_wait3A_277] : memref<10248x128xf32, #tpu.memory_space<vmem_shared>> -> memref<10248x128xf32, #tpu.memory_space<vmem_shared>>
        tpu.wait_indirect_dma semaphore(%arg28 : memref<!tpu.dma_semaphore, #tpu.memory_space<semaphore_mem>>) src(%arg12 : memref<40x128xf32, #tpu.memory_space<vmem>>) dst(%dma_wait3A_278 : memref<10248x128xf32, #tpu.memory_space<vmem_shared>>)
      } else {
      }
      %add3A_221 = arith.constant 3 : i32
      %add3A_222 = arith.addi %add3A_201, %add3A_221 : i32
      %lt3A_223 = arith.constant 250 : i32
      %lt3A_224 = arith.cmpi slt, %add3A_222, %lt3A_223 : i32
      %convert_element_type3A_225 = arith.extui %lt3A_224 : i1 to i32
      %cond3A_226 = arith.constant 0 : i32
      %cond3A_227 = arith.cmpi ne, %convert_element_type3A_225, %cond3A_226 : i32
      scf.if %cond3A_227 {
        %add3A_272 = arith.constant 3 : i32
        %add3A_273 = arith.addi %add3A_201, %add3A_272 : i32
        %add3A_274 = arith.addi %mul3A_0, %add3A_273 : i32
        %dma_start3A_275 = arith.constant 0 : i32
        %dma_start3A_276 = arith.constant 0 : i32
        %dma_start3A_277 = tpu.memref_slice %arg3[%arg0, %add3A_274, %dma_start3A_275, %dma_start3A_276] : memref<2x4000x2x40xi32, #tpu.memory_space<hbm>> -> memref<1x1x2x40xi32, #tpu.memory_space<hbm>>
        %dma_start3A_278 = tpu.memref_squeeze %dma_start3A_277 : memref<1x1x2x40xi32, #tpu.memory_space<hbm>> -> memref<2x40xi32, #tpu.memory_space<hbm>>
        %dma_start3A_279 = arith.constant 0 : i32
        %dma_start3A_280 = arith.constant 0 : i32
        %dma_start3A_281 = tpu.memref_slice %arg3[%arg0, %add3A_274, %dma_start3A_279, %dma_start3A_280] : memref<2x4000x2x40xi32, #tpu.memory_space<hbm>> -> memref<1x1x2x40xi32, #tpu.memory_space<hbm>>
        %dma_start3A_282 = tpu.memref_squeeze %dma_start3A_281 : memref<1x1x2x40xi32, #tpu.memory_space<hbm>> -> memref<2x40xi32, #tpu.memory_space<hbm>>
        tpu.enqueue_dma source(%dma_start3A_282 : memref<2x40xi32, #tpu.memory_space<hbm>>) target(%arg7 : memref<2x40xi32, #tpu.memory_space<vmem>>) target_semaphore(%arg18 : memref<!tpu.dma_semaphore, #tpu.memory_space<semaphore_mem>>)
      } else {
      }
      %add3A_228 = arith.constant 2 : i32
      %add3A_229 = arith.addi %add3A_201, %add3A_228 : i32
      %lt3A_230 = arith.constant 250 : i32
      %lt3A_231 = arith.cmpi slt, %add3A_229, %lt3A_230 : i32
      %convert_element_type3A_232 = arith.extui %lt3A_231 : i1 to i32
      %cond3A_233 = arith.constant 0 : i32
      %cond3A_234 = arith.cmpi ne, %convert_element_type3A_232, %cond3A_233 : i32
      scf.if %cond3A_234 {
        %add3A_272 = arith.constant 2 : i32
        %add3A_273 = arith.addi %add3A_201, %add3A_272 : i32
        %add3A_274 = arith.addi %mul3A_0, %add3A_273 : i32
        %dma_wait3A_275 = arith.constant 0 : i32
        %dma_wait3A_276 = arith.constant 0 : i32
        %dma_wait3A_277 = tpu.memref_slice %arg3[%arg0, %add3A_274, %dma_wait3A_275, %dma_wait3A_276] : memref<2x4000x2x40xi32, #tpu.memory_space<hbm>> -> memref<1x1x2x40xi32, #tpu.memory_space<hbm>>
        %dma_wait3A_278 = tpu.memref_squeeze %dma_wait3A_277 : memref<1x1x2x40xi32, #tpu.memory_space<hbm>> -> memref<2x40xi32, #tpu.memory_space<hbm>>
        %dma_wait3A_279 = arith.constant 0 : i32
        %dma_wait3A_280 = arith.constant 0 : i32
        %dma_wait3A_281 = tpu.memref_slice %arg3[%arg0, %add3A_274, %dma_wait3A_279, %dma_wait3A_280] : memref<2x4000x2x40xi32, #tpu.memory_space<hbm>> -> memref<1x1x2x40xi32, #tpu.memory_space<hbm>>
        %dma_wait3A_282 = tpu.memref_squeeze %dma_wait3A_281 : memref<1x1x2x40xi32, #tpu.memory_space<hbm>> -> memref<2x40xi32, #tpu.memory_space<hbm>>
        tpu.wait_dma2 semaphore(%arg17 : memref<!tpu.dma_semaphore, #tpu.memory_space<semaphore_mem>>) src(%dma_wait3A_282 : memref<2x40xi32, #tpu.memory_space<hbm>>) dst(%arg6 : memref<2x40xi32, #tpu.memory_space<vmem>>)
        %dma_start3A_283 = arith.constant 0 : i32
        %dma_start3A_284 = arith.constant 0 : i32
        %dma_start3A_285 = tpu.memref_slice %arg6[%dma_start3A_283, %dma_start3A_284] : memref<2x40xi32, #tpu.memory_space<vmem>> -> memref<1x40xi32, #tpu.memory_space<vmem>>
        %dma_start3A_286 = tpu.memref_squeeze %dma_start3A_285 : memref<1x40xi32, #tpu.memory_space<vmem>> -> memref<40xi32, #tpu.memory_space<vmem>>
        %dma_start3A_287 = arith.constant 0 : i32
        %dma_start3A_288 = arith.constant 0 : i32
        %dma_start3A_289 = tpu.memref_slice %arg2[%dma_start3A_287, %dma_start3A_288] : memref<20480x128xf32, #tpu.memory_space<hbm>> -> memref<20480x128xf32, #tpu.memory_space<hbm>>
        tpu.enqueue_indirect_dma source(%dma_start3A_289 : memref<20480x128xf32, #tpu.memory_space<hbm>>) target(%arg11 : memref<40x128xf32, #tpu.memory_space<vmem>>) offsets(%dma_start3A_286 : memref<40xi32, #tpu.memory_space<vmem>>) semaphore(%arg22 : memref<!tpu.dma_semaphore, #tpu.memory_space<semaphore_mem>>)
      } else {
      }
      %mul3A_235 = arith.constant 5 : i32
      %mul3A_236 = arith.muli %mul3A_235, %scan3A_90 : i32
      %add3A_237 = arith.constant 4 : i32
      %add3A_238 = arith.addi %mul3A_236, %add3A_237 : i32
      %dma_wait3A_239 = arith.constant 0 : i32
      %dma_wait3A_240 = arith.constant 0 : i32
      %dma_wait3A_241 = tpu.memref_slice %arg10[%dma_wait3A_239, %dma_wait3A_240] : memref<2x40xi32, #tpu.memory_space<vmem>> -> memref<1x40xi32, #tpu.memory_space<vmem>>
      %dma_wait3A_242 = tpu.memref_squeeze %dma_wait3A_241 : memref<1x40xi32, #tpu.memory_space<vmem>> -> memref<40xi32, #tpu.memory_space<vmem>>
      %dma_wait3A_243 = arith.constant 0 : i32
      %dma_wait3A_244 = arith.constant 0 : i32
      %dma_wait3A_245 = tpu.memref_slice %arg2[%dma_wait3A_243, %dma_wait3A_244] : memref<20480x128xf32, #tpu.memory_space<hbm>> -> memref<20480x128xf32, #tpu.memory_space<hbm>>
      tpu.wait_indirect_dma semaphore(%arg26 : memref<!tpu.dma_semaphore, #tpu.memory_space<semaphore_mem>>) src(%dma_wait3A_245 : memref<20480x128xf32, #tpu.memory_space<hbm>>) dst(%arg15 : memref<40x128xf32, #tpu.memory_space<vmem>>)
      %dma_start3A_246 = arith.constant 1 : i32
      %dma_start3A_247 = arith.constant 0 : i32
      %dma_start3A_248 = tpu.memref_slice %arg10[%dma_start3A_246, %dma_start3A_247] : memref<2x40xi32, #tpu.memory_space<vmem>> -> memref<1x40xi32, #tpu.memory_space<vmem>>
      %dma_start3A_249 = tpu.memref_squeeze %dma_start3A_248 : memref<1x40xi32, #tpu.memory_space<vmem>> -> memref<40xi32, #tpu.memory_space<vmem>>
      %dma_start3A_250 = arith.constant 0 : i32
      %dma_start3A_251 = arith.constant 0 : i32
      %dma_start3A_252 = tpu.memref_slice %arg16[%dma_start3A_250, %dma_start3A_251] : memref<10248x128xf32, #tpu.memory_space<vmem_shared>> -> memref<10248x128xf32, #tpu.memory_space<vmem_shared>>
      tpu.enqueue_indirect_dma source(%arg15 : memref<40x128xf32, #tpu.memory_space<vmem>>) target(%dma_start3A_252 : memref<10248x128xf32, #tpu.memory_space<vmem_shared>>) offsets(%dma_start3A_249 : memref<40xi32, #tpu.memory_space<vmem>>) semaphore(%arg31 : memref<!tpu.dma_semaphore, #tpu.memory_space<semaphore_mem>>) {add = true}
      %ge3A_253 = arith.constant 2 : i32
      %ge3A_254 = arith.cmpi sge, %add3A_238, %ge3A_253 : i32
      %convert_element_type3A_255 = arith.extui %ge3A_254 : i1 to i32
      %cond3A_256 = arith.constant 0 : i32
      %cond3A_257 = arith.cmpi ne, %convert_element_type3A_255, %cond3A_256 : i32
      scf.if %cond3A_257 {
        %dma_wait3A_272 = arith.constant 1 : i32
        %dma_wait3A_273 = arith.constant 0 : i32
        %dma_wait3A_274 = tpu.memref_slice %arg8[%dma_wait3A_272, %dma_wait3A_273] : memref<2x40xi32, #tpu.memory_space<vmem>> -> memref<1x40xi32, #tpu.memory_space<vmem>>
        %dma_wait3A_275 = tpu.memref_squeeze %dma_wait3A_274 : memref<1x40xi32, #tpu.memory_space<vmem>> -> memref<40xi32, #tpu.memory_space<vmem>>
        %dma_wait3A_276 = arith.constant 0 : i32
        %dma_wait3A_277 = arith.constant 0 : i32
        %dma_wait3A_278 = tpu.memref_slice %arg16[%dma_wait3A_276, %dma_wait3A_277] : memref<10248x128xf32, #tpu.memory_space<vmem_shared>> -> memref<10248x128xf32, #tpu.memory_space<vmem_shared>>
        tpu.wait_indirect_dma semaphore(%arg29 : memref<!tpu.dma_semaphore, #tpu.memory_space<semaphore_mem>>) src(%arg13 : memref<40x128xf32, #tpu.memory_space<vmem>>) dst(%dma_wait3A_278 : memref<10248x128xf32, #tpu.memory_space<vmem_shared>>)
      } else {
      }
      %add3A_258 = arith.constant 3 : i32
      %add3A_259 = arith.addi %add3A_238, %add3A_258 : i32
      %lt3A_260 = arith.constant 250 : i32
      %lt3A_261 = arith.cmpi slt, %add3A_259, %lt3A_260 : i32
      %convert_element_type3A_262 = arith.extui %lt3A_261 : i1 to i32
      %cond3A_263 = arith.constant 0 : i32
      %cond3A_264 = arith.cmpi ne, %convert_element_type3A_262, %cond3A_263 : i32
      scf.if %cond3A_264 {
        %add3A_272 = arith.constant 3 : i32
        %add3A_273 = arith.addi %add3A_238, %add3A_272 : i32
        %add3A_274 = arith.addi %mul3A_0, %add3A_273 : i32
        %dma_start3A_275 = arith.constant 0 : i32
        %dma_start3A_276 = arith.constant 0 : i32
        %dma_start3A_277 = tpu.memref_slice %arg3[%arg0, %add3A_274, %dma_start3A_275, %dma_start3A_276] : memref<2x4000x2x40xi32, #tpu.memory_space<hbm>> -> memref<1x1x2x40xi32, #tpu.memory_space<hbm>>
        %dma_start3A_278 = tpu.memref_squeeze %dma_start3A_277 : memref<1x1x2x40xi32, #tpu.memory_space<hbm>> -> memref<2x40xi32, #tpu.memory_space<hbm>>
        %dma_start3A_279 = arith.constant 0 : i32
        %dma_start3A_280 = arith.constant 0 : i32
        %dma_start3A_281 = tpu.memref_slice %arg3[%arg0, %add3A_274, %dma_start3A_279, %dma_start3A_280] : memref<2x4000x2x40xi32, #tpu.memory_space<hbm>> -> memref<1x1x2x40xi32, #tpu.memory_space<hbm>>
        %dma_start3A_282 = tpu.memref_squeeze %dma_start3A_281 : memref<1x1x2x40xi32, #tpu.memory_space<hbm>> -> memref<2x40xi32, #tpu.memory_space<hbm>>
        tpu.enqueue_dma source(%dma_start3A_282 : memref<2x40xi32, #tpu.memory_space<hbm>>) target(%arg8 : memref<2x40xi32, #tpu.memory_space<vmem>>) target_semaphore(%arg19 : memref<!tpu.dma_semaphore, #tpu.memory_space<semaphore_mem>>)
      } else {
      }
      %add3A_265 = arith.constant 2 : i32
      %add3A_266 = arith.addi %add3A_238, %add3A_265 : i32
      %lt3A_267 = arith.constant 250 : i32
      %lt3A_268 = arith.cmpi slt, %add3A_266, %lt3A_267 : i32
      %convert_element_type3A_269 = arith.extui %lt3A_268 : i1 to i32
      %cond3A_270 = arith.constant 0 : i32
      %cond3A_271 = arith.cmpi ne, %convert_element_type3A_269, %cond3A_270 : i32
      scf.if %cond3A_271 {
        %add3A_272 = arith.constant 2 : i32
        %add3A_273 = arith.addi %add3A_238, %add3A_272 : i32
        %add3A_274 = arith.addi %mul3A_0, %add3A_273 : i32
        %dma_wait3A_275 = arith.constant 0 : i32
        %dma_wait3A_276 = arith.constant 0 : i32
        %dma_wait3A_277 = tpu.memref_slice %arg3[%arg0, %add3A_274, %dma_wait3A_275, %dma_wait3A_276] : memref<2x4000x2x40xi32, #tpu.memory_space<hbm>> -> memref<1x1x2x40xi32, #tpu.memory_space<hbm>>
        %dma_wait3A_278 = tpu.memref_squeeze %dma_wait3A_277 : memref<1x1x2x40xi32, #tpu.memory_space<hbm>> -> memref<2x40xi32, #tpu.memory_space<hbm>>
        %dma_wait3A_279 = arith.constant 0 : i32
        %dma_wait3A_280 = arith.constant 0 : i32
        %dma_wait3A_281 = tpu.memref_slice %arg3[%arg0, %add3A_274, %dma_wait3A_279, %dma_wait3A_280] : memref<2x4000x2x40xi32, #tpu.memory_space<hbm>> -> memref<1x1x2x40xi32, #tpu.memory_space<hbm>>
        %dma_wait3A_282 = tpu.memref_squeeze %dma_wait3A_281 : memref<1x1x2x40xi32, #tpu.memory_space<hbm>> -> memref<2x40xi32, #tpu.memory_space<hbm>>
        tpu.wait_dma2 semaphore(%arg18 : memref<!tpu.dma_semaphore, #tpu.memory_space<semaphore_mem>>) src(%dma_wait3A_282 : memref<2x40xi32, #tpu.memory_space<hbm>>) dst(%arg7 : memref<2x40xi32, #tpu.memory_space<vmem>>)
        %dma_start3A_283 = arith.constant 0 : i32
        %dma_start3A_284 = arith.constant 0 : i32
        %dma_start3A_285 = tpu.memref_slice %arg7[%dma_start3A_283, %dma_start3A_284] : memref<2x40xi32, #tpu.memory_space<vmem>> -> memref<1x40xi32, #tpu.memory_space<vmem>>
        %dma_start3A_286 = tpu.memref_squeeze %dma_start3A_285 : memref<1x40xi32, #tpu.memory_space<vmem>> -> memref<40xi32, #tpu.memory_space<vmem>>
        %dma_start3A_287 = arith.constant 0 : i32
        %dma_start3A_288 = arith.constant 0 : i32
        %dma_start3A_289 = tpu.memref_slice %arg2[%dma_start3A_287, %dma_start3A_288] : memref<20480x128xf32, #tpu.memory_space<hbm>> -> memref<20480x128xf32, #tpu.memory_space<hbm>>
        tpu.enqueue_indirect_dma source(%dma_start3A_289 : memref<20480x128xf32, #tpu.memory_space<hbm>>) target(%arg12 : memref<40x128xf32, #tpu.memory_space<vmem>>) offsets(%dma_start3A_286 : memref<40xi32, #tpu.memory_space<vmem>>) semaphore(%arg23 : memref<!tpu.dma_semaphore, #tpu.memory_space<semaphore_mem>>)
      } else {
      }
    }
    %scan3A_70 = arith.constant 50 : i32
    %dma_wait3A_71 = arith.constant 1 : i32
    %dma_wait3A_72 = arith.constant 0 : i32
    %dma_wait3A_73 = tpu.memref_slice %arg9[%dma_wait3A_71, %dma_wait3A_72] : memref<2x40xi32, #tpu.memory_space<vmem>> -> memref<1x40xi32, #tpu.memory_space<vmem>>
    %dma_wait3A_74 = tpu.memref_squeeze %dma_wait3A_73 : memref<1x40xi32, #tpu.memory_space<vmem>> -> memref<40xi32, #tpu.memory_space<vmem>>
    %dma_wait3A_75 = arith.constant 0 : i32
    %dma_wait3A_76 = arith.constant 0 : i32
    %dma_wait3A_77 = tpu.memref_slice %arg16[%dma_wait3A_75, %dma_wait3A_76] : memref<10248x128xf32, #tpu.memory_space<vmem_shared>> -> memref<10248x128xf32, #tpu.memory_space<vmem_shared>>
    tpu.wait_indirect_dma semaphore(%arg30 : memref<!tpu.dma_semaphore, #tpu.memory_space<semaphore_mem>>) src(%arg14 : memref<40x128xf32, #tpu.memory_space<vmem>>) dst(%dma_wait3A_77 : memref<10248x128xf32, #tpu.memory_space<vmem_shared>>)
    %dma_wait3A_78 = arith.constant 1 : i32
    %dma_wait3A_79 = arith.constant 0 : i32
    %dma_wait3A_80 = tpu.memref_slice %arg10[%dma_wait3A_78, %dma_wait3A_79] : memref<2x40xi32, #tpu.memory_space<vmem>> -> memref<1x40xi32, #tpu.memory_space<vmem>>
    %dma_wait3A_81 = tpu.memref_squeeze %dma_wait3A_80 : memref<1x40xi32, #tpu.memory_space<vmem>> -> memref<40xi32, #tpu.memory_space<vmem>>
    %dma_wait3A_82 = arith.constant 0 : i32
    %dma_wait3A_83 = arith.constant 0 : i32
    %dma_wait3A_84 = tpu.memref_slice %arg16[%dma_wait3A_82, %dma_wait3A_83] : memref<10248x128xf32, #tpu.memory_space<vmem_shared>> -> memref<10248x128xf32, #tpu.memory_space<vmem_shared>>
    tpu.wait_indirect_dma semaphore(%arg31 : memref<!tpu.dma_semaphore, #tpu.memory_space<semaphore_mem>>) src(%arg15 : memref<40x128xf32, #tpu.memory_space<vmem>>) dst(%dma_wait3A_84 : memref<10248x128xf32, #tpu.memory_space<vmem_shared>>)
    %barrier3A_85 = arith.constant 0 : index
    tpu.barrier barrier_id(%barrier3A_85)
    %mul3A_86 = arith.constant 640 : i32
    %mul3A_87 = arith.muli %arg1, %mul3A_86 : i32
    %mul3A_88 = arith.constant 640 : i32
    %mul3A_89 = arith.muli %arg1, %mul3A_88 : i32
    "tpu.region"() ({
      %run_scoped3A = tpu.sem_alloc : memref<!tpu.dma_semaphore, #tpu.memory_space<semaphore_mem>>
      %dma_start3A_90 = arith.constant 0 : i32
      %dma_start3A_91 = tpu.memref_slice %arg5[%arg0, %mul3A_89, %dma_start3A_90] : memref<2x10240x128xf32, #tpu.memory_space<hbm>> -> memref<1x640x128xf32, #tpu.memory_space<hbm>>
      %dma_start3A_92 = tpu.memref_squeeze %dma_start3A_91 : memref<1x640x128xf32, #tpu.memory_space<hbm>> -> memref<640x128xf32, #tpu.memory_space<hbm>>
      %dma_start3A_93 = arith.constant 0 : i32
      %dma_start3A_94 = tpu.memref_slice %arg16[%mul3A_87, %dma_start3A_93] : memref<10248x128xf32, #tpu.memory_space<vmem_shared>> -> memref<640x128xf32, #tpu.memory_space<vmem_shared>>
      tpu.enqueue_dma source(%dma_start3A_94 : memref<640x128xf32, #tpu.memory_space<vmem_shared>>) target(%dma_start3A_92 : memref<640x128xf32, #tpu.memory_space<hbm>>) target_semaphore(%run_scoped3A : memref<!tpu.dma_semaphore, #tpu.memory_space<semaphore_mem>>)
      %dma_wait3A_95 = arith.constant 0 : i32
      %dma_wait3A_96 = tpu.memref_slice %arg5[%arg0, %mul3A_89, %dma_wait3A_95] : memref<2x10240x128xf32, #tpu.memory_space<hbm>> -> memref<1x640x128xf32, #tpu.memory_space<hbm>>
      %dma_wait3A_97 = tpu.memref_squeeze %dma_wait3A_96 : memref<1x640x128xf32, #tpu.memory_space<hbm>> -> memref<640x128xf32, #tpu.memory_space<hbm>>
      %dma_wait3A_98 = arith.constant 0 : i32
      %dma_wait3A_99 = tpu.memref_slice %arg16[%mul3A_87, %dma_wait3A_98] : memref<10248x128xf32, #tpu.memory_space<vmem_shared>> -> memref<640x128xf32, #tpu.memory_space<vmem_shared>>
      tpu.wait_dma2 semaphore(%run_scoped3A : memref<!tpu.dma_semaphore, #tpu.memory_space<semaphore_mem>>) src(%dma_wait3A_99 : memref<640x128xf32, #tpu.memory_space<vmem_shared>>) dst(%dma_wait3A_97 : memref<640x128xf32, #tpu.memory_space<hbm>>)
      tpu.yield
    }) : () -> ()
    return
  }
}

#map = affine_map<(d0, d1) -> (0, 0)>
#map1 = affine_map<(d0, d1) -> (0, 0, 0, 0)>
#map2 = affine_map<(d0, d1) -> (0, 0, 0)>
module attributes {stable_mosaic.version = 14 : i64} {
  func.func @agg_k(%arg0: i32, %arg1: i32, %arg2: memref<10240x128xf32, #tpu.memory_space<hbm>>, %arg3: memref<2x2000x2x40xi32, #tpu.memory_space<hbm>>, %arg4: memref<10240x128xf32, #tpu.memory_space<hbm>>, %arg5: memref<2x10240x128xf32, #tpu.memory_space<hbm>>, %arg6: memref<2x40xi32, #tpu.memory_space<vmem>>, %arg7: memref<2x40xi32, #tpu.memory_space<vmem>>, %arg8: memref<2x40xi32, #tpu.memory_space<vmem>>, %arg9: memref<2x40xi32, #tpu.memory_space<vmem>>, %arg10: memref<2x40xi32, #tpu.memory_space<vmem>>, %arg11: memref<40x128xf32, #tpu.memory_space<vmem>>, %arg12: memref<40x128xf32, #tpu.memory_space<vmem>>, %arg13: memref<40x128xf32, #tpu.memory_space<vmem>>, %arg14: memref<40x128xf32, #tpu.memory_space<vmem>>, %arg15: memref<40x128xf32, #tpu.memory_space<vmem>>, %arg16: memref<10248x128xf32, #tpu.memory_space<vmem_shared>>, %arg17: memref<!tpu.dma_semaphore, #tpu.memory_space<semaphore_mem>>, %arg18: memref<!tpu.dma_semaphore, #tpu.memory_space<semaphore_mem>>, %arg19: memref<!tpu.dma_semaphore, #tpu.memory_space<semaphore_mem>>, %arg20: memref<!tpu.dma_semaphore, #tpu.memory_space<semaphore_mem>>, %arg21: memref<!tpu.dma_semaphore, #tpu.memory_space<semaphore_mem>>, %arg22: memref<!tpu.dma_semaphore, #tpu.memory_space<semaphore_mem>>, %arg23: memref<!tpu.dma_semaphore, #tpu.memory_space<semaphore_mem>>, %arg24: memref<!tpu.dma_semaphore, #tpu.memory_space<semaphore_mem>>, %arg25: memref<!tpu.dma_semaphore, #tpu.memory_space<semaphore_mem>>, %arg26: memref<!tpu.dma_semaphore, #tpu.memory_space<semaphore_mem>>, %arg27: memref<!tpu.dma_semaphore, #tpu.memory_space<semaphore_mem>>, %arg28: memref<!tpu.dma_semaphore, #tpu.memory_space<semaphore_mem>>, %arg29: memref<!tpu.dma_semaphore, #tpu.memory_space<semaphore_mem>>, %arg30: memref<!tpu.dma_semaphore, #tpu.memory_space<semaphore_mem>>, %arg31: memref<!tpu.dma_semaphore, #tpu.memory_space<semaphore_mem>>) attributes {dimension_semantics = [#tpu.dimension_semantics<core_parallel>, #tpu.dimension_semantics<subcore_parallel>], iteration_bounds = array<i64: 2, 16>, scalar_prefetch = 0 : i64, scratch_operands = 26 : i64, tpu.core_type = #tpu.core_type<sc_vector_subcore>, window_params = [{transform_indices = #map}, {transform_indices = #map1}, {transform_indices = #map}, {transform_indices = #map2}]} {
    %mul3A = arith.constant 125 : i32
    %mul3A_0 = arith.muli %arg1, %mul3A : i32
    %add3A = arith.constant 0 : i32
    %add3A_1 = arith.addi %mul3A_0, %add3A : i32
    %dma_start3A = arith.constant 0 : i32
    %dma_start3A_2 = arith.constant 0 : i32
    %dma_start3A_3 = tpu.memref_slice %arg3[%arg0, %add3A_1, %dma_start3A, %dma_start3A_2] : memref<2x2000x2x40xi32, #tpu.memory_space<hbm>> -> memref<1x1x2x40xi32, #tpu.memory_space<hbm>>
    %dma_start3A_4 = tpu.memref_squeeze %dma_start3A_3 : memref<1x1x2x40xi32, #tpu.memory_space<hbm>> -> memref<2x40xi32, #tpu.memory_space<hbm>>
    %dma_start3A_5 = arith.constant 0 : i32
    %dma_start3A_6 = arith.constant 0 : i32
    %dma_start3A_7 = tpu.memref_slice %arg3[%arg0, %add3A_1, %dma_start3A_5, %dma_start3A_6] : memref<2x2000x2x40xi32, #tpu.memory_space<hbm>> -> memref<1x1x2x40xi32, #tpu.memory_space<hbm>>
    %dma_start3A_8 = tpu.memref_squeeze %dma_start3A_7 : memref<1x1x2x40xi32, #tpu.memory_space<hbm>> -> memref<2x40xi32, #tpu.memory_space<hbm>>
    tpu.enqueue_dma source(%dma_start3A_8 : memref<2x40xi32, #tpu.memory_space<hbm>>) target(%arg6 : memref<2x40xi32, #tpu.memory_space<vmem>>) target_semaphore(%arg17 : memref<!tpu.dma_semaphore, #tpu.memory_space<semaphore_mem>>)
    %add3A_9 = arith.constant 1 : i32
    %add3A_10 = arith.addi %mul3A_0, %add3A_9 : i32
    %dma_start3A_11 = arith.constant 0 : i32
    %dma_start3A_12 = arith.constant 0 : i32
    %dma_start3A_13 = tpu.memref_slice %arg3[%arg0, %add3A_10, %dma_start3A_11, %dma_start3A_12] : memref<2x2000x2x40xi32, #tpu.memory_space<hbm>> -> memref<1x1x2x40xi32, #tpu.memory_space<hbm>>
    %dma_start3A_14 = tpu.memref_squeeze %dma_start3A_13 : memref<1x1x2x40xi32, #tpu.memory_space<hbm>> -> memref<2x40xi32, #tpu.memory_space<hbm>>
    %dma_start3A_15 = arith.constant 0 : i32
    %dma_start3A_16 = arith.constant 0 : i32
    %dma_start3A_17 = tpu.memref_slice %arg3[%arg0, %add3A_10, %dma_start3A_15, %dma_start3A_16] : memref<2x2000x2x40xi32, #tpu.memory_space<hbm>> -> memref<1x1x2x40xi32, #tpu.memory_space<hbm>>
    %dma_start3A_18 = tpu.memref_squeeze %dma_start3A_17 : memref<1x1x2x40xi32, #tpu.memory_space<hbm>> -> memref<2x40xi32, #tpu.memory_space<hbm>>
    tpu.enqueue_dma source(%dma_start3A_18 : memref<2x40xi32, #tpu.memory_space<hbm>>) target(%arg7 : memref<2x40xi32, #tpu.memory_space<vmem>>) target_semaphore(%arg18 : memref<!tpu.dma_semaphore, #tpu.memory_space<semaphore_mem>>)
    %add3A_19 = arith.constant 2 : i32
    %add3A_20 = arith.addi %mul3A_0, %add3A_19 : i32
    %dma_start3A_21 = arith.constant 0 : i32
    %dma_start3A_22 = arith.constant 0 : i32
    %dma_start3A_23 = tpu.memref_slice %arg3[%arg0, %add3A_20, %dma_start3A_21, %dma_start3A_22] : memref<2x2000x2x40xi32, #tpu.memory_space<hbm>> -> memref<1x1x2x40xi32, #tpu.memory_space<hbm>>
    %dma_start3A_24 = tpu.memref_squeeze %dma_start3A_23 : memref<1x1x2x40xi32, #tpu.memory_space<hbm>> -> memref<2x40xi32, #tpu.memory_space<hbm>>
    %dma_start3A_25 = arith.constant 0 : i32
    %dma_start3A_26 = arith.constant 0 : i32
    %dma_start3A_27 = tpu.memref_slice %arg3[%arg0, %add3A_20, %dma_start3A_25, %dma_start3A_26] : memref<2x2000x2x40xi32, #tpu.memory_space<hbm>> -> memref<1x1x2x40xi32, #tpu.memory_space<hbm>>
    %dma_start3A_28 = tpu.memref_squeeze %dma_start3A_27 : memref<1x1x2x40xi32, #tpu.memory_space<hbm>> -> memref<2x40xi32, #tpu.memory_space<hbm>>
    tpu.enqueue_dma source(%dma_start3A_28 : memref<2x40xi32, #tpu.memory_space<hbm>>) target(%arg8 : memref<2x40xi32, #tpu.memory_space<vmem>>) target_semaphore(%arg19 : memref<!tpu.dma_semaphore, #tpu.memory_space<semaphore_mem>>)
    %mul3A_29 = arith.constant 640 : i32
    %mul3A_30 = arith.muli %arg1, %mul3A_29 : i32
    %mul3A_31 = arith.constant 640 : i32
    %mul3A_32 = arith.muli %arg1, %mul3A_31 : i32
    "tpu.region"() ({
      %run_scoped3A = tpu.sem_alloc : memref<!tpu.dma_semaphore, #tpu.memory_space<semaphore_mem>>
      %dma_start3A_90 = arith.constant 0 : i32
      %dma_start3A_91 = tpu.memref_slice %arg16[%mul3A_32, %dma_start3A_90] : memref<10248x128xf32, #tpu.memory_space<vmem_shared>> -> memref<640x128xf32, #tpu.memory_space<vmem_shared>>
      %dma_start3A_92 = arith.constant 0 : i32
      %dma_start3A_93 = tpu.memref_slice %arg4[%mul3A_30, %dma_start3A_92] : memref<10240x128xf32, #tpu.memory_space<hbm>> -> memref<640x128xf32, #tpu.memory_space<hbm>>
      tpu.enqueue_dma source(%dma_start3A_93 : memref<640x128xf32, #tpu.memory_space<hbm>>) target(%dma_start3A_91 : memref<640x128xf32, #tpu.memory_space<vmem_shared>>) target_semaphore(%run_scoped3A : memref<!tpu.dma_semaphore, #tpu.memory_space<semaphore_mem>>)
      %dma_wait3A_94 = arith.constant 0 : i32
      %dma_wait3A_95 = tpu.memref_slice %arg16[%mul3A_32, %dma_wait3A_94] : memref<10248x128xf32, #tpu.memory_space<vmem_shared>> -> memref<640x128xf32, #tpu.memory_space<vmem_shared>>
      %dma_wait3A_96 = arith.constant 0 : i32
      %dma_wait3A_97 = tpu.memref_slice %arg4[%mul3A_30, %dma_wait3A_96] : memref<10240x128xf32, #tpu.memory_space<hbm>> -> memref<640x128xf32, #tpu.memory_space<hbm>>
      tpu.wait_dma2 semaphore(%run_scoped3A : memref<!tpu.dma_semaphore, #tpu.memory_space<semaphore_mem>>) src(%dma_wait3A_97 : memref<640x128xf32, #tpu.memory_space<hbm>>) dst(%dma_wait3A_95 : memref<640x128xf32, #tpu.memory_space<vmem_shared>>)
      tpu.yield
    }) : () -> ()
    %add3A_33 = arith.constant 0 : i32
    %add3A_34 = arith.addi %mul3A_0, %add3A_33 : i32
    %dma_wait3A = arith.constant 0 : i32
    %dma_wait3A_35 = arith.constant 0 : i32
    %dma_wait3A_36 = tpu.memref_slice %arg3[%arg0, %add3A_34, %dma_wait3A, %dma_wait3A_35] : memref<2x2000x2x40xi32, #tpu.memory_space<hbm>> -> memref<1x1x2x40xi32, #tpu.memory_space<hbm>>
    %dma_wait3A_37 = tpu.memref_squeeze %dma_wait3A_36 : memref<1x1x2x40xi32, #tpu.memory_space<hbm>> -> memref<2x40xi32, #tpu.memory_space<hbm>>
    %dma_wait3A_38 = arith.constant 0 : i32
    %dma_wait3A_39 = arith.constant 0 : i32
    %dma_wait3A_40 = tpu.memref_slice %arg3[%arg0, %add3A_34, %dma_wait3A_38, %dma_wait3A_39] : memref<2x2000x2x40xi32, #tpu.memory_space<hbm>> -> memref<1x1x2x40xi32, #tpu.memory_space<hbm>>
    %dma_wait3A_41 = tpu.memref_squeeze %dma_wait3A_40 : memref<1x1x2x40xi32, #tpu.memory_space<hbm>> -> memref<2x40xi32, #tpu.memory_space<hbm>>
    tpu.wait_dma2 semaphore(%arg17 : memref<!tpu.dma_semaphore, #tpu.memory_space<semaphore_mem>>) src(%dma_wait3A_41 : memref<2x40xi32, #tpu.memory_space<hbm>>) dst(%arg6 : memref<2x40xi32, #tpu.memory_space<vmem>>)
    %dma_start3A_42 = arith.constant 0 : i32
    %dma_start3A_43 = arith.constant 0 : i32
    %dma_start3A_44 = tpu.memref_slice %arg6[%dma_start3A_42, %dma_start3A_43] : memref<2x40xi32, #tpu.memory_space<vmem>> -> memref<1x40xi32, #tpu.memory_space<vmem>>
    %dma_start3A_45 = tpu.memref_squeeze %dma_start3A_44 : memref<1x40xi32, #tpu.memory_space<vmem>> -> memref<40xi32, #tpu.memory_space<vmem>>
    %dma_start3A_46 = arith.constant 0 : i32
    %dma_start3A_47 = arith.constant 0 : i32
    %dma_start3A_48 = tpu.memref_slice %arg2[%dma_start3A_46, %dma_start3A_47] : memref<10240x128xf32, #tpu.memory_space<hbm>> -> memref<10240x128xf32, #tpu.memory_space<hbm>>
    tpu.enqueue_indirect_dma source(%dma_start3A_48 : memref<10240x128xf32, #tpu.memory_space<hbm>>) target(%arg11 : memref<40x128xf32, #tpu.memory_space<vmem>>) offsets(%dma_start3A_45 : memref<40xi32, #tpu.memory_space<vmem>>) semaphore(%arg22 : memref<!tpu.dma_semaphore, #tpu.memory_space<semaphore_mem>>)
    %add3A_49 = arith.constant 1 : i32
    %add3A_50 = arith.addi %mul3A_0, %add3A_49 : i32
    %dma_wait3A_51 = arith.constant 0 : i32
    %dma_wait3A_52 = arith.constant 0 : i32
    %dma_wait3A_53 = tpu.memref_slice %arg3[%arg0, %add3A_50, %dma_wait3A_51, %dma_wait3A_52] : memref<2x2000x2x40xi32, #tpu.memory_space<hbm>> -> memref<1x1x2x40xi32, #tpu.memory_space<hbm>>
    %dma_wait3A_54 = tpu.memref_squeeze %dma_wait3A_53 : memref<1x1x2x40xi32, #tpu.memory_space<hbm>> -> memref<2x40xi32, #tpu.memory_space<hbm>>
    %dma_wait3A_55 = arith.constant 0 : i32
    %dma_wait3A_56 = arith.constant 0 : i32
    %dma_wait3A_57 = tpu.memref_slice %arg3[%arg0, %add3A_50, %dma_wait3A_55, %dma_wait3A_56] : memref<2x2000x2x40xi32, #tpu.memory_space<hbm>> -> memref<1x1x2x40xi32, #tpu.memory_space<hbm>>
    %dma_wait3A_58 = tpu.memref_squeeze %dma_wait3A_57 : memref<1x1x2x40xi32, #tpu.memory_space<hbm>> -> memref<2x40xi32, #tpu.memory_space<hbm>>
    tpu.wait_dma2 semaphore(%arg18 : memref<!tpu.dma_semaphore, #tpu.memory_space<semaphore_mem>>) src(%dma_wait3A_58 : memref<2x40xi32, #tpu.memory_space<hbm>>) dst(%arg7 : memref<2x40xi32, #tpu.memory_space<vmem>>)
    %dma_start3A_59 = arith.constant 0 : i32
    %dma_start3A_60 = arith.constant 0 : i32
    %dma_start3A_61 = tpu.memref_slice %arg7[%dma_start3A_59, %dma_start3A_60] : memref<2x40xi32, #tpu.memory_space<vmem>> -> memref<1x40xi32, #tpu.memory_space<vmem>>
    %dma_start3A_62 = tpu.memref_squeeze %dma_start3A_61 : memref<1x40xi32, #tpu.memory_space<vmem>> -> memref<40xi32, #tpu.memory_space<vmem>>
    %dma_start3A_63 = arith.constant 0 : i32
    %dma_start3A_64 = arith.constant 0 : i32
    %dma_start3A_65 = tpu.memref_slice %arg2[%dma_start3A_63, %dma_start3A_64] : memref<10240x128xf32, #tpu.memory_space<hbm>> -> memref<10240x128xf32, #tpu.memory_space<hbm>>
    tpu.enqueue_indirect_dma source(%dma_start3A_65 : memref<10240x128xf32, #tpu.memory_space<hbm>>) target(%arg12 : memref<40x128xf32, #tpu.memory_space<vmem>>) offsets(%dma_start3A_62 : memref<40xi32, #tpu.memory_space<vmem>>) semaphore(%arg23 : memref<!tpu.dma_semaphore, #tpu.memory_space<semaphore_mem>>)
    %barrier3A = arith.constant 0 : index
    tpu.barrier barrier_id(%barrier3A)
    %scan3A = arith.constant 0 : i32
    %scan3A_66 = arith.constant 0 : i32
    %scan3A_67 = arith.constant 25 : i32
    %scan3A_68 = arith.addi %scan3A_66, %scan3A_67 : i32
    %scan3A_69 = arith.constant 1 : i32
    scf.for %scan3A_90 = %scan3A_66 to %scan3A_68 step %scan3A_69  : i32 {
      %mul3A_91 = arith.constant 5 : i32
      %mul3A_92 = arith.muli %mul3A_91, %scan3A_90 : i32
      %add3A_93 = arith.constant 0 : i32
      %add3A_94 = arith.addi %mul3A_92, %add3A_93 : i32
      %dma_wait3A_95 = arith.constant 0 : i32
      %dma_wait3A_96 = arith.constant 0 : i32
      %dma_wait3A_97 = tpu.memref_slice %arg6[%dma_wait3A_95, %dma_wait3A_96] : memref<2x40xi32, #tpu.memory_space<vmem>> -> memref<1x40xi32, #tpu.memory_space<vmem>>
      %dma_wait3A_98 = tpu.memref_squeeze %dma_wait3A_97 : memref<1x40xi32, #tpu.memory_space<vmem>> -> memref<40xi32, #tpu.memory_space<vmem>>
      %dma_wait3A_99 = arith.constant 0 : i32
      %dma_wait3A_100 = arith.constant 0 : i32
      %dma_wait3A_101 = tpu.memref_slice %arg2[%dma_wait3A_99, %dma_wait3A_100] : memref<10240x128xf32, #tpu.memory_space<hbm>> -> memref<10240x128xf32, #tpu.memory_space<hbm>>
      tpu.wait_indirect_dma semaphore(%arg22 : memref<!tpu.dma_semaphore, #tpu.memory_space<semaphore_mem>>) src(%dma_wait3A_101 : memref<10240x128xf32, #tpu.memory_space<hbm>>) dst(%arg11 : memref<40x128xf32, #tpu.memory_space<vmem>>)
      %dma_start3A_102 = arith.constant 1 : i32
      %dma_start3A_103 = arith.constant 0 : i32
      %dma_start3A_104 = tpu.memref_slice %arg6[%dma_start3A_102, %dma_start3A_103] : memref<2x40xi32, #tpu.memory_space<vmem>> -> memref<1x40xi32, #tpu.memory_space<vmem>>
      %dma_start3A_105 = tpu.memref_squeeze %dma_start3A_104 : memref<1x40xi32, #tpu.memory_space<vmem>> -> memref<40xi32, #tpu.memory_space<vmem>>
      %dma_start3A_106 = arith.constant 0 : i32
      %dma_start3A_107 = arith.constant 0 : i32
      %dma_start3A_108 = tpu.memref_slice %arg16[%dma_start3A_106, %dma_start3A_107] : memref<10248x128xf32, #tpu.memory_space<vmem_shared>> -> memref<10248x128xf32, #tpu.memory_space<vmem_shared>>
      tpu.enqueue_indirect_dma source(%arg11 : memref<40x128xf32, #tpu.memory_space<vmem>>) target(%dma_start3A_108 : memref<10248x128xf32, #tpu.memory_space<vmem_shared>>) offsets(%dma_start3A_105 : memref<40xi32, #tpu.memory_space<vmem>>) semaphore(%arg27 : memref<!tpu.dma_semaphore, #tpu.memory_space<semaphore_mem>>) {add = true}
      %ge3A = arith.constant 2 : i32
      %ge3A_109 = arith.cmpi sge, %add3A_94, %ge3A : i32
      %convert_element_type3A = arith.extui %ge3A_109 : i1 to i32
      %cond3A = arith.constant 0 : i32
      %cond3A_110 = arith.cmpi ne, %convert_element_type3A, %cond3A : i32
      scf.if %cond3A_110 {
        %dma_wait3A_272 = arith.constant 1 : i32
        %dma_wait3A_273 = arith.constant 0 : i32
        %dma_wait3A_274 = tpu.memref_slice %arg9[%dma_wait3A_272, %dma_wait3A_273] : memref<2x40xi32, #tpu.memory_space<vmem>> -> memref<1x40xi32, #tpu.memory_space<vmem>>
        %dma_wait3A_275 = tpu.memref_squeeze %dma_wait3A_274 : memref<1x40xi32, #tpu.memory_space<vmem>> -> memref<40xi32, #tpu.memory_space<vmem>>
        %dma_wait3A_276 = arith.constant 0 : i32
        %dma_wait3A_277 = arith.constant 0 : i32
        %dma_wait3A_278 = tpu.memref_slice %arg16[%dma_wait3A_276, %dma_wait3A_277] : memref<10248x128xf32, #tpu.memory_space<vmem_shared>> -> memref<10248x128xf32, #tpu.memory_space<vmem_shared>>
        tpu.wait_indirect_dma semaphore(%arg30 : memref<!tpu.dma_semaphore, #tpu.memory_space<semaphore_mem>>) src(%arg14 : memref<40x128xf32, #tpu.memory_space<vmem>>) dst(%dma_wait3A_278 : memref<10248x128xf32, #tpu.memory_space<vmem_shared>>)
      } else {
      }
      %add3A_111 = arith.constant 3 : i32
      %add3A_112 = arith.addi %add3A_94, %add3A_111 : i32
      %lt3A = arith.constant 125 : i32
      %lt3A_113 = arith.cmpi slt, %add3A_112, %lt3A : i32
      %convert_element_type3A_114 = arith.extui %lt3A_113 : i1 to i32
      %cond3A_115 = arith.constant 0 : i32
      %cond3A_116 = arith.cmpi ne, %convert_element_type3A_114, %cond3A_115 : i32
      scf.if %cond3A_116 {
        %add3A_272 = arith.constant 3 : i32
        %add3A_273 = arith.addi %add3A_94, %add3A_272 : i32
        %add3A_274 = arith.addi %mul3A_0, %add3A_273 : i32
        %dma_start3A_275 = arith.constant 0 : i32
        %dma_start3A_276 = arith.constant 0 : i32
        %dma_start3A_277 = tpu.memref_slice %arg3[%arg0, %add3A_274, %dma_start3A_275, %dma_start3A_276] : memref<2x2000x2x40xi32, #tpu.memory_space<hbm>> -> memref<1x1x2x40xi32, #tpu.memory_space<hbm>>
        %dma_start3A_278 = tpu.memref_squeeze %dma_start3A_277 : memref<1x1x2x40xi32, #tpu.memory_space<hbm>> -> memref<2x40xi32, #tpu.memory_space<hbm>>
        %dma_start3A_279 = arith.constant 0 : i32
        %dma_start3A_280 = arith.constant 0 : i32
        %dma_start3A_281 = tpu.memref_slice %arg3[%arg0, %add3A_274, %dma_start3A_279, %dma_start3A_280] : memref<2x2000x2x40xi32, #tpu.memory_space<hbm>> -> memref<1x1x2x40xi32, #tpu.memory_space<hbm>>
        %dma_start3A_282 = tpu.memref_squeeze %dma_start3A_281 : memref<1x1x2x40xi32, #tpu.memory_space<hbm>> -> memref<2x40xi32, #tpu.memory_space<hbm>>
        tpu.enqueue_dma source(%dma_start3A_282 : memref<2x40xi32, #tpu.memory_space<hbm>>) target(%arg9 : memref<2x40xi32, #tpu.memory_space<vmem>>) target_semaphore(%arg20 : memref<!tpu.dma_semaphore, #tpu.memory_space<semaphore_mem>>)
      } else {
      }
      %add3A_117 = arith.constant 2 : i32
      %add3A_118 = arith.addi %add3A_94, %add3A_117 : i32
      %lt3A_119 = arith.constant 125 : i32
      %lt3A_120 = arith.cmpi slt, %add3A_118, %lt3A_119 : i32
      %convert_element_type3A_121 = arith.extui %lt3A_120 : i1 to i32
      %cond3A_122 = arith.constant 0 : i32
      %cond3A_123 = arith.cmpi ne, %convert_element_type3A_121, %cond3A_122 : i32
      scf.if %cond3A_123 {
        %add3A_272 = arith.constant 2 : i32
        %add3A_273 = arith.addi %add3A_94, %add3A_272 : i32
        %add3A_274 = arith.addi %mul3A_0, %add3A_273 : i32
        %dma_wait3A_275 = arith.constant 0 : i32
        %dma_wait3A_276 = arith.constant 0 : i32
        %dma_wait3A_277 = tpu.memref_slice %arg3[%arg0, %add3A_274, %dma_wait3A_275, %dma_wait3A_276] : memref<2x2000x2x40xi32, #tpu.memory_space<hbm>> -> memref<1x1x2x40xi32, #tpu.memory_space<hbm>>
        %dma_wait3A_278 = tpu.memref_squeeze %dma_wait3A_277 : memref<1x1x2x40xi32, #tpu.memory_space<hbm>> -> memref<2x40xi32, #tpu.memory_space<hbm>>
        %dma_wait3A_279 = arith.constant 0 : i32
        %dma_wait3A_280 = arith.constant 0 : i32
        %dma_wait3A_281 = tpu.memref_slice %arg3[%arg0, %add3A_274, %dma_wait3A_279, %dma_wait3A_280] : memref<2x2000x2x40xi32, #tpu.memory_space<hbm>> -> memref<1x1x2x40xi32, #tpu.memory_space<hbm>>
        %dma_wait3A_282 = tpu.memref_squeeze %dma_wait3A_281 : memref<1x1x2x40xi32, #tpu.memory_space<hbm>> -> memref<2x40xi32, #tpu.memory_space<hbm>>
        tpu.wait_dma2 semaphore(%arg19 : memref<!tpu.dma_semaphore, #tpu.memory_space<semaphore_mem>>) src(%dma_wait3A_282 : memref<2x40xi32, #tpu.memory_space<hbm>>) dst(%arg8 : memref<2x40xi32, #tpu.memory_space<vmem>>)
        %dma_start3A_283 = arith.constant 0 : i32
        %dma_start3A_284 = arith.constant 0 : i32
        %dma_start3A_285 = tpu.memref_slice %arg8[%dma_start3A_283, %dma_start3A_284] : memref<2x40xi32, #tpu.memory_space<vmem>> -> memref<1x40xi32, #tpu.memory_space<vmem>>
        %dma_start3A_286 = tpu.memref_squeeze %dma_start3A_285 : memref<1x40xi32, #tpu.memory_space<vmem>> -> memref<40xi32, #tpu.memory_space<vmem>>
        %dma_start3A_287 = arith.constant 0 : i32
        %dma_start3A_288 = arith.constant 0 : i32
        %dma_start3A_289 = tpu.memref_slice %arg2[%dma_start3A_287, %dma_start3A_288] : memref<10240x128xf32, #tpu.memory_space<hbm>> -> memref<10240x128xf32, #tpu.memory_space<hbm>>
        tpu.enqueue_indirect_dma source(%dma_start3A_289 : memref<10240x128xf32, #tpu.memory_space<hbm>>) target(%arg13 : memref<40x128xf32, #tpu.memory_space<vmem>>) offsets(%dma_start3A_286 : memref<40xi32, #tpu.memory_space<vmem>>) semaphore(%arg24 : memref<!tpu.dma_semaphore, #tpu.memory_space<semaphore_mem>>)
      } else {
      }
      %mul3A_124 = arith.constant 5 : i32
      %mul3A_125 = arith.muli %mul3A_124, %scan3A_90 : i32
      %add3A_126 = arith.constant 1 : i32
      %add3A_127 = arith.addi %mul3A_125, %add3A_126 : i32
      %dma_wait3A_128 = arith.constant 0 : i32
      %dma_wait3A_129 = arith.constant 0 : i32
      %dma_wait3A_130 = tpu.memref_slice %arg7[%dma_wait3A_128, %dma_wait3A_129] : memref<2x40xi32, #tpu.memory_space<vmem>> -> memref<1x40xi32, #tpu.memory_space<vmem>>
      %dma_wait3A_131 = tpu.memref_squeeze %dma_wait3A_130 : memref<1x40xi32, #tpu.memory_space<vmem>> -> memref<40xi32, #tpu.memory_space<vmem>>
      %dma_wait3A_132 = arith.constant 0 : i32
      %dma_wait3A_133 = arith.constant 0 : i32
      %dma_wait3A_134 = tpu.memref_slice %arg2[%dma_wait3A_132, %dma_wait3A_133] : memref<10240x128xf32, #tpu.memory_space<hbm>> -> memref<10240x128xf32, #tpu.memory_space<hbm>>
      tpu.wait_indirect_dma semaphore(%arg23 : memref<!tpu.dma_semaphore, #tpu.memory_space<semaphore_mem>>) src(%dma_wait3A_134 : memref<10240x128xf32, #tpu.memory_space<hbm>>) dst(%arg12 : memref<40x128xf32, #tpu.memory_space<vmem>>)
      %dma_start3A_135 = arith.constant 1 : i32
      %dma_start3A_136 = arith.constant 0 : i32
      %dma_start3A_137 = tpu.memref_slice %arg7[%dma_start3A_135, %dma_start3A_136] : memref<2x40xi32, #tpu.memory_space<vmem>> -> memref<1x40xi32, #tpu.memory_space<vmem>>
      %dma_start3A_138 = tpu.memref_squeeze %dma_start3A_137 : memref<1x40xi32, #tpu.memory_space<vmem>> -> memref<40xi32, #tpu.memory_space<vmem>>
      %dma_start3A_139 = arith.constant 0 : i32
      %dma_start3A_140 = arith.constant 0 : i32
      %dma_start3A_141 = tpu.memref_slice %arg16[%dma_start3A_139, %dma_start3A_140] : memref<10248x128xf32, #tpu.memory_space<vmem_shared>> -> memref<10248x128xf32, #tpu.memory_space<vmem_shared>>
      tpu.enqueue_indirect_dma source(%arg12 : memref<40x128xf32, #tpu.memory_space<vmem>>) target(%dma_start3A_141 : memref<10248x128xf32, #tpu.memory_space<vmem_shared>>) offsets(%dma_start3A_138 : memref<40xi32, #tpu.memory_space<vmem>>) semaphore(%arg28 : memref<!tpu.dma_semaphore, #tpu.memory_space<semaphore_mem>>) {add = true}
      %ge3A_142 = arith.constant 2 : i32
      %ge3A_143 = arith.cmpi sge, %add3A_127, %ge3A_142 : i32
      %convert_element_type3A_144 = arith.extui %ge3A_143 : i1 to i32
      %cond3A_145 = arith.constant 0 : i32
      %cond3A_146 = arith.cmpi ne, %convert_element_type3A_144, %cond3A_145 : i32
      scf.if %cond3A_146 {
        %dma_wait3A_272 = arith.constant 1 : i32
        %dma_wait3A_273 = arith.constant 0 : i32
        %dma_wait3A_274 = tpu.memref_slice %arg10[%dma_wait3A_272, %dma_wait3A_273] : memref<2x40xi32, #tpu.memory_space<vmem>> -> memref<1x40xi32, #tpu.memory_space<vmem>>
        %dma_wait3A_275 = tpu.memref_squeeze %dma_wait3A_274 : memref<1x40xi32, #tpu.memory_space<vmem>> -> memref<40xi32, #tpu.memory_space<vmem>>
        %dma_wait3A_276 = arith.constant 0 : i32
        %dma_wait3A_277 = arith.constant 0 : i32
        %dma_wait3A_278 = tpu.memref_slice %arg16[%dma_wait3A_276, %dma_wait3A_277] : memref<10248x128xf32, #tpu.memory_space<vmem_shared>> -> memref<10248x128xf32, #tpu.memory_space<vmem_shared>>
        tpu.wait_indirect_dma semaphore(%arg31 : memref<!tpu.dma_semaphore, #tpu.memory_space<semaphore_mem>>) src(%arg15 : memref<40x128xf32, #tpu.memory_space<vmem>>) dst(%dma_wait3A_278 : memref<10248x128xf32, #tpu.memory_space<vmem_shared>>)
      } else {
      }
      %add3A_147 = arith.constant 3 : i32
      %add3A_148 = arith.addi %add3A_127, %add3A_147 : i32
      %lt3A_149 = arith.constant 125 : i32
      %lt3A_150 = arith.cmpi slt, %add3A_148, %lt3A_149 : i32
      %convert_element_type3A_151 = arith.extui %lt3A_150 : i1 to i32
      %cond3A_152 = arith.constant 0 : i32
      %cond3A_153 = arith.cmpi ne, %convert_element_type3A_151, %cond3A_152 : i32
      scf.if %cond3A_153 {
        %add3A_272 = arith.constant 3 : i32
        %add3A_273 = arith.addi %add3A_127, %add3A_272 : i32
        %add3A_274 = arith.addi %mul3A_0, %add3A_273 : i32
        %dma_start3A_275 = arith.constant 0 : i32
        %dma_start3A_276 = arith.constant 0 : i32
        %dma_start3A_277 = tpu.memref_slice %arg3[%arg0, %add3A_274, %dma_start3A_275, %dma_start3A_276] : memref<2x2000x2x40xi32, #tpu.memory_space<hbm>> -> memref<1x1x2x40xi32, #tpu.memory_space<hbm>>
        %dma_start3A_278 = tpu.memref_squeeze %dma_start3A_277 : memref<1x1x2x40xi32, #tpu.memory_space<hbm>> -> memref<2x40xi32, #tpu.memory_space<hbm>>
        %dma_start3A_279 = arith.constant 0 : i32
        %dma_start3A_280 = arith.constant 0 : i32
        %dma_start3A_281 = tpu.memref_slice %arg3[%arg0, %add3A_274, %dma_start3A_279, %dma_start3A_280] : memref<2x2000x2x40xi32, #tpu.memory_space<hbm>> -> memref<1x1x2x40xi32, #tpu.memory_space<hbm>>
        %dma_start3A_282 = tpu.memref_squeeze %dma_start3A_281 : memref<1x1x2x40xi32, #tpu.memory_space<hbm>> -> memref<2x40xi32, #tpu.memory_space<hbm>>
        tpu.enqueue_dma source(%dma_start3A_282 : memref<2x40xi32, #tpu.memory_space<hbm>>) target(%arg10 : memref<2x40xi32, #tpu.memory_space<vmem>>) target_semaphore(%arg21 : memref<!tpu.dma_semaphore, #tpu.memory_space<semaphore_mem>>)
      } else {
      }
      %add3A_154 = arith.constant 2 : i32
      %add3A_155 = arith.addi %add3A_127, %add3A_154 : i32
      %lt3A_156 = arith.constant 125 : i32
      %lt3A_157 = arith.cmpi slt, %add3A_155, %lt3A_156 : i32
      %convert_element_type3A_158 = arith.extui %lt3A_157 : i1 to i32
      %cond3A_159 = arith.constant 0 : i32
      %cond3A_160 = arith.cmpi ne, %convert_element_type3A_158, %cond3A_159 : i32
      scf.if %cond3A_160 {
        %add3A_272 = arith.constant 2 : i32
        %add3A_273 = arith.addi %add3A_127, %add3A_272 : i32
        %add3A_274 = arith.addi %mul3A_0, %add3A_273 : i32
        %dma_wait3A_275 = arith.constant 0 : i32
        %dma_wait3A_276 = arith.constant 0 : i32
        %dma_wait3A_277 = tpu.memref_slice %arg3[%arg0, %add3A_274, %dma_wait3A_275, %dma_wait3A_276] : memref<2x2000x2x40xi32, #tpu.memory_space<hbm>> -> memref<1x1x2x40xi32, #tpu.memory_space<hbm>>
        %dma_wait3A_278 = tpu.memref_squeeze %dma_wait3A_277 : memref<1x1x2x40xi32, #tpu.memory_space<hbm>> -> memref<2x40xi32, #tpu.memory_space<hbm>>
        %dma_wait3A_279 = arith.constant 0 : i32
        %dma_wait3A_280 = arith.constant 0 : i32
        %dma_wait3A_281 = tpu.memref_slice %arg3[%arg0, %add3A_274, %dma_wait3A_279, %dma_wait3A_280] : memref<2x2000x2x40xi32, #tpu.memory_space<hbm>> -> memref<1x1x2x40xi32, #tpu.memory_space<hbm>>
        %dma_wait3A_282 = tpu.memref_squeeze %dma_wait3A_281 : memref<1x1x2x40xi32, #tpu.memory_space<hbm>> -> memref<2x40xi32, #tpu.memory_space<hbm>>
        tpu.wait_dma2 semaphore(%arg20 : memref<!tpu.dma_semaphore, #tpu.memory_space<semaphore_mem>>) src(%dma_wait3A_282 : memref<2x40xi32, #tpu.memory_space<hbm>>) dst(%arg9 : memref<2x40xi32, #tpu.memory_space<vmem>>)
        %dma_start3A_283 = arith.constant 0 : i32
        %dma_start3A_284 = arith.constant 0 : i32
        %dma_start3A_285 = tpu.memref_slice %arg9[%dma_start3A_283, %dma_start3A_284] : memref<2x40xi32, #tpu.memory_space<vmem>> -> memref<1x40xi32, #tpu.memory_space<vmem>>
        %dma_start3A_286 = tpu.memref_squeeze %dma_start3A_285 : memref<1x40xi32, #tpu.memory_space<vmem>> -> memref<40xi32, #tpu.memory_space<vmem>>
        %dma_start3A_287 = arith.constant 0 : i32
        %dma_start3A_288 = arith.constant 0 : i32
        %dma_start3A_289 = tpu.memref_slice %arg2[%dma_start3A_287, %dma_start3A_288] : memref<10240x128xf32, #tpu.memory_space<hbm>> -> memref<10240x128xf32, #tpu.memory_space<hbm>>
        tpu.enqueue_indirect_dma source(%dma_start3A_289 : memref<10240x128xf32, #tpu.memory_space<hbm>>) target(%arg14 : memref<40x128xf32, #tpu.memory_space<vmem>>) offsets(%dma_start3A_286 : memref<40xi32, #tpu.memory_space<vmem>>) semaphore(%arg25 : memref<!tpu.dma_semaphore, #tpu.memory_space<semaphore_mem>>)
      } else {
      }
      %mul3A_161 = arith.constant 5 : i32
      %mul3A_162 = arith.muli %mul3A_161, %scan3A_90 : i32
      %add3A_163 = arith.constant 2 : i32
      %add3A_164 = arith.addi %mul3A_162, %add3A_163 : i32
      %dma_wait3A_165 = arith.constant 0 : i32
      %dma_wait3A_166 = arith.constant 0 : i32
      %dma_wait3A_167 = tpu.memref_slice %arg8[%dma_wait3A_165, %dma_wait3A_166] : memref<2x40xi32, #tpu.memory_space<vmem>> -> memref<1x40xi32, #tpu.memory_space<vmem>>
      %dma_wait3A_168 = tpu.memref_squeeze %dma_wait3A_167 : memref<1x40xi32, #tpu.memory_space<vmem>> -> memref<40xi32, #tpu.memory_space<vmem>>
      %dma_wait3A_169 = arith.constant 0 : i32
      %dma_wait3A_170 = arith.constant 0 : i32
      %dma_wait3A_171 = tpu.memref_slice %arg2[%dma_wait3A_169, %dma_wait3A_170] : memref<10240x128xf32, #tpu.memory_space<hbm>> -> memref<10240x128xf32, #tpu.memory_space<hbm>>
      tpu.wait_indirect_dma semaphore(%arg24 : memref<!tpu.dma_semaphore, #tpu.memory_space<semaphore_mem>>) src(%dma_wait3A_171 : memref<10240x128xf32, #tpu.memory_space<hbm>>) dst(%arg13 : memref<40x128xf32, #tpu.memory_space<vmem>>)
      %dma_start3A_172 = arith.constant 1 : i32
      %dma_start3A_173 = arith.constant 0 : i32
      %dma_start3A_174 = tpu.memref_slice %arg8[%dma_start3A_172, %dma_start3A_173] : memref<2x40xi32, #tpu.memory_space<vmem>> -> memref<1x40xi32, #tpu.memory_space<vmem>>
      %dma_start3A_175 = tpu.memref_squeeze %dma_start3A_174 : memref<1x40xi32, #tpu.memory_space<vmem>> -> memref<40xi32, #tpu.memory_space<vmem>>
      %dma_start3A_176 = arith.constant 0 : i32
      %dma_start3A_177 = arith.constant 0 : i32
      %dma_start3A_178 = tpu.memref_slice %arg16[%dma_start3A_176, %dma_start3A_177] : memref<10248x128xf32, #tpu.memory_space<vmem_shared>> -> memref<10248x128xf32, #tpu.memory_space<vmem_shared>>
      tpu.enqueue_indirect_dma source(%arg13 : memref<40x128xf32, #tpu.memory_space<vmem>>) target(%dma_start3A_178 : memref<10248x128xf32, #tpu.memory_space<vmem_shared>>) offsets(%dma_start3A_175 : memref<40xi32, #tpu.memory_space<vmem>>) semaphore(%arg29 : memref<!tpu.dma_semaphore, #tpu.memory_space<semaphore_mem>>) {add = true}
      %ge3A_179 = arith.constant 2 : i32
      %ge3A_180 = arith.cmpi sge, %add3A_164, %ge3A_179 : i32
      %convert_element_type3A_181 = arith.extui %ge3A_180 : i1 to i32
      %cond3A_182 = arith.constant 0 : i32
      %cond3A_183 = arith.cmpi ne, %convert_element_type3A_181, %cond3A_182 : i32
      scf.if %cond3A_183 {
        %dma_wait3A_272 = arith.constant 1 : i32
        %dma_wait3A_273 = arith.constant 0 : i32
        %dma_wait3A_274 = tpu.memref_slice %arg6[%dma_wait3A_272, %dma_wait3A_273] : memref<2x40xi32, #tpu.memory_space<vmem>> -> memref<1x40xi32, #tpu.memory_space<vmem>>
        %dma_wait3A_275 = tpu.memref_squeeze %dma_wait3A_274 : memref<1x40xi32, #tpu.memory_space<vmem>> -> memref<40xi32, #tpu.memory_space<vmem>>
        %dma_wait3A_276 = arith.constant 0 : i32
        %dma_wait3A_277 = arith.constant 0 : i32
        %dma_wait3A_278 = tpu.memref_slice %arg16[%dma_wait3A_276, %dma_wait3A_277] : memref<10248x128xf32, #tpu.memory_space<vmem_shared>> -> memref<10248x128xf32, #tpu.memory_space<vmem_shared>>
        tpu.wait_indirect_dma semaphore(%arg27 : memref<!tpu.dma_semaphore, #tpu.memory_space<semaphore_mem>>) src(%arg11 : memref<40x128xf32, #tpu.memory_space<vmem>>) dst(%dma_wait3A_278 : memref<10248x128xf32, #tpu.memory_space<vmem_shared>>)
      } else {
      }
      %add3A_184 = arith.constant 3 : i32
      %add3A_185 = arith.addi %add3A_164, %add3A_184 : i32
      %lt3A_186 = arith.constant 125 : i32
      %lt3A_187 = arith.cmpi slt, %add3A_185, %lt3A_186 : i32
      %convert_element_type3A_188 = arith.extui %lt3A_187 : i1 to i32
      %cond3A_189 = arith.constant 0 : i32
      %cond3A_190 = arith.cmpi ne, %convert_element_type3A_188, %cond3A_189 : i32
      scf.if %cond3A_190 {
        %add3A_272 = arith.constant 3 : i32
        %add3A_273 = arith.addi %add3A_164, %add3A_272 : i32
        %add3A_274 = arith.addi %mul3A_0, %add3A_273 : i32
        %dma_start3A_275 = arith.constant 0 : i32
        %dma_start3A_276 = arith.constant 0 : i32
        %dma_start3A_277 = tpu.memref_slice %arg3[%arg0, %add3A_274, %dma_start3A_275, %dma_start3A_276] : memref<2x2000x2x40xi32, #tpu.memory_space<hbm>> -> memref<1x1x2x40xi32, #tpu.memory_space<hbm>>
        %dma_start3A_278 = tpu.memref_squeeze %dma_start3A_277 : memref<1x1x2x40xi32, #tpu.memory_space<hbm>> -> memref<2x40xi32, #tpu.memory_space<hbm>>
        %dma_start3A_279 = arith.constant 0 : i32
        %dma_start3A_280 = arith.constant 0 : i32
        %dma_start3A_281 = tpu.memref_slice %arg3[%arg0, %add3A_274, %dma_start3A_279, %dma_start3A_280] : memref<2x2000x2x40xi32, #tpu.memory_space<hbm>> -> memref<1x1x2x40xi32, #tpu.memory_space<hbm>>
        %dma_start3A_282 = tpu.memref_squeeze %dma_start3A_281 : memref<1x1x2x40xi32, #tpu.memory_space<hbm>> -> memref<2x40xi32, #tpu.memory_space<hbm>>
        tpu.enqueue_dma source(%dma_start3A_282 : memref<2x40xi32, #tpu.memory_space<hbm>>) target(%arg6 : memref<2x40xi32, #tpu.memory_space<vmem>>) target_semaphore(%arg17 : memref<!tpu.dma_semaphore, #tpu.memory_space<semaphore_mem>>)
      } else {
      }
      %add3A_191 = arith.constant 2 : i32
      %add3A_192 = arith.addi %add3A_164, %add3A_191 : i32
      %lt3A_193 = arith.constant 125 : i32
      %lt3A_194 = arith.cmpi slt, %add3A_192, %lt3A_193 : i32
      %convert_element_type3A_195 = arith.extui %lt3A_194 : i1 to i32
      %cond3A_196 = arith.constant 0 : i32
      %cond3A_197 = arith.cmpi ne, %convert_element_type3A_195, %cond3A_196 : i32
      scf.if %cond3A_197 {
        %add3A_272 = arith.constant 2 : i32
        %add3A_273 = arith.addi %add3A_164, %add3A_272 : i32
        %add3A_274 = arith.addi %mul3A_0, %add3A_273 : i32
        %dma_wait3A_275 = arith.constant 0 : i32
        %dma_wait3A_276 = arith.constant 0 : i32
        %dma_wait3A_277 = tpu.memref_slice %arg3[%arg0, %add3A_274, %dma_wait3A_275, %dma_wait3A_276] : memref<2x2000x2x40xi32, #tpu.memory_space<hbm>> -> memref<1x1x2x40xi32, #tpu.memory_space<hbm>>
        %dma_wait3A_278 = tpu.memref_squeeze %dma_wait3A_277 : memref<1x1x2x40xi32, #tpu.memory_space<hbm>> -> memref<2x40xi32, #tpu.memory_space<hbm>>
        %dma_wait3A_279 = arith.constant 0 : i32
        %dma_wait3A_280 = arith.constant 0 : i32
        %dma_wait3A_281 = tpu.memref_slice %arg3[%arg0, %add3A_274, %dma_wait3A_279, %dma_wait3A_280] : memref<2x2000x2x40xi32, #tpu.memory_space<hbm>> -> memref<1x1x2x40xi32, #tpu.memory_space<hbm>>
        %dma_wait3A_282 = tpu.memref_squeeze %dma_wait3A_281 : memref<1x1x2x40xi32, #tpu.memory_space<hbm>> -> memref<2x40xi32, #tpu.memory_space<hbm>>
        tpu.wait_dma2 semaphore(%arg21 : memref<!tpu.dma_semaphore, #tpu.memory_space<semaphore_mem>>) src(%dma_wait3A_282 : memref<2x40xi32, #tpu.memory_space<hbm>>) dst(%arg10 : memref<2x40xi32, #tpu.memory_space<vmem>>)
        %dma_start3A_283 = arith.constant 0 : i32
        %dma_start3A_284 = arith.constant 0 : i32
        %dma_start3A_285 = tpu.memref_slice %arg10[%dma_start3A_283, %dma_start3A_284] : memref<2x40xi32, #tpu.memory_space<vmem>> -> memref<1x40xi32, #tpu.memory_space<vmem>>
        %dma_start3A_286 = tpu.memref_squeeze %dma_start3A_285 : memref<1x40xi32, #tpu.memory_space<vmem>> -> memref<40xi32, #tpu.memory_space<vmem>>
        %dma_start3A_287 = arith.constant 0 : i32
        %dma_start3A_288 = arith.constant 0 : i32
        %dma_start3A_289 = tpu.memref_slice %arg2[%dma_start3A_287, %dma_start3A_288] : memref<10240x128xf32, #tpu.memory_space<hbm>> -> memref<10240x128xf32, #tpu.memory_space<hbm>>
        tpu.enqueue_indirect_dma source(%dma_start3A_289 : memref<10240x128xf32, #tpu.memory_space<hbm>>) target(%arg15 : memref<40x128xf32, #tpu.memory_space<vmem>>) offsets(%dma_start3A_286 : memref<40xi32, #tpu.memory_space<vmem>>) semaphore(%arg26 : memref<!tpu.dma_semaphore, #tpu.memory_space<semaphore_mem>>)
      } else {
      }
      %mul3A_198 = arith.constant 5 : i32
      %mul3A_199 = arith.muli %mul3A_198, %scan3A_90 : i32
      %add3A_200 = arith.constant 3 : i32
      %add3A_201 = arith.addi %mul3A_199, %add3A_200 : i32
      %dma_wait3A_202 = arith.constant 0 : i32
      %dma_wait3A_203 = arith.constant 0 : i32
      %dma_wait3A_204 = tpu.memref_slice %arg9[%dma_wait3A_202, %dma_wait3A_203] : memref<2x40xi32, #tpu.memory_space<vmem>> -> memref<1x40xi32, #tpu.memory_space<vmem>>
      %dma_wait3A_205 = tpu.memref_squeeze %dma_wait3A_204 : memref<1x40xi32, #tpu.memory_space<vmem>> -> memref<40xi32, #tpu.memory_space<vmem>>
      %dma_wait3A_206 = arith.constant 0 : i32
      %dma_wait3A_207 = arith.constant 0 : i32
      %dma_wait3A_208 = tpu.memref_slice %arg2[%dma_wait3A_206, %dma_wait3A_207] : memref<10240x128xf32, #tpu.memory_space<hbm>> -> memref<10240x128xf32, #tpu.memory_space<hbm>>
      tpu.wait_indirect_dma semaphore(%arg25 : memref<!tpu.dma_semaphore, #tpu.memory_space<semaphore_mem>>) src(%dma_wait3A_208 : memref<10240x128xf32, #tpu.memory_space<hbm>>) dst(%arg14 : memref<40x128xf32, #tpu.memory_space<vmem>>)
      %dma_start3A_209 = arith.constant 1 : i32
      %dma_start3A_210 = arith.constant 0 : i32
      %dma_start3A_211 = tpu.memref_slice %arg9[%dma_start3A_209, %dma_start3A_210] : memref<2x40xi32, #tpu.memory_space<vmem>> -> memref<1x40xi32, #tpu.memory_space<vmem>>
      %dma_start3A_212 = tpu.memref_squeeze %dma_start3A_211 : memref<1x40xi32, #tpu.memory_space<vmem>> -> memref<40xi32, #tpu.memory_space<vmem>>
      %dma_start3A_213 = arith.constant 0 : i32
      %dma_start3A_214 = arith.constant 0 : i32
      %dma_start3A_215 = tpu.memref_slice %arg16[%dma_start3A_213, %dma_start3A_214] : memref<10248x128xf32, #tpu.memory_space<vmem_shared>> -> memref<10248x128xf32, #tpu.memory_space<vmem_shared>>
      tpu.enqueue_indirect_dma source(%arg14 : memref<40x128xf32, #tpu.memory_space<vmem>>) target(%dma_start3A_215 : memref<10248x128xf32, #tpu.memory_space<vmem_shared>>) offsets(%dma_start3A_212 : memref<40xi32, #tpu.memory_space<vmem>>) semaphore(%arg30 : memref<!tpu.dma_semaphore, #tpu.memory_space<semaphore_mem>>) {add = true}
      %ge3A_216 = arith.constant 2 : i32
      %ge3A_217 = arith.cmpi sge, %add3A_201, %ge3A_216 : i32
      %convert_element_type3A_218 = arith.extui %ge3A_217 : i1 to i32
      %cond3A_219 = arith.constant 0 : i32
      %cond3A_220 = arith.cmpi ne, %convert_element_type3A_218, %cond3A_219 : i32
      scf.if %cond3A_220 {
        %dma_wait3A_272 = arith.constant 1 : i32
        %dma_wait3A_273 = arith.constant 0 : i32
        %dma_wait3A_274 = tpu.memref_slice %arg7[%dma_wait3A_272, %dma_wait3A_273] : memref<2x40xi32, #tpu.memory_space<vmem>> -> memref<1x40xi32, #tpu.memory_space<vmem>>
        %dma_wait3A_275 = tpu.memref_squeeze %dma_wait3A_274 : memref<1x40xi32, #tpu.memory_space<vmem>> -> memref<40xi32, #tpu.memory_space<vmem>>
        %dma_wait3A_276 = arith.constant 0 : i32
        %dma_wait3A_277 = arith.constant 0 : i32
        %dma_wait3A_278 = tpu.memref_slice %arg16[%dma_wait3A_276, %dma_wait3A_277] : memref<10248x128xf32, #tpu.memory_space<vmem_shared>> -> memref<10248x128xf32, #tpu.memory_space<vmem_shared>>
        tpu.wait_indirect_dma semaphore(%arg28 : memref<!tpu.dma_semaphore, #tpu.memory_space<semaphore_mem>>) src(%arg12 : memref<40x128xf32, #tpu.memory_space<vmem>>) dst(%dma_wait3A_278 : memref<10248x128xf32, #tpu.memory_space<vmem_shared>>)
      } else {
      }
      %add3A_221 = arith.constant 3 : i32
      %add3A_222 = arith.addi %add3A_201, %add3A_221 : i32
      %lt3A_223 = arith.constant 125 : i32
      %lt3A_224 = arith.cmpi slt, %add3A_222, %lt3A_223 : i32
      %convert_element_type3A_225 = arith.extui %lt3A_224 : i1 to i32
      %cond3A_226 = arith.constant 0 : i32
      %cond3A_227 = arith.cmpi ne, %convert_element_type3A_225, %cond3A_226 : i32
      scf.if %cond3A_227 {
        %add3A_272 = arith.constant 3 : i32
        %add3A_273 = arith.addi %add3A_201, %add3A_272 : i32
        %add3A_274 = arith.addi %mul3A_0, %add3A_273 : i32
        %dma_start3A_275 = arith.constant 0 : i32
        %dma_start3A_276 = arith.constant 0 : i32
        %dma_start3A_277 = tpu.memref_slice %arg3[%arg0, %add3A_274, %dma_start3A_275, %dma_start3A_276] : memref<2x2000x2x40xi32, #tpu.memory_space<hbm>> -> memref<1x1x2x40xi32, #tpu.memory_space<hbm>>
        %dma_start3A_278 = tpu.memref_squeeze %dma_start3A_277 : memref<1x1x2x40xi32, #tpu.memory_space<hbm>> -> memref<2x40xi32, #tpu.memory_space<hbm>>
        %dma_start3A_279 = arith.constant 0 : i32
        %dma_start3A_280 = arith.constant 0 : i32
        %dma_start3A_281 = tpu.memref_slice %arg3[%arg0, %add3A_274, %dma_start3A_279, %dma_start3A_280] : memref<2x2000x2x40xi32, #tpu.memory_space<hbm>> -> memref<1x1x2x40xi32, #tpu.memory_space<hbm>>
        %dma_start3A_282 = tpu.memref_squeeze %dma_start3A_281 : memref<1x1x2x40xi32, #tpu.memory_space<hbm>> -> memref<2x40xi32, #tpu.memory_space<hbm>>
        tpu.enqueue_dma source(%dma_start3A_282 : memref<2x40xi32, #tpu.memory_space<hbm>>) target(%arg7 : memref<2x40xi32, #tpu.memory_space<vmem>>) target_semaphore(%arg18 : memref<!tpu.dma_semaphore, #tpu.memory_space<semaphore_mem>>)
      } else {
      }
      %add3A_228 = arith.constant 2 : i32
      %add3A_229 = arith.addi %add3A_201, %add3A_228 : i32
      %lt3A_230 = arith.constant 125 : i32
      %lt3A_231 = arith.cmpi slt, %add3A_229, %lt3A_230 : i32
      %convert_element_type3A_232 = arith.extui %lt3A_231 : i1 to i32
      %cond3A_233 = arith.constant 0 : i32
      %cond3A_234 = arith.cmpi ne, %convert_element_type3A_232, %cond3A_233 : i32
      scf.if %cond3A_234 {
        %add3A_272 = arith.constant 2 : i32
        %add3A_273 = arith.addi %add3A_201, %add3A_272 : i32
        %add3A_274 = arith.addi %mul3A_0, %add3A_273 : i32
        %dma_wait3A_275 = arith.constant 0 : i32
        %dma_wait3A_276 = arith.constant 0 : i32
        %dma_wait3A_277 = tpu.memref_slice %arg3[%arg0, %add3A_274, %dma_wait3A_275, %dma_wait3A_276] : memref<2x2000x2x40xi32, #tpu.memory_space<hbm>> -> memref<1x1x2x40xi32, #tpu.memory_space<hbm>>
        %dma_wait3A_278 = tpu.memref_squeeze %dma_wait3A_277 : memref<1x1x2x40xi32, #tpu.memory_space<hbm>> -> memref<2x40xi32, #tpu.memory_space<hbm>>
        %dma_wait3A_279 = arith.constant 0 : i32
        %dma_wait3A_280 = arith.constant 0 : i32
        %dma_wait3A_281 = tpu.memref_slice %arg3[%arg0, %add3A_274, %dma_wait3A_279, %dma_wait3A_280] : memref<2x2000x2x40xi32, #tpu.memory_space<hbm>> -> memref<1x1x2x40xi32, #tpu.memory_space<hbm>>
        %dma_wait3A_282 = tpu.memref_squeeze %dma_wait3A_281 : memref<1x1x2x40xi32, #tpu.memory_space<hbm>> -> memref<2x40xi32, #tpu.memory_space<hbm>>
        tpu.wait_dma2 semaphore(%arg17 : memref<!tpu.dma_semaphore, #tpu.memory_space<semaphore_mem>>) src(%dma_wait3A_282 : memref<2x40xi32, #tpu.memory_space<hbm>>) dst(%arg6 : memref<2x40xi32, #tpu.memory_space<vmem>>)
        %dma_start3A_283 = arith.constant 0 : i32
        %dma_start3A_284 = arith.constant 0 : i32
        %dma_start3A_285 = tpu.memref_slice %arg6[%dma_start3A_283, %dma_start3A_284] : memref<2x40xi32, #tpu.memory_space<vmem>> -> memref<1x40xi32, #tpu.memory_space<vmem>>
        %dma_start3A_286 = tpu.memref_squeeze %dma_start3A_285 : memref<1x40xi32, #tpu.memory_space<vmem>> -> memref<40xi32, #tpu.memory_space<vmem>>
        %dma_start3A_287 = arith.constant 0 : i32
        %dma_start3A_288 = arith.constant 0 : i32
        %dma_start3A_289 = tpu.memref_slice %arg2[%dma_start3A_287, %dma_start3A_288] : memref<10240x128xf32, #tpu.memory_space<hbm>> -> memref<10240x128xf32, #tpu.memory_space<hbm>>
        tpu.enqueue_indirect_dma source(%dma_start3A_289 : memref<10240x128xf32, #tpu.memory_space<hbm>>) target(%arg11 : memref<40x128xf32, #tpu.memory_space<vmem>>) offsets(%dma_start3A_286 : memref<40xi32, #tpu.memory_space<vmem>>) semaphore(%arg22 : memref<!tpu.dma_semaphore, #tpu.memory_space<semaphore_mem>>)
      } else {
      }
      %mul3A_235 = arith.constant 5 : i32
      %mul3A_236 = arith.muli %mul3A_235, %scan3A_90 : i32
      %add3A_237 = arith.constant 4 : i32
      %add3A_238 = arith.addi %mul3A_236, %add3A_237 : i32
      %dma_wait3A_239 = arith.constant 0 : i32
      %dma_wait3A_240 = arith.constant 0 : i32
      %dma_wait3A_241 = tpu.memref_slice %arg10[%dma_wait3A_239, %dma_wait3A_240] : memref<2x40xi32, #tpu.memory_space<vmem>> -> memref<1x40xi32, #tpu.memory_space<vmem>>
      %dma_wait3A_242 = tpu.memref_squeeze %dma_wait3A_241 : memref<1x40xi32, #tpu.memory_space<vmem>> -> memref<40xi32, #tpu.memory_space<vmem>>
      %dma_wait3A_243 = arith.constant 0 : i32
      %dma_wait3A_244 = arith.constant 0 : i32
      %dma_wait3A_245 = tpu.memref_slice %arg2[%dma_wait3A_243, %dma_wait3A_244] : memref<10240x128xf32, #tpu.memory_space<hbm>> -> memref<10240x128xf32, #tpu.memory_space<hbm>>
      tpu.wait_indirect_dma semaphore(%arg26 : memref<!tpu.dma_semaphore, #tpu.memory_space<semaphore_mem>>) src(%dma_wait3A_245 : memref<10240x128xf32, #tpu.memory_space<hbm>>) dst(%arg15 : memref<40x128xf32, #tpu.memory_space<vmem>>)
      %dma_start3A_246 = arith.constant 1 : i32
      %dma_start3A_247 = arith.constant 0 : i32
      %dma_start3A_248 = tpu.memref_slice %arg10[%dma_start3A_246, %dma_start3A_247] : memref<2x40xi32, #tpu.memory_space<vmem>> -> memref<1x40xi32, #tpu.memory_space<vmem>>
      %dma_start3A_249 = tpu.memref_squeeze %dma_start3A_248 : memref<1x40xi32, #tpu.memory_space<vmem>> -> memref<40xi32, #tpu.memory_space<vmem>>
      %dma_start3A_250 = arith.constant 0 : i32
      %dma_start3A_251 = arith.constant 0 : i32
      %dma_start3A_252 = tpu.memref_slice %arg16[%dma_start3A_250, %dma_start3A_251] : memref<10248x128xf32, #tpu.memory_space<vmem_shared>> -> memref<10248x128xf32, #tpu.memory_space<vmem_shared>>
      tpu.enqueue_indirect_dma source(%arg15 : memref<40x128xf32, #tpu.memory_space<vmem>>) target(%dma_start3A_252 : memref<10248x128xf32, #tpu.memory_space<vmem_shared>>) offsets(%dma_start3A_249 : memref<40xi32, #tpu.memory_space<vmem>>) semaphore(%arg31 : memref<!tpu.dma_semaphore, #tpu.memory_space<semaphore_mem>>) {add = true}
      %ge3A_253 = arith.constant 2 : i32
      %ge3A_254 = arith.cmpi sge, %add3A_238, %ge3A_253 : i32
      %convert_element_type3A_255 = arith.extui %ge3A_254 : i1 to i32
      %cond3A_256 = arith.constant 0 : i32
      %cond3A_257 = arith.cmpi ne, %convert_element_type3A_255, %cond3A_256 : i32
      scf.if %cond3A_257 {
        %dma_wait3A_272 = arith.constant 1 : i32
        %dma_wait3A_273 = arith.constant 0 : i32
        %dma_wait3A_274 = tpu.memref_slice %arg8[%dma_wait3A_272, %dma_wait3A_273] : memref<2x40xi32, #tpu.memory_space<vmem>> -> memref<1x40xi32, #tpu.memory_space<vmem>>
        %dma_wait3A_275 = tpu.memref_squeeze %dma_wait3A_274 : memref<1x40xi32, #tpu.memory_space<vmem>> -> memref<40xi32, #tpu.memory_space<vmem>>
        %dma_wait3A_276 = arith.constant 0 : i32
        %dma_wait3A_277 = arith.constant 0 : i32
        %dma_wait3A_278 = tpu.memref_slice %arg16[%dma_wait3A_276, %dma_wait3A_277] : memref<10248x128xf32, #tpu.memory_space<vmem_shared>> -> memref<10248x128xf32, #tpu.memory_space<vmem_shared>>
        tpu.wait_indirect_dma semaphore(%arg29 : memref<!tpu.dma_semaphore, #tpu.memory_space<semaphore_mem>>) src(%arg13 : memref<40x128xf32, #tpu.memory_space<vmem>>) dst(%dma_wait3A_278 : memref<10248x128xf32, #tpu.memory_space<vmem_shared>>)
      } else {
      }
      %add3A_258 = arith.constant 3 : i32
      %add3A_259 = arith.addi %add3A_238, %add3A_258 : i32
      %lt3A_260 = arith.constant 125 : i32
      %lt3A_261 = arith.cmpi slt, %add3A_259, %lt3A_260 : i32
      %convert_element_type3A_262 = arith.extui %lt3A_261 : i1 to i32
      %cond3A_263 = arith.constant 0 : i32
      %cond3A_264 = arith.cmpi ne, %convert_element_type3A_262, %cond3A_263 : i32
      scf.if %cond3A_264 {
        %add3A_272 = arith.constant 3 : i32
        %add3A_273 = arith.addi %add3A_238, %add3A_272 : i32
        %add3A_274 = arith.addi %mul3A_0, %add3A_273 : i32
        %dma_start3A_275 = arith.constant 0 : i32
        %dma_start3A_276 = arith.constant 0 : i32
        %dma_start3A_277 = tpu.memref_slice %arg3[%arg0, %add3A_274, %dma_start3A_275, %dma_start3A_276] : memref<2x2000x2x40xi32, #tpu.memory_space<hbm>> -> memref<1x1x2x40xi32, #tpu.memory_space<hbm>>
        %dma_start3A_278 = tpu.memref_squeeze %dma_start3A_277 : memref<1x1x2x40xi32, #tpu.memory_space<hbm>> -> memref<2x40xi32, #tpu.memory_space<hbm>>
        %dma_start3A_279 = arith.constant 0 : i32
        %dma_start3A_280 = arith.constant 0 : i32
        %dma_start3A_281 = tpu.memref_slice %arg3[%arg0, %add3A_274, %dma_start3A_279, %dma_start3A_280] : memref<2x2000x2x40xi32, #tpu.memory_space<hbm>> -> memref<1x1x2x40xi32, #tpu.memory_space<hbm>>
        %dma_start3A_282 = tpu.memref_squeeze %dma_start3A_281 : memref<1x1x2x40xi32, #tpu.memory_space<hbm>> -> memref<2x40xi32, #tpu.memory_space<hbm>>
        tpu.enqueue_dma source(%dma_start3A_282 : memref<2x40xi32, #tpu.memory_space<hbm>>) target(%arg8 : memref<2x40xi32, #tpu.memory_space<vmem>>) target_semaphore(%arg19 : memref<!tpu.dma_semaphore, #tpu.memory_space<semaphore_mem>>)
      } else {
      }
      %add3A_265 = arith.constant 2 : i32
      %add3A_266 = arith.addi %add3A_238, %add3A_265 : i32
      %lt3A_267 = arith.constant 125 : i32
      %lt3A_268 = arith.cmpi slt, %add3A_266, %lt3A_267 : i32
      %convert_element_type3A_269 = arith.extui %lt3A_268 : i1 to i32
      %cond3A_270 = arith.constant 0 : i32
      %cond3A_271 = arith.cmpi ne, %convert_element_type3A_269, %cond3A_270 : i32
      scf.if %cond3A_271 {
        %add3A_272 = arith.constant 2 : i32
        %add3A_273 = arith.addi %add3A_238, %add3A_272 : i32
        %add3A_274 = arith.addi %mul3A_0, %add3A_273 : i32
        %dma_wait3A_275 = arith.constant 0 : i32
        %dma_wait3A_276 = arith.constant 0 : i32
        %dma_wait3A_277 = tpu.memref_slice %arg3[%arg0, %add3A_274, %dma_wait3A_275, %dma_wait3A_276] : memref<2x2000x2x40xi32, #tpu.memory_space<hbm>> -> memref<1x1x2x40xi32, #tpu.memory_space<hbm>>
        %dma_wait3A_278 = tpu.memref_squeeze %dma_wait3A_277 : memref<1x1x2x40xi32, #tpu.memory_space<hbm>> -> memref<2x40xi32, #tpu.memory_space<hbm>>
        %dma_wait3A_279 = arith.constant 0 : i32
        %dma_wait3A_280 = arith.constant 0 : i32
        %dma_wait3A_281 = tpu.memref_slice %arg3[%arg0, %add3A_274, %dma_wait3A_279, %dma_wait3A_280] : memref<2x2000x2x40xi32, #tpu.memory_space<hbm>> -> memref<1x1x2x40xi32, #tpu.memory_space<hbm>>
        %dma_wait3A_282 = tpu.memref_squeeze %dma_wait3A_281 : memref<1x1x2x40xi32, #tpu.memory_space<hbm>> -> memref<2x40xi32, #tpu.memory_space<hbm>>
        tpu.wait_dma2 semaphore(%arg18 : memref<!tpu.dma_semaphore, #tpu.memory_space<semaphore_mem>>) src(%dma_wait3A_282 : memref<2x40xi32, #tpu.memory_space<hbm>>) dst(%arg7 : memref<2x40xi32, #tpu.memory_space<vmem>>)
        %dma_start3A_283 = arith.constant 0 : i32
        %dma_start3A_284 = arith.constant 0 : i32
        %dma_start3A_285 = tpu.memref_slice %arg7[%dma_start3A_283, %dma_start3A_284] : memref<2x40xi32, #tpu.memory_space<vmem>> -> memref<1x40xi32, #tpu.memory_space<vmem>>
        %dma_start3A_286 = tpu.memref_squeeze %dma_start3A_285 : memref<1x40xi32, #tpu.memory_space<vmem>> -> memref<40xi32, #tpu.memory_space<vmem>>
        %dma_start3A_287 = arith.constant 0 : i32
        %dma_start3A_288 = arith.constant 0 : i32
        %dma_start3A_289 = tpu.memref_slice %arg2[%dma_start3A_287, %dma_start3A_288] : memref<10240x128xf32, #tpu.memory_space<hbm>> -> memref<10240x128xf32, #tpu.memory_space<hbm>>
        tpu.enqueue_indirect_dma source(%dma_start3A_289 : memref<10240x128xf32, #tpu.memory_space<hbm>>) target(%arg12 : memref<40x128xf32, #tpu.memory_space<vmem>>) offsets(%dma_start3A_286 : memref<40xi32, #tpu.memory_space<vmem>>) semaphore(%arg23 : memref<!tpu.dma_semaphore, #tpu.memory_space<semaphore_mem>>)
      } else {
      }
    }
    %scan3A_70 = arith.constant 25 : i32
    %dma_wait3A_71 = arith.constant 1 : i32
    %dma_wait3A_72 = arith.constant 0 : i32
    %dma_wait3A_73 = tpu.memref_slice %arg9[%dma_wait3A_71, %dma_wait3A_72] : memref<2x40xi32, #tpu.memory_space<vmem>> -> memref<1x40xi32, #tpu.memory_space<vmem>>
    %dma_wait3A_74 = tpu.memref_squeeze %dma_wait3A_73 : memref<1x40xi32, #tpu.memory_space<vmem>> -> memref<40xi32, #tpu.memory_space<vmem>>
    %dma_wait3A_75 = arith.constant 0 : i32
    %dma_wait3A_76 = arith.constant 0 : i32
    %dma_wait3A_77 = tpu.memref_slice %arg16[%dma_wait3A_75, %dma_wait3A_76] : memref<10248x128xf32, #tpu.memory_space<vmem_shared>> -> memref<10248x128xf32, #tpu.memory_space<vmem_shared>>
    tpu.wait_indirect_dma semaphore(%arg30 : memref<!tpu.dma_semaphore, #tpu.memory_space<semaphore_mem>>) src(%arg14 : memref<40x128xf32, #tpu.memory_space<vmem>>) dst(%dma_wait3A_77 : memref<10248x128xf32, #tpu.memory_space<vmem_shared>>)
    %dma_wait3A_78 = arith.constant 1 : i32
    %dma_wait3A_79 = arith.constant 0 : i32
    %dma_wait3A_80 = tpu.memref_slice %arg10[%dma_wait3A_78, %dma_wait3A_79] : memref<2x40xi32, #tpu.memory_space<vmem>> -> memref<1x40xi32, #tpu.memory_space<vmem>>
    %dma_wait3A_81 = tpu.memref_squeeze %dma_wait3A_80 : memref<1x40xi32, #tpu.memory_space<vmem>> -> memref<40xi32, #tpu.memory_space<vmem>>
    %dma_wait3A_82 = arith.constant 0 : i32
    %dma_wait3A_83 = arith.constant 0 : i32
    %dma_wait3A_84 = tpu.memref_slice %arg16[%dma_wait3A_82, %dma_wait3A_83] : memref<10248x128xf32, #tpu.memory_space<vmem_shared>> -> memref<10248x128xf32, #tpu.memory_space<vmem_shared>>
    tpu.wait_indirect_dma semaphore(%arg31 : memref<!tpu.dma_semaphore, #tpu.memory_space<semaphore_mem>>) src(%arg15 : memref<40x128xf32, #tpu.memory_space<vmem>>) dst(%dma_wait3A_84 : memref<10248x128xf32, #tpu.memory_space<vmem_shared>>)
    %barrier3A_85 = arith.constant 0 : index
    tpu.barrier barrier_id(%barrier3A_85)
    %mul3A_86 = arith.constant 640 : i32
    %mul3A_87 = arith.muli %arg1, %mul3A_86 : i32
    %mul3A_88 = arith.constant 640 : i32
    %mul3A_89 = arith.muli %arg1, %mul3A_88 : i32
    "tpu.region"() ({
      %run_scoped3A = tpu.sem_alloc : memref<!tpu.dma_semaphore, #tpu.memory_space<semaphore_mem>>
      %dma_start3A_90 = arith.constant 0 : i32
      %dma_start3A_91 = tpu.memref_slice %arg5[%arg0, %mul3A_89, %dma_start3A_90] : memref<2x10240x128xf32, #tpu.memory_space<hbm>> -> memref<1x640x128xf32, #tpu.memory_space<hbm>>
      %dma_start3A_92 = tpu.memref_squeeze %dma_start3A_91 : memref<1x640x128xf32, #tpu.memory_space<hbm>> -> memref<640x128xf32, #tpu.memory_space<hbm>>
      %dma_start3A_93 = arith.constant 0 : i32
      %dma_start3A_94 = tpu.memref_slice %arg16[%mul3A_87, %dma_start3A_93] : memref<10248x128xf32, #tpu.memory_space<vmem_shared>> -> memref<640x128xf32, #tpu.memory_space<vmem_shared>>
      tpu.enqueue_dma source(%dma_start3A_94 : memref<640x128xf32, #tpu.memory_space<vmem_shared>>) target(%dma_start3A_92 : memref<640x128xf32, #tpu.memory_space<hbm>>) target_semaphore(%run_scoped3A : memref<!tpu.dma_semaphore, #tpu.memory_space<semaphore_mem>>)
      %dma_wait3A_95 = arith.constant 0 : i32
      %dma_wait3A_96 = tpu.memref_slice %arg5[%arg0, %mul3A_89, %dma_wait3A_95] : memref<2x10240x128xf32, #tpu.memory_space<hbm>> -> memref<1x640x128xf32, #tpu.memory_space<hbm>>
      %dma_wait3A_97 = tpu.memref_squeeze %dma_wait3A_96 : memref<1x640x128xf32, #tpu.memory_space<hbm>> -> memref<640x128xf32, #tpu.memory_space<hbm>>
      %dma_wait3A_98 = arith.constant 0 : i32
      %dma_wait3A_99 = tpu.memref_slice %arg16[%mul3A_87, %dma_wait3A_98] : memref<10248x128xf32, #tpu.memory_space<vmem_shared>> -> memref<640x128xf32, #tpu.memory_space<vmem_shared>>
      tpu.wait_dma2 semaphore(%run_scoped3A : memref<!tpu.dma_semaphore, #tpu.memory_space<semaphore_mem>>) src(%dma_wait3A_99 : memref<640x128xf32, #tpu.memory_space<vmem_shared>>) dst(%dma_wait3A_97 : memref<640x128xf32, #tpu.memory_space<hbm>>)
      tpu.yield
    }) : () -> ()
    return
  }
}

module attributes {stable_mosaic.version = 14 : i64} {
  func.func @k(%arg0: i32, %arg1: memref<512x256xf32, #tpu.memory_space<vmem>>, %arg2: memref<256x256xf32, #tpu.memory_space<vmem>>, %arg3: memref<2x512x1xf32, #tpu.memory_space<vmem>>, %arg4: memref<2x512x128xf32, #tpu.memory_space<vmem>>) attributes {dimension_semantics = [#tpu.dimension_semantics<arbitrary>], iteration_bounds = array<i64: 20>, scalar_prefetch = 0 : i64, scratch_operands = 0 : i64, tpu.core_type = #tpu.core_type<tc>, window_params = [{transform_indices = @transform_0, window_bounds = array<i64: 512, 256>}, {pipeline_mode = #tpu.pipeline_mode<synchronous>, transform_indices = @transform_1, window_bounds = array<i64: 256, 256>}, {transform_indices = @transform_2, window_bounds = array<i64: 2, 512, 1>}, {transform_indices = @transform_3, window_bounds = array<i64: 2, 512, 128>}]} {
    %get3A = arith.constant 0 : index
    %get3A_0 = arith.constant 0 : index
    %get3A_1 = arith.constant 0 : index
    %get3A_2 = vector.load %arg3[%get3A, %get3A_0, %get3A_1] : memref<2x512x1xf32, #tpu.memory_space<vmem>>, vector<2x512x1xf32>
    %slice3A = vector.extract_strided_slice %get3A_2 {offsets = [0, 0, 0], sizes = [1, 512, 1], strides = [1, 1, 1]} : vector<2x512x1xf32> to vector<1x512x1xf32>
    %squeeze3A = vector.shape_cast %slice3A : vector<1x512x1xf32> to vector<512x1xf32>
    %slice3A_3 = vector.extract_strided_slice %get3A_2 {offsets = [1, 0, 0], sizes = [1, 512, 1], strides = [1, 1, 1]} : vector<2x512x1xf32> to vector<1x512x1xf32>
    %squeeze3A_4 = vector.shape_cast %slice3A_3 : vector<1x512x1xf32> to vector<512x1xf32>
    %add3A = arith.addf %squeeze3A, %squeeze3A_4 : vector<512x1xf32>
    %mul3A = arith.constant 512 : i32
    %mul3A_5 = arith.muli %arg0, %mul3A : i32
    %iota3A = tpu.iota {dimensions = array<i32: 0>} : vector<512x1xi32>
    %add3A_6 = vector.broadcast %mul3A_5 : i32 to vector<512x1xi32>
    %add3A_7 = arith.addi %add3A_6, %iota3A : vector<512x1xi32>
    %lt3A = arith.constant 10000 : i32
    %lt3A_8 = vector.broadcast %lt3A : i32 to vector<512x1xi32>
    %lt3A_9 = arith.cmpi slt, %add3A_7, %lt3A_8 : vector<512x1xi32>
    %add3A_10 = arith.constant 1.000000e+00 : f32
    %add3A_11 = vector.broadcast %add3A_10 : f32 to vector<512x1xf32>
    %add3A_12 = arith.addf %add3A, %add3A_11 : vector<512x1xf32>
    %rsqrt3A = math.rsqrt %add3A_12 : vector<512x1xf32>
    %jit3A = arith.constant 0.000000e+00 : f32
    %broadcast_in_dim3A = vector.broadcast %jit3A : f32 to vector<512x1xf32>
    %select_n3A = arith.select %lt3A_9, %rsqrt3A, %broadcast_in_dim3A : vector<512x1xi1>, vector<512x1xf32>
    %get3A_13 = arith.constant 0 : index
    %get3A_14 = arith.constant 0 : index
    %get3A_15 = vector.load %arg1[%get3A_13, %get3A_14] : memref<512x256xf32, #tpu.memory_space<vmem>>, vector<512x256xf32>
    %get3A_16 = arith.constant 0 : index
    %get3A_17 = arith.constant 0 : index
    %get3A_18 = vector.load %arg2[%get3A_16, %get3A_17] : memref<256x256xf32, #tpu.memory_space<vmem>>, vector<256x256xf32>
    %dot_general3A = arith.constant dense<0.000000e+00> : vector<512x256xf32>
    %dot_general3A_19 = tpu.matmul %get3A_15, %get3A_18, %dot_general3A {dimension_numbers = #tpu.dot_dimension_numbers<[1], [1], [0], [0], [0, 0, 1, 0], [], []>, transpose_lhs_hint = false} : vector<512x256xf32>, vector<256x256xf32>, vector<512x256xf32> -> vector<512x256xf32>
    %mul3A_20 = vector.broadcast %select_n3A : vector<512x1xf32> to vector<512x256xf32>
    %mul3A_21 = arith.mulf %mul3A_20, %dot_general3A_19 : vector<512x256xf32>
    %slice3A_22 = vector.extract_strided_slice %mul3A_21 {offsets = [0, 0], sizes = [512, 128], strides = [1, 1]} : vector<512x256xf32> to vector<512x128xf32>
    %swap3A = arith.constant 0 : index
    %swap3A_23 = arith.constant 0 : index
    %swap3A_24 = arith.constant 0 : index
    %swap3A_25 = vector.load %arg4[%swap3A, %swap3A_23, %swap3A_24] : memref<2x512x128xf32, #tpu.memory_space<vmem>>, vector<1x512x128xf32>
    %swap3A_26 = vector.shape_cast %swap3A_25 : vector<1x512x128xf32> to vector<512x128xf32>
    %swap3A_27 = vector.shape_cast %slice3A_22 : vector<512x128xf32> to vector<1x512x128xf32>
    tpu.vector_store %arg4[%swap3A, %swap3A_23, %swap3A_24], %swap3A_27 {strides = array<i32>} : memref<2x512x128xf32, #tpu.memory_space<vmem>>, vector<1x512x128xf32>,
    %slice3A_28 = vector.extract_strided_slice %mul3A_21 {offsets = [0, 128], sizes = [512, 128], strides = [1, 1]} : vector<512x256xf32> to vector<512x128xf32>
    %swap3A_29 = arith.constant 1 : index
    %swap3A_30 = arith.constant 0 : index
    %swap3A_31 = arith.constant 0 : index
    %swap3A_32 = vector.load %arg4[%swap3A_29, %swap3A_30, %swap3A_31] : memref<2x512x128xf32, #tpu.memory_space<vmem>>, vector<1x512x128xf32>
    %swap3A_33 = vector.shape_cast %swap3A_32 : vector<1x512x128xf32> to vector<512x128xf32>
    %swap3A_34 = vector.shape_cast %slice3A_28 : vector<512x128xf32> to vector<1x512x128xf32>
    tpu.vector_store %arg4[%swap3A_29, %swap3A_30, %swap3A_31], %swap3A_34 {strides = array<i32>} : memref<2x512x128xf32, #tpu.memory_space<vmem>>, vector<1x512x128xf32>,
    return
  }
  func.func @transform_0(%arg0: i32) -> (i32, i32) {
    %c0_i32 = arith.constant 0 : i32
    %c0_i32_0 = arith.constant 0 : i32
    return %arg0, %c0_i32 : i32, i32
  }
  func.func @transform_1(%arg0: i32) -> (i32, i32) {
    %c0_i32 = arith.constant 0 : i32
    %c0_i32_0 = arith.constant 0 : i32
    %c0_i32_1 = arith.constant 0 : i32
    return %c0_i32, %c0_i32_0 : i32, i32
  }
  func.func @transform_2(%arg0: i32) -> (i32, i32, i32) {
    %c0_i32 = arith.constant 0 : i32
    %c0_i32_0 = arith.constant 0 : i32
    %c0_i32_1 = arith.constant 0 : i32
    return %c0_i32, %arg0, %c0_i32_0 : i32, i32, i32
  }
  func.func @transform_3(%arg0: i32) -> (i32, i32, i32) {
    %c0_i32 = arith.constant 0 : i32
    %c0_i32_0 = arith.constant 0 : i32
    %c0_i32_1 = arith.constant 0 : i32
    return %c0_i32, %arg0, %c0_i32_0 : i32, i32, i32
  }
}

module attributes {stable_mosaic.version = 14 : i64} {
  func.func @k(%arg0: i32, %arg1: memref<2x512x128xf32, #tpu.memory_space<vmem>>, %arg2: memref<2x512x128xf32, #tpu.memory_space<vmem>>, %arg3: memref<2x128xf32, #tpu.memory_space<vmem>>, %arg4: memref<256x256xf32, #tpu.memory_space<vmem>>, %arg5: memref<2x512x1xf32, #tpu.memory_space<vmem>>, %arg6: memref<2x512x128xf32, #tpu.memory_space<vmem>>) attributes {dimension_semantics = [#tpu.dimension_semantics<arbitrary>], iteration_bounds = array<i64: 20>, scalar_prefetch = 0 : i64, scratch_operands = 0 : i64, tpu.core_type = #tpu.core_type<tc>, window_params = [{transform_indices = @transform_0, window_bounds = array<i64: 2, 512, 128>}, {transform_indices = @transform_1, window_bounds = array<i64: 2, 512, 128>}, {pipeline_mode = #tpu.pipeline_mode<synchronous>, transform_indices = @transform_2, window_bounds = array<i64: 2, 128>}, {pipeline_mode = #tpu.pipeline_mode<synchronous>, transform_indices = @transform_3, window_bounds = array<i64: 256, 256>}, {transform_indices = @transform_4, window_bounds = array<i64: 2, 512, 1>}, {transform_indices = @transform_5, window_bounds = array<i64: 2, 512, 128>}]} {
    %get3A = arith.constant 0 : index
    %get3A_0 = arith.constant 0 : index
    %get3A_1 = arith.constant 0 : index
    %get3A_2 = vector.load %arg5[%get3A, %get3A_0, %get3A_1] : memref<2x512x1xf32, #tpu.memory_space<vmem>>, vector<2x512x1xf32>
    %slice3A = vector.extract_strided_slice %get3A_2 {offsets = [0, 0, 0], sizes = [1, 512, 1], strides = [1, 1, 1]} : vector<2x512x1xf32> to vector<1x512x1xf32>
    %squeeze3A = vector.shape_cast %slice3A : vector<1x512x1xf32> to vector<512x1xf32>
    %slice3A_3 = vector.extract_strided_slice %get3A_2 {offsets = [1, 0, 0], sizes = [1, 512, 1], strides = [1, 1, 1]} : vector<2x512x1xf32> to vector<1x512x1xf32>
    %squeeze3A_4 = vector.shape_cast %slice3A_3 : vector<1x512x1xf32> to vector<512x1xf32>
    %add3A = arith.addf %squeeze3A, %squeeze3A_4 : vector<512x1xf32>
    %mul3A = arith.constant 512 : i32
    %mul3A_5 = arith.muli %arg0, %mul3A : i32
    %iota3A = tpu.iota {dimensions = array<i32: 0>} : vector<512x1xi32>
    %add3A_6 = vector.broadcast %mul3A_5 : i32 to vector<512x1xi32>
    %add3A_7 = arith.addi %add3A_6, %iota3A : vector<512x1xi32>
    %lt3A = arith.constant 10000 : i32
    %lt3A_8 = vector.broadcast %lt3A : i32 to vector<512x1xi32>
    %lt3A_9 = arith.cmpi slt, %add3A_7, %lt3A_8 : vector<512x1xi32>
    %add3A_10 = arith.constant 1.000000e+00 : f32
    %add3A_11 = vector.broadcast %add3A_10 : f32 to vector<512x1xf32>
    %add3A_12 = arith.addf %add3A, %add3A_11 : vector<512x1xf32>
    %rsqrt3A = math.rsqrt %add3A_12 : vector<512x1xf32>
    %jit3A = arith.constant 0.000000e+00 : f32
    %broadcast_in_dim3A = vector.broadcast %jit3A : f32 to vector<512x1xf32>
    %select_n3A = arith.select %lt3A_9, %rsqrt3A, %broadcast_in_dim3A : vector<512x1xi1>, vector<512x1xf32>
    %get3A_13 = arith.constant 0 : index
    %get3A_14 = arith.constant 0 : index
    %get3A_15 = arith.constant 0 : index
    %get3A_16 = vector.load %arg1[%get3A_13, %get3A_14, %get3A_15] : memref<2x512x128xf32, #tpu.memory_space<vmem>>, vector<2x512x128xf32>
    %get3A_17 = arith.constant 0 : index
    %get3A_18 = arith.constant 0 : index
    %get3A_19 = arith.constant 0 : index
    %get3A_20 = vector.load %arg2[%get3A_17, %get3A_18, %get3A_19] : memref<2x512x128xf32, #tpu.memory_space<vmem>>, vector<2x512x128xf32>
    %get3A_21 = arith.constant 0 : index
    %get3A_22 = arith.constant 0 : index
    %get3A_23 = vector.load %arg3[%get3A_21, %get3A_22] : memref<2x128xf32, #tpu.memory_space<vmem>>, vector<2x128xf32>
    %slice3A_24 = vector.extract_strided_slice %get3A_16 {offsets = [0, 0, 0], sizes = [1, 512, 128], strides = [1, 1, 1]} : vector<2x512x128xf32> to vector<1x512x128xf32>
    %squeeze3A_25 = vector.shape_cast %slice3A_24 : vector<1x512x128xf32> to vector<512x128xf32>
    %slice3A_26 = vector.extract_strided_slice %get3A_20 {offsets = [0, 0, 0], sizes = [1, 512, 128], strides = [1, 1, 1]} : vector<2x512x128xf32> to vector<1x512x128xf32>
    %squeeze3A_27 = vector.shape_cast %slice3A_26 : vector<1x512x128xf32> to vector<512x128xf32>
    %add3A_28 = arith.addf %squeeze3A_25, %squeeze3A_27 : vector<512x128xf32>
    %mul3A_29 = vector.broadcast %select_n3A : vector<512x1xf32> to vector<512x128xf32>
    %mul3A_30 = arith.mulf %mul3A_29, %add3A_28 : vector<512x128xf32>
    %slice3A_31 = vector.extract_strided_slice %get3A_23 {offsets = [0, 0], sizes = [1, 128], strides = [1, 1]} : vector<2x128xf32> to vector<1x128xf32>
    %squeeze3A_32 = vector.shape_cast %slice3A_31 : vector<1x128xf32> to vector<128xf32>
    %broadcast_in_dim3A_33 = vector.shape_cast %squeeze3A_32 : vector<128xf32> to vector<1x128xf32>
    %add3A_34 = vector.broadcast %broadcast_in_dim3A_33 : vector<1x128xf32> to vector<512x128xf32>
    %add3A_35 = arith.addf %mul3A_30, %add3A_34 : vector<512x128xf32>
    %slice3A_36 = vector.extract_strided_slice %get3A_16 {offsets = [1, 0, 0], sizes = [1, 512, 128], strides = [1, 1, 1]} : vector<2x512x128xf32> to vector<1x512x128xf32>
    %squeeze3A_37 = vector.shape_cast %slice3A_36 : vector<1x512x128xf32> to vector<512x128xf32>
    %slice3A_38 = vector.extract_strided_slice %get3A_20 {offsets = [1, 0, 0], sizes = [1, 512, 128], strides = [1, 1, 1]} : vector<2x512x128xf32> to vector<1x512x128xf32>
    %squeeze3A_39 = vector.shape_cast %slice3A_38 : vector<1x512x128xf32> to vector<512x128xf32>
    %add3A_40 = arith.addf %squeeze3A_37, %squeeze3A_39 : vector<512x128xf32>
    %mul3A_41 = vector.broadcast %select_n3A : vector<512x1xf32> to vector<512x128xf32>
    %mul3A_42 = arith.mulf %mul3A_41, %add3A_40 : vector<512x128xf32>
    %slice3A_43 = vector.extract_strided_slice %get3A_23 {offsets = [1, 0], sizes = [1, 128], strides = [1, 1]} : vector<2x128xf32> to vector<1x128xf32>
    %squeeze3A_44 = vector.shape_cast %slice3A_43 : vector<1x128xf32> to vector<128xf32>
    %broadcast_in_dim3A_45 = vector.shape_cast %squeeze3A_44 : vector<128xf32> to vector<1x128xf32>
    %add3A_46 = vector.broadcast %broadcast_in_dim3A_45 : vector<1x128xf32> to vector<512x128xf32>
    %add3A_47 = arith.addf %mul3A_42, %add3A_46 : vector<512x128xf32>
    %get3A_48 = arith.constant 0 : index
    %get3A_49 = arith.constant 0 : index
    %get3A_50 = vector.load %arg4[%get3A_48, %get3A_49] : memref<256x256xf32, #tpu.memory_space<vmem>>, vector<256x128xf32>
    %dot_general3A = arith.constant dense<0.000000e+00> : vector<512x256xf32>
    %dot_general3A_51 = tpu.matmul %add3A_35, %get3A_50, %dot_general3A {dimension_numbers = #tpu.dot_dimension_numbers<[1], [1], [0], [0], [0, 0, 1, 0], [], []>, transpose_lhs_hint = false} : vector<512x128xf32>, vector<256x128xf32>, vector<512x256xf32> -> vector<512x256xf32>
    %get3A_52 = arith.constant 0 : index
    %get3A_53 = arith.constant 128 : index
    %get3A_54 = vector.load %arg4[%get3A_52, %get3A_53] : memref<256x256xf32, #tpu.memory_space<vmem>>, vector<256x128xf32>
    %dot_general3A_55 = arith.constant dense<0.000000e+00> : vector<512x256xf32>
    %dot_general3A_56 = tpu.matmul %add3A_47, %get3A_54, %dot_general3A_55 {dimension_numbers = #tpu.dot_dimension_numbers<[1], [1], [0], [0], [0, 0, 1, 0], [], []>, transpose_lhs_hint = false} : vector<512x128xf32>, vector<256x128xf32>, vector<512x256xf32> -> vector<512x256xf32>
    %add3A_57 = arith.addf %dot_general3A_51, %dot_general3A_56 : vector<512x256xf32>
    %mul3A_58 = vector.broadcast %select_n3A : vector<512x1xf32> to vector<512x256xf32>
    %mul3A_59 = arith.mulf %mul3A_58, %add3A_57 : vector<512x256xf32>
    %slice3A_60 = vector.extract_strided_slice %mul3A_59 {offsets = [0, 0], sizes = [512, 128], strides = [1, 1]} : vector<512x256xf32> to vector<512x128xf32>
    %swap3A = arith.constant 0 : index
    %swap3A_61 = arith.constant 0 : index
    %swap3A_62 = arith.constant 0 : index
    %swap3A_63 = vector.load %arg6[%swap3A, %swap3A_61, %swap3A_62] : memref<2x512x128xf32, #tpu.memory_space<vmem>>, vector<1x512x128xf32>
    %swap3A_64 = vector.shape_cast %swap3A_63 : vector<1x512x128xf32> to vector<512x128xf32>
    %swap3A_65 = vector.shape_cast %slice3A_60 : vector<512x128xf32> to vector<1x512x128xf32>
    tpu.vector_store %arg6[%swap3A, %swap3A_61, %swap3A_62], %swap3A_65 {strides = array<i32>} : memref<2x512x128xf32, #tpu.memory_space<vmem>>, vector<1x512x128xf32>,
    %slice3A_66 = vector.extract_strided_slice %mul3A_59 {offsets = [0, 128], sizes = [512, 128], strides = [1, 1]} : vector<512x256xf32> to vector<512x128xf32>
    %swap3A_67 = arith.constant 1 : index
    %swap3A_68 = arith.constant 0 : index
    %swap3A_69 = arith.constant 0 : index
    %swap3A_70 = vector.load %arg6[%swap3A_67, %swap3A_68, %swap3A_69] : memref<2x512x128xf32, #tpu.memory_space<vmem>>, vector<1x512x128xf32>
    %swap3A_71 = vector.shape_cast %swap3A_70 : vector<1x512x128xf32> to vector<512x128xf32>
    %swap3A_72 = vector.shape_cast %slice3A_66 : vector<512x128xf32> to vector<1x512x128xf32>
    tpu.vector_store %arg6[%swap3A_67, %swap3A_68, %swap3A_69], %swap3A_72 {strides = array<i32>} : memref<2x512x128xf32, #tpu.memory_space<vmem>>, vector<1x512x128xf32>,
    return
  }
  func.func @transform_0(%arg0: i32) -> (i32, i32, i32) {
    %c0_i32 = arith.constant 0 : i32
    %c0_i32_0 = arith.constant 0 : i32
    %c0_i32_1 = arith.constant 0 : i32
    return %c0_i32, %arg0, %c0_i32_0 : i32, i32, i32
  }
  func.func @transform_1(%arg0: i32) -> (i32, i32, i32) {
    %c0_i32 = arith.constant 0 : i32
    %c0_i32_0 = arith.constant 0 : i32
    %c0_i32_1 = arith.constant 0 : i32
    return %c0_i32, %arg0, %c0_i32_0 : i32, i32, i32
  }
  func.func @transform_2(%arg0: i32) -> (i32, i32) {
    %c0_i32 = arith.constant 0 : i32
    %c0_i32_0 = arith.constant 0 : i32
    %c0_i32_1 = arith.constant 0 : i32
    return %c0_i32, %c0_i32_0 : i32, i32
  }
  func.func @transform_3(%arg0: i32) -> (i32, i32) {
    %c0_i32 = arith.constant 0 : i32
    %c0_i32_0 = arith.constant 0 : i32
    %c0_i32_1 = arith.constant 0 : i32
    return %c0_i32, %c0_i32_0 : i32, i32
  }
  func.func @transform_4(%arg0: i32) -> (i32, i32, i32) {
    %c0_i32 = arith.constant 0 : i32
    %c0_i32_0 = arith.constant 0 : i32
    %c0_i32_1 = arith.constant 0 : i32
    return %c0_i32, %arg0, %c0_i32_0 : i32, i32, i32
  }
  func.func @transform_5(%arg0: i32) -> (i32, i32, i32) {
    %c0_i32 = arith.constant 0 : i32
    %c0_i32_0 = arith.constant 0 : i32
    %c0_i32_1 = arith.constant 0 : i32
    return %c0_i32, %arg0, %c0_i32_0 : i32, i32, i32
  }
}

module attributes {stable_mosaic.version = 14 : i64} {
  func.func @k(%arg0: i32, %arg1: memref<2x512x128xf32, #tpu.memory_space<vmem>>, %arg2: memref<2x512x128xf32, #tpu.memory_space<vmem>>, %arg3: memref<2x128xf32, #tpu.memory_space<vmem>>, %arg4: memref<128x256xf32, #tpu.memory_space<vmem>>, %arg5: memref<2x512x1xf32, #tpu.memory_space<vmem>>, %arg6: memref<512x128xf32, #tpu.memory_space<vmem>>) attributes {dimension_semantics = [#tpu.dimension_semantics<arbitrary>], iteration_bounds = array<i64: 20>, scalar_prefetch = 0 : i64, scratch_operands = 0 : i64, tpu.core_type = #tpu.core_type<tc>, window_params = [{transform_indices = @transform_0, window_bounds = array<i64: 2, 512, 128>}, {transform_indices = @transform_1, window_bounds = array<i64: 2, 512, 128>}, {pipeline_mode = #tpu.pipeline_mode<synchronous>, transform_indices = @transform_2, window_bounds = array<i64: 2, 128>}, {pipeline_mode = #tpu.pipeline_mode<synchronous>, transform_indices = @transform_3, window_bounds = array<i64: 128, 256>}, {transform_indices = @transform_4, window_bounds = array<i64: 2, 512, 1>}, {transform_indices = @transform_5, window_bounds = array<i64: 512, 128>}]} {
    %get3A = arith.constant 0 : index
    %get3A_0 = arith.constant 0 : index
    %get3A_1 = arith.constant 0 : index
    %get3A_2 = vector.load %arg5[%get3A, %get3A_0, %get3A_1] : memref<2x512x1xf32, #tpu.memory_space<vmem>>, vector<2x512x1xf32>
    %slice3A = vector.extract_strided_slice %get3A_2 {offsets = [0, 0, 0], sizes = [1, 512, 1], strides = [1, 1, 1]} : vector<2x512x1xf32> to vector<1x512x1xf32>
    %squeeze3A = vector.shape_cast %slice3A : vector<1x512x1xf32> to vector<512x1xf32>
    %slice3A_3 = vector.extract_strided_slice %get3A_2 {offsets = [1, 0, 0], sizes = [1, 512, 1], strides = [1, 1, 1]} : vector<2x512x1xf32> to vector<1x512x1xf32>
    %squeeze3A_4 = vector.shape_cast %slice3A_3 : vector<1x512x1xf32> to vector<512x1xf32>
    %add3A = arith.addf %squeeze3A, %squeeze3A_4 : vector<512x1xf32>
    %mul3A = arith.constant 512 : i32
    %mul3A_5 = arith.muli %arg0, %mul3A : i32
    %iota3A = tpu.iota {dimensions = array<i32: 0>} : vector<512x1xi32>
    %add3A_6 = vector.broadcast %mul3A_5 : i32 to vector<512x1xi32>
    %add3A_7 = arith.addi %add3A_6, %iota3A : vector<512x1xi32>
    %lt3A = arith.constant 10000 : i32
    %lt3A_8 = vector.broadcast %lt3A : i32 to vector<512x1xi32>
    %lt3A_9 = arith.cmpi slt, %add3A_7, %lt3A_8 : vector<512x1xi32>
    %add3A_10 = arith.constant 1.000000e+00 : f32
    %add3A_11 = vector.broadcast %add3A_10 : f32 to vector<512x1xf32>
    %add3A_12 = arith.addf %add3A, %add3A_11 : vector<512x1xf32>
    %rsqrt3A = math.rsqrt %add3A_12 : vector<512x1xf32>
    %jit3A = arith.constant 0.000000e+00 : f32
    %broadcast_in_dim3A = vector.broadcast %jit3A : f32 to vector<512x1xf32>
    %select_n3A = arith.select %lt3A_9, %rsqrt3A, %broadcast_in_dim3A : vector<512x1xi1>, vector<512x1xf32>
    %get3A_13 = arith.constant 0 : index
    %get3A_14 = arith.constant 0 : index
    %get3A_15 = arith.constant 0 : index
    %get3A_16 = vector.load %arg1[%get3A_13, %get3A_14, %get3A_15] : memref<2x512x128xf32, #tpu.memory_space<vmem>>, vector<2x512x128xf32>
    %get3A_17 = arith.constant 0 : index
    %get3A_18 = arith.constant 0 : index
    %get3A_19 = arith.constant 0 : index
    %get3A_20 = vector.load %arg2[%get3A_17, %get3A_18, %get3A_19] : memref<2x512x128xf32, #tpu.memory_space<vmem>>, vector<2x512x128xf32>
    %get3A_21 = arith.constant 0 : index
    %get3A_22 = arith.constant 0 : index
    %get3A_23 = vector.load %arg3[%get3A_21, %get3A_22] : memref<2x128xf32, #tpu.memory_space<vmem>>, vector<2x128xf32>
    %slice3A_24 = vector.extract_strided_slice %get3A_16 {offsets = [0, 0, 0], sizes = [1, 512, 128], strides = [1, 1, 1]} : vector<2x512x128xf32> to vector<1x512x128xf32>
    %squeeze3A_25 = vector.shape_cast %slice3A_24 : vector<1x512x128xf32> to vector<512x128xf32>
    %slice3A_26 = vector.extract_strided_slice %get3A_20 {offsets = [0, 0, 0], sizes = [1, 512, 128], strides = [1, 1, 1]} : vector<2x512x128xf32> to vector<1x512x128xf32>
    %squeeze3A_27 = vector.shape_cast %slice3A_26 : vector<1x512x128xf32> to vector<512x128xf32>
    %add3A_28 = arith.addf %squeeze3A_25, %squeeze3A_27 : vector<512x128xf32>
    %mul3A_29 = vector.broadcast %select_n3A : vector<512x1xf32> to vector<512x128xf32>
    %mul3A_30 = arith.mulf %mul3A_29, %add3A_28 : vector<512x128xf32>
    %slice3A_31 = vector.extract_strided_slice %get3A_23 {offsets = [0, 0], sizes = [1, 128], strides = [1, 1]} : vector<2x128xf32> to vector<1x128xf32>
    %squeeze3A_32 = vector.shape_cast %slice3A_31 : vector<1x128xf32> to vector<128xf32>
    %broadcast_in_dim3A_33 = vector.shape_cast %squeeze3A_32 : vector<128xf32> to vector<1x128xf32>
    %add3A_34 = vector.broadcast %broadcast_in_dim3A_33 : vector<1x128xf32> to vector<512x128xf32>
    %add3A_35 = arith.addf %mul3A_30, %add3A_34 : vector<512x128xf32>
    %slice3A_36 = vector.extract_strided_slice %get3A_16 {offsets = [1, 0, 0], sizes = [1, 512, 128], strides = [1, 1, 1]} : vector<2x512x128xf32> to vector<1x512x128xf32>
    %squeeze3A_37 = vector.shape_cast %slice3A_36 : vector<1x512x128xf32> to vector<512x128xf32>
    %slice3A_38 = vector.extract_strided_slice %get3A_20 {offsets = [1, 0, 0], sizes = [1, 512, 128], strides = [1, 1, 1]} : vector<2x512x128xf32> to vector<1x512x128xf32>
    %squeeze3A_39 = vector.shape_cast %slice3A_38 : vector<1x512x128xf32> to vector<512x128xf32>
    %add3A_40 = arith.addf %squeeze3A_37, %squeeze3A_39 : vector<512x128xf32>
    %mul3A_41 = vector.broadcast %select_n3A : vector<512x1xf32> to vector<512x128xf32>
    %mul3A_42 = arith.mulf %mul3A_41, %add3A_40 : vector<512x128xf32>
    %slice3A_43 = vector.extract_strided_slice %get3A_23 {offsets = [1, 0], sizes = [1, 128], strides = [1, 1]} : vector<2x128xf32> to vector<1x128xf32>
    %squeeze3A_44 = vector.shape_cast %slice3A_43 : vector<1x128xf32> to vector<128xf32>
    %broadcast_in_dim3A_45 = vector.shape_cast %squeeze3A_44 : vector<128xf32> to vector<1x128xf32>
    %add3A_46 = vector.broadcast %broadcast_in_dim3A_45 : vector<1x128xf32> to vector<512x128xf32>
    %add3A_47 = arith.addf %mul3A_42, %add3A_46 : vector<512x128xf32>
    %get3A_48 = arith.constant 0 : index
    %get3A_49 = arith.constant 0 : index
    %get3A_50 = vector.load %arg4[%get3A_48, %get3A_49] : memref<128x256xf32, #tpu.memory_space<vmem>>, vector<128x128xf32>
    %dot_general3A = arith.constant dense<0.000000e+00> : vector<512x128xf32>
    %dot_general3A_51 = tpu.matmul %add3A_35, %get3A_50, %dot_general3A {dimension_numbers = #tpu.dot_dimension_numbers<[1], [1], [0], [0], [0, 0, 1, 0], [], []>, transpose_lhs_hint = false} : vector<512x128xf32>, vector<128x128xf32>, vector<512x128xf32> -> vector<512x128xf32>
    %get3A_52 = arith.constant 0 : index
    %get3A_53 = arith.constant 128 : index
    %get3A_54 = vector.load %arg4[%get3A_52, %get3A_53] : memref<128x256xf32, #tpu.memory_space<vmem>>, vector<128x128xf32>
    %dot_general3A_55 = arith.constant dense<0.000000e+00> : vector<512x128xf32>
    %dot_general3A_56 = tpu.matmul %add3A_47, %get3A_54, %dot_general3A_55 {dimension_numbers = #tpu.dot_dimension_numbers<[1], [1], [0], [0], [0, 0, 1, 0], [], []>, transpose_lhs_hint = false} : vector<512x128xf32>, vector<128x128xf32>, vector<512x128xf32> -> vector<512x128xf32>
    %add3A_57 = arith.addf %dot_general3A_51, %dot_general3A_56 : vector<512x128xf32>
    %mul3A_58 = vector.broadcast %select_n3A : vector<512x1xf32> to vector<512x128xf32>
    %mul3A_59 = arith.mulf %mul3A_58, %add3A_57 : vector<512x128xf32>
    %swap3A = arith.constant 0 : index
    %swap3A_60 = arith.constant 0 : index
    %swap3A_61 = vector.load %arg6[%swap3A, %swap3A_60] : memref<512x128xf32, #tpu.memory_space<vmem>>, vector<512x128xf32>
    tpu.vector_store %arg6[%swap3A, %swap3A_60], %mul3A_59 {strides = array<i32>} : memref<512x128xf32, #tpu.memory_space<vmem>>, vector<512x128xf32>,
    return
  }
  func.func @transform_0(%arg0: i32) -> (i32, i32, i32) {
    %c0_i32 = arith.constant 0 : i32
    %c0_i32_0 = arith.constant 0 : i32
    %c0_i32_1 = arith.constant 0 : i32
    return %c0_i32, %arg0, %c0_i32_0 : i32, i32, i32
  }
  func.func @transform_1(%arg0: i32) -> (i32, i32, i32) {
    %c0_i32 = arith.constant 0 : i32
    %c0_i32_0 = arith.constant 0 : i32
    %c0_i32_1 = arith.constant 0 : i32
    return %c0_i32, %arg0, %c0_i32_0 : i32, i32, i32
  }
  func.func @transform_2(%arg0: i32) -> (i32, i32) {
    %c0_i32 = arith.constant 0 : i32
    %c0_i32_0 = arith.constant 0 : i32
    %c0_i32_1 = arith.constant 0 : i32
    return %c0_i32, %c0_i32_0 : i32, i32
  }
  func.func @transform_3(%arg0: i32) -> (i32, i32) {
    %c0_i32 = arith.constant 0 : i32
    %c0_i32_0 = arith.constant 0 : i32
    %c0_i32_1 = arith.constant 0 : i32
    return %c0_i32, %c0_i32_0 : i32, i32
  }
  func.func @transform_4(%arg0: i32) -> (i32, i32, i32) {
    %c0_i32 = arith.constant 0 : i32
    %c0_i32_0 = arith.constant 0 : i32
    %c0_i32_1 = arith.constant 0 : i32
    return %c0_i32, %arg0, %c0_i32_0 : i32, i32, i32
  }
  func.func @transform_5(%arg0: i32) -> (i32, i32) {
    %c0_i32 = arith.constant 0 : i32
    %c0_i32_0 = arith.constant 0 : i32
    return %arg0, %c0_i32 : i32, i32
  }
}

module attributes {stable_mosaic.version = 14 : i64} {
  func.func @k(%arg0: i32, %arg1: memref<2x512x128xf32, #tpu.memory_space<vmem>>, %arg2: memref<512x128xf32, #tpu.memory_space<vmem>>, %arg3: memref<1x128xf32, #tpu.memory_space<vmem>>, %arg4: memref<2x512x1xf32, #tpu.memory_space<vmem>>, %arg5: memref<512x128xf32, #tpu.memory_space<vmem>>) attributes {dimension_semantics = [#tpu.dimension_semantics<arbitrary>], iteration_bounds = array<i64: 20>, scalar_prefetch = 0 : i64, scratch_operands = 0 : i64, tpu.core_type = #tpu.core_type<tc>, window_params = [{transform_indices = @transform_0, window_bounds = array<i64: 2, 512, 128>}, {transform_indices = @transform_1, window_bounds = array<i64: 512, 128>}, {pipeline_mode = #tpu.pipeline_mode<synchronous>, transform_indices = @transform_2, window_bounds = array<i64: 1, 128>}, {transform_indices = @transform_3, window_bounds = array<i64: 2, 512, 1>}, {transform_indices = @transform_4, window_bounds = array<i64: 512, 128>}]} {
    %get3A = arith.constant 0 : index
    %get3A_0 = arith.constant 0 : index
    %get3A_1 = arith.constant 0 : index
    %get3A_2 = vector.load %arg4[%get3A, %get3A_0, %get3A_1] : memref<2x512x1xf32, #tpu.memory_space<vmem>>, vector<2x512x1xf32>
    %slice3A = vector.extract_strided_slice %get3A_2 {offsets = [0, 0, 0], sizes = [1, 512, 1], strides = [1, 1, 1]} : vector<2x512x1xf32> to vector<1x512x1xf32>
    %squeeze3A = vector.shape_cast %slice3A : vector<1x512x1xf32> to vector<512x1xf32>
    %slice3A_3 = vector.extract_strided_slice %get3A_2 {offsets = [1, 0, 0], sizes = [1, 512, 1], strides = [1, 1, 1]} : vector<2x512x1xf32> to vector<1x512x1xf32>
    %squeeze3A_4 = vector.shape_cast %slice3A_3 : vector<1x512x1xf32> to vector<512x1xf32>
    %add3A = arith.addf %squeeze3A, %squeeze3A_4 : vector<512x1xf32>
    %mul3A = arith.constant 512 : i32
    %mul3A_5 = arith.muli %arg0, %mul3A : i32
    %iota3A = tpu.iota {dimensions = array<i32: 0>} : vector<512x1xi32>
    %add3A_6 = vector.broadcast %mul3A_5 : i32 to vector<512x1xi32>
    %add3A_7 = arith.addi %add3A_6, %iota3A : vector<512x1xi32>
    %lt3A = arith.constant 10000 : i32
    %lt3A_8 = vector.broadcast %lt3A : i32 to vector<512x1xi32>
    %lt3A_9 = arith.cmpi slt, %add3A_7, %lt3A_8 : vector<512x1xi32>
    %add3A_10 = arith.constant 1.000000e+00 : f32
    %add3A_11 = vector.broadcast %add3A_10 : f32 to vector<512x1xf32>
    %add3A_12 = arith.addf %add3A, %add3A_11 : vector<512x1xf32>
    %rsqrt3A = math.rsqrt %add3A_12 : vector<512x1xf32>
    %jit3A = arith.constant 0.000000e+00 : f32
    %broadcast_in_dim3A = vector.broadcast %jit3A : f32 to vector<512x1xf32>
    %select_n3A = arith.select %lt3A_9, %rsqrt3A, %broadcast_in_dim3A : vector<512x1xi1>, vector<512x1xf32>
    %get3A_13 = arith.constant 0 : index
    %get3A_14 = arith.constant 0 : index
    %get3A_15 = arith.constant 0 : index
    %get3A_16 = vector.load %arg1[%get3A_13, %get3A_14, %get3A_15] : memref<2x512x128xf32, #tpu.memory_space<vmem>>, vector<2x512x128xf32>
    %slice3A_17 = vector.extract_strided_slice %get3A_16 {offsets = [0, 0, 0], sizes = [1, 512, 128], strides = [1, 1, 1]} : vector<2x512x128xf32> to vector<1x512x128xf32>
    %squeeze3A_18 = vector.shape_cast %slice3A_17 : vector<1x512x128xf32> to vector<512x128xf32>
    %slice3A_19 = vector.extract_strided_slice %get3A_16 {offsets = [1, 0, 0], sizes = [1, 512, 128], strides = [1, 1, 1]} : vector<2x512x128xf32> to vector<1x512x128xf32>
    %squeeze3A_20 = vector.shape_cast %slice3A_19 : vector<1x512x128xf32> to vector<512x128xf32>
    %add3A_21 = arith.addf %squeeze3A_18, %squeeze3A_20 : vector<512x128xf32>
    %get3A_22 = arith.constant 0 : index
    %get3A_23 = arith.constant 0 : index
    %get3A_24 = vector.load %arg2[%get3A_22, %get3A_23] : memref<512x128xf32, #tpu.memory_space<vmem>>, vector<512x128xf32>
    %add3A_25 = arith.addf %add3A_21, %get3A_24 : vector<512x128xf32>
    %mul3A_26 = vector.broadcast %select_n3A : vector<512x1xf32> to vector<512x128xf32>
    %mul3A_27 = arith.mulf %mul3A_26, %add3A_25 : vector<512x128xf32>
    %get3A_28 = arith.constant 0 : index
    %get3A_29 = arith.constant 0 : index
    %get3A_30 = vector.load %arg3[%get3A_28, %get3A_29] : memref<1x128xf32, #tpu.memory_space<vmem>>, vector<1x128xf32>
    %add3A_31 = vector.broadcast %get3A_30 : vector<1x128xf32> to vector<512x128xf32>
    %add3A_32 = arith.addf %mul3A_27, %add3A_31 : vector<512x128xf32>
    %swap3A = arith.constant 0 : index
    %swap3A_33 = arith.constant 0 : index
    %swap3A_34 = vector.load %arg5[%swap3A, %swap3A_33] : memref<512x128xf32, #tpu.memory_space<vmem>>, vector<512x128xf32>
    tpu.vector_store %arg5[%swap3A, %swap3A_33], %add3A_32 {strides = array<i32>} : memref<512x128xf32, #tpu.memory_space<vmem>>, vector<512x128xf32>,
    return
  }
  func.func @transform_0(%arg0: i32) -> (i32, i32, i32) {
    %c0_i32 = arith.constant 0 : i32
    %c0_i32_0 = arith.constant 0 : i32
    %c0_i32_1 = arith.constant 0 : i32
    return %c0_i32, %arg0, %c0_i32_0 : i32, i32, i32
  }
  func.func @transform_1(%arg0: i32) -> (i32, i32) {
    %c0_i32 = arith.constant 0 : i32
    %c0_i32_0 = arith.constant 0 : i32
    return %arg0, %c0_i32 : i32, i32
  }
  func.func @transform_2(%arg0: i32) -> (i32, i32) {
    %c0_i32 = arith.constant 0 : i32
    %c0_i32_0 = arith.constant 0 : i32
    %c0_i32_1 = arith.constant 0 : i32
    return %c0_i32, %c0_i32_0 : i32, i32
  }
  func.func @transform_3(%arg0: i32) -> (i32, i32, i32) {
    %c0_i32 = arith.constant 0 : i32
    %c0_i32_0 = arith.constant 0 : i32
    %c0_i32_1 = arith.constant 0 : i32
    return %c0_i32, %arg0, %c0_i32_0 : i32, i32, i32
  }
  func.func @transform_4(%arg0: i32) -> (i32, i32) {
    %c0_i32 = arith.constant 0 : i32
    %c0_i32_0 = arith.constant 0 : i32
    return %arg0, %c0_i32 : i32, i32
  }
}

</mosaic_0001>

<sc_bundles>
// kernel: kernel.10.cloned.1.call-start
scs
__scs_entry_jumppad:
0x0: {  	(pc) =	sbr.rel $0x88, $3  }
0x1: {  	(tag) =	ssettag $0x0;
	lr =	simm.s32 $0x1  }
0x2: {  	[smem:$0x3F99] =	sst lr;
	_ =	strace $0xD0000000  }
0x3: {  	_ = 	snop  }
0x4: {  	_ = 	snop  }
0x5: {  	_ = 	snop  }
0x6: {  	_ = 	snop  }
0x7: {  	_ = 	snop  }
__scs_overlays_trampoline_lowered:
0x8: {  	[smem:$0x3FA8] =	sst s0  }
0x9: {  	[smem:$0x3FA9] =	sst s1  }
0xa: {  	[smem:$0x3FAA] =	sst s2  }
0xb: {  	[smem:$0x3FAB] =	sst s3  }
0xc: {  	[smem:$0x3FAC] =	sst s4  }
0xd: {  	[smem:$0x3FAD] =	sst s5  }
0xe: {  	[smem:$0x3FAE] =	sst s6  }
0xf: {  	[smem:$0x3FAF] =	sst s7  }
0x10: {  	[smem:$0x3FB0] =	sst s8  }
0x11: {  	[smem:$0x3FB1] =	sst s9;
	s0 =	simm.s32 @!p0 $0x0  }
0x12: {  	s1 =	sld [smem:$0x3F97];
	s0 =	simm.s32 @p0 $0x1  }
0x13: {  	[smem:$0x3FB2] =	sst s0;
	s0 =	simm.s32 @!p1 $0x0  }
0x14: {  	s2 =	sld [smem:$0x3F96];
	s0 =	simm.s32 @p1 $0x1  }
0x15: {  	[smem:$0x3FB3] =	sst s0;
	s0 =	simm.s32 @!p2 $0x0  }
0x16: {  	s3 =	sld [smem:$0x3FDB];
	s0 =	simm.s32 @p2 $0x1  }
0x17: {  	s4 =	simm.s32 $0x1BF5;
	[smem:$0x3FB5] =	sst s0  }
0x18: {  	s0 =	sld [smem:$0x3F98];
	_ =	swait.ge [sflag:s4], $0x0  }
0x19: {  	s7 =	sld [smem:$0x3F99]  }
0x1a: {  	s8 =	sadd.s32 $0xFFFFE003, lr  }
0x1b: {  	s9 =	sadd.s32 $0xFFFFFEF7, lr;
	s5 =	simm.s32 $0xFFFFFFFF;
	p2 =	slt.u32 s8, $0xFFFFF086  }
0x1c: {  	p1 =	slt.u32 s9, $0xF7A;
	s5 =	simm.s32 @!p2 $0x0  }
0x1d: {  	s5 =	simm.s32 @p1 $0x1;
	p0 =	seq.s32 s7, s2  }
0x1e: {  	s7 =	smul.u32 @!p0 $0xF7A, s2;
	p2 =	seq.s32 @!p0 s5, $0x0  }
0x1f: {  	s9 =	smul.u32 $0xF7A, s1;
	s8 =	simm.s32 @!p0 $0x1BF5;
	p2 =	por !p2, p0  }
0x20: {  	[sflag:s8] =	ssyncset.s32 @!p0 $0xFFFFF086;
	s6 =	sadd.s32 @!p0 s3, s7;
	s7 =	simm.s32 @!p0 $0x108  }
0x21: {  	s3 =	sadd.s32 s3, s9;
	s6 =	sadd.s32 @!p0 $0x88, s6;
	s7 =	simm.s32 @p2 $0x1082  }
0x22: {  	[simem:s7], [sflag:s8] =	dma.local @!p0 [hbm:s6], $0xF7A  }
0x23: {  	s9 =	sor.u32 $0xD0000000, s2;
	s6 =	simm.s32 $0x108;
	_ =	swait.ge @!p0 [sflag:s8], $0x0  }
0x24: {  	s3 =	sadd.s32 $0x88, s3;
	s6 =	simm.s32 @!p1 $0x1082;
	[sflag:s4] =	ssyncset.s32 $0xFFFFF086  }
0x25: {  	[simem:s6], [sflag:s4] =	dma.local [hbm:s3], $0xF7A  }
0x26: {  	[smem:$0x3F99] =	sst s1;
	(tag) =	ssettag s2;
	_ =	strace s9  }
0x27: {  	s1 =	sld [smem:$0x3FA9]  }
0x28: {  	s2 =	sld [smem:$0x3FAA]  }
0x29: {  	s4 =	sld [smem:$0x3FAC]  }
0x2a: {  	p0 =	seq.s32 s5, $0x0;
	s5 =	sld [smem:$0x3FAD]  }
0x2b: {  	s6 =	sld [smem:$0x3FAE]  }
0x2c: {  	s7 =	sld [smem:$0x3FAF]  }
0x2d: {  	s3 =	simm.s32 $0x108;
	s8 =	sld [smem:$0x3FB0]  }
0x2e: {  	s3 =	simm.s32 @!p0 $0x1082;
	s9 =	sld [smem:$0x3FB1]  }
0x2f: {  	lr =	sadd.s32 s0, s3;
	s0 =	sld [smem:$0x3FA8]  }
0x30: {  	s3 =	sld [smem:$0x3FAB]  }
0x31: {  	[smem:$0x3FB4] =	sst s10  }
0x32: {  	s10 =	sld [smem:$0x3FB2];
	_ =	sdelay $0x3  }
0x33: {  	p0 =	seq.s32 s10, $0x1;
	s10 =	sld [smem:$0x3FB4];
	_ =	sdelay $0x3  }
0x34: {  	[smem:$0x3FB4] =	sst s10  }
0x35: {  	s10 =	sld [smem:$0x3FB3];
	_ =	sdelay $0x3  }
0x36: {  	p1 =	seq.s32 s10, $0x1;
	s10 =	sld [smem:$0x3FB4];
	_ =	sdelay $0x3  }
0x37: {  	[smem:$0x3FB4] =	sst s10  }
0x38: {  	s10 =	sld [smem:$0x3FB5]  }
0x39: {  	_ = 	snop;
	(pc) =	sbr.ind lr, $3  }
0x3a: {  	_ = 	snop  }
0x3b: {  	_ = 	snop  }
0x3c: {  	p2 =	seq.s32 s10, $0x1;
	s10 =	sld [smem:$0x3FB4]  }
0x3d: {  	_ =	shalt  }
0x3e: {  	_ =	shalt  }
0x3f: {  	_ =	shalt  }
0x40: {  	_ =	shalt  }
0x41: {  	_ =	shalt  }
0x42: {  	_ =	shalt  }
0x43: {  	_ =	shalt  }
0x44: {  	_ =	shalt  }
0x45: {  	_ =	shalt  }
0x46: {  	_ =	shalt  }
0x47: {  	_ =	shalt  }
0x48: {  	_ =	shalt  }
0x49: {  	_ =	shalt  }
0x4a: {  	_ =	shalt  }
0x4b: {  	_ =	shalt  }
0x4c: {  	_ =	shalt  }
0x4d: {  	_ =	shalt  }
0x4e: {  	_ =	shalt  }
0x4f: {  	_ =	shalt  }
0x50: {  	_ =	shalt  }
0x51: {  	_ =	shalt  }
0x52: {  	_ =	shalt  }
0x53: {  	_ =	shalt  }
0x54: {  	_ =	shalt  }
0x55: {  	_ =	shalt  }
0x56: {  	_ =	shalt  }
0x57: {  	_ =	shalt  }
0x58: {  	_ =	shalt  }
0x59: {  	_ =	shalt  }
0x5a: {  	_ =	shalt  }
0x5b: {  	_ =	shalt  }
0x5c: {  	_ =	shalt  }
0x5d: {  	_ =	shalt  }
0x5e: {  	_ =	shalt  }
0x5f: {  	_ =	shalt  }
0x60: {  	_ =	shalt  }
0x61: {  	_ =	shalt  }
0x62: {  	_ =	shalt  }
0x63: {  	_ =	shalt  }
0x64: {  	_ =	shalt  }
0x65: {  	_ =	shalt  }
0x66: {  	_ =	shalt  }
0x67: {  	_ =	shalt  }
0x68: {  	_ =	shalt  }
0x69: {  	_ =	shalt  }
0x6a: {  	_ =	shalt  }
0x6b: {  	_ =	shalt  }
0x6c: {  	_ =	shalt  }
0x6d: {  	_ =	shalt  }
0x6e: {  	_ =	shalt  }
0x6f: {  	_ =	shalt  }
0x70: {  	_ =	shalt  }
0x71: {  	_ =	shalt  }
0x72: {  	_ =	shalt  }
0x73: {  	_ =	shalt  }
0x74: {  	_ =	shalt  }
0x75: {  	_ =	shalt  }
0x76: {  	_ =	shalt  }
0x77: {  	_ =	shalt  }
0x78: {  	_ =	shalt  }
0x79: {  	_ =	shalt  }
0x7a: {  	_ =	shalt  }
0x7b: {  	_ =	shalt  }
0x7c: {  	_ =	shalt  }
0x7d: {  	_ =	shalt  }
0x7e: {  	_ =	shalt  }
0x7f: {  	_ =	shalt  }
0x80: {  	_ =	shalt  }
0x81: {  	_ =	shalt  }
0x82: {  	_ =	shalt  }
0x83: {  	_ =	shalt  }
0x84: {  	_ =	shalt  }
0x85: {  	_ =	shalt  }
0x86: {  	_ =	shalt  }
0x87: {  	_ =	shalt  }
.Lfunc_end0:
.L_simem_size_0:
called_computation_lowered:
.L_overlay_start_0:
0x88: {  	s2 =	sld [smem:$0x3FD9]  }
0x89: {  	s3 =	sld [smem:$0x3FFE];
	_ =	sdelay $0x1  }
0x8a: {  	s1 =	srdreg.scid  }
0x8b: {  	s0 =	sand.u32 $0x1, s1  }
0x8c: {  	s17 =	sshll.u32 s0, $0xA;
	s2 =	sadd.s32 s3, s2  }
0x8d: {  	s2 =	sadd.s32 s2, s17  }
0x8e: {  	[smem:$0x3FC0] =	sst s2  }
0x8f: {  	_ = 	snop  }
0x90: {  	s2 =	sld [smem:$0x3FD0];
	(tm) =	ssettm $0x1  }
0x91: {  	s18 =	sld [smem:$0x3FFB];
	_ =	sdelay $0x3  }
0x92: {  	_ =	strace s18  }
0x93: {  	s3 =	sld [smem:$0x3FFC];
	_ =	sdelay $0x3  }
0x94: {  	_ =	strace s3  }
0x95: {  	s3 =	sld [smem:$0x3FFD];
	_ =	sdelay $0x3  }
0x96: {  	_ =	strace s3  }
0x97: {  	_ =	strace $0x8FFFFFFF  }
0x98: {  	s19 =	sld [smem:$0x3FDB];
	_ =	sdelay $0x1  }
0x99: {  	s4 =	simm.s32 $_scs_section_size  }
0x9a: {  	s5 =	simm.s32 $_size__tile_overlayer_lowered;
	s6 =	simm.s32 $_tile_overlayer_lowered  }
0x9b: {  	s22 =	simm.s32 $0x1BFF;
	s21 =	sshll.u32 s6, $0x1;
	s3 =	sadd.s32 s4, s19  }
0x9c: {  	s7 =	simm.s32 $0x0;
	s20 =	sshll.u32 s5, $0x1;
	s5 =	sadd.s32 s21, s3  }
0x9d: {  	[timem:s7], [sflag:s22] =	dma.local [hbm:s5], s20  }
0x9e: {  	_ =	swait.ge [sflag:s22], s20  }
0x9f: {  	s4 =	ssub.s32 $0x0, s20;
	[sflag:s22] =	ssyncset.done $0x0  }
0xa0: {  	[sflag:s22] =	ssyncadd.s32 s4;
	_ =	sdelay $0x1  }
0xa1: {  	s23 =	simm.s32 $0x1B8B  }
0xa2: {  	_ =	swait.ge [sflag:s23], $0x1  }
0xa3: {  	[sflag:s23] =	ssyncset.done $0x0  }
0xa4: {  	s25 =	simm.s32 $0x1B8E;
	s24 =	sld [smem:$0x3FFE];
	[sflag:s23] =	ssyncadd.s32 $0xFFFFFFFF  }
0xa5: {  	s26 =	simm.s32 $execute0_lowered;
	[smem:$0x3FD2] =	sst s25  }
0xa6: {  	s5 =	sshll.u32 s26, $0x1;
	_ =	strace $0x80000046;
	[dreg:$0x1] =	wrdreg $0xFFFFFFFF  }
0xa7: {  	s28 =	simm.s32 $_size_execute0_lowered;
	s3 =	sadd.s32 s3, s5;
	[dreg:$0x0] =	wrdreg $0x0  }
0xa8: {  	s5 =	sshll.u32 s28, $0x1;
	[dreg:$0x2] =	wrdreg s3  }
0xa9: {  	[dreg:$0x3] =	wrdreg s5  }
0xaa: {  	[dreg:$0x4] =	wrdreg $0xC0  }
0xab: {  	_ =	task [dreg:s7], $0x5FFFF  }
0xac: {  	[dreg:$0x1] =	wrdreg $0xFFFFFFFF  }
0xad: {  	[dreg:$0x0] =	wrdreg $0x60  }
0xae: {  	[dreg:$0x2] =	wrdreg s2  }
0xaf: {  	[dreg:$0x3] =	wrdreg s24  }
0xb0: {  	[dreg:$0x4] =	wrdreg $0x3000  }
0xb1: {  	[dreg:$0x5] =	wrdreg $0x9  }
0xb2: {  	_ =	task.clear_ibuf [dreg:s7], $0x6FFFF;
	_ =	strace $0x90000046  }
0xb3: {  	s29 =	simm.s32 $0x9;
	_ =	strace $0x80000048  }
0xb4: {  	_ =	swait.ge [sflag:s29], $0x1  }
0xb5: {  	[sflag:s29] =	ssyncadd.s32 $0xFFFFFFFF  }
0xb6: {  	_ =	strace $0x90000048  }
0xb7: {  	_ =	sfence  }
0xb8: {  	s30 =	sld [smem:$0x0];
	_ =	sdelay $0x2  }
0xb9: {  	s31 =	sshll.u32 s1, $0xD;
	s1 =	sshrl.u32 s1, $0x2  }
0xba: {  	s3 =	sand.u32 $0x4000, s31;
	s1 =	sadd.s32 s1, s30  }
0xbb: {  	s0 =	sor.u32 s3, s0;
	s1 =	sshll.u32 s1, $0x11  }
0xbc: {  	s0 =	sor.u32 s1, s0  }
0xbd: {  	s0 =	sadd.s32 $0x8F2B, s0  }
0xbe: {  	[sflag:s0] =	ssyncadd.remote.s32 $0x1  }
0xbf: {  	_ =	sfence.sel $0xFFFF  }
0xc0: {  	[dreg:$0x0] =	wrdreg $0xFFFFFFFF;
	(pc) =	sbr.abs _section_cstart, $3  }
0xc1: {  	[dreg:$0x1] =	wrdreg $0xFFFFFFFF  }
0xc2: {  	_ =	task.clear_ibuf [dreg:s7], $0x2FFFF;
	_ =	strace $0x9FFFFFFF  }
0xc3: {  	(tm) =	ssettm $0x7FFFFFFF  }
tec
execute0_lowered:
.L_overlay_start_1:
0x0: {  	(tag) =	ssettag $0x1  }
0x1: {  	s1 =	rddreg [dreg:$0x0]  }
0x2: {  	s0 =	rddreg [dreg:$0x1]  }
0x3: {  	s3 =	rddreg [dreg:$0x2];
	s4 =	simm.s32 $0x0;
	s12 =	stileid.u32  }
0x4: {  	s5 =	srdreg.scid;
	s28 =	simm.s32 $0x200;
	s29 =	simm.s32 $0x4  }
0x5: {  	s30 =	simm.s32 $0x6;
	s31 =	simm.s32 $0x5;
	s2 =	smul.u32 $0x280, s12  }
0x6: {  	[smem:$0x7FF] =	sst s4;
	s6 =	sadd.s32 $0x3800, s0;
	s17 =	smul.u32 $0x500, s12  }
0x7: {  	s5 =	sand.u32 $0x1, s5;
	s9 =	sshll.u32 s12, $0x1;
	s10 =	smul.u32 $0x2710, s12  }
0x8: {  	s22 =	sshll.u32 s12, $0x6;
	_ =	strace $0x80000047;
	[dreg:$0x4] =	wrdreg s6  }
0x9: {  	s8 =	sshll.u32 s5, $0x7;
	s18 =	sor.u32 s5, s9;
	s19 =	ssub.s32 $0x2, s5  }
0xa: {  	s5 =	smul.u32 $0x1388, s5;
	s9 =	sor.u32 $0x1C0B, s22;
	s22 =	simm.s32 $0x28  }
0xb: {  	s7 =	sshrl.u32 s2, $0x3;
	s6 =	sor.u32 s8, s17;
	s8 =	smul.u32 $0x1388, s18  }
0xc: {  	s20 =	sshrl.u32 s19, $0x1;
	s2 =	sadd.s32 s2, s3;
	s17 =	simm.s32 $0x80  }
0xd: {  	s7 =	sadd.s32 s7, s0;
	s6 =	sshrl.u32 s6, $0x3;
	s5 =	sadd.s32 s5, s10  }
0xe: {  	s18 =	sshrl.u32 s2, $0x3;
	s2 =	simm.s32 $0x8;
	s0 =	sadd.s32 s6, s0  }
0xf: {  	s11 =	sshrl.u32 s8, $0x3;
	s8 =	sadd.s32 $0x28, s8;
	s6 =	ssub.s32 s19, s20  }
0x10: {  	s7 =	sadd.s32 $0x3200, s7;
	s23 =	sadd.s32 $0xF0, s5;
	s25 =	sadd.s32 $0xA0, s5  }
0x11: {  	s26 =	sadd.s32 $0x78, s5;
	s19 =	simm.s32 $0xB;
	s20 =	simm.s32 $0x280  }
0x12: {  	s21 =	sadd.s32 s1, s11;
	s8 =	sshrl.u32 s8, $0x3;
	[dreg:$0x7] =	wrdreg s7  }
0x13: {  	s0 =	sadd.s32 $0x3A00, s0;
	s24 =	sshrl.u32 s23, $0x3;
	[dreg:$0x5] =	wrdreg s21  }
0x14: {  	s6 =	smax.u32 s6, $0x1;
	s23 =	simm.s32 $0x100;
	[dreg:$0x8] =	wrdreg s0  }
0x15: {  	s7 =	simm.s32 $0x0;
	s8 =	sadd.s32 s1, s8;
	[dreg:$0x9] =	wrdreg s6  }
0x16: {  	s12 =	sadd.s32 s24, s1;
	s0 =	sshrl.u32 s25, $0x3;
	s6 =	sshrl.u32 s26, $0x3  }
.Ltmp0:
0x17: {  	s21 =	simm.s32 $0x1;
	s24 =	simm.s32 $0x2;
	(pc) =	sbr.rel .LBB2_1-.Ltmp0, $4  }
0x18: {  	s25 =	simm.s32 $0x180;
	s26 =	simm.s32 $0x3;
	[dreg:$0x6] =	wrdreg s8  }
0x19: {  	s8 =	sadd.s32 $0xC8, s5;
	s5 =	sadd.s32 $0x50, s5;
	s14 =	sadd.s32 s0, s1  }
0x1a: {  	s15 =	sadd.s32 s6, s1;
	s0 =	simm.s32 $0x7;
	s5 =	sshrl.u32 s5, $0x3  }
0x1b: {  	s6 =	simm.s32 $0xA;
	s16 =	sadd.s32 s5, s1;
	s5 =	simm.s32 $0x9  }
.LBB2_4:
0x1c: {  	_ =	swait.ge [sflag:s31], $0x28  }
0x1d: {  	[sflag:s31] =	ssyncset.done $0x0  }
0x1e: {  	[sflag:s31] =	ssyncadd.s32 $0xFFFFFFD8  }
0x1f: {  	[spmem:s3] =	stream.indirect.scatter.add.f32 [tilespmem:s20], [sflag:$0xA], $0x1, s28, s22, $0xb8;
	[tilespmem:$0x580] =	vst v63  }
0x20: {  	_ =	swait.ge [sflag:s0], $0x28  }
0x21: {  	[sflag:s0] =	ssyncset.done $0x0  }
0x22: {  	[sflag:s0] =	ssyncadd.s32 $0xFFFFFFD8  }
0x23: {  	_ =	swait.ge [sflag:s2], $0x28  }
0x24: {  	[sflag:s2] =	ssyncset.done $0x0  }
0x25: {  	[sflag:s2] =	ssyncadd.s32 $0xFFFFFFD8  }
0x26: {  	_ =	swait.ge [sflag:s5], $0x28  }
0x27: {  	[sflag:s5] =	ssyncset.done $0x0  }
0x28: {  	[sflag:s5] =	ssyncadd.s32 $0xFFFFFFD8  }
0x29: {  	_ =	swait.ge [sflag:s6], $0x28  }
0x2a: {  	[sflag:s6] =	ssyncset.done $0x0  }
0x2b: {  	[sflag:s6] =	ssyncadd.s32 $0xFFFFFFD8  }
0x2c: {  	[bflag:$0x0] =	sbarrier.arrive $0xFFFF  }
0x2d: {  	s11 =	simm.s32 $0x20;
	s13 =	simm.s32 $0x10;
	s10 =	rddreg [dreg:$0x8]  }
0x2e: {  	[hbm:s10@s11], [sflag:s9] =	dma.strided [spmem:s18@s13], $0x50, s21, $0x10   }
0x2f: {  	_ =	swait.ge [sflag:s19], $0x50  }
0x30: {  	s7 =	sadd.s32 $0x1, s7;
	s13 =	rddreg [dreg:$0x9]  }
0x31: {  	p0 =	sne.s32 s7, s13  }
.Ltmp1:
0x32: {  	_ = 	snop;
	(pc) =	sbr.rel @!p0 .LBB2_5-.Ltmp1, $3  }
0x33: {  	_ =	sdelay $0x1  }
0x34: {  	[sflag:s19] =	ssyncset.done $0x0  }
0x35: {  	[sflag:s19] =	ssyncadd.s32 $0xFFFFFFB0  }
.LBB2_1:
0x36: {  	s10 =	rddreg [dreg:$0x5]  }
0x37: {  	s13 =	rddreg [dreg:$0x6]  }
0x38: {  	[tilespmem:s4], [sflag:$0x1] =	stream.linear.gather [hbm4b:s10+s4], $0x28, $0x38;
	[tilespmem:$0x580] =	vst v63  }
0x39: {  	s11 =	rddreg [dreg:$0x7]  }
0x3a: {  	[tilespmem:s17], [sflag:$0x2] =	stream.linear.gather [hbm4b:s13+s4], $0x28, $0x38;
	[tilespmem:$0x580] =	vst v63  }
0x3b: {  	[spmem:s18], [sflag:s9] =	dma.local [hbm:s11], $0x50  }
0x3c: {  	_ =	swait.ge [sflag:s19], $0x50  }
0x3d: {  	[sflag:s19] =	ssyncset.done $0x0  }
0x3e: {  	s13 =	rddreg [dreg:$0x4];
	[sflag:s19] =	ssyncadd.s32 $0xFFFFFFB0  }
0x3f: {  	[tilespmem:s20], [sflag:$0xB] =	stream.linear.gather [hbm4b:s13+s4], $0x80, $0x38;
	[tilespmem:$0x580] =	vst v63  }
0x40: {  	_ =	swait.ge [sflag:s19], $0x80  }
0x41: {  	[sflag:s19] =	ssyncset.done $0x0  }
0x42: {  	[sflag:s19] =	ssyncadd.s32 $0xFFFFFF80  }
0x43: {  	s10 =	simm.s32 $0x0;
	s13 =	smov.u32 s8;
	[bflag:$0x0] =	sbarrier.arrive $0xFFFF  }
.LBB2_2:
0x44: {  	_ =	swait.ge [sflag:s21], $0x28  }
0x45: {  	p0 =	seq.s32 s10, $0x0;
	[sflag:s21] =	ssyncset.done $0x0  }
0x46: {  	s11 =	simm.s32 @!p0 $0x8;
	[sflag:s21] =	ssyncadd.s32 $0xFFFFFFD8  }
0x47: {  	[spmem:s3] =	stream.indirect.scatter.add.f32 [tilespmem:s20], [sflag:$0x6], $0x1, s4, s22, $0xb8;
	[tilespmem:$0x580] =	vst v63  }
0x48: {  	_ =	swait.ge @!p0 [sflag:s11], $0x28  }
0x49: {  	[sflag:s11] =	ssyncset.done @!p0 $0x0  }
0x4a: {  	[sflag:s11] =	ssyncadd.s32 @!p0 $0xFFFFFFD8;
	s11 =	sadd.s32 s10, s16  }
0x4b: {  	[tilespmem:s23], [sflag:$0x3] =	stream.linear.gather [hbm4b:s11+s4], $0x28, $0x38;
	[tilespmem:$0x580] =	vst v63  }
0x4c: {  	_ =	swait.ge [sflag:s24], $0x28  }
0x4d: {  	[sflag:s24] =	ssyncset.done $0x0  }
0x4e: {  	s11 =	simm.s32 @!p0 $0x9;
	[sflag:s24] =	ssyncadd.s32 $0xFFFFFFD8  }
0x4f: {  	[spmem:s3] =	stream.indirect.scatter.add.f32 [tilespmem:s20], [sflag:$0x7], $0x1, s17, s22, $0xb8;
	[tilespmem:$0x580] =	vst v63  }
0x50: {  	_ =	swait.ge @!p0 [sflag:s11], $0x28  }
0x51: {  	[sflag:s11] =	ssyncset.done @!p0 $0x0  }
0x52: {  	[sflag:s11] =	ssyncadd.s32 @!p0 $0xFFFFFFD8;
	s11 =	sadd.s32 s10, s15  }
0x53: {  	[tilespmem:s25], [sflag:$0x4] =	stream.linear.gather [hbm4b:s11+s4], $0x28, $0x38;
	[tilespmem:$0x580] =	vst v63  }
0x54: {  	_ =	swait.ge [sflag:s26], $0x28  }
0x55: {  	[sflag:s26] =	ssyncset.done $0x0  }
0x56: {  	s11 =	simm.s32 @!p0 $0xA;
	[sflag:s26] =	ssyncadd.s32 $0xFFFFFFD8  }
0x57: {  	[spmem:s3] =	stream.indirect.scatter.add.f32 [tilespmem:s20], [sflag:$0x8], $0x1, s23, s22, $0xb8;
	[tilespmem:$0x580] =	vst v63  }
0x58: {  	_ =	swait.ge @!p0 [sflag:s11], $0x28  }
0x59: {  	[sflag:s11] =	ssyncset.done @!p0 $0x0  }
0x5a: {  	[sflag:s11] =	ssyncadd.s32 @!p0 $0xFFFFFFD8;
	s11 =	sadd.s32 s10, s14  }
0x5b: {  	[tilespmem:s28], [sflag:$0x5] =	stream.linear.gather [hbm4b:s11+s4], $0x28, $0x38;
	[tilespmem:$0x580] =	vst v63  }
0x5c: {  	_ =	swait.ge [sflag:s29], $0x28  }
0x5d: {  	p0 =	seq.s32 s10, $0x258;
	[sflag:s29] =	ssyncset.done $0x0  }
.Ltmp2:
0x5e: {  	[sflag:s29] =	ssyncadd.s32 $0xFFFFFFD8;
	(pc) =	sbr.rel @p0 .LBB2_4-.Ltmp2, $4  }
0x5f: {  	[spmem:s3] =	stream.indirect.scatter.add.f32 [tilespmem:s20], [sflag:$0x9], $0x1, s25, s22, $0xb8;
	[tilespmem:$0x580] =	vst v63  }
0x60: {  	_ =	swait.ge [sflag:s30], $0x28  }
0x61: {  	[sflag:s30] =	ssyncset.done $0x0  }
0x62: {  	[sflag:s30] =	ssyncadd.s32 $0xFFFFFFD8  }
0x63: {  	s11 =	sshrl.u32 s13, $0x3  }
0x64: {  	s11 =	sadd.s32 s1, s11  }
0x65: {  	[tilespmem:s4], [sflag:$0x1] =	stream.linear.gather [hbm4b:s11+s4], $0x28, $0x38;
	[tilespmem:$0x580] =	vst v63  }
0x66: {  	_ =	swait.ge [sflag:s31], $0x28  }
0x67: {  	[sflag:s31] =	ssyncset.done $0x0  }
0x68: {  	[sflag:s31] =	ssyncadd.s32 $0xFFFFFFD8  }
0x69: {  	[spmem:s3] =	stream.indirect.scatter.add.f32 [tilespmem:s20], [sflag:$0xA], $0x1, s28, s22, $0xb8;
	[tilespmem:$0x580] =	vst v63  }
.Ltmp3:
0x6a: {  	_ = 	snop;
	(pc) =	sbr.rel .LBB2_2-.Ltmp3, $4  }
0x6b: {  	_ =	swait.ge [sflag:s0], $0x28  }
0x6c: {  	s13 =	sadd.s32 $0xC8, s13;
	[sflag:s0] =	ssyncset.done $0x0  }
0x6d: {  	s11 =	sadd.s32 s10, s12;
	s10 =	sadd.s32 $0x19, s10;
	[sflag:s0] =	ssyncadd.s32 $0xFFFFFFD8  }
0x6e: {  	[tilespmem:s17], [sflag:$0x2] =	stream.linear.gather [hbm4b:s11+s4], $0x28, $0x38;
	[tilespmem:$0x580] =	vst v63  }
.LBB2_5:
0x6f: {  	_ =	sfence.sel $0x180000  }
0x70: {  	[bflag:$0x0] =	sbarrier.arrive $0xFFFF  }
0x71: {  	_ =	strace $0x90000047  }
0x72: {  	s0 =	stileid.u32;
	[bflag:$0x2] =	sbarrier.arrive $0xFFFF  }
0x73: {  	p0 =	sne.s32 s0, $0x0;
	s0 =	rddreg [dreg:$0x3]  }
0x74: {  	s0 =	sadd.s32 @!p0 $0x100000, s0  }
0x75: {  	[sflag:s0] =	ssyncadd.tile.s32 @!p0 $0x1;
	_ =	shalt  }
.Lfunc_end2:
_tile_overlayer_lowered:
.L_overlay_start_2:
0x76: {  	(tag) =	ssettag $0x2  }
0x77: {  	s0 =	rddreg [dreg:$0x0];
	s2 =	stileid.u32  }
0x78: {  	s1 =	rddreg [dreg:$0x1];
	p0 =	sne.s32 s2, $0x0  }
0x79: {  	s3 =	rddreg [dreg:$0x2];
	[bflag:$0x3] =	sbarrier.arrive $0xFFFF;
	s2 =	simm.s32 @!p0 $0x1C0B  }
0x7a: {  	[timem:s3], [sflag:s2] =	dma.local @!p0 [hbm:s0], s1  }
0x7b: {  	s0 =	simm.s32 @!p0 $0xB  }
0x7c: {  	_ =	swait.ge @!p0 [sflag:s0], s1  }
0x7d: {  	s1 =	ssub.s32 @!p0 $0x0, s1;
	[sflag:s0] =	ssyncset.done @!p0 $0x0  }
0x7e: {  	[sflag:s0] =	ssyncadd.s32 @!p0 s1  }
0x7f: {  	[bflag:$0x3] =	sbarrier.arrive $0xFFFF  }
0x80: {  	_ =	shalt  }

// kernel: kernel.13.cloned.1.call-start
scs
__scs_entry_jumppad:
0x0: {  	(pc) =	sbr.rel $0x88, $3  }
0x1: {  	(tag) =	ssettag $0x0;
	lr =	simm.s32 $0x1  }
0x2: {  	[smem:$0x3F99] =	sst lr;
	_ =	strace $0xD0000000  }
0x3: {  	_ = 	snop  }
0x4: {  	_ = 	snop  }
0x5: {  	_ = 	snop  }
0x6: {  	_ = 	snop  }
0x7: {  	_ = 	snop  }
__scs_overlays_trampoline_lowered:
0x8: {  	[smem:$0x3FA8] =	sst s0  }
0x9: {  	[smem:$0x3FA9] =	sst s1  }
0xa: {  	[smem:$0x3FAA] =	sst s2  }
0xb: {  	[smem:$0x3FAB] =	sst s3  }
0xc: {  	[smem:$0x3FAC] =	sst s4  }
0xd: {  	[smem:$0x3FAD] =	sst s5  }
0xe: {  	[smem:$0x3FAE] =	sst s6  }
0xf: {  	[smem:$0x3FAF] =	sst s7  }
0x10: {  	[smem:$0x3FB0] =	sst s8  }
0x11: {  	[smem:$0x3FB1] =	sst s9;
	s0 =	simm.s32 @!p0 $0x0  }
0x12: {  	s1 =	sld [smem:$0x3F97];
	s0 =	simm.s32 @p0 $0x1  }
0x13: {  	[smem:$0x3FB2] =	sst s0;
	s0 =	simm.s32 @!p1 $0x0  }
0x14: {  	s2 =	sld [smem:$0x3F96];
	s0 =	simm.s32 @p1 $0x1  }
0x15: {  	[smem:$0x3FB3] =	sst s0;
	s0 =	simm.s32 @!p2 $0x0  }
0x16: {  	s3 =	sld [smem:$0x3FDB];
	s0 =	simm.s32 @p2 $0x1  }
0x17: {  	s4 =	simm.s32 $0x1BF5;
	[smem:$0x3FB5] =	sst s0  }
0x18: {  	s0 =	sld [smem:$0x3F98];
	_ =	swait.ge [sflag:s4], $0x0  }
0x19: {  	s7 =	sld [smem:$0x3F99]  }
0x1a: {  	s8 =	sadd.s32 $0xFFFFE003, lr  }
0x1b: {  	s9 =	sadd.s32 $0xFFFFFEF7, lr;
	s5 =	simm.s32 $0xFFFFFFFF;
	p2 =	slt.u32 s8, $0xFFFFF086  }
0x1c: {  	p1 =	slt.u32 s9, $0xF7A;
	s5 =	simm.s32 @!p2 $0x0  }
0x1d: {  	s5 =	simm.s32 @p1 $0x1;
	p0 =	seq.s32 s7, s2  }
0x1e: {  	s7 =	smul.u32 @!p0 $0xF7A, s2;
	p2 =	seq.s32 @!p0 s5, $0x0  }
0x1f: {  	s9 =	smul.u32 $0xF7A, s1;
	s8 =	simm.s32 @!p0 $0x1BF5;
	p2 =	por !p2, p0  }
0x20: {  	[sflag:s8] =	ssyncset.s32 @!p0 $0xFFFFF086;
	s6 =	sadd.s32 @!p0 s3, s7;
	s7 =	simm.s32 @!p0 $0x108  }
0x21: {  	s3 =	sadd.s32 s3, s9;
	s6 =	sadd.s32 @!p0 $0x88, s6;
	s7 =	simm.s32 @p2 $0x1082  }
0x22: {  	[simem:s7], [sflag:s8] =	dma.local @!p0 [hbm:s6], $0xF7A  }
0x23: {  	s9 =	sor.u32 $0xD0000000, s2;
	s6 =	simm.s32 $0x108;
	_ =	swait.ge @!p0 [sflag:s8], $0x0  }
0x24: {  	s3 =	sadd.s32 $0x88, s3;
	s6 =	simm.s32 @!p1 $0x1082;
	[sflag:s4] =	ssyncset.s32 $0xFFFFF086  }
0x25: {  	[simem:s6], [sflag:s4] =	dma.local [hbm:s3], $0xF7A  }
0x26: {  	[smem:$0x3F99] =	sst s1;
	(tag) =	ssettag s2;
	_ =	strace s9  }
0x27: {  	s1 =	sld [smem:$0x3FA9]  }
0x28: {  	s2 =	sld [smem:$0x3FAA]  }
0x29: {  	s4 =	sld [smem:$0x3FAC]  }
0x2a: {  	p0 =	seq.s32 s5, $0x0;
	s5 =	sld [smem:$0x3FAD]  }
0x2b: {  	s6 =	sld [smem:$0x3FAE]  }
0x2c: {  	s7 =	sld [smem:$0x3FAF]  }
0x2d: {  	s3 =	simm.s32 $0x108;
	s8 =	sld [smem:$0x3FB0]  }
0x2e: {  	s3 =	simm.s32 @!p0 $0x1082;
	s9 =	sld [smem:$0x3FB1]  }
0x2f: {  	lr =	sadd.s32 s0, s3;
	s0 =	sld [smem:$0x3FA8]  }
0x30: {  	s3 =	sld [smem:$0x3FAB]  }
0x31: {  	[smem:$0x3FB4] =	sst s10  }
0x32: {  	s10 =	sld [smem:$0x3FB2];
	_ =	sdelay $0x3  }
0x33: {  	p0 =	seq.s32 s10, $0x1;
	s10 =	sld [smem:$0x3FB4];
	_ =	sdelay $0x3  }
0x34: {  	[smem:$0x3FB4] =	sst s10  }
0x35: {  	s10 =	sld [smem:$0x3FB3];
	_ =	sdelay $0x3  }
0x36: {  	p1 =	seq.s32 s10, $0x1;
	s10 =	sld [smem:$0x3FB4];
	_ =	sdelay $0x3  }
0x37: {  	[smem:$0x3FB4] =	sst s10  }
0x38: {  	s10 =	sld [smem:$0x3FB5]  }
0x39: {  	_ = 	snop;
	(pc) =	sbr.ind lr, $3  }
0x3a: {  	_ = 	snop  }
0x3b: {  	_ = 	snop  }
0x3c: {  	p2 =	seq.s32 s10, $0x1;
	s10 =	sld [smem:$0x3FB4]  }
0x3d: {  	_ =	shalt  }
0x3e: {  	_ =	shalt  }
0x3f: {  	_ =	shalt  }
0x40: {  	_ =	shalt  }
0x41: {  	_ =	shalt  }
0x42: {  	_ =	shalt  }
0x43: {  	_ =	shalt  }
0x44: {  	_ =	shalt  }
0x45: {  	_ =	shalt  }
0x46: {  	_ =	shalt  }
0x47: {  	_ =	shalt  }
0x48: {  	_ =	shalt  }
0x49: {  	_ =	shalt  }
0x4a: {  	_ =	shalt  }
0x4b: {  	_ =	shalt  }
0x4c: {  	_ =	shalt  }
0x4d: {  	_ =	shalt  }
0x4e: {  	_ =	shalt  }
0x4f: {  	_ =	shalt  }
0x50: {  	_ =	shalt  }
0x51: {  	_ =	shalt  }
0x52: {  	_ =	shalt  }
0x53: {  	_ =	shalt  }
0x54: {  	_ =	shalt  }
0x55: {  	_ =	shalt  }
0x56: {  	_ =	shalt  }
0x57: {  	_ =	shalt  }
0x58: {  	_ =	shalt  }
0x59: {  	_ =	shalt  }
0x5a: {  	_ =	shalt  }
0x5b: {  	_ =	shalt  }
0x5c: {  	_ =	shalt  }
0x5d: {  	_ =	shalt  }
0x5e: {  	_ =	shalt  }
0x5f: {  	_ =	shalt  }
0x60: {  	_ =	shalt  }
0x61: {  	_ =	shalt  }
0x62: {  	_ =	shalt  }
0x63: {  	_ =	shalt  }
0x64: {  	_ =	shalt  }
0x65: {  	_ =	shalt  }
0x66: {  	_ =	shalt  }
0x67: {  	_ =	shalt  }
0x68: {  	_ =	shalt  }
0x69: {  	_ =	shalt  }
0x6a: {  	_ =	shalt  }
0x6b: {  	_ =	shalt  }
0x6c: {  	_ =	shalt  }
0x6d: {  	_ =	shalt  }
0x6e: {  	_ =	shalt  }
0x6f: {  	_ =	shalt  }
0x70: {  	_ =	shalt  }
0x71: {  	_ =	shalt  }
0x72: {  	_ =	shalt  }
0x73: {  	_ =	shalt  }
0x74: {  	_ =	shalt  }
0x75: {  	_ =	shalt  }
0x76: {  	_ =	shalt  }
0x77: {  	_ =	shalt  }
0x78: {  	_ =	shalt  }
0x79: {  	_ =	shalt  }
0x7a: {  	_ =	shalt  }
0x7b: {  	_ =	shalt  }
0x7c: {  	_ =	shalt  }
0x7d: {  	_ =	shalt  }
0x7e: {  	_ =	shalt  }
0x7f: {  	_ =	shalt  }
0x80: {  	_ =	shalt  }
0x81: {  	_ =	shalt  }
0x82: {  	_ =	shalt  }
0x83: {  	_ =	shalt  }
0x84: {  	_ =	shalt  }
0x85: {  	_ =	shalt  }
0x86: {  	_ =	shalt  }
0x87: {  	_ =	shalt  }
.Lfunc_end0:
.L_simem_size_0:
called_computation.1_lowered:
.L_overlay_start_0:
0x88: {  	s2 =	sld [smem:$0x3FD9]  }
0x89: {  	s3 =	sld [smem:$0x3FFE];
	_ =	sdelay $0x1  }
0x8a: {  	s1 =	srdreg.scid  }
0x8b: {  	s0 =	sand.u32 $0x1, s1  }
0x8c: {  	s16 =	sshll.u32 s0, $0xA;
	s2 =	sadd.s32 s3, s2  }
0x8d: {  	s2 =	sadd.s32 s2, s16  }
0x8e: {  	[smem:$0x3FC0] =	sst s2  }
0x8f: {  	_ = 	snop  }
0x90: {  	(tm) =	ssettm $0x1  }
0x91: {  	s17 =	sld [smem:$0x3FFB];
	_ =	sdelay $0x3  }
0x92: {  	_ =	strace s17  }
0x93: {  	s2 =	sld [smem:$0x3FFC];
	_ =	sdelay $0x3  }
0x94: {  	_ =	strace s2  }
0x95: {  	s2 =	sld [smem:$0x3FFD];
	_ =	sdelay $0x3  }
0x96: {  	_ =	strace s2  }
0x97: {  	_ =	strace $0x8FFFFFFF  }
0x98: {  	s18 =	sld [smem:$0x3FDB];
	_ =	sdelay $0x1  }
0x99: {  	s19 =	simm.s32 $_scs_section_size  }
0x9a: {  	s4 =	simm.s32 $_size__tile_overlayer_lowered;
	s5 =	simm.s32 $_tile_overlayer_lowered  }
0x9b: {  	s22 =	simm.s32 $0x1BFF;
	s21 =	sshll.u32 s5, $0x1;
	s2 =	sadd.s32 s19, s18  }
0x9c: {  	s6 =	simm.s32 $0x0;
	s20 =	sshll.u32 s4, $0x1;
	s4 =	sadd.s32 s21, s2  }
0x9d: {  	[timem:s6], [sflag:s22] =	dma.local [hbm:s4], s20  }
0x9e: {  	_ =	swait.ge [sflag:s22], s20  }
0x9f: {  	s3 =	ssub.s32 $0x0, s20;
	[sflag:s22] =	ssyncset.done $0x0  }
0xa0: {  	[sflag:s22] =	ssyncadd.s32 s3;
	_ =	sdelay $0x1  }
0xa1: {  	s23 =	simm.s32 $0x1B8B  }
0xa2: {  	_ =	swait.ge [sflag:s23], $0x1  }
0xa3: {  	[sflag:s23] =	ssyncset.done $0x0  }
0xa4: {  	s25 =	simm.s32 $0x1B8E;
	s24 =	sld [smem:$0x3FFE];
	[sflag:s23] =	ssyncadd.s32 $0xFFFFFFFF  }
0xa5: {  	s26 =	simm.s32 $execute0_lowered;
	[smem:$0x3FD2] =	sst s25  }
0xa6: {  	s4 =	sshll.u32 s26, $0x1;
	_ =	strace $0x80000049;
	[dreg:$0x1] =	wrdreg $0xFFFFFFFF  }
0xa7: {  	s28 =	simm.s32 $_size_execute0_lowered;
	s2 =	sadd.s32 s2, s4;
	[dreg:$0x0] =	wrdreg $0x0  }
0xa8: {  	s4 =	sshll.u32 s28, $0x1;
	[dreg:$0x2] =	wrdreg s2  }
0xa9: {  	[dreg:$0x3] =	wrdreg s4  }
0xaa: {  	[dreg:$0x4] =	wrdreg $0xC0  }
0xab: {  	_ =	task [dreg:s6], $0x5FFFF  }
0xac: {  	[dreg:$0x1] =	wrdreg $0xFFFFFFFF  }
0xad: {  	[dreg:$0x0] =	wrdreg $0x60  }
0xae: {  	[dreg:$0x2] =	wrdreg s24  }
0xaf: {  	[dreg:$0x3] =	wrdreg $0x69000  }
0xb0: {  	[dreg:$0x4] =	wrdreg $0x9  }
0xb1: {  	_ =	task.clear_ibuf [dreg:s6], $0x5FFFF;
	_ =	strace $0x90000049  }
0xb2: {  	s29 =	simm.s32 $0x9;
	_ =	strace $0x8000004B  }
0xb3: {  	_ =	swait.ge [sflag:s29], $0x1  }
0xb4: {  	[sflag:s29] =	ssyncadd.s32 $0xFFFFFFFF  }
0xb5: {  	_ =	strace $0x9000004B  }
0xb6: {  	_ =	sfence  }
0xb7: {  	s30 =	sld [smem:$0x0];
	_ =	sdelay $0x2  }
0xb8: {  	s31 =	sshll.u32 s1, $0xD;
	s1 =	sshrl.u32 s1, $0x2  }
0xb9: {  	s3 =	sand.u32 $0x4000, s31;
	s1 =	sadd.s32 s1, s30  }
0xba: {  	s0 =	sor.u32 s3, s0;
	s1 =	sshll.u32 s1, $0x11  }
0xbb: {  	s0 =	sor.u32 s1, s0  }
0xbc: {  	s0 =	sadd.s32 $0x8F2B, s0  }
0xbd: {  	[sflag:s0] =	ssyncadd.remote.s32 $0x1  }
0xbe: {  	_ =	sfence.sel $0xFFFF  }
0xbf: {  	[dreg:$0x0] =	wrdreg $0xFFFFFFFF;
	(pc) =	sbr.abs _section_cstart, $3  }
0xc0: {  	[dreg:$0x1] =	wrdreg $0xFFFFFFFF  }
0xc1: {  	_ =	task.clear_ibuf [dreg:s6], $0x2FFFF;
	_ =	strace $0x9FFFFFFF  }
0xc2: {  	(tm) =	ssettm $0x7FFFFFFF  }
0xc3: {  	_ =	shalt  }
tec
execute0_lowered:
.L_overlay_start_1:
0x0: {  	(tag) =	ssettag $0x1  }
0x1: {  	s0 =	rddreg [dreg:$0x0]  }
0x2: {  	s2 =	rddreg [dreg:$0x1];
	s10 =	stileid.u32  }
0x3: {  	s1 =	srdreg.scid;
	s3 =	simm.s32 $0x0;
	s28 =	simm.s32 $0x6  }
0x4: {  	s30 =	simm.s32 $0x300;
	s31 =	simm.s32 $0x3;
	s5 =	smul.u32 $0x14000, s10  }
0x5: {  	s29 =	simm.s32 $0xD;
	s1 =	sand.u32 $0x1, s1;
	s9 =	smul.u32 $0xFA00, s10  }
0x6: {  	[smem:$0x7FF] =	sst s3;
	s4 =	sadd.s32 $0x92C00, s0;
	s12 =	smul.u32 $0x50000, s10  }
0x7: {  	s11 =	sadd.s32 $0x4400, s0;
	s18 =	sshll.u32 s10, $0x6;
	s6 =	smul.u32 $0x140000, s1  }
0x8: {  	s10 =	simm.s32 $0x5;
	s7 =	smul.u32 $0xFA000, s1;
	s1 =	ssub.s32 $0x2, s1  }
0x9: {  	_ =	strace $0x8000004A;
	s8 =	sshrl.u32 s5, $0x3;
	s13 =	sshrl.u32 s1, $0x1  }
0xa: {  	s14 =	sshrl.u32 s12, $0x2;
	s12 =	simm.s32 $0x8;
	s5 =	sadd.s32 s5, s6  }
0xb: {  	s8 =	sadd.s32 s8, s0;
	s6 =	sadd.s32 s9, s7;
	s1 =	ssub.s32 s1, s13  }
0xc: {  	s13 =	sor.u32 $0x1C10, s18;
	s18 =	simm.s32 $0x100;
	s7 =	simm.s32 $0xC  }
0xd: {  	s5 =	sshrl.u32 s5, $0x3;
	s9 =	sshrl.u32 s6, $0x3;
	s17 =	sadd.s32 $0xE2C00, s8  }
0xe: {  	s19 =	sadd.s32 $0x700, s6;
	s1 =	smax.u32 s1, $0x1;
	s21 =	sadd.s32 $0x600, s6  }
0xf: {  	s22 =	sadd.s32 $0x400, s6;
	s23 =	sadd.s32 $0x300, s6;
	s6 =	sadd.s32 $0x500, s6  }
0x10: {  	s8 =	simm.s32 $0x400;
	[dreg:$0x7] =	wrdreg s13;
	s0 =	sadd.s32 s5, s0  }
0x11: {  	s9 =	sadd.s32 s11, s9;
	s5 =	sadd.s32 s14, s2;
	[dreg:$0x6] =	wrdreg s17  }
0x12: {  	s20 =	sshrl.u32 s19, $0x3;
	[dreg:$0x9] =	wrdreg s1;
	s24 =	sshrl.u32 s22, $0x3  }
0x13: {  	s25 =	sshrl.u32 s23, $0x3;
	[dreg:$0xc] =	wrdreg s6;
	s17 =	smov.u32 s11  }
0x14: {  	s19 =	simm.s32 $0x200;
	s22 =	simm.s32 $0x1;
	s23 =	simm.s32 $0x28  }
0x15: {  	s1 =	simm.s32 $0x7;
	s6 =	simm.s32 $0xA;
	s15 =	sadd.s32 $0x20, s9  }
0x16: {  	[dreg:$0x3] =	wrdreg s9;
	s16 =	sadd.s32 $0x40, s9;
	s0 =	sadd.s32 $0x10AC00, s0  }
0x17: {  	s26 =	sadd.s32 s25, s11;
	s14 =	sshrl.u32 s5, $0x3;
	[dreg:$0x4] =	wrdreg s15  }
0x18: {  	s25 =	simm.s32 $0x2;
	s9 =	simm.s32 $0x4;
	[dreg:$0x5] =	wrdreg s16  }
0x19: {  	s5 =	simm.s32 $0x0;
	[dreg:$0x8] =	wrdreg s0;
	s0 =	sadd.s32 s20, s11  }
0x1a: {  	[dreg:$0xe] =	wrdreg s26;
	s16 =	simm.s32 $0x10;
	s26 =	simm.s32 $0x1900  }
.Ltmp0:
0x1b: {  	s15 =	simm.s32 $0xB;
	[dreg:$0x10] =	wrdreg s5;
	(pc) =	sbr.rel .LBB2_1-.Ltmp0, $4  }
0x1c: {  	s20 =	simm.s32 $0x5500;
	[dreg:$0xa] =	wrdreg s0;
	s0 =	sshrl.u32 s21, $0x3  }
0x1d: {  	[dreg:$0xf] =	wrdreg s14;
	s21 =	simm.s32 $0x9;
	s0 =	sadd.s32 s0, s11  }
0x1e: {  	[dreg:$0xb] =	wrdreg s0;
	s0 =	sadd.s32 s24, s11;
	s24 =	simm.s32 $0x500  }
0x1f: {  	s11 =	simm.s32 $0x4100;
	[dreg:$0xd] =	wrdreg s0;
	s0 =	simm.s32 $0x2D00  }
.LBB2_4:
0x20: {  	_ =	swait.ge [sflag:s6], $0x1400  }
0x21: {  	[sflag:s6] =	ssyncset.done $0x0  }
0x22: {  	s5 =	simm.s32 $0x480;
	[sflag:s6] =	ssyncadd.s32 $0xFFFFEC00  }
0x23: {  	[spmem:s2] =	stream.indirect.scatter.add.f32 [tilespmem:s20], [sflag:$0xF], $0x80, s5, s23, $0xb8;
	[tilespmem:$0x1A940] =	vst v63  }
0x24: {  	_ =	swait.ge [sflag:s29], $0x1400  }
0x25: {  	[sflag:s29] =	ssyncset.done $0x0  }
0x26: {  	s13 =	simm.s32 $0xE;
	[sflag:s29] =	ssyncadd.s32 $0xFFFFEC00  }
0x27: {  	_ =	swait.ge [sflag:s13], $0x1400  }
0x28: {  	[sflag:s13] =	ssyncset.done $0x0  }
0x29: {  	s14 =	simm.s32 $0xF;
	[sflag:s13] =	ssyncadd.s32 $0xFFFFEC00  }
0x2a: {  	_ =	swait.ge [sflag:s14], $0x1400  }
0x2b: {  	[sflag:s14] =	ssyncset.done $0x0  }
0x2c: {  	[sflag:s14] =	ssyncadd.s32 $0xFFFFEC00  }
0x2d: {  	[bflag:$0x0] =	sbarrier.arrive $0xFFFF  }
0x2e: {  	s13 =	rddreg [dreg:$0x7]  }
0x2f: {  	s16 =	rddreg [dreg:$0x8]  }
0x30: {  	s14 =	rddreg [dreg:$0xf]  }
0x31: {  	[hbm:s16], [sflag:s13] =	dma.local [spmem:s14], $0x2800  }
0x32: {  	s16 =	simm.s32 $0x10  }
0x33: {  	_ =	swait.ge [sflag:s16], $0x2800  }
0x34: {  	s5 =	rddreg [dreg:$0x10]  }
0x35: {  	s13 =	sadd.s32 $0x1, s5;
	s5 =	rddreg [dreg:$0x9]  }
0x36: {  	p0 =	sne.s32 s13, s5  }
.Ltmp1:
0x37: {  	_ = 	snop;
	(pc) =	sbr.rel @!p0 .LBB2_5-.Ltmp1, $3  }
0x38: {  	_ =	sdelay $0x1  }
0x39: {  	[sflag:s16] =	ssyncset.done $0x0;
	[dreg:$0x10] =	wrdreg s13  }
0x3a: {  	[sflag:s16] =	ssyncadd.s32 $0xFFFFD800;
	s13 =	rddreg [dreg:$0x7]  }
.LBB2_1:
0x3b: {  	s5 =	rddreg [dreg:$0x3]  }
0x3c: {  	[tilespmem:s3], [sflag:$0x1] =	stream.linear.gather [hbm4b:s5+s3], $0x100, $0x38;
	[tilespmem:$0x1A940] =	vst v63  }
0x3d: {  	s5 =	rddreg [dreg:$0x4]  }
0x3e: {  	[tilespmem:s18], [sflag:$0x2] =	stream.linear.gather [hbm4b:s5+s3], $0x100, $0x38;
	[tilespmem:$0x1A940] =	vst v63  }
0x3f: {  	s5 =	rddreg [dreg:$0x5]  }
0x40: {  	[tilespmem:s19], [sflag:$0x3] =	stream.linear.gather [hbm4b:s5+s3], $0x100, $0x38;
	[tilespmem:$0x1A940] =	vst v63  }
0x41: {  	s5 =	rddreg [dreg:$0x6]  }
0x42: {  	[spmem:s14], [sflag:s13] =	dma.local [hbm:s5], $0x2800  }
0x43: {  	_ =	swait.ge [sflag:s16], $0x2800  }
0x44: {  	[sflag:s16] =	ssyncset.done $0x0  }
0x45: {  	[sflag:s16] =	ssyncadd.s32 $0xFFFFD800  }
0x46: {  	_ =	swait.ge [sflag:s22], $0x100  }
0x47: {  	[sflag:s22] =	ssyncset.done $0x0  }
0x48: {  	[sflag:s22] =	ssyncadd.s32 $0xFFFFFF00  }
0x49: {  	[tilespmem:s24], [sflag:$0x6] =	stream.indirect.gather [hbm4b:s4+s23], $0x80, s3, s23, $0xb8;
	[tilespmem:$0x1A940] =	vst v63  }
0x4a: {  	_ =	swait.ge [sflag:s25], $0x100  }
0x4b: {  	[sflag:s25] =	ssyncset.done $0x0  }
0x4c: {  	[sflag:s25] =	ssyncadd.s32 $0xFFFFFF00  }
0x4d: {  	[tilespmem:s26], [sflag:$0x7] =	stream.indirect.gather [hbm4b:s4+s23], $0x80, s18, s23, $0xb8;
	[tilespmem:$0x1A940] =	vst v63  }
0x4e: {  	[bflag:$0x0] =	sbarrier.arrive $0xFFFF  }
0x4f: {  	s13 =	simm.s32 $0x0;
	s5 =	rddreg [dreg:$0xc]  }
.LBB2_2:
0x50: {  	_ =	swait.ge [sflag:s28], $0x1400  }
0x51: {  	[sflag:s28] =	ssyncset.done $0x0  }
0x52: {  	s14 =	simm.s32 $0x80;
	p0 =	seq.s32 s13, $0x0;
	[sflag:s28] =	ssyncadd.s32 $0xFFFFEC00  }
0x53: {  	[spmem:s2] =	stream.indirect.scatter.add.f32 [tilespmem:s24], [sflag:$0xB], $0x80, s14, s23, $0xb8;
	[tilespmem:$0x1A940] =	vst v63  }
0x54: {  	s14 =	simm.s32 @!p0 $0xE  }
0x55: {  	_ =	swait.ge @!p0 [sflag:s14], $0x1400  }
0x56: {  	[sflag:s14] =	ssyncset.done @!p0 $0x0;
	s16 =	rddreg [dreg:$0xe]  }
0x57: {  	[sflag:s14] =	ssyncadd.s32 @!p0 $0xFFFFEC00;
	s14 =	sadd.s32 s13, s16  }
0x58: {  	[tilespmem:s30], [sflag:$0x4] =	stream.linear.gather [hbm4b:s14+s3], $0x100, $0x38;
	[tilespmem:$0x1A940] =	vst v63  }
0x59: {  	_ =	swait.ge [sflag:s31], $0x100  }
0x5a: {  	[sflag:s31] =	ssyncset.done $0x0  }
0x5b: {  	[sflag:s31] =	ssyncadd.s32 $0xFFFFFF00  }
0x5c: {  	[tilespmem:s0], [sflag:$0x8] =	stream.indirect.gather [hbm4b:s4+s23], $0x80, s19, s23, $0xb8;
	[tilespmem:$0x1A940] =	vst v63  }
0x5d: {  	_ =	swait.ge [sflag:s1], $0x1400  }
0x5e: {  	[sflag:s1] =	ssyncset.done $0x0  }
0x5f: {  	s16 =	simm.s32 $0x180;
	s14 =	simm.s32 @!p0 $0xF;
	[sflag:s1] =	ssyncadd.s32 $0xFFFFEC00  }
0x60: {  	[spmem:s2] =	stream.indirect.scatter.add.f32 [tilespmem:s26], [sflag:$0xC], $0x80, s16, s23, $0xb8;
	[tilespmem:$0x1A940] =	vst v63  }
0x61: {  	_ =	swait.ge @!p0 [sflag:s14], $0x1400  }
0x62: {  	[sflag:s14] =	ssyncset.done @!p0 $0x0;
	s16 =	rddreg [dreg:$0xd]  }
0x63: {  	[sflag:s14] =	ssyncadd.s32 @!p0 $0xFFFFEC00;
	s14 =	sadd.s32 s13, s16  }
0x64: {  	[tilespmem:s8], [sflag:$0x5] =	stream.linear.gather [hbm4b:s14+s3], $0x100, $0x38;
	[tilespmem:$0x1A940] =	vst v63  }
0x65: {  	_ =	swait.ge [sflag:s9], $0x100  }
0x66: {  	[sflag:s9] =	ssyncset.done $0x0  }
0x67: {  	[sflag:s9] =	ssyncadd.s32 $0xFFFFFF00  }
0x68: {  	[tilespmem:s11], [sflag:$0x9] =	stream.indirect.gather [hbm4b:s4+s23], $0x80, s30, s23, $0xb8;
	[tilespmem:$0x1A940] =	vst v63  }
0x69: {  	_ =	swait.ge [sflag:s12], $0x1400  }
0x6a: {  	[sflag:s12] =	ssyncset.done $0x0  }
0x6b: {  	s16 =	simm.s32 $0x280;
	[sflag:s12] =	ssyncadd.s32 $0xFFFFEC00  }
0x6c: {  	[spmem:s2] =	stream.indirect.scatter.add.f32 [tilespmem:s0], [sflag:$0xD], $0x80, s16, s23, $0xb8;
	[tilespmem:$0x1A940] =	vst v63  }
0x6d: {  	p0 =	seq.s32 s13, $0x1EA0;
	_ =	swait.ge [sflag:s15], $0x1400  }
0x6e: {  	s14 =	sshrl.u32 @!p0 s5, $0x3;
	[sflag:s15] =	ssyncset.done $0x0  }
0x6f: {  	s14 =	sadd.s32 @!p0 s17, s14;
	s16 =	simm.s32 @!p0 $0x0;
	[sflag:s15] =	ssyncadd.s32 $0xFFFFEC00  }
0x70: {  	[tilespmem:s16], [sflag:$0x1] =	stream.linear.gather @!p0 [hbm4b:s14+s16], $0x100, $0x38;
	[tilespmem:$0x1A940] =	vst v63  }
0x71: {  	_ =	swait.ge [sflag:s10], $0x100  }
0x72: {  	[sflag:s10] =	ssyncset.done $0x0  }
0x73: {  	[sflag:s10] =	ssyncadd.s32 $0xFFFFFF00  }
0x74: {  	[tilespmem:s20], [sflag:$0xA] =	stream.indirect.gather [hbm4b:s4+s23], $0x80, s8, s23, $0xb8;
	[tilespmem:$0x1A940] =	vst v63  }
0x75: {  	_ =	swait.ge [sflag:s21], $0x1400  }
0x76: {  	[sflag:s21] =	ssyncset.done $0x0  }
.Ltmp2:
0x77: {  	s16 =	simm.s32 $0x380;
	[sflag:s21] =	ssyncadd.s32 $0xFFFFEC00;
	(pc) =	sbr.rel @p0 .LBB2_4-.Ltmp2, $4  }
0x78: {  	[spmem:s2] =	stream.indirect.scatter.add.f32 [tilespmem:s11], [sflag:$0xE], $0x80, s16, s23, $0xb8;
	[tilespmem:$0x1A940] =	vst v63  }
0x79: {  	_ =	swait.ge [sflag:s7], $0x1400  }
0x7a: {  	[sflag:s7] =	ssyncset.done $0x0  }
0x7b: {  	[sflag:s7] =	ssyncadd.s32 $0xFFFFEC00  }
0x7c: {  	s14 =	rddreg [dreg:$0xb]  }
0x7d: {  	s14 =	sadd.s32 s13, s14  }
0x7e: {  	[tilespmem:s18], [sflag:$0x2] =	stream.linear.gather [hbm4b:s14+s3], $0x100, $0x38;
	[tilespmem:$0x1A940] =	vst v63  }
0x7f: {  	_ =	swait.ge [sflag:s22], $0x100  }
0x80: {  	[sflag:s22] =	ssyncset.done $0x0  }
0x81: {  	[sflag:s22] =	ssyncadd.s32 $0xFFFFFF00  }
0x82: {  	[tilespmem:s24], [sflag:$0x6] =	stream.indirect.gather [hbm4b:s4+s23], $0x80, s3, s23, $0xb8;
	[tilespmem:$0x1A940] =	vst v63  }
0x83: {  	_ =	swait.ge [sflag:s6], $0x1400  }
0x84: {  	[sflag:s6] =	ssyncset.done $0x0  }
0x85: {  	s16 =	simm.s32 $0x480;
	[sflag:s6] =	ssyncadd.s32 $0xFFFFEC00  }
0x86: {  	[spmem:s2] =	stream.indirect.scatter.add.f32 [tilespmem:s20], [sflag:$0xF], $0x80, s16, s23, $0xb8;
	[tilespmem:$0x1A940] =	vst v63  }
0x87: {  	_ =	swait.ge [sflag:s29], $0x1400  }
0x88: {  	[sflag:s29] =	ssyncset.done $0x0;
	s16 =	rddreg [dreg:$0xa]  }
0x89: {  	[sflag:s29] =	ssyncadd.s32 $0xFFFFEC00;
	s14 =	sadd.s32 s13, s16  }
0x8a: {  	[tilespmem:s19], [sflag:$0x3] =	stream.linear.gather [hbm4b:s14+s3], $0x100, $0x38;
	[tilespmem:$0x1A940] =	vst v63  }
.Ltmp3:
0x8b: {  	_ = 	snop;
	(pc) =	sbr.rel .LBB2_2-.Ltmp3, $4  }
0x8c: {  	_ =	swait.ge [sflag:s25], $0x100  }
0x8d: {  	[sflag:s25] =	ssyncset.done $0x0  }
0x8e: {  	s5 =	sadd.s32 $0x500, s5;
	s13 =	sadd.s32 $0xA0, s13;
	[sflag:s25] =	ssyncadd.s32 $0xFFFFFF00  }
0x8f: {  	[tilespmem:s26], [sflag:$0x7] =	stream.indirect.gather [hbm4b:s4+s23], $0x80, s18, s23, $0xb8;
	[tilespmem:$0x1A940] =	vst v63  }
.LBB2_5:
0x90: {  	_ =	sfence.sel $0x180000  }
0x91: {  	[bflag:$0x0] =	sbarrier.arrive $0xFFFF  }
0x92: {  	_ =	strace $0x9000004A  }
0x93: {  	s0 =	stileid.u32;
	[bflag:$0x2] =	sbarrier.arrive $0xFFFF  }
0x94: {  	p0 =	sne.s32 s0, $0x0;
	s0 =	rddreg [dreg:$0x2]  }
0x95: {  	s0 =	sadd.s32 @!p0 $0x100000, s0  }
0x96: {  	[sflag:s0] =	ssyncadd.tile.s32 @!p0 $0x1;
	_ =	shalt  }
.Lfunc_end2:
_tile_overlayer_lowered:
.L_overlay_start_2:
0x97: {  	(tag) =	ssettag $0x2  }
0x98: {  	s0 =	rddreg [dreg:$0x0];
	s2 =	stileid.u32  }
0x99: {  	s1 =	rddreg [dreg:$0x1];
	p0 =	sne.s32 s2, $0x0  }
0x9a: {  	s3 =	rddreg [dreg:$0x2];
	[bflag:$0x3] =	sbarrier.arrive $0xFFFF;
	s2 =	simm.s32 @!p0 $0x1C10  }
0x9b: {  	[timem:s3], [sflag:s2] =	dma.local @!p0 [hbm:s0], s1  }
0x9c: {  	s0 =	simm.s32 @!p0 $0x10  }
0x9d: {  	_ =	swait.ge @!p0 [sflag:s0], s1  }
0x9e: {  	s1 =	ssub.s32 @!p0 $0x0, s1;
	[sflag:s0] =	ssyncset.done @!p0 $0x0  }
0x9f: {  	[sflag:s0] =	ssyncadd.s32 @!p0 s1  }
0xa0: {  	[bflag:$0x3] =	sbarrier.arrive $0xFFFF  }
0xa1: {  	_ =	shalt  }

// kernel: kernel.16.cloned.1.call-start
scs
__scs_entry_jumppad:
0x0: {  	(pc) =	sbr.rel $0x88, $3  }
0x1: {  	(tag) =	ssettag $0x0;
	lr =	simm.s32 $0x1  }
0x2: {  	[smem:$0x3F99] =	sst lr;
	_ =	strace $0xD0000000  }
0x3: {  	_ = 	snop  }
0x4: {  	_ = 	snop  }
0x5: {  	_ = 	snop  }
0x6: {  	_ = 	snop  }
0x7: {  	_ = 	snop  }
__scs_overlays_trampoline_lowered:
0x8: {  	[smem:$0x3FA8] =	sst s0  }
0x9: {  	[smem:$0x3FA9] =	sst s1  }
0xa: {  	[smem:$0x3FAA] =	sst s2  }
0xb: {  	[smem:$0x3FAB] =	sst s3  }
0xc: {  	[smem:$0x3FAC] =	sst s4  }
0xd: {  	[smem:$0x3FAD] =	sst s5  }
0xe: {  	[smem:$0x3FAE] =	sst s6  }
0xf: {  	[smem:$0x3FAF] =	sst s7  }
0x10: {  	[smem:$0x3FB0] =	sst s8  }
0x11: {  	[smem:$0x3FB1] =	sst s9;
	s0 =	simm.s32 @!p0 $0x0  }
0x12: {  	s1 =	sld [smem:$0x3F97];
	s0 =	simm.s32 @p0 $0x1  }
0x13: {  	[smem:$0x3FB2] =	sst s0;
	s0 =	simm.s32 @!p1 $0x0  }
0x14: {  	s2 =	sld [smem:$0x3F96];
	s0 =	simm.s32 @p1 $0x1  }
0x15: {  	[smem:$0x3FB3] =	sst s0;
	s0 =	simm.s32 @!p2 $0x0  }
0x16: {  	s3 =	sld [smem:$0x3FDB];
	s0 =	simm.s32 @p2 $0x1  }
0x17: {  	s4 =	simm.s32 $0x1BF5;
	[smem:$0x3FB5] =	sst s0  }
0x18: {  	s0 =	sld [smem:$0x3F98];
	_ =	swait.ge [sflag:s4], $0x0  }
0x19: {  	s7 =	sld [smem:$0x3F99]  }
0x1a: {  	s8 =	sadd.s32 $0xFFFFE003, lr  }
0x1b: {  	s9 =	sadd.s32 $0xFFFFFEF7, lr;
	s5 =	simm.s32 $0xFFFFFFFF;
	p2 =	slt.u32 s8, $0xFFFFF086  }
0x1c: {  	p1 =	slt.u32 s9, $0xF7A;
	s5 =	simm.s32 @!p2 $0x0  }
0x1d: {  	s5 =	simm.s32 @p1 $0x1;
	p0 =	seq.s32 s7, s2  }
0x1e: {  	s7 =	smul.u32 @!p0 $0xF7A, s2;
	p2 =	seq.s32 @!p0 s5, $0x0  }
0x1f: {  	s9 =	smul.u32 $0xF7A, s1;
	s8 =	simm.s32 @!p0 $0x1BF5;
	p2 =	por !p2, p0  }
0x20: {  	[sflag:s8] =	ssyncset.s32 @!p0 $0xFFFFF086;
	s6 =	sadd.s32 @!p0 s3, s7;
	s7 =	simm.s32 @!p0 $0x108  }
0x21: {  	s3 =	sadd.s32 s3, s9;
	s6 =	sadd.s32 @!p0 $0x88, s6;
	s7 =	simm.s32 @p2 $0x1082  }
0x22: {  	[simem:s7], [sflag:s8] =	dma.local @!p0 [hbm:s6], $0xF7A  }
0x23: {  	s9 =	sor.u32 $0xD0000000, s2;
	s6 =	simm.s32 $0x108;
	_ =	swait.ge @!p0 [sflag:s8], $0x0  }
0x24: {  	s3 =	sadd.s32 $0x88, s3;
	s6 =	simm.s32 @!p1 $0x1082;
	[sflag:s4] =	ssyncset.s32 $0xFFFFF086  }
0x25: {  	[simem:s6], [sflag:s4] =	dma.local [hbm:s3], $0xF7A  }
0x26: {  	[smem:$0x3F99] =	sst s1;
	(tag) =	ssettag s2;
	_ =	strace s9  }
0x27: {  	s1 =	sld [smem:$0x3FA9]  }
0x28: {  	s2 =	sld [smem:$0x3FAA]  }
0x29: {  	s4 =	sld [smem:$0x3FAC]  }
0x2a: {  	p0 =	seq.s32 s5, $0x0;
	s5 =	sld [smem:$0x3FAD]  }
0x2b: {  	s6 =	sld [smem:$0x3FAE]  }
0x2c: {  	s7 =	sld [smem:$0x3FAF]  }
0x2d: {  	s3 =	simm.s32 $0x108;
	s8 =	sld [smem:$0x3FB0]  }
0x2e: {  	s3 =	simm.s32 @!p0 $0x1082;
	s9 =	sld [smem:$0x3FB1]  }
0x2f: {  	lr =	sadd.s32 s0, s3;
	s0 =	sld [smem:$0x3FA8]  }
0x30: {  	s3 =	sld [smem:$0x3FAB]  }
0x31: {  	[smem:$0x3FB4] =	sst s10  }
0x32: {  	s10 =	sld [smem:$0x3FB2];
	_ =	sdelay $0x3  }
0x33: {  	p0 =	seq.s32 s10, $0x1;
	s10 =	sld [smem:$0x3FB4];
	_ =	sdelay $0x3  }
0x34: {  	[smem:$0x3FB4] =	sst s10  }
0x35: {  	s10 =	sld [smem:$0x3FB3];
	_ =	sdelay $0x3  }
0x36: {  	p1 =	seq.s32 s10, $0x1;
	s10 =	sld [smem:$0x3FB4];
	_ =	sdelay $0x3  }
0x37: {  	[smem:$0x3FB4] =	sst s10  }
0x38: {  	s10 =	sld [smem:$0x3FB5]  }
0x39: {  	_ = 	snop;
	(pc) =	sbr.ind lr, $3  }
0x3a: {  	_ = 	snop  }
0x3b: {  	_ = 	snop  }
0x3c: {  	p2 =	seq.s32 s10, $0x1;
	s10 =	sld [smem:$0x3FB4]  }
0x3d: {  	_ =	shalt  }
0x3e: {  	_ =	shalt  }
0x3f: {  	_ =	shalt  }
0x40: {  	_ =	shalt  }
0x41: {  	_ =	shalt  }
0x42: {  	_ =	shalt  }
0x43: {  	_ =	shalt  }
0x44: {  	_ =	shalt  }
0x45: {  	_ =	shalt  }
0x46: {  	_ =	shalt  }
0x47: {  	_ =	shalt  }
0x48: {  	_ =	shalt  }
0x49: {  	_ =	shalt  }
0x4a: {  	_ =	shalt  }
0x4b: {  	_ =	shalt  }
0x4c: {  	_ =	shalt  }
0x4d: {  	_ =	shalt  }
0x4e: {  	_ =	shalt  }
0x4f: {  	_ =	shalt  }
0x50: {  	_ =	shalt  }
0x51: {  	_ =	shalt  }
0x52: {  	_ =	shalt  }
0x53: {  	_ =	shalt  }
0x54: {  	_ =	shalt  }
0x55: {  	_ =	shalt  }
0x56: {  	_ =	shalt  }
0x57: {  	_ =	shalt  }
0x58: {  	_ =	shalt  }
0x59: {  	_ =	shalt  }
0x5a: {  	_ =	shalt  }
0x5b: {  	_ =	shalt  }
0x5c: {  	_ =	shalt  }
0x5d: {  	_ =	shalt  }
0x5e: {  	_ =	shalt  }
0x5f: {  	_ =	shalt  }
0x60: {  	_ =	shalt  }
0x61: {  	_ =	shalt  }
0x62: {  	_ =	shalt  }
0x63: {  	_ =	shalt  }
0x64: {  	_ =	shalt  }
0x65: {  	_ =	shalt  }
0x66: {  	_ =	shalt  }
0x67: {  	_ =	shalt  }
0x68: {  	_ =	shalt  }
0x69: {  	_ =	shalt  }
0x6a: {  	_ =	shalt  }
0x6b: {  	_ =	shalt  }
0x6c: {  	_ =	shalt  }
0x6d: {  	_ =	shalt  }
0x6e: {  	_ =	shalt  }
0x6f: {  	_ =	shalt  }
0x70: {  	_ =	shalt  }
0x71: {  	_ =	shalt  }
0x72: {  	_ =	shalt  }
0x73: {  	_ =	shalt  }
0x74: {  	_ =	shalt  }
0x75: {  	_ =	shalt  }
0x76: {  	_ =	shalt  }
0x77: {  	_ =	shalt  }
0x78: {  	_ =	shalt  }
0x79: {  	_ =	shalt  }
0x7a: {  	_ =	shalt  }
0x7b: {  	_ =	shalt  }
0x7c: {  	_ =	shalt  }
0x7d: {  	_ =	shalt  }
0x7e: {  	_ =	shalt  }
0x7f: {  	_ =	shalt  }
0x80: {  	_ =	shalt  }
0x81: {  	_ =	shalt  }
0x82: {  	_ =	shalt  }
0x83: {  	_ =	shalt  }
0x84: {  	_ =	shalt  }
0x85: {  	_ =	shalt  }
0x86: {  	_ =	shalt  }
0x87: {  	_ =	shalt  }
.Lfunc_end0:
.L_simem_size_0:
called_computation.2_lowered:
.L_overlay_start_0:
0x88: {  	s2 =	sld [smem:$0x3FD9]  }
0x89: {  	s3 =	sld [smem:$0x3FFE];
	_ =	sdelay $0x1  }
0x8a: {  	s1 =	srdreg.scid  }
0x8b: {  	s0 =	sand.u32 $0x1, s1  }
0x8c: {  	s16 =	sshll.u32 s0, $0xA;
	s2 =	sadd.s32 s3, s2  }
0x8d: {  	s2 =	sadd.s32 s2, s16  }
0x8e: {  	[smem:$0x3FC0] =	sst s2  }
0x8f: {  	_ = 	snop  }
0x90: {  	(tm) =	ssettm $0x1  }
0x91: {  	s17 =	sld [smem:$0x3FFB];
	_ =	sdelay $0x3  }
0x92: {  	_ =	strace s17  }
0x93: {  	s2 =	sld [smem:$0x3FFC];
	_ =	sdelay $0x3  }
0x94: {  	_ =	strace s2  }
0x95: {  	s2 =	sld [smem:$0x3FFD];
	_ =	sdelay $0x3  }
0x96: {  	_ =	strace s2  }
0x97: {  	_ =	strace $0x8FFFFFFF  }
0x98: {  	s18 =	sld [smem:$0x3FDB];
	_ =	sdelay $0x1  }
0x99: {  	s19 =	simm.s32 $_scs_section_size  }
0x9a: {  	s4 =	simm.s32 $_size__tile_overlayer_lowered;
	s5 =	simm.s32 $_tile_overlayer_lowered  }
0x9b: {  	s22 =	simm.s32 $0x1BFF;
	s21 =	sshll.u32 s5, $0x1;
	s2 =	sadd.s32 s19, s18  }
0x9c: {  	s6 =	simm.s32 $0x0;
	s20 =	sshll.u32 s4, $0x1;
	s4 =	sadd.s32 s21, s2  }
0x9d: {  	[timem:s6], [sflag:s22] =	dma.local [hbm:s4], s20  }
0x9e: {  	_ =	swait.ge [sflag:s22], s20  }
0x9f: {  	s3 =	ssub.s32 $0x0, s20;
	[sflag:s22] =	ssyncset.done $0x0  }
0xa0: {  	[sflag:s22] =	ssyncadd.s32 s3;
	_ =	sdelay $0x1  }
0xa1: {  	s23 =	simm.s32 $0x1B8B  }
0xa2: {  	_ =	swait.ge [sflag:s23], $0x1  }
0xa3: {  	[sflag:s23] =	ssyncset.done $0x0  }
0xa4: {  	s25 =	simm.s32 $0x1B8E;
	s24 =	sld [smem:$0x3FFE];
	[sflag:s23] =	ssyncadd.s32 $0xFFFFFFFF  }
0xa5: {  	s26 =	simm.s32 $execute0_lowered;
	[smem:$0x3FD2] =	sst s25  }
0xa6: {  	s4 =	sshll.u32 s26, $0x1;
	_ =	strace $0x8000004C;
	[dreg:$0x1] =	wrdreg $0xFFFFFFFF  }
0xa7: {  	s28 =	simm.s32 $_size_execute0_lowered;
	s2 =	sadd.s32 s2, s4;
	[dreg:$0x0] =	wrdreg $0x0  }
0xa8: {  	s4 =	sshll.u32 s28, $0x1;
	[dreg:$0x2] =	wrdreg s2  }
0xa9: {  	[dreg:$0x3] =	wrdreg s4  }
0xaa: {  	[dreg:$0x4] =	wrdreg $0xC0  }
0xab: {  	_ =	task [dreg:s6], $0x5FFFF  }
0xac: {  	[dreg:$0x1] =	wrdreg $0xFFFFFFFF  }
0xad: {  	[dreg:$0x0] =	wrdreg $0x60  }
0xae: {  	[dreg:$0x2] =	wrdreg s24  }
0xaf: {  	[dreg:$0x3] =	wrdreg $0x69000  }
0xb0: {  	[dreg:$0x4] =	wrdreg $0x9  }
0xb1: {  	_ =	task.clear_ibuf [dreg:s6], $0x5FFFF;
	_ =	strace $0x9000004C  }
0xb2: {  	s29 =	simm.s32 $0x9;
	_ =	strace $0x8000004E  }
0xb3: {  	_ =	swait.ge [sflag:s29], $0x1  }
0xb4: {  	[sflag:s29] =	ssyncadd.s32 $0xFFFFFFFF  }
0xb5: {  	_ =	strace $0x9000004E  }
0xb6: {  	_ =	sfence  }
0xb7: {  	s30 =	sld [smem:$0x0];
	_ =	sdelay $0x2  }
0xb8: {  	s31 =	sshll.u32 s1, $0xD;
	s1 =	sshrl.u32 s1, $0x2  }
0xb9: {  	s3 =	sand.u32 $0x4000, s31;
	s1 =	sadd.s32 s1, s30  }
0xba: {  	s0 =	sor.u32 s3, s0;
	s1 =	sshll.u32 s1, $0x11  }
0xbb: {  	s0 =	sor.u32 s1, s0  }
0xbc: {  	s0 =	sadd.s32 $0x8F2B, s0  }
0xbd: {  	[sflag:s0] =	ssyncadd.remote.s32 $0x1  }
0xbe: {  	_ =	sfence.sel $0xFFFF  }
0xbf: {  	[dreg:$0x0] =	wrdreg $0xFFFFFFFF;
	(pc) =	sbr.abs _section_cstart, $3  }
0xc0: {  	[dreg:$0x1] =	wrdreg $0xFFFFFFFF  }
0xc1: {  	_ =	task.clear_ibuf [dreg:s6], $0x2FFFF;
	_ =	strace $0x9FFFFFFF  }
0xc2: {  	(tm) =	ssettm $0x7FFFFFFF  }
0xc3: {  	_ =	shalt  }
tec
execute0_lowered:
.L_overlay_start_1:
0x0: {  	(tag) =	ssettag $0x1  }
0x1: {  	s0 =	rddreg [dreg:$0x0]  }
0x2: {  	s2 =	rddreg [dreg:$0x1];
	s10 =	stileid.u32  }
0x3: {  	s1 =	srdreg.scid;
	s3 =	simm.s32 $0x0;
	s28 =	simm.s32 $0x6  }
0x4: {  	s30 =	simm.s32 $0x300;
	s31 =	simm.s32 $0x3;
	s5 =	smul.u32 $0x14000, s10  }
0x5: {  	s29 =	simm.s32 $0xD;
	s1 =	sand.u32 $0x1, s1;
	s9 =	smul.u32 $0xFA00, s10  }
0x6: {  	[smem:$0x7FF] =	sst s3;
	s4 =	sadd.s32 $0x92C00, s0;
	s12 =	smul.u32 $0x50000, s10  }
0x7: {  	s11 =	sadd.s32 $0x4400, s0;
	s18 =	sshll.u32 s10, $0x6;
	s6 =	smul.u32 $0x140000, s1  }
0x8: {  	s10 =	simm.s32 $0x5;
	s7 =	smul.u32 $0xFA000, s1;
	s1 =	ssub.s32 $0x2, s1  }
0x9: {  	_ =	strace $0x8000004D;
	s8 =	sshrl.u32 s5, $0x3;
	s13 =	sshrl.u32 s1, $0x1  }
0xa: {  	s14 =	sshrl.u32 s12, $0x2;
	s12 =	simm.s32 $0x8;
	s5 =	sadd.s32 s5, s6  }
0xb: {  	s8 =	sadd.s32 s8, s0;
	s6 =	sadd.s32 s9, s7;
	s1 =	ssub.s32 s1, s13  }
0xc: {  	s13 =	sor.u32 $0x1C10, s18;
	s18 =	simm.s32 $0x100;
	s7 =	simm.s32 $0xC  }
0xd: {  	s5 =	sshrl.u32 s5, $0x3;
	s9 =	sshrl.u32 s6, $0x3;
	s17 =	sadd.s32 $0xE2C00, s8  }
0xe: {  	s19 =	sadd.s32 $0x700, s6;
	s1 =	smax.u32 s1, $0x1;
	s21 =	sadd.s32 $0x600, s6  }
0xf: {  	s22 =	sadd.s32 $0x400, s6;
	s23 =	sadd.s32 $0x300, s6;
	s6 =	sadd.s32 $0x500, s6  }
0x10: {  	s8 =	simm.s32 $0x400;
	[dreg:$0x7] =	wrdreg s13;
	s0 =	sadd.s32 s5, s0  }
0x11: {  	s9 =	sadd.s32 s11, s9;
	s5 =	sadd.s32 s14, s2;
	[dreg:$0x6] =	wrdreg s17  }
0x12: {  	s20 =	sshrl.u32 s19, $0x3;
	[dreg:$0x9] =	wrdreg s1;
	s24 =	sshrl.u32 s22, $0x3  }
0x13: {  	s25 =	sshrl.u32 s23, $0x3;
	[dreg:$0xc] =	wrdreg s6;
	s17 =	smov.u32 s11  }
0x14: {  	s19 =	simm.s32 $0x200;
	s22 =	simm.s32 $0x1;
	s23 =	simm.s32 $0x28  }
0x15: {  	s1 =	simm.s32 $0x7;
	s6 =	simm.s32 $0xA;
	s15 =	sadd.s32 $0x20, s9  }
0x16: {  	[dreg:$0x3] =	wrdreg s9;
	s16 =	sadd.s32 $0x40, s9;
	s0 =	sadd.s32 $0x10AC00, s0  }
0x17: {  	s26 =	sadd.s32 s25, s11;
	s14 =	sshrl.u32 s5, $0x3;
	[dreg:$0x4] =	wrdreg s15  }
0x18: {  	s25 =	simm.s32 $0x2;
	s9 =	simm.s32 $0x4;
	[dreg:$0x5] =	wrdreg s16  }
0x19: {  	s5 =	simm.s32 $0x0;
	[dreg:$0x8] =	wrdreg s0;
	s0 =	sadd.s32 s20, s11  }
0x1a: {  	[dreg:$0xe] =	wrdreg s26;
	s16 =	simm.s32 $0x10;
	s26 =	simm.s32 $0x1900  }
.Ltmp0:
0x1b: {  	s15 =	simm.s32 $0xB;
	[dreg:$0x10] =	wrdreg s5;
	(pc) =	sbr.rel .LBB2_1-.Ltmp0, $4  }
0x1c: {  	s20 =	simm.s32 $0x5500;
	[dreg:$0xa] =	wrdreg s0;
	s0 =	sshrl.u32 s21, $0x3  }
0x1d: {  	[dreg:$0xf] =	wrdreg s14;
	s21 =	simm.s32 $0x9;
	s0 =	sadd.s32 s0, s11  }
0x1e: {  	[dreg:$0xb] =	wrdreg s0;
	s0 =	sadd.s32 s24, s11;
	s24 =	simm.s32 $0x500  }
0x1f: {  	s11 =	simm.s32 $0x4100;
	[dreg:$0xd] =	wrdreg s0;
	s0 =	simm.s32 $0x2D00  }
.LBB2_4:
0x20: {  	_ =	swait.ge [sflag:s6], $0x1400  }
0x21: {  	[sflag:s6] =	ssyncset.done $0x0  }
0x22: {  	s5 =	simm.s32 $0x480;
	[sflag:s6] =	ssyncadd.s32 $0xFFFFEC00  }
0x23: {  	[spmem:s2] =	stream.indirect.scatter.add.f32 [tilespmem:s20], [sflag:$0xF], $0x80, s5, s23, $0xb8;
	[tilespmem:$0x1A940] =	vst v63  }
0x24: {  	_ =	swait.ge [sflag:s29], $0x1400  }
0x25: {  	[sflag:s29] =	ssyncset.done $0x0  }
0x26: {  	s13 =	simm.s32 $0xE;
	[sflag:s29] =	ssyncadd.s32 $0xFFFFEC00  }
0x27: {  	_ =	swait.ge [sflag:s13], $0x1400  }
0x28: {  	[sflag:s13] =	ssyncset.done $0x0  }
0x29: {  	s14 =	simm.s32 $0xF;
	[sflag:s13] =	ssyncadd.s32 $0xFFFFEC00  }
0x2a: {  	_ =	swait.ge [sflag:s14], $0x1400  }
0x2b: {  	[sflag:s14] =	ssyncset.done $0x0  }
0x2c: {  	[sflag:s14] =	ssyncadd.s32 $0xFFFFEC00  }
0x2d: {  	[bflag:$0x0] =	sbarrier.arrive $0xFFFF  }
0x2e: {  	s13 =	rddreg [dreg:$0x7]  }
0x2f: {  	s16 =	rddreg [dreg:$0x8]  }
0x30: {  	s14 =	rddreg [dreg:$0xf]  }
0x31: {  	[hbm:s16], [sflag:s13] =	dma.local [spmem:s14], $0x2800  }
0x32: {  	s16 =	simm.s32 $0x10  }
0x33: {  	_ =	swait.ge [sflag:s16], $0x2800  }
0x34: {  	s5 =	rddreg [dreg:$0x10]  }
0x35: {  	s13 =	sadd.s32 $0x1, s5;
	s5 =	rddreg [dreg:$0x9]  }
0x36: {  	p0 =	sne.s32 s13, s5  }
.Ltmp1:
0x37: {  	_ = 	snop;
	(pc) =	sbr.rel @!p0 .LBB2_5-.Ltmp1, $3  }
0x38: {  	_ =	sdelay $0x1  }
0x39: {  	[sflag:s16] =	ssyncset.done $0x0;
	[dreg:$0x10] =	wrdreg s13  }
0x3a: {  	[sflag:s16] =	ssyncadd.s32 $0xFFFFD800;
	s13 =	rddreg [dreg:$0x7]  }
.LBB2_1:
0x3b: {  	s5 =	rddreg [dreg:$0x3]  }
0x3c: {  	[tilespmem:s3], [sflag:$0x1] =	stream.linear.gather [hbm4b:s5+s3], $0x100, $0x38;
	[tilespmem:$0x1A940] =	vst v63  }
0x3d: {  	s5 =	rddreg [dreg:$0x4]  }
0x3e: {  	[tilespmem:s18], [sflag:$0x2] =	stream.linear.gather [hbm4b:s5+s3], $0x100, $0x38;
	[tilespmem:$0x1A940] =	vst v63  }
0x3f: {  	s5 =	rddreg [dreg:$0x5]  }
0x40: {  	[tilespmem:s19], [sflag:$0x3] =	stream.linear.gather [hbm4b:s5+s3], $0x100, $0x38;
	[tilespmem:$0x1A940] =	vst v63  }
0x41: {  	s5 =	rddreg [dreg:$0x6]  }
0x42: {  	[spmem:s14], [sflag:s13] =	dma.local [hbm:s5], $0x2800  }
0x43: {  	_ =	swait.ge [sflag:s16], $0x2800  }
0x44: {  	[sflag:s16] =	ssyncset.done $0x0  }
0x45: {  	[sflag:s16] =	ssyncadd.s32 $0xFFFFD800  }
0x46: {  	_ =	swait.ge [sflag:s22], $0x100  }
0x47: {  	[sflag:s22] =	ssyncset.done $0x0  }
0x48: {  	[sflag:s22] =	ssyncadd.s32 $0xFFFFFF00  }
0x49: {  	[tilespmem:s24], [sflag:$0x6] =	stream.indirect.gather [hbm4b:s4+s23], $0x80, s3, s23, $0xb8;
	[tilespmem:$0x1A940] =	vst v63  }
0x4a: {  	_ =	swait.ge [sflag:s25], $0x100  }
0x4b: {  	[sflag:s25] =	ssyncset.done $0x0  }
0x4c: {  	[sflag:s25] =	ssyncadd.s32 $0xFFFFFF00  }
0x4d: {  	[tilespmem:s26], [sflag:$0x7] =	stream.indirect.gather [hbm4b:s4+s23], $0x80, s18, s23, $0xb8;
	[tilespmem:$0x1A940] =	vst v63  }
0x4e: {  	[bflag:$0x0] =	sbarrier.arrive $0xFFFF  }
0x4f: {  	s13 =	simm.s32 $0x0;
	s5 =	rddreg [dreg:$0xc]  }
.LBB2_2:
0x50: {  	_ =	swait.ge [sflag:s28], $0x1400  }
0x51: {  	[sflag:s28] =	ssyncset.done $0x0  }
0x52: {  	s14 =	simm.s32 $0x80;
	p0 =	seq.s32 s13, $0x0;
	[sflag:s28] =	ssyncadd.s32 $0xFFFFEC00  }
0x53: {  	[spmem:s2] =	stream.indirect.scatter.add.f32 [tilespmem:s24], [sflag:$0xB], $0x80, s14, s23, $0xb8;
	[tilespmem:$0x1A940] =	vst v63  }
0x54: {  	s14 =	simm.s32 @!p0 $0xE  }
0x55: {  	_ =	swait.ge @!p0 [sflag:s14], $0x1400  }
0x56: {  	[sflag:s14] =	ssyncset.done @!p0 $0x0;
	s16 =	rddreg [dreg:$0xe]  }
0x57: {  	[sflag:s14] =	ssyncadd.s32 @!p0 $0xFFFFEC00;
	s14 =	sadd.s32 s13, s16  }
0x58: {  	[tilespmem:s30], [sflag:$0x4] =	stream.linear.gather [hbm4b:s14+s3], $0x100, $0x38;
	[tilespmem:$0x1A940] =	vst v63  }
0x59: {  	_ =	swait.ge [sflag:s31], $0x100  }
0x5a: {  	[sflag:s31] =	ssyncset.done $0x0  }
0x5b: {  	[sflag:s31] =	ssyncadd.s32 $0xFFFFFF00  }
0x5c: {  	[tilespmem:s0], [sflag:$0x8] =	stream.indirect.gather [hbm4b:s4+s23], $0x80, s19, s23, $0xb8;
	[tilespmem:$0x1A940] =	vst v63  }
0x5d: {  	_ =	swait.ge [sflag:s1], $0x1400  }
0x5e: {  	[sflag:s1] =	ssyncset.done $0x0  }
0x5f: {  	s16 =	simm.s32 $0x180;
	s14 =	simm.s32 @!p0 $0xF;
	[sflag:s1] =	ssyncadd.s32 $0xFFFFEC00  }
0x60: {  	[spmem:s2] =	stream.indirect.scatter.add.f32 [tilespmem:s26], [sflag:$0xC], $0x80, s16, s23, $0xb8;
	[tilespmem:$0x1A940] =	vst v63  }
0x61: {  	_ =	swait.ge @!p0 [sflag:s14], $0x1400  }
0x62: {  	[sflag:s14] =	ssyncset.done @!p0 $0x0;
	s16 =	rddreg [dreg:$0xd]  }
0x63: {  	[sflag:s14] =	ssyncadd.s32 @!p0 $0xFFFFEC00;
	s14 =	sadd.s32 s13, s16  }
0x64: {  	[tilespmem:s8], [sflag:$0x5] =	stream.linear.gather [hbm4b:s14+s3], $0x100, $0x38;
	[tilespmem:$0x1A940] =	vst v63  }
0x65: {  	_ =	swait.ge [sflag:s9], $0x100  }
0x66: {  	[sflag:s9] =	ssyncset.done $0x0  }
0x67: {  	[sflag:s9] =	ssyncadd.s32 $0xFFFFFF00  }
0x68: {  	[tilespmem:s11], [sflag:$0x9] =	stream.indirect.gather [hbm4b:s4+s23], $0x80, s30, s23, $0xb8;
	[tilespmem:$0x1A940] =	vst v63  }
0x69: {  	_ =	swait.ge [sflag:s12], $0x1400  }
0x6a: {  	[sflag:s12] =	ssyncset.done $0x0  }
0x6b: {  	s16 =	simm.s32 $0x280;
	[sflag:s12] =	ssyncadd.s32 $0xFFFFEC00  }
0x6c: {  	[spmem:s2] =	stream.indirect.scatter.add.f32 [tilespmem:s0], [sflag:$0xD], $0x80, s16, s23, $0xb8;
	[tilespmem:$0x1A940] =	vst v63  }
0x6d: {  	p0 =	seq.s32 s13, $0x1EA0;
	_ =	swait.ge [sflag:s15], $0x1400  }
0x6e: {  	s14 =	sshrl.u32 @!p0 s5, $0x3;
	[sflag:s15] =	ssyncset.done $0x0  }
0x6f: {  	s14 =	sadd.s32 @!p0 s17, s14;
	s16 =	simm.s32 @!p0 $0x0;
	[sflag:s15] =	ssyncadd.s32 $0xFFFFEC00  }
0x70: {  	[tilespmem:s16], [sflag:$0x1] =	stream.linear.gather @!p0 [hbm4b:s14+s16], $0x100, $0x38;
	[tilespmem:$0x1A940] =	vst v63  }
0x71: {  	_ =	swait.ge [sflag:s10], $0x100  }
0x72: {  	[sflag:s10] =	ssyncset.done $0x0  }
0x73: {  	[sflag:s10] =	ssyncadd.s32 $0xFFFFFF00  }
0x74: {  	[tilespmem:s20], [sflag:$0xA] =	stream.indirect.gather [hbm4b:s4+s23], $0x80, s8, s23, $0xb8;
	[tilespmem:$0x1A940] =	vst v63  }
0x75: {  	_ =	swait.ge [sflag:s21], $0x1400  }
0x76: {  	[sflag:s21] =	ssyncset.done $0x0  }
.Ltmp2:
0x77: {  	s16 =	simm.s32 $0x380;
	[sflag:s21] =	ssyncadd.s32 $0xFFFFEC00;
	(pc) =	sbr.rel @p0 .LBB2_4-.Ltmp2, $4  }
0x78: {  	[spmem:s2] =	stream.indirect.scatter.add.f32 [tilespmem:s11], [sflag:$0xE], $0x80, s16, s23, $0xb8;
	[tilespmem:$0x1A940] =	vst v63  }
0x79: {  	_ =	swait.ge [sflag:s7], $0x1400  }
0x7a: {  	[sflag:s7] =	ssyncset.done $0x0  }
0x7b: {  	[sflag:s7] =	ssyncadd.s32 $0xFFFFEC00  }
0x7c: {  	s14 =	rddreg [dreg:$0xb]  }
0x7d: {  	s14 =	sadd.s32 s13, s14  }
0x7e: {  	[tilespmem:s18], [sflag:$0x2] =	stream.linear.gather [hbm4b:s14+s3], $0x100, $0x38;
	[tilespmem:$0x1A940] =	vst v63  }
0x7f: {  	_ =	swait.ge [sflag:s22], $0x100  }
0x80: {  	[sflag:s22] =	ssyncset.done $0x0  }
0x81: {  	[sflag:s22] =	ssyncadd.s32 $0xFFFFFF00  }
0x82: {  	[tilespmem:s24], [sflag:$0x6] =	stream.indirect.gather [hbm4b:s4+s23], $0x80, s3, s23, $0xb8;
	[tilespmem:$0x1A940] =	vst v63  }
0x83: {  	_ =	swait.ge [sflag:s6], $0x1400  }
0x84: {  	[sflag:s6] =	ssyncset.done $0x0  }
0x85: {  	s16 =	simm.s32 $0x480;
	[sflag:s6] =	ssyncadd.s32 $0xFFFFEC00  }
0x86: {  	[spmem:s2] =	stream.indirect.scatter.add.f32 [tilespmem:s20], [sflag:$0xF], $0x80, s16, s23, $0xb8;
	[tilespmem:$0x1A940] =	vst v63  }
0x87: {  	_ =	swait.ge [sflag:s29], $0x1400  }
0x88: {  	[sflag:s29] =	ssyncset.done $0x0;
	s16 =	rddreg [dreg:$0xa]  }
0x89: {  	[sflag:s29] =	ssyncadd.s32 $0xFFFFEC00;
	s14 =	sadd.s32 s13, s16  }
0x8a: {  	[tilespmem:s19], [sflag:$0x3] =	stream.linear.gather [hbm4b:s14+s3], $0x100, $0x38;
	[tilespmem:$0x1A940] =	vst v63  }
.Ltmp3:
0x8b: {  	_ = 	snop;
	(pc) =	sbr.rel .LBB2_2-.Ltmp3, $4  }
0x8c: {  	_ =	swait.ge [sflag:s25], $0x100  }
0x8d: {  	[sflag:s25] =	ssyncset.done $0x0  }
0x8e: {  	s5 =	sadd.s32 $0x500, s5;
	s13 =	sadd.s32 $0xA0, s13;
	[sflag:s25] =	ssyncadd.s32 $0xFFFFFF00  }
0x8f: {  	[tilespmem:s26], [sflag:$0x7] =	stream.indirect.gather [hbm4b:s4+s23], $0x80, s18, s23, $0xb8;
	[tilespmem:$0x1A940] =	vst v63  }
.LBB2_5:
0x90: {  	_ =	sfence.sel $0x180000  }
0x91: {  	[bflag:$0x0] =	sbarrier.arrive $0xFFFF  }
0x92: {  	_ =	strace $0x9000004D  }
0x93: {  	s0 =	stileid.u32;
	[bflag:$0x2] =	sbarrier.arrive $0xFFFF  }
0x94: {  	p0 =	sne.s32 s0, $0x0;
	s0 =	rddreg [dreg:$0x2]  }
0x95: {  	s0 =	sadd.s32 @!p0 $0x100000, s0  }
0x96: {  	[sflag:s0] =	ssyncadd.tile.s32 @!p0 $0x1;
	_ =	shalt  }
.Lfunc_end2:
_tile_overlayer_lowered:
.L_overlay_start_2:
0x97: {  	(tag) =	ssettag $0x2  }
0x98: {  	s0 =	rddreg [dreg:$0x0];
	s2 =	stileid.u32  }
0x99: {  	s1 =	rddreg [dreg:$0x1];
	p0 =	sne.s32 s2, $0x0  }
0x9a: {  	s3 =	rddreg [dreg:$0x2];
	[bflag:$0x3] =	sbarrier.arrive $0xFFFF;
	s2 =	simm.s32 @!p0 $0x1C10  }
0x9b: {  	[timem:s3], [sflag:s2] =	dma.local @!p0 [hbm:s0], s1  }
0x9c: {  	s0 =	simm.s32 @!p0 $0x10  }
0x9d: {  	_ =	swait.ge @!p0 [sflag:s0], s1  }
0x9e: {  	s1 =	ssub.s32 @!p0 $0x0, s1;
	[sflag:s0] =	ssyncset.done @!p0 $0x0  }
0x9f: {  	[sflag:s0] =	ssyncadd.s32 @!p0 s1  }
0xa0: {  	[bflag:$0x3] =	sbarrier.arrive $0xFFFF  }
0xa1: {  	_ =	shalt  }

// kernel: kernel.19.cloned.1.call-start
scs
__scs_entry_jumppad:
0x0: {  	(pc) =	sbr.rel $0x88, $3  }
0x1: {  	(tag) =	ssettag $0x0;
	lr =	simm.s32 $0x1  }
0x2: {  	[smem:$0x3F99] =	sst lr;
	_ =	strace $0xD0000000  }
0x3: {  	_ = 	snop  }
0x4: {  	_ = 	snop  }
0x5: {  	_ = 	snop  }
0x6: {  	_ = 	snop  }
0x7: {  	_ = 	snop  }
__scs_overlays_trampoline_lowered:
0x8: {  	[smem:$0x3FA8] =	sst s0  }
0x9: {  	[smem:$0x3FA9] =	sst s1  }
0xa: {  	[smem:$0x3FAA] =	sst s2  }
0xb: {  	[smem:$0x3FAB] =	sst s3  }
0xc: {  	[smem:$0x3FAC] =	sst s4  }
0xd: {  	[smem:$0x3FAD] =	sst s5  }
0xe: {  	[smem:$0x3FAE] =	sst s6  }
0xf: {  	[smem:$0x3FAF] =	sst s7  }
0x10: {  	[smem:$0x3FB0] =	sst s8  }
0x11: {  	[smem:$0x3FB1] =	sst s9;
	s0 =	simm.s32 @!p0 $0x0  }
0x12: {  	s1 =	sld [smem:$0x3F97];
	s0 =	simm.s32 @p0 $0x1  }
0x13: {  	[smem:$0x3FB2] =	sst s0;
	s0 =	simm.s32 @!p1 $0x0  }
0x14: {  	s2 =	sld [smem:$0x3F96];
	s0 =	simm.s32 @p1 $0x1  }
0x15: {  	[smem:$0x3FB3] =	sst s0;
	s0 =	simm.s32 @!p2 $0x0  }
0x16: {  	s3 =	sld [smem:$0x3FDB];
	s0 =	simm.s32 @p2 $0x1  }
0x17: {  	s4 =	simm.s32 $0x1BF5;
	[smem:$0x3FB5] =	sst s0  }
0x18: {  	s0 =	sld [smem:$0x3F98];
	_ =	swait.ge [sflag:s4], $0x0  }
0x19: {  	s7 =	sld [smem:$0x3F99]  }
0x1a: {  	s8 =	sadd.s32 $0xFFFFE003, lr  }
0x1b: {  	s9 =	sadd.s32 $0xFFFFFEF7, lr;
	s5 =	simm.s32 $0xFFFFFFFF;
	p2 =	slt.u32 s8, $0xFFFFF086  }
0x1c: {  	p1 =	slt.u32 s9, $0xF7A;
	s5 =	simm.s32 @!p2 $0x0  }
0x1d: {  	s5 =	simm.s32 @p1 $0x1;
	p0 =	seq.s32 s7, s2  }
0x1e: {  	s7 =	smul.u32 @!p0 $0xF7A, s2;
	p2 =	seq.s32 @!p0 s5, $0x0  }
0x1f: {  	s9 =	smul.u32 $0xF7A, s1;
	s8 =	simm.s32 @!p0 $0x1BF5;
	p2 =	por !p2, p0  }
0x20: {  	[sflag:s8] =	ssyncset.s32 @!p0 $0xFFFFF086;
	s6 =	sadd.s32 @!p0 s3, s7;
	s7 =	simm.s32 @!p0 $0x108  }
0x21: {  	s3 =	sadd.s32 s3, s9;
	s6 =	sadd.s32 @!p0 $0x88, s6;
	s7 =	simm.s32 @p2 $0x1082  }
0x22: {  	[simem:s7], [sflag:s8] =	dma.local @!p0 [hbm:s6], $0xF7A  }
0x23: {  	s9 =	sor.u32 $0xD0000000, s2;
	s6 =	simm.s32 $0x108;
	_ =	swait.ge @!p0 [sflag:s8], $0x0  }
0x24: {  	s3 =	sadd.s32 $0x88, s3;
	s6 =	simm.s32 @!p1 $0x1082;
	[sflag:s4] =	ssyncset.s32 $0xFFFFF086  }
0x25: {  	[simem:s6], [sflag:s4] =	dma.local [hbm:s3], $0xF7A  }
0x26: {  	[smem:$0x3F99] =	sst s1;
	(tag) =	ssettag s2;
	_ =	strace s9  }
0x27: {  	s1 =	sld [smem:$0x3FA9]  }
0x28: {  	s2 =	sld [smem:$0x3FAA]  }
0x29: {  	s4 =	sld [smem:$0x3FAC]  }
0x2a: {  	p0 =	seq.s32 s5, $0x0;
	s5 =	sld [smem:$0x3FAD]  }
0x2b: {  	s6 =	sld [smem:$0x3FAE]  }
0x2c: {  	s7 =	sld [smem:$0x3FAF]  }
0x2d: {  	s3 =	simm.s32 $0x108;
	s8 =	sld [smem:$0x3FB0]  }
0x2e: {  	s3 =	simm.s32 @!p0 $0x1082;
	s9 =	sld [smem:$0x3FB1]  }
0x2f: {  	lr =	sadd.s32 s0, s3;
	s0 =	sld [smem:$0x3FA8]  }
0x30: {  	s3 =	sld [smem:$0x3FAB]  }
0x31: {  	[smem:$0x3FB4] =	sst s10  }
0x32: {  	s10 =	sld [smem:$0x3FB2];
	_ =	sdelay $0x3  }
0x33: {  	p0 =	seq.s32 s10, $0x1;
	s10 =	sld [smem:$0x3FB4];
	_ =	sdelay $0x3  }
0x34: {  	[smem:$0x3FB4] =	sst s10  }
0x35: {  	s10 =	sld [smem:$0x3FB3];
	_ =	sdelay $0x3  }
0x36: {  	p1 =	seq.s32 s10, $0x1;
	s10 =	sld [smem:$0x3FB4];
	_ =	sdelay $0x3  }
0x37: {  	[smem:$0x3FB4] =	sst s10  }
0x38: {  	s10 =	sld [smem:$0x3FB5]  }
0x39: {  	_ = 	snop;
	(pc) =	sbr.ind lr, $3  }
0x3a: {  	_ = 	snop  }
0x3b: {  	_ = 	snop  }
0x3c: {  	p2 =	seq.s32 s10, $0x1;
	s10 =	sld [smem:$0x3FB4]  }
0x3d: {  	_ =	shalt  }
0x3e: {  	_ =	shalt  }
0x3f: {  	_ =	shalt  }
0x40: {  	_ =	shalt  }
0x41: {  	_ =	shalt  }
0x42: {  	_ =	shalt  }
0x43: {  	_ =	shalt  }
0x44: {  	_ =	shalt  }
0x45: {  	_ =	shalt  }
0x46: {  	_ =	shalt  }
0x47: {  	_ =	shalt  }
0x48: {  	_ =	shalt  }
0x49: {  	_ =	shalt  }
0x4a: {  	_ =	shalt  }
0x4b: {  	_ =	shalt  }
0x4c: {  	_ =	shalt  }
0x4d: {  	_ =	shalt  }
0x4e: {  	_ =	shalt  }
0x4f: {  	_ =	shalt  }
0x50: {  	_ =	shalt  }
0x51: {  	_ =	shalt  }
0x52: {  	_ =	shalt  }
0x53: {  	_ =	shalt  }
0x54: {  	_ =	shalt  }
0x55: {  	_ =	shalt  }
0x56: {  	_ =	shalt  }
0x57: {  	_ =	shalt  }
0x58: {  	_ =	shalt  }
0x59: {  	_ =	shalt  }
0x5a: {  	_ =	shalt  }
0x5b: {  	_ =	shalt  }
0x5c: {  	_ =	shalt  }
0x5d: {  	_ =	shalt  }
0x5e: {  	_ =	shalt  }
0x5f: {  	_ =	shalt  }
0x60: {  	_ =	shalt  }
0x61: {  	_ =	shalt  }
0x62: {  	_ =	shalt  }
0x63: {  	_ =	shalt  }
0x64: {  	_ =	shalt  }
0x65: {  	_ =	shalt  }
0x66: {  	_ =	shalt  }
0x67: {  	_ =	shalt  }
0x68: {  	_ =	shalt  }
0x69: {  	_ =	shalt  }
0x6a: {  	_ =	shalt  }
0x6b: {  	_ =	shalt  }
0x6c: {  	_ =	shalt  }
0x6d: {  	_ =	shalt  }
0x6e: {  	_ =	shalt  }
0x6f: {  	_ =	shalt  }
0x70: {  	_ =	shalt  }
0x71: {  	_ =	shalt  }
0x72: {  	_ =	shalt  }
0x73: {  	_ =	shalt  }
0x74: {  	_ =	shalt  }
0x75: {  	_ =	shalt  }
0x76: {  	_ =	shalt  }
0x77: {  	_ =	shalt  }
0x78: {  	_ =	shalt  }
0x79: {  	_ =	shalt  }
0x7a: {  	_ =	shalt  }
0x7b: {  	_ =	shalt  }
0x7c: {  	_ =	shalt  }
0x7d: {  	_ =	shalt  }
0x7e: {  	_ =	shalt  }
0x7f: {  	_ =	shalt  }
0x80: {  	_ =	shalt  }
0x81: {  	_ =	shalt  }
0x82: {  	_ =	shalt  }
0x83: {  	_ =	shalt  }
0x84: {  	_ =	shalt  }
0x85: {  	_ =	shalt  }
0x86: {  	_ =	shalt  }
0x87: {  	_ =	shalt  }
.Lfunc_end0:
.L_simem_size_0:
called_computation.3_lowered:
.L_overlay_start_0:
0x88: {  	s2 =	sld [smem:$0x3FD9]  }
0x89: {  	s3 =	sld [smem:$0x3FFE];
	_ =	sdelay $0x1  }
0x8a: {  	s1 =	srdreg.scid  }
0x8b: {  	s0 =	sand.u32 $0x1, s1  }
0x8c: {  	s17 =	sshll.u32 s0, $0xA;
	s2 =	sadd.s32 s3, s2  }
0x8d: {  	s2 =	sadd.s32 s2, s17  }
0x8e: {  	[smem:$0x3FC0] =	sst s2  }
0x8f: {  	_ = 	snop  }
0x90: {  	s2 =	sld [smem:$0x3FD0];
	(tm) =	ssettm $0x1  }
0x91: {  	s18 =	sld [smem:$0x3FFB];
	_ =	sdelay $0x3  }
0x92: {  	_ =	strace s18  }
0x93: {  	s3 =	sld [smem:$0x3FFC];
	_ =	sdelay $0x3  }
0x94: {  	_ =	strace s3  }
0x95: {  	s3 =	sld [smem:$0x3FFD];
	_ =	sdelay $0x3  }
0x96: {  	_ =	strace s3  }
0x97: {  	_ =	strace $0x8FFFFFFF  }
0x98: {  	s19 =	sld [smem:$0x3FDB];
	_ =	sdelay $0x1  }
0x99: {  	s4 =	simm.s32 $_scs_section_size  }
0x9a: {  	s5 =	simm.s32 $_size__tile_overlayer_lowered;
	s6 =	simm.s32 $_tile_overlayer_lowered  }
0x9b: {  	s22 =	simm.s32 $0x1BFF;
	s21 =	sshll.u32 s6, $0x1;
	s3 =	sadd.s32 s4, s19  }
0x9c: {  	s7 =	simm.s32 $0x0;
	s20 =	sshll.u32 s5, $0x1;
	s5 =	sadd.s32 s21, s3  }
0x9d: {  	[timem:s7], [sflag:s22] =	dma.local [hbm:s5], s20  }
0x9e: {  	_ =	swait.ge [sflag:s22], s20  }
0x9f: {  	s4 =	ssub.s32 $0x0, s20;
	[sflag:s22] =	ssyncset.done $0x0  }
0xa0: {  	[sflag:s22] =	ssyncadd.s32 s4;
	_ =	sdelay $0x1  }
0xa1: {  	s23 =	simm.s32 $0x1B8B  }
0xa2: {  	_ =	swait.ge [sflag:s23], $0x1  }
0xa3: {  	[sflag:s23] =	ssyncset.done $0x0  }
0xa4: {  	s25 =	simm.s32 $0x1B8E;
	s24 =	sld [smem:$0x3FFE];
	[sflag:s23] =	ssyncadd.s32 $0xFFFFFFFF  }
0xa5: {  	s26 =	simm.s32 $execute0_lowered;
	[smem:$0x3FD2] =	sst s25  }
0xa6: {  	s5 =	sshll.u32 s26, $0x1;
	_ =	strace $0x8000004F;
	[dreg:$0x1] =	wrdreg $0xFFFFFFFF  }
0xa7: {  	s28 =	simm.s32 $_size_execute0_lowered;
	s3 =	sadd.s32 s3, s5;
	[dreg:$0x0] =	wrdreg $0x0  }
0xa8: {  	s5 =	sshll.u32 s28, $0x1;
	[dreg:$0x2] =	wrdreg s3  }
0xa9: {  	[dreg:$0x3] =	wrdreg s5  }
0xaa: {  	[dreg:$0x4] =	wrdreg $0xC0  }
0xab: {  	_ =	task [dreg:s7], $0x5FFFF  }
0xac: {  	[dreg:$0x1] =	wrdreg $0xFFFFFFFF  }
0xad: {  	[dreg:$0x0] =	wrdreg $0x60  }
0xae: {  	[dreg:$0x2] =	wrdreg s24  }
0xaf: {  	[dreg:$0x3] =	wrdreg s2  }
0xb0: {  	[dreg:$0x4] =	wrdreg $0x69000  }
0xb1: {  	[dreg:$0x5] =	wrdreg $0x9  }
0xb2: {  	_ =	task.clear_ibuf [dreg:s7], $0x6FFFF;
	_ =	strace $0x9000004F  }
0xb3: {  	s29 =	simm.s32 $0x9;
	_ =	strace $0x80000051  }
0xb4: {  	_ =	swait.ge [sflag:s29], $0x1  }
0xb5: {  	[sflag:s29] =	ssyncadd.s32 $0xFFFFFFFF  }
0xb6: {  	_ =	strace $0x90000051  }
0xb7: {  	_ =	sfence  }
0xb8: {  	s30 =	sld [smem:$0x0];
	_ =	sdelay $0x2  }
0xb9: {  	s31 =	sshll.u32 s1, $0xD;
	s1 =	sshrl.u32 s1, $0x2  }
0xba: {  	s3 =	sand.u32 $0x4000, s31;
	s1 =	sadd.s32 s1, s30  }
0xbb: {  	s0 =	sor.u32 s3, s0;
	s1 =	sshll.u32 s1, $0x11  }
0xbc: {  	s0 =	sor.u32 s1, s0  }
0xbd: {  	s0 =	sadd.s32 $0x8F2B, s0  }
0xbe: {  	[sflag:s0] =	ssyncadd.remote.s32 $0x1  }
0xbf: {  	_ =	sfence.sel $0xFFFF  }
0xc0: {  	[dreg:$0x0] =	wrdreg $0xFFFFFFFF;
	(pc) =	sbr.abs _section_cstart, $3  }
0xc1: {  	[dreg:$0x1] =	wrdreg $0xFFFFFFFF  }
0xc2: {  	_ =	task.clear_ibuf [dreg:s7], $0x2FFFF;
	_ =	strace $0x9FFFFFFF  }
0xc3: {  	(tm) =	ssettm $0x7FFFFFFF  }
tec
execute0_lowered:
.L_overlay_start_1:
0x0: {  	(tag) =	ssettag $0x1  }
0x1: {  	s0 =	rddreg [dreg:$0x0]  }
0x2: {  	s11 =	rddreg [dreg:$0x1]  }
0x3: {  	s3 =	rddreg [dreg:$0x2];
	s10 =	stileid.u32  }
0x4: {  	s1 =	srdreg.scid;
	s4 =	simm.s32 $0x0;
	s28 =	simm.s32 $0x6  }
0x5: {  	s30 =	simm.s32 $0x300;
	s31 =	simm.s32 $0x3;
	s2 =	smul.u32 $0x14000, s10  }
0x6: {  	s12 =	simm.s32 $0x8;
	s29 =	simm.s32 $0xC;
	s8 =	smul.u32 $0x7D00, s10  }
0x7: {  	s1 =	sand.u32 $0x1, s1;
	[smem:$0x7FF] =	sst s4;
	s14 =	smul.u32 $0x50000, s10  }
0x8: {  	s19 =	sshll.u32 s10, $0x6;
	s10 =	simm.s32 $0x5;
	s5 =	smul.u32 $0x140000, s1  }
0x9: {  	_ =	strace $0x80000050;
	s6 =	smul.u32 $0x7D000, s1;
	s1 =	ssub.s32 $0x2, s1  }
0xa: {  	s13 =	sor.u32 $0x1C10, s19;
	s19 =	simm.s32 $0x200;
	s7 =	sshrl.u32 s2, $0x3  }
0xb: {  	s15 =	sshrl.u32 s1, $0x1;
	s16 =	sshrl.u32 s14, $0x2;
	[dreg:$0x8] =	wrdreg s13  }
0xc: {  	s2 =	sadd.s32 s2, s5;
	s5 =	sadd.s32 $0x3200, s0;
	s7 =	sadd.s32 s7, s0  }
0xd: {  	s6 =	sadd.s32 s8, s6;
	s1 =	ssub.s32 s1, s15;
	s8 =	simm.s32 $0x400  }
0xe: {  	s15 =	simm.s32 $0xB;
	s2 =	sshrl.u32 s2, $0x3;
	s9 =	sshrl.u32 s6, $0x3  }
0xf: {  	s7 =	sadd.s32 $0xE2C00, s7;
	s20 =	sadd.s32 $0x700, s6;
	s1 =	smax.u32 s1, $0x1  }
0x10: {  	s22 =	sadd.s32 $0x600, s6;
	s23 =	sadd.s32 $0x400, s6;
	s24 =	sadd.s32 $0x300, s6  }
0x11: {  	s6 =	sadd.s32 $0x500, s6;
	s0 =	sadd.s32 s2, s0;
	s9 =	sadd.s32 s11, s9  }
0x12: {  	s2 =	sadd.s32 s16, s3;
	[dreg:$0x7] =	wrdreg s7;
	s21 =	sshrl.u32 s20, $0x3  }
0x13: {  	[dreg:$0xa] =	wrdreg s1;
	s25 =	sshrl.u32 s23, $0x3;
	s26 =	sshrl.u32 s24, $0x3  }
0x14: {  	[dreg:$0xd] =	wrdreg s6;
	s16 =	simm.s32 $0x10;
	s23 =	simm.s32 $0x28  }
0x15: {  	s24 =	simm.s32 $0x500;
	s1 =	simm.s32 $0x7;
	s20 =	simm.s32 $0x5500  }
0x16: {  	s7 =	simm.s32 $0xA;
	s6 =	simm.s32 $0x0;
	[dreg:$0x4] =	wrdreg s9  }
0x17: {  	s17 =	sadd.s32 $0x20, s9;
	s18 =	sadd.s32 $0x40, s9;
	[dreg:$0x10] =	wrdreg s6  }
0x18: {  	s0 =	sadd.s32 $0x92C00, s0;
	s14 =	sshrl.u32 s2, $0x3;
	[dreg:$0x5] =	wrdreg s17  }
0x19: {  	s9 =	simm.s32 $0x4;
	s2 =	simm.s32 $0xD;
	[dreg:$0x6] =	wrdreg s18  }
0x1a: {  	[dreg:$0x9] =	wrdreg s0;
	s0 =	sadd.s32 s21, s11;
	s17 =	sadd.s32 s26, s11  }
.Ltmp0:
0x1b: {  	s18 =	simm.s32 $0x100;
	s26 =	simm.s32 $0x1900;
	(pc) =	sbr.rel .LBB2_1-.Ltmp0, $4  }
0x1c: {  	s21 =	simm.s32 $0x9;
	[dreg:$0xb] =	wrdreg s0;
	s0 =	sshrl.u32 s22, $0x3  }
0x1d: {  	[dreg:$0xf] =	wrdreg s14;
	s22 =	simm.s32 $0x1;
	s0 =	sadd.s32 s0, s11  }
0x1e: {  	[dreg:$0xc] =	wrdreg s0;
	s0 =	sadd.s32 s25, s11;
	s25 =	simm.s32 $0x2  }
0x1f: {  	s11 =	simm.s32 $0x4100;
	[dreg:$0xe] =	wrdreg s0;
	s0 =	simm.s32 $0x2D00  }
.LBB2_4:
0x20: {  	_ =	swait.ge [sflag:s7], $0x1400  }
0x21: {  	[sflag:s7] =	ssyncset.done $0x0  }
0x22: {  	s6 =	simm.s32 $0x480;
	[sflag:s7] =	ssyncadd.s32 $0xFFFFEC00  }
0x23: {  	[spmem:s3] =	stream.indirect.scatter.add.f32 [tilespmem:s20], [sflag:$0xF], $0x80, s6, s23, $0xb8;
	[tilespmem:$0x1A940] =	vst v63  }
0x24: {  	_ =	swait.ge [sflag:s2], $0x1400  }
0x25: {  	[sflag:s2] =	ssyncset.done $0x0  }
0x26: {  	s13 =	simm.s32 $0xE;
	[sflag:s2] =	ssyncadd.s32 $0xFFFFEC00  }
0x27: {  	_ =	swait.ge [sflag:s13], $0x1400  }
0x28: {  	[sflag:s13] =	ssyncset.done $0x0  }
0x29: {  	s14 =	simm.s32 $0xF;
	[sflag:s13] =	ssyncadd.s32 $0xFFFFEC00  }
0x2a: {  	_ =	swait.ge [sflag:s14], $0x1400  }
0x2b: {  	[sflag:s14] =	ssyncset.done $0x0  }
0x2c: {  	[sflag:s14] =	ssyncadd.s32 $0xFFFFEC00  }
0x2d: {  	[bflag:$0x0] =	sbarrier.arrive $0xFFFF  }
0x2e: {  	s13 =	rddreg [dreg:$0x8]  }
0x2f: {  	s16 =	rddreg [dreg:$0x9]  }
0x30: {  	s14 =	rddreg [dreg:$0xf]  }
0x31: {  	[hbm:s16], [sflag:s13] =	dma.local [spmem:s14], $0x2800  }
0x32: {  	s16 =	simm.s32 $0x10  }
0x33: {  	_ =	swait.ge [sflag:s16], $0x2800  }
0x34: {  	s6 =	rddreg [dreg:$0x10]  }
0x35: {  	s13 =	sadd.s32 $0x1, s6;
	s6 =	rddreg [dreg:$0xa]  }
0x36: {  	p0 =	sne.s32 s13, s6  }
.Ltmp1:
0x37: {  	_ = 	snop;
	(pc) =	sbr.rel @!p0 .LBB2_5-.Ltmp1, $3  }
0x38: {  	_ =	sdelay $0x1  }
0x39: {  	[sflag:s16] =	ssyncset.done $0x0;
	[dreg:$0x10] =	wrdreg s13  }
0x3a: {  	[sflag:s16] =	ssyncadd.s32 $0xFFFFD800;
	s13 =	rddreg [dreg:$0x8]  }
.LBB2_1:
0x3b: {  	s6 =	rddreg [dreg:$0x4]  }
0x3c: {  	[tilespmem:s4], [sflag:$0x1] =	stream.linear.gather [hbm4b:s6+s4], $0x100, $0x38;
	[tilespmem:$0x1A940] =	vst v63  }
0x3d: {  	s6 =	rddreg [dreg:$0x5]  }
0x3e: {  	[tilespmem:s18], [sflag:$0x2] =	stream.linear.gather [hbm4b:s6+s4], $0x100, $0x38;
	[tilespmem:$0x1A940] =	vst v63  }
0x3f: {  	s6 =	rddreg [dreg:$0x6]  }
0x40: {  	[tilespmem:s19], [sflag:$0x3] =	stream.linear.gather [hbm4b:s6+s4], $0x100, $0x38;
	[tilespmem:$0x1A940] =	vst v63  }
0x41: {  	s6 =	rddreg [dreg:$0x7]  }
0x42: {  	[spmem:s14], [sflag:s13] =	dma.local [hbm:s6], $0x2800  }
0x43: {  	_ =	swait.ge [sflag:s16], $0x2800  }
0x44: {  	[sflag:s16] =	ssyncset.done $0x0  }
0x45: {  	[sflag:s16] =	ssyncadd.s32 $0xFFFFD800  }
0x46: {  	_ =	swait.ge [sflag:s22], $0x100  }
0x47: {  	[sflag:s22] =	ssyncset.done $0x0  }
0x48: {  	[sflag:s22] =	ssyncadd.s32 $0xFFFFFF00  }
0x49: {  	[tilespmem:s24], [sflag:$0x6] =	stream.indirect.gather [hbm4b:s5+s23], $0x80, s4, s23, $0xb8;
	[tilespmem:$0x1A940] =	vst v63  }
0x4a: {  	_ =	swait.ge [sflag:s25], $0x100  }
0x4b: {  	[sflag:s25] =	ssyncset.done $0x0  }
0x4c: {  	[sflag:s25] =	ssyncadd.s32 $0xFFFFFF00  }
0x4d: {  	[tilespmem:s26], [sflag:$0x7] =	stream.indirect.gather [hbm4b:s5+s23], $0x80, s18, s23, $0xb8;
	[tilespmem:$0x1A940] =	vst v63  }
0x4e: {  	[bflag:$0x0] =	sbarrier.arrive $0xFFFF  }
0x4f: {  	s13 =	simm.s32 $0x0;
	s6 =	rddreg [dreg:$0xd]  }
.LBB2_2:
0x50: {  	_ =	swait.ge [sflag:s28], $0x1400  }
0x51: {  	[sflag:s28] =	ssyncset.done $0x0  }
0x52: {  	s14 =	simm.s32 $0x80;
	p0 =	seq.s32 s13, $0x0;
	[sflag:s28] =	ssyncadd.s32 $0xFFFFEC00  }
0x53: {  	[spmem:s3] =	stream.indirect.scatter.add.f32 [tilespmem:s24], [sflag:$0xB], $0x80, s14, s23, $0xb8;
	[tilespmem:$0x1A940] =	vst v63  }
0x54: {  	s14 =	simm.s32 @!p0 $0xE  }
0x55: {  	_ =	swait.ge @!p0 [sflag:s14], $0x1400  }
0x56: {  	[sflag:s14] =	ssyncset.done @!p0 $0x0  }
0x57: {  	s16 =	sadd.s32 s13, s17;
	[sflag:s14] =	ssyncadd.s32 @!p0 $0xFFFFEC00  }
0x58: {  	[tilespmem:s30], [sflag:$0x4] =	stream.linear.gather [hbm4b:s16+s4], $0x100, $0x38;
	[tilespmem:$0x1A940] =	vst v63  }
0x59: {  	_ =	swait.ge [sflag:s31], $0x100  }
0x5a: {  	[sflag:s31] =	ssyncset.done $0x0  }
0x5b: {  	[sflag:s31] =	ssyncadd.s32 $0xFFFFFF00  }
0x5c: {  	[tilespmem:s0], [sflag:$0x8] =	stream.indirect.gather [hbm4b:s5+s23], $0x80, s19, s23, $0xb8;
	[tilespmem:$0x1A940] =	vst v63  }
0x5d: {  	_ =	swait.ge [sflag:s1], $0x1400  }
0x5e: {  	[sflag:s1] =	ssyncset.done $0x0  }
0x5f: {  	s14 =	simm.s32 @!p0 $0xF;
	s16 =	simm.s32 $0x180;
	[sflag:s1] =	ssyncadd.s32 $0xFFFFEC00  }
0x60: {  	[spmem:s3] =	stream.indirect.scatter.add.f32 [tilespmem:s26], [sflag:$0xC], $0x80, s16, s23, $0xb8;
	[tilespmem:$0x1A940] =	vst v63  }
0x61: {  	_ =	swait.ge @!p0 [sflag:s14], $0x1400  }
0x62: {  	[sflag:s14] =	ssyncset.done @!p0 $0x0;
	s16 =	rddreg [dreg:$0xe]  }
0x63: {  	[sflag:s14] =	ssyncadd.s32 @!p0 $0xFFFFEC00;
	s14 =	sadd.s32 s13, s16  }
0x64: {  	[tilespmem:s8], [sflag:$0x5] =	stream.linear.gather [hbm4b:s14+s4], $0x100, $0x38;
	[tilespmem:$0x1A940] =	vst v63  }
0x65: {  	_ =	swait.ge [sflag:s9], $0x100  }
0x66: {  	[sflag:s9] =	ssyncset.done $0x0  }
0x67: {  	[sflag:s9] =	ssyncadd.s32 $0xFFFFFF00  }
0x68: {  	[tilespmem:s11], [sflag:$0x9] =	stream.indirect.gather [hbm4b:s5+s23], $0x80, s30, s23, $0xb8;
	[tilespmem:$0x1A940] =	vst v63  }
0x69: {  	_ =	swait.ge [sflag:s12], $0x1400  }
0x6a: {  	[sflag:s12] =	ssyncset.done $0x0  }
0x6b: {  	s16 =	simm.s32 $0x280;
	[sflag:s12] =	ssyncadd.s32 $0xFFFFEC00  }
0x6c: {  	[spmem:s3] =	stream.indirect.scatter.add.f32 [tilespmem:s0], [sflag:$0xD], $0x80, s16, s23, $0xb8;
	[tilespmem:$0x1A940] =	vst v63  }
0x6d: {  	_ =	swait.ge [sflag:s15], $0x1400  }
0x6e: {  	[sflag:s15] =	ssyncset.done $0x0  }
0x6f: {  	p0 =	seq.s32 s13, $0xF00;
	[sflag:s15] =	ssyncadd.s32 $0xFFFFEC00  }
0x70: {  	s14 =	sshrl.u32 @!p0 s6, $0x3;
	s16 =	rddreg [dreg:$0x1]  }
0x71: {  	s14 =	sadd.s32 @!p0 s16, s14;
	s16 =	simm.s32 @!p0 $0x0  }
0x72: {  	[tilespmem:s16], [sflag:$0x1] =	stream.linear.gather @!p0 [hbm4b:s14+s16], $0x100, $0x38;
	[tilespmem:$0x1A940] =	vst v63  }
0x73: {  	_ =	swait.ge [sflag:s10], $0x100  }
0x74: {  	[sflag:s10] =	ssyncset.done $0x0  }
0x75: {  	[sflag:s10] =	ssyncadd.s32 $0xFFFFFF00  }
0x76: {  	[tilespmem:s20], [sflag:$0xA] =	stream.indirect.gather [hbm4b:s5+s23], $0x80, s8, s23, $0xb8;
	[tilespmem:$0x1A940] =	vst v63  }
0x77: {  	_ =	swait.ge [sflag:s21], $0x1400  }
0x78: {  	[sflag:s21] =	ssyncset.done $0x0  }
.Ltmp2:
0x79: {  	s16 =	simm.s32 $0x380;
	[sflag:s21] =	ssyncadd.s32 $0xFFFFEC00;
	(pc) =	sbr.rel @p0 .LBB2_4-.Ltmp2, $4  }
0x7a: {  	[spmem:s3] =	stream.indirect.scatter.add.f32 [tilespmem:s11], [sflag:$0xE], $0x80, s16, s23, $0xb8;
	[tilespmem:$0x1A940] =	vst v63  }
0x7b: {  	_ =	swait.ge [sflag:s29], $0x1400  }
0x7c: {  	[sflag:s29] =	ssyncset.done $0x0  }
0x7d: {  	[sflag:s29] =	ssyncadd.s32 $0xFFFFEC00  }
0x7e: {  	s14 =	rddreg [dreg:$0xc]  }
0x7f: {  	s14 =	sadd.s32 s13, s14  }
0x80: {  	[tilespmem:s18], [sflag:$0x2] =	stream.linear.gather [hbm4b:s14+s4], $0x100, $0x38;
	[tilespmem:$0x1A940] =	vst v63  }
0x81: {  	_ =	swait.ge [sflag:s22], $0x100  }
0x82: {  	[sflag:s22] =	ssyncset.done $0x0  }
0x83: {  	[sflag:s22] =	ssyncadd.s32 $0xFFFFFF00  }
0x84: {  	[tilespmem:s24], [sflag:$0x6] =	stream.indirect.gather [hbm4b:s5+s23], $0x80, s4, s23, $0xb8;
	[tilespmem:$0x1A940] =	vst v63  }
0x85: {  	_ =	swait.ge [sflag:s7], $0x1400  }
0x86: {  	[sflag:s7] =	ssyncset.done $0x0  }
0x87: {  	s16 =	simm.s32 $0x480;
	[sflag:s7] =	ssyncadd.s32 $0xFFFFEC00  }
0x88: {  	[spmem:s3] =	stream.indirect.scatter.add.f32 [tilespmem:s20], [sflag:$0xF], $0x80, s16, s23, $0xb8;
	[tilespmem:$0x1A940] =	vst v63  }
0x89: {  	_ =	swait.ge [sflag:s2], $0x1400  }
0x8a: {  	[sflag:s2] =	ssyncset.done $0x0;
	s16 =	rddreg [dreg:$0xb]  }
0x8b: {  	[sflag:s2] =	ssyncadd.s32 $0xFFFFEC00;
	s14 =	sadd.s32 s13, s16  }
0x8c: {  	[tilespmem:s19], [sflag:$0x3] =	stream.linear.gather [hbm4b:s14+s4], $0x100, $0x38;
	[tilespmem:$0x1A940] =	vst v63  }
.Ltmp3:
0x8d: {  	_ = 	snop;
	(pc) =	sbr.rel .LBB2_2-.Ltmp3, $4  }
0x8e: {  	_ =	swait.ge [sflag:s25], $0x100  }
0x8f: {  	[sflag:s25] =	ssyncset.done $0x0  }
0x90: {  	s6 =	sadd.s32 $0x500, s6;
	s13 =	sadd.s32 $0xA0, s13;
	[sflag:s25] =	ssyncadd.s32 $0xFFFFFF00  }
0x91: {  	[tilespmem:s26], [sflag:$0x7] =	stream.indirect.gather [hbm4b:s5+s23], $0x80, s18, s23, $0xb8;
	[tilespmem:$0x1A940] =	vst v63  }
.LBB2_5:
0x92: {  	_ =	sfence.sel $0x180000  }
0x93: {  	[bflag:$0x0] =	sbarrier.arrive $0xFFFF  }
0x94: {  	_ =	strace $0x90000050  }
0x95: {  	s0 =	stileid.u32;
	[bflag:$0x2] =	sbarrier.arrive $0xFFFF  }
0x96: {  	p0 =	sne.s32 s0, $0x0;
	s0 =	rddreg [dreg:$0x3]  }
0x97: {  	s0 =	sadd.s32 @!p0 $0x100000, s0  }
0x98: {  	[sflag:s0] =	ssyncadd.tile.s32 @!p0 $0x1;
	_ =	shalt  }
.Lfunc_end2:
_tile_overlayer_lowered:
.L_overlay_start_2:
0x99: {  	(tag) =	ssettag $0x2  }
0x9a: {  	s0 =	rddreg [dreg:$0x0];
	s2 =	stileid.u32  }
0x9b: {  	s1 =	rddreg [dreg:$0x1];
	p0 =	sne.s32 s2, $0x0  }
0x9c: {  	s3 =	rddreg [dreg:$0x2];
	[bflag:$0x3] =	sbarrier.arrive $0xFFFF;
	s2 =	simm.s32 @!p0 $0x1C10  }
0x9d: {  	[timem:s3], [sflag:s2] =	dma.local @!p0 [hbm:s0], s1  }
0x9e: {  	s0 =	simm.s32 @!p0 $0x10  }
0x9f: {  	_ =	swait.ge @!p0 [sflag:s0], s1  }
0xa0: {  	s1 =	ssub.s32 @!p0 $0x0, s1;
	[sflag:s0] =	ssyncset.done @!p0 $0x0  }
0xa1: {  	[sflag:s0] =	ssyncadd.s32 @!p0 s1  }
0xa2: {  	[bflag:$0x3] =	sbarrier.arrive $0xFFFF  }
0xa3: {  	_ =	shalt  }

</sc_bundles>
